<compile_context>
chip_gen: v7x
topology: tpu7x:2x2x1
jax: 0.10.2.dev20260603
libtpu: 0.0.44.dev20260713+nightly
codegen_flags: <defaults>
</compile_context>

<pallas_src>
import functools

import jax
import jax.numpy as jnp
from jax import lax
from jax.experimental import pallas as pl
from jax.experimental.pallas import tpu as pltpu
from jax.experimental.pallas import tpu_sc as plsc

N = 10000
E = 320000
D_IN = 128
D_H = 256
D_OUT = 64

NC = 2
NS = 16
NW = NC * NS

B = 80
ITERS = E // (NW * B)
NR = 5
NG = ITERS // NR
RPT = N // NS

CA = 64
CD = 16

_SC_PARAMS = pltpu.CompilerParams(use_tc_tiling_on_sc=False)
_MESH = dict(core_axis_name="c", subcore_axis_name="s")


def _sc_agg_body(K, chunk_cols, *args):
    xs = args[:K]
    edges, zeros, out = args[K:K + 3]
    scratch = args[K + 3:]
    e_srcv, e_dstv = scratch[0], scratch[1]
    rows = scratch[2:2 + NR]
    aggS, xS = scratch[2 + NR], scratch[3 + NR]
    sg = scratch[4 + NR:4 + 2 * NR]
    ss = scratch[4 + 2 * NR:4 + 3 * NR]
    c = lax.axis_index("c")
    s = lax.axis_index("s")
    wid = c * NS + s
    r0 = s * RPT
    pltpu.sync_copy(edges.at[0, pl.ds(wid * ITERS, ITERS)], e_srcv)
    pltpu.sync_copy(edges.at[1, pl.ds(wid * ITERS, ITERS)], e_dstv)
    for k in range(K):
        xk = xs[k]
        co = chunk_cols[k]
        pltpu.sync_copy(zeros.at[pl.ds(r0, RPT)], aggS.at[pl.ds(r0, RPT)])
        pltpu.sync_copy(xk.at[pl.ds(r0, RPT), pl.ds(co, CA)],
                        xS.at[pl.ds(r0, RPT)])
        plsc.subcore_barrier()

        def fire_g(j, b, xk=xk):
            pltpu.async_copy(xS.at[e_srcv.at[j]], rows[b], sg[b])

        def wait_g(j, b, xk=xk):
            pltpu.make_async_copy(xS.at[e_srcv.at[j]], rows[b], sg[b]).wait()

        def fire_s(j, b):
            pltpu.async_copy(rows[b], aggS.at[e_dstv.at[j]], ss[b], add=True)

        def wait_s(j, b):
            pltpu.make_async_copy(rows[b], aggS.at[e_dstv.at[j]], ss[b]).wait()

        fire_g(0, 0)
        fire_g(1, 1)
        fire_g(2, 2)

        def it(i, carry):
            for r in range(NR):
                j = NR * i + r
                b3 = (r + 3) % NR
                bm = (r - 1) % NR
                wait_g(j, r)
                if r == 0:
                    @pl.when(i >= 1)
                    def _():
                        wait_s(j - 1, bm)
                else:
                    wait_s(j - 1, bm)
                fire_s(j, r)
                if r <= 1:
                    fire_g(j + 3, b3)
                else:
                    @pl.when(i < NG - 1)
                    def _():
                        fire_g(j + 3, b3)
            return carry

        lax.fori_loop(0, NG, it, 0)
        wait_s(ITERS - 1, (ITERS - 1) % NR)
        plsc.subcore_barrier()
        pltpu.sync_copy(aggS.at[pl.ds(r0, RPT)],
                        out.at[c, k // 2, pl.ds(r0, RPT),
                               pl.ds((k % 2) * CA, CA)])
        if k + 1 < K:
            plsc.subcore_barrier()


@functools.cache
def _make_sc_agg(K, chunk_cols):
    return pl.kernel(
        functools.partial(_sc_agg_body, K, chunk_cols),
        out_type=jax.ShapeDtypeStruct((NC, (K + 1) // 2, N, 2 * CA),
                                      jnp.float32),
        mesh=plsc.VectorSubcoreMesh(**_MESH),
        scratch_types=(
            [pltpu.VMEM((ITERS, B), jnp.int32)] * 2
            + [pltpu.VMEM((B, CA), jnp.float32)] * NR
            + [pltpu.VMEM_SHARED((N, CA), jnp.float32)] * 2
            + [pltpu.SemaphoreType.DMA] * (2 * NR)
        ),
        compiler_params=_SC_PARAMS,
    )


def _sc_agg(xchunks, chunk_cols, edges):
    zeros = jnp.zeros((N, CA), jnp.float32)
    return _make_sc_agg(len(xchunks), tuple(chunk_cols))(*xchunks, edges, zeros)


def _sc_deg_body(edges, ones_h, zeros_d, out_d, e_dstv, ones_v, degS, ss0, ss1):
    c = lax.axis_index("c")
    s = lax.axis_index("s")
    wid = c * NS + s
    r0 = s * RPT
    pltpu.sync_copy(edges.at[1, pl.ds(wid * ITERS, ITERS)], e_dstv)
    pltpu.sync_copy(ones_h, ones_v)
    pltpu.sync_copy(zeros_d.at[pl.ds(r0, RPT)], degS.at[pl.ds(r0, RPT)])
    plsc.subcore_barrier()

    def fire_s(j, sem):
        pltpu.async_copy(ones_v, degS.at[e_dstv.at[j]], sem, add=True)

    def wait_s(j, sem):
        pltpu.make_async_copy(ones_v, degS.at[e_dstv.at[j]], sem).wait()

    def it(i, carry):
        j = NR * i
        for r in range(NR):
            if r > 0:
                wait_s(j + r - 1, ss0)
            fire_s(j + r, ss0)
        wait_s(j + NR - 1, ss0)
        return carry

    lax.fori_loop(0, NG, it, 0)
    plsc.subcore_barrier()
    pltpu.sync_copy(degS.at[pl.ds(r0, RPT)], out_d.at[c, pl.ds(r0, RPT)])


@functools.cache
def _make_sc_deg():
    return pl.kernel(
        _sc_deg_body,
        out_type=jax.ShapeDtypeStruct((NC, N, CD), jnp.float32),
        mesh=plsc.VectorSubcoreMesh(**_MESH),
        scratch_types=[
            pltpu.VMEM((ITERS, B), jnp.int32),
            pltpu.VMEM((B, CD), jnp.float32),
            pltpu.VMEM_SHARED((N, CD), jnp.float32),
            pltpu.SemaphoreType.DMA,
            pltpu.SemaphoreType.DMA,
        ],
        compiler_params=_SC_PARAMS,
    )


def _deg_of(pd_ref):
    return jnp.maximum(pd_ref[0][:, 0:1] + pd_ref[1][:, 0:1], 1.0)


def _mm_self_body(x_ref, ws_ref, b_ref, t_ref):
    t_ref[...] = (jnp.dot(x_ref[...], ws_ref[...],
                          preferred_element_type=jnp.float32) + b_ref[...])


def _mm0_body(t_ref, p_ref, pd_ref, wn_ref, h_ref):
    hn = (p_ref[0, 0] + p_ref[1, 0]) / _deg_of(pd_ref)
    h = t_ref[...] + jnp.dot(hn, wn_ref[...],
                             preferred_element_type=jnp.float32)
    h_ref[...] = jnp.maximum(h, 0.0)


def _mm1_body(t_ref, p1_ref, pd_ref, wn_ref, wn2_ref, h1_ref, y2_ref):
    hn = jnp.concatenate(
        [p1_ref[0, j] + p1_ref[1, j] for j in range(2)],
        axis=1) / _deg_of(pd_ref)
    h1 = t_ref[...] + jnp.dot(hn, wn_ref[...],
                              preferred_element_type=jnp.float32)
    h1 = jnp.maximum(h1, 0.0)
    h1_ref[...] = h1
    y2 = jnp.dot(h1, wn2_ref[...], preferred_element_type=jnp.float32)
    y2_ref[...] = jnp.concatenate(
        [y2, jnp.zeros_like(y2)], axis=1)


def _mm2_body(t_ref, p2_ref, pd_ref, o_ref):
    hn = (p2_ref[0, 0][:, :CA] + p2_ref[1, 0][:, :CA]) / _deg_of(pd_ref)
    o_ref[...] = t_ref[...] + hn


BN = 1000
_G = N // BN


def _full(shape):
    return pl.BlockSpec(shape, lambda i: tuple(0 for _ in shape))


def _rows(shape):
    nd = len(shape)
    return pl.BlockSpec(shape, lambda i, nd=nd: tuple(
        i if d == nd - 2 else 0 for d in range(nd)))


def kernel(inputs, edge_index, W_self0, W_neigh0, b0, W_self1, W_neigh1, b1,
           W_self2, W_neigh2, b2):
    x = inputs
    edges = edge_index.reshape(2, NW * ITERS, B)

    pd = _make_sc_deg()(edges, jnp.ones((B, CD), jnp.float32),
                        jnp.zeros((N, CD), jnp.float32))

    def mm_self(xin, ws, b, dout):
        din = xin.shape[1]
        return pl.pallas_call(
            _mm_self_body,
            grid=(_G,),
            in_specs=[_rows((BN, din)), _full((din, dout)), _full((1, dout))],
            out_specs=_rows((BN, dout)),
            out_shape=jax.ShapeDtypeStruct((N, dout), jnp.float32),
        )(xin, ws, b.reshape(1, -1))

    p0 = _sc_agg([x, x], (0, CA), edges)
    t0 = mm_self(x, W_self0, b0, D_H)

    h0 = pl.pallas_call(
        _mm0_body,
        grid=(_G,),
        in_specs=[
            _rows((BN, D_H)),
            _rows((2, 1, BN, 2 * CA)),
            _rows((2, BN, CD)),
            _full((D_IN, D_H)),
        ],
        out_specs=_rows((BN, D_H)),
        out_shape=jax.ShapeDtypeStruct((N, D_H), jnp.float32),
    )(t0, p0, pd, W_neigh0)

    p1 = _sc_agg([h0] * 4, (0, CA, 2 * CA, 3 * CA), edges)
    t1 = mm_self(h0, W_self1, b1, D_H)

    h1, y2 = pl.pallas_call(
        _mm1_body,
        grid=(_G,),
        in_specs=[
            _rows((BN, D_H)),
            _rows((2, 2, BN, 2 * CA)),
            _rows((2, BN, CD)),
            _full((D_H, D_H)),
            _full((D_H, D_OUT)),
        ],
        out_specs=[_rows((BN, D_H)), _rows((BN, 2 * CA))],
        out_shape=[jax.ShapeDtypeStruct((N, D_H), jnp.float32),
                   jax.ShapeDtypeStruct((N, 2 * CA), jnp.float32)],
    )(t1, p1, pd, W_neigh1, W_neigh2)

    p2 = _sc_agg([y2], (0,), edges)
    t2 = mm_self(h1, W_self2, b2, D_OUT)

    out = pl.pallas_call(
        _mm2_body,
        grid=(_G,),
        in_specs=[
            _rows((BN, D_OUT)),
            _rows((2, 1, BN, 2 * CA)),
            _rows((2, BN, CD)),
        ],
        out_specs=_rows((BN, D_OUT)),
        out_shape=jax.ShapeDtypeStruct((N, D_OUT), jnp.float32),
    )(t2, p2, pd)

    return (out, h0, h1)

# --- scband reference (transcript-rebuilt; emitter-appended) ---
"""Pipeline reference for scband-graph-sage-2491081032172 (READ-ONLY COPY).

The authoritative reference and input builder live on the scoring server;
editing this copy changes nothing except your own understanding.
"""

import jax, jax.numpy as jnp
import numpy as np

N = 10000
E = 320000
D_IN = 128
D_H = 256
D_OUT = 64


def _sage_conv(x, edge_index, W_self, W_neigh, b):
    # DGL-style SAGEConv with mean aggregator:
    #   h_neigh = mean_{j in N(i)} x_j ; out = x @ W_self + h_neigh @ W_neigh + b
    src = edge_index[0]
    dst = edge_index[1]
    msgs = jnp.take(x, src, axis=0)
    agg = jax.ops.segment_sum(msgs, dst, num_segments=N)
    deg = jax.ops.segment_sum(jnp.ones((msgs.shape[0], 1), dtype=x.dtype), dst, num_segments=N)
    h_neigh = agg / jnp.maximum(deg, 1.0)
    return x @ W_self + h_neigh @ W_neigh + b


def setup_inputs(seed: int = 0) -> dict:
    key = jax.random.key(seed)
    ks = jax.random.split(key, 12)
    x = jax.random.normal(ks[0], (N, D_IN), dtype=jnp.float32)
    edge_index = jax.random.randint(ks[1], (2, E), 0, N, dtype=jnp.int32)
    s0 = 1.0 / np.sqrt(D_IN)
    s1 = 1.0 / np.sqrt(D_H)
    W_self0 = jax.random.uniform(ks[2], (D_IN, D_H), jnp.float32, -s0, s0)
    W_neigh0 = jax.random.uniform(ks[3], (D_IN, D_H), jnp.float32, -s0, s0)
    b0 = jnp.zeros((D_H,), jnp.float32)
    W_self1 = jax.random.uniform(ks[4], (D_H, D_H), jnp.float32, -s1, s1)
    W_neigh1 = jax.random.uniform(ks[5], (D_H, D_H), jnp.float32, -s1, s1)
    b1 = jnp.zeros((D_H,), jnp.float32)
    W_self2 = jax.random.uniform(ks[6], (D_H, D_OUT), jnp.float32, -s1, s1)
    W_neigh2 = jax.random.uniform(ks[7], (D_H, D_OUT), jnp.float32, -s1, s1)
    b2 = jnp.zeros((D_OUT,), jnp.float32)
    return {"inputs": x, "edge_index": edge_index,
            "W_self0": W_self0, "W_neigh0": W_neigh0, "b0": b0,
            "W_self1": W_self1, "W_neigh1": W_neigh1, "b1": b1,
            "W_self2": W_self2, "W_neigh2": W_neigh2, "b2": b2}


def reference(inputs, edge_index, W_self0, W_neigh0, b0, W_self1, W_neigh1, b1, W_self2, W_neigh2, b2):
    # dropout p=0 -> identity
    h = _sage_conv(inputs, edge_index, W_self0, W_neigh0, b0)
    h = jax.nn.relu(h)
    m0 = h
    h = _sage_conv(h, edge_index, W_self1, W_neigh1, b1)
    h = jax.nn.relu(h)
    m1 = h
    h = _sage_conv(h, edge_index, W_self2, W_neigh2, b2)
    return (h, m0, m1)

if __name__ == "__main__":
    import jax
    _d = setup_inputs()
    print(jax.jit(kernel)(*tuple(_d.values())))

</pallas_src>

<mosaic_0001>
#map = affine_map<(d0, d1) -> (0, 0, 0)>
#map1 = affine_map<(d0, d1) -> (0, 0)>
module attributes {stable_mosaic.version = 14 : i64} {
  func.func @_sc_deg_body(%arg0: i32, %arg1: i32, %arg2: memref<2x4000x80xi32, #tpu.memory_space<hbm>>, %arg3: memref<80x16xf32, #tpu.memory_space<hbm>>, %arg4: memref<10000x16xf32, #tpu.memory_space<hbm>>, %arg5: memref<2x10000x16xf32, #tpu.memory_space<hbm>>, %arg6: memref<125x80xi32, #tpu.memory_space<vmem>>, %arg7: memref<80x16xf32, #tpu.memory_space<vmem>>, %arg8: memref<10000x16xf32, #tpu.memory_space<vmem_shared>>, %arg9: memref<!tpu.dma_semaphore, #tpu.memory_space<semaphore_mem>>, %arg10: memref<!tpu.dma_semaphore, #tpu.memory_space<semaphore_mem>>) attributes {dimension_semantics = [#tpu.dimension_semantics<core_parallel>, #tpu.dimension_semantics<subcore_parallel>], iteration_bounds = array<i64: 2, 16>, scalar_prefetch = 0 : i64, scratch_operands = 5 : i64, tpu.core_type = #tpu.core_type<sc_vector_subcore>, window_params = [{transform_indices = #map}, {transform_indices = #map1}, {transform_indices = #map1}, {transform_indices = #map}]} {
    %mul3A = arith.constant 16 : i32
    %mul3A_0 = arith.muli %arg0, %mul3A : i32
    %add3A = arith.addi %mul3A_0, %arg1 : i32
    %mul3A_1 = arith.constant 625 : i32
    %mul3A_2 = arith.muli %arg1, %mul3A_1 : i32
    %mul3A_3 = arith.constant 125 : i32
    %mul3A_4 = arith.muli %add3A, %mul3A_3 : i32
    %run_scoped3A = arith.constant 1 : i32
    "tpu.region"() ({
      %run_scoped3A_11 = tpu.sem_alloc : memref<!tpu.dma_semaphore, #tpu.memory_space<semaphore_mem>>
      %dma_start3A = arith.constant 0 : i32
      %dma_start3A_12 = tpu.memref_slice %arg2[%run_scoped3A, %mul3A_4, %dma_start3A] : memref<2x4000x80xi32, #tpu.memory_space<hbm>> -> memref<1x125x80xi32, #tpu.memory_space<hbm>>
      %dma_start3A_13 = tpu.memref_squeeze %dma_start3A_12 : memref<1x125x80xi32, #tpu.memory_space<hbm>> -> memref<125x80xi32, #tpu.memory_space<hbm>>
      %dma_start3A_14 = arith.constant 0 : i32
      %dma_start3A_15 = tpu.memref_slice %arg2[%run_scoped3A, %mul3A_4, %dma_start3A_14] : memref<2x4000x80xi32, #tpu.memory_space<hbm>> -> memref<1x125x80xi32, #tpu.memory_space<hbm>>
      %dma_start3A_16 = tpu.memref_squeeze %dma_start3A_15 : memref<1x125x80xi32, #tpu.memory_space<hbm>> -> memref<125x80xi32, #tpu.memory_space<hbm>>
      tpu.enqueue_dma source(%dma_start3A_16 : memref<125x80xi32, #tpu.memory_space<hbm>>) target(%arg6 : memref<125x80xi32, #tpu.memory_space<vmem>>) target_semaphore(%run_scoped3A_11 : memref<!tpu.dma_semaphore, #tpu.memory_space<semaphore_mem>>)
      %dma_wait3A = arith.constant 0 : i32
      %dma_wait3A_17 = tpu.memref_slice %arg2[%run_scoped3A, %mul3A_4, %dma_wait3A] : memref<2x4000x80xi32, #tpu.memory_space<hbm>> -> memref<1x125x80xi32, #tpu.memory_space<hbm>>
      %dma_wait3A_18 = tpu.memref_squeeze %dma_wait3A_17 : memref<1x125x80xi32, #tpu.memory_space<hbm>> -> memref<125x80xi32, #tpu.memory_space<hbm>>
      %dma_wait3A_19 = arith.constant 0 : i32
      %dma_wait3A_20 = tpu.memref_slice %arg2[%run_scoped3A, %mul3A_4, %dma_wait3A_19] : memref<2x4000x80xi32, #tpu.memory_space<hbm>> -> memref<1x125x80xi32, #tpu.memory_space<hbm>>
      %dma_wait3A_21 = tpu.memref_squeeze %dma_wait3A_20 : memref<1x125x80xi32, #tpu.memory_space<hbm>> -> memref<125x80xi32, #tpu.memory_space<hbm>>
      tpu.wait_dma2 semaphore(%run_scoped3A_11 : memref<!tpu.dma_semaphore, #tpu.memory_space<semaphore_mem>>) src(%dma_wait3A_21 : memref<125x80xi32, #tpu.memory_space<hbm>>) dst(%arg6 : memref<125x80xi32, #tpu.memory_space<vmem>>)
      tpu.yield
    }) : () -> ()
    "tpu.region"() ({
      %run_scoped3A_11 = tpu.sem_alloc : memref<!tpu.dma_semaphore, #tpu.memory_space<semaphore_mem>>
      tpu.enqueue_dma source(%arg3 : memref<80x16xf32, #tpu.memory_space<hbm>>) target(%arg7 : memref<80x16xf32, #tpu.memory_space<vmem>>) target_semaphore(%run_scoped3A_11 : memref<!tpu.dma_semaphore, #tpu.memory_space<semaphore_mem>>)
      tpu.wait_dma2 semaphore(%run_scoped3A_11 : memref<!tpu.dma_semaphore, #tpu.memory_space<semaphore_mem>>) src(%arg3 : memref<80x16xf32, #tpu.memory_space<hbm>>) dst(%arg7 : memref<80x16xf32, #tpu.memory_space<vmem>>)
      tpu.yield
    }) : () -> ()
    "tpu.region"() ({
      %run_scoped3A_11 = tpu.sem_alloc : memref<!tpu.dma_semaphore, #tpu.memory_space<semaphore_mem>>
      %dma_start3A = arith.constant 0 : i32
      %dma_start3A_12 = tpu.memref_slice %arg8[%mul3A_2, %dma_start3A] : memref<10000x16xf32, #tpu.memory_space<vmem_shared>> -> memref<625x16xf32, #tpu.memory_space<vmem_shared>>
      %dma_start3A_13 = arith.constant 0 : i32
      %dma_start3A_14 = tpu.memref_slice %arg4[%mul3A_2, %dma_start3A_13] : memref<10000x16xf32, #tpu.memory_space<hbm>> -> memref<625x16xf32, #tpu.memory_space<hbm>>
      tpu.enqueue_dma source(%dma_start3A_14 : memref<625x16xf32, #tpu.memory_space<hbm>>) target(%dma_start3A_12 : memref<625x16xf32, #tpu.memory_space<vmem_shared>>) target_semaphore(%run_scoped3A_11 : memref<!tpu.dma_semaphore, #tpu.memory_space<semaphore_mem>>)
      %dma_wait3A = arith.constant 0 : i32
      %dma_wait3A_15 = tpu.memref_slice %arg8[%mul3A_2, %dma_wait3A] : memref<10000x16xf32, #tpu.memory_space<vmem_shared>> -> memref<625x16xf32, #tpu.memory_space<vmem_shared>>
      %dma_wait3A_16 = arith.constant 0 : i32
      %dma_wait3A_17 = tpu.memref_slice %arg4[%mul3A_2, %dma_wait3A_16] : memref<10000x16xf32, #tpu.memory_space<hbm>> -> memref<625x16xf32, #tpu.memory_space<hbm>>
      tpu.wait_dma2 semaphore(%run_scoped3A_11 : memref<!tpu.dma_semaphore, #tpu.memory_space<semaphore_mem>>) src(%dma_wait3A_17 : memref<625x16xf32, #tpu.memory_space<hbm>>) dst(%dma_wait3A_15 : memref<625x16xf32, #tpu.memory_space<vmem_shared>>)
      tpu.yield
    }) : () -> ()
    %barrier3A = arith.constant 0 : index
    tpu.barrier barrier_id(%barrier3A)
    %scan3A = arith.constant 0 : i32
    %scan3A_5 = arith.constant 0 : i32
    %scan3A_6 = arith.constant 25 : i32
    %scan3A_7 = arith.addi %scan3A_5, %scan3A_6 : i32
    %scan3A_8 = arith.constant 1 : i32
    scf.for %scan3A_11 = %scan3A_5 to %scan3A_7 step %scan3A_8  : i32 {
      %mul3A_12 = arith.constant 5 : i32
      %mul3A_13 = arith.muli %mul3A_12, %scan3A_11 : i32
      %add3A_14 = arith.constant 0 : i32
      %add3A_15 = arith.addi %mul3A_13, %add3A_14 : i32
      %dma_start3A = arith.constant 0 : i32
      %dma_start3A_16 = tpu.memref_slice %arg6[%add3A_15, %dma_start3A] : memref<125x80xi32, #tpu.memory_space<vmem>> -> memref<1x80xi32, #tpu.memory_space<vmem>>
      %dma_start3A_17 = tpu.memref_squeeze %dma_start3A_16 : memref<1x80xi32, #tpu.memory_space<vmem>> -> memref<80xi32, #tpu.memory_space<vmem>>
      %dma_start3A_18 = arith.constant 0 : i32
      %dma_start3A_19 = arith.constant 0 : i32
      %dma_start3A_20 = tpu.memref_slice %arg8[%dma_start3A_18, %dma_start3A_19] : memref<10000x16xf32, #tpu.memory_space<vmem_shared>> -> memref<10000x16xf32, #tpu.memory_space<vmem_shared>>
      tpu.enqueue_indirect_dma source(%arg7 : memref<80x16xf32, #tpu.memory_space<vmem>>) target(%dma_start3A_20 : memref<10000x16xf32, #tpu.memory_space<vmem_shared>>) offsets(%dma_start3A_17 : memref<80xi32, #tpu.memory_space<vmem>>) semaphore(%arg9 : memref<!tpu.dma_semaphore, #tpu.memory_space<semaphore_mem>>) {add = true}
      %add3A_21 = arith.constant 1 : i32
      %add3A_22 = arith.addi %mul3A_13, %add3A_21 : i32
      %sub3A = arith.constant 1 : i32
      %sub3A_23 = arith.subi %add3A_22, %sub3A : i32
      %dma_wait3A = arith.constant 0 : i32
      %dma_wait3A_24 = tpu.memref_slice %arg6[%sub3A_23, %dma_wait3A] : memref<125x80xi32, #tpu.memory_space<vmem>> -> memref<1x80xi32, #tpu.memory_space<vmem>>
      %dma_wait3A_25 = tpu.memref_squeeze %dma_wait3A_24 : memref<1x80xi32, #tpu.memory_space<vmem>> -> memref<80xi32, #tpu.memory_space<vmem>>
      %dma_wait3A_26 = arith.constant 0 : i32
      %dma_wait3A_27 = arith.constant 0 : i32
      %dma_wait3A_28 = tpu.memref_slice %arg8[%dma_wait3A_26, %dma_wait3A_27] : memref<10000x16xf32, #tpu.memory_space<vmem_shared>> -> memref<10000x16xf32, #tpu.memory_space<vmem_shared>>
      tpu.wait_indirect_dma semaphore(%arg9 : memref<!tpu.dma_semaphore, #tpu.memory_space<semaphore_mem>>) src(%arg7 : memref<80x16xf32, #tpu.memory_space<vmem>>) dst(%dma_wait3A_28 : memref<10000x16xf32, #tpu.memory_space<vmem_shared>>)
      %add3A_29 = arith.constant 1 : i32
      %add3A_30 = arith.addi %mul3A_13, %add3A_29 : i32
      %dma_start3A_31 = arith.constant 0 : i32
      %dma_start3A_32 = tpu.memref_slice %arg6[%add3A_30, %dma_start3A_31] : memref<125x80xi32, #tpu.memory_space<vmem>> -> memref<1x80xi32, #tpu.memory_space<vmem>>
      %dma_start3A_33 = tpu.memref_squeeze %dma_start3A_32 : memref<1x80xi32, #tpu.memory_space<vmem>> -> memref<80xi32, #tpu.memory_space<vmem>>
      %dma_start3A_34 = arith.constant 0 : i32
      %dma_start3A_35 = arith.constant 0 : i32
      %dma_start3A_36 = tpu.memref_slice %arg8[%dma_start3A_34, %dma_start3A_35] : memref<10000x16xf32, #tpu.memory_space<vmem_shared>> -> memref<10000x16xf32, #tpu.memory_space<vmem_shared>>
      tpu.enqueue_indirect_dma source(%arg7 : memref<80x16xf32, #tpu.memory_space<vmem>>) target(%dma_start3A_36 : memref<10000x16xf32, #tpu.memory_space<vmem_shared>>) offsets(%dma_start3A_33 : memref<80xi32, #tpu.memory_space<vmem>>) semaphore(%arg9 : memref<!tpu.dma_semaphore, #tpu.memory_space<semaphore_mem>>) {add = true}
      %add3A_37 = arith.constant 2 : i32
      %add3A_38 = arith.addi %mul3A_13, %add3A_37 : i32
      %sub3A_39 = arith.constant 1 : i32
      %sub3A_40 = arith.subi %add3A_38, %sub3A_39 : i32
      %dma_wait3A_41 = arith.constant 0 : i32
      %dma_wait3A_42 = tpu.memref_slice %arg6[%sub3A_40, %dma_wait3A_41] : memref<125x80xi32, #tpu.memory_space<vmem>> -> memref<1x80xi32, #tpu.memory_space<vmem>>
      %dma_wait3A_43 = tpu.memref_squeeze %dma_wait3A_42 : memref<1x80xi32, #tpu.memory_space<vmem>> -> memref<80xi32, #tpu.memory_space<vmem>>
      %dma_wait3A_44 = arith.constant 0 : i32
      %dma_wait3A_45 = arith.constant 0 : i32
      %dma_wait3A_46 = tpu.memref_slice %arg8[%dma_wait3A_44, %dma_wait3A_45] : memref<10000x16xf32, #tpu.memory_space<vmem_shared>> -> memref<10000x16xf32, #tpu.memory_space<vmem_shared>>
      tpu.wait_indirect_dma semaphore(%arg9 : memref<!tpu.dma_semaphore, #tpu.memory_space<semaphore_mem>>) src(%arg7 : memref<80x16xf32, #tpu.memory_space<vmem>>) dst(%dma_wait3A_46 : memref<10000x16xf32, #tpu.memory_space<vmem_shared>>)
      %add3A_47 = arith.constant 2 : i32
      %add3A_48 = arith.addi %mul3A_13, %add3A_47 : i32
      %dma_start3A_49 = arith.constant 0 : i32
      %dma_start3A_50 = tpu.memref_slice %arg6[%add3A_48, %dma_start3A_49] : memref<125x80xi32, #tpu.memory_space<vmem>> -> memref<1x80xi32, #tpu.memory_space<vmem>>
      %dma_start3A_51 = tpu.memref_squeeze %dma_start3A_50 : memref<1x80xi32, #tpu.memory_space<vmem>> -> memref<80xi32, #tpu.memory_space<vmem>>
      %dma_start3A_52 = arith.constant 0 : i32
      %dma_start3A_53 = arith.constant 0 : i32
      %dma_start3A_54 = tpu.memref_slice %arg8[%dma_start3A_52, %dma_start3A_53] : memref<10000x16xf32, #tpu.memory_space<vmem_shared>> -> memref<10000x16xf32, #tpu.memory_space<vmem_shared>>
      tpu.enqueue_indirect_dma source(%arg7 : memref<80x16xf32, #tpu.memory_space<vmem>>) target(%dma_start3A_54 : memref<10000x16xf32, #tpu.memory_space<vmem_shared>>) offsets(%dma_start3A_51 : memref<80xi32, #tpu.memory_space<vmem>>) semaphore(%arg9 : memref<!tpu.dma_semaphore, #tpu.memory_space<semaphore_mem>>) {add = true}
      %add3A_55 = arith.constant 3 : i32
      %add3A_56 = arith.addi %mul3A_13, %add3A_55 : i32
      %sub3A_57 = arith.constant 1 : i32
      %sub3A_58 = arith.subi %add3A_56, %sub3A_57 : i32
      %dma_wait3A_59 = arith.constant 0 : i32
      %dma_wait3A_60 = tpu.memref_slice %arg6[%sub3A_58, %dma_wait3A_59] : memref<125x80xi32, #tpu.memory_space<vmem>> -> memref<1x80xi32, #tpu.memory_space<vmem>>
      %dma_wait3A_61 = tpu.memref_squeeze %dma_wait3A_60 : memref<1x80xi32, #tpu.memory_space<vmem>> -> memref<80xi32, #tpu.memory_space<vmem>>
      %dma_wait3A_62 = arith.constant 0 : i32
      %dma_wait3A_63 = arith.constant 0 : i32
      %dma_wait3A_64 = tpu.memref_slice %arg8[%dma_wait3A_62, %dma_wait3A_63] : memref<10000x16xf32, #tpu.memory_space<vmem_shared>> -> memref<10000x16xf32, #tpu.memory_space<vmem_shared>>
      tpu.wait_indirect_dma semaphore(%arg9 : memref<!tpu.dma_semaphore, #tpu.memory_space<semaphore_mem>>) src(%arg7 : memref<80x16xf32, #tpu.memory_space<vmem>>) dst(%dma_wait3A_64 : memref<10000x16xf32, #tpu.memory_space<vmem_shared>>)
      %add3A_65 = arith.constant 3 : i32
      %add3A_66 = arith.addi %mul3A_13, %add3A_65 : i32
      %dma_start3A_67 = arith.constant 0 : i32
      %dma_start3A_68 = tpu.memref_slice %arg6[%add3A_66, %dma_start3A_67] : memref<125x80xi32, #tpu.memory_space<vmem>> -> memref<1x80xi32, #tpu.memory_space<vmem>>
      %dma_start3A_69 = tpu.memref_squeeze %dma_start3A_68 : memref<1x80xi32, #tpu.memory_space<vmem>> -> memref<80xi32, #tpu.memory_space<vmem>>
      %dma_start3A_70 = arith.constant 0 : i32
      %dma_start3A_71 = arith.constant 0 : i32
      %dma_start3A_72 = tpu.memref_slice %arg8[%dma_start3A_70, %dma_start3A_71] : memref<10000x16xf32, #tpu.memory_space<vmem_shared>> -> memref<10000x16xf32, #tpu.memory_space<vmem_shared>>
      tpu.enqueue_indirect_dma source(%arg7 : memref<80x16xf32, #tpu.memory_space<vmem>>) target(%dma_start3A_72 : memref<10000x16xf32, #tpu.memory_space<vmem_shared>>) offsets(%dma_start3A_69 : memref<80xi32, #tpu.memory_space<vmem>>) semaphore(%arg9 : memref<!tpu.dma_semaphore, #tpu.memory_space<semaphore_mem>>) {add = true}
      %add3A_73 = arith.constant 4 : i32
      %add3A_74 = arith.addi %mul3A_13, %add3A_73 : i32
      %sub3A_75 = arith.constant 1 : i32
      %sub3A_76 = arith.subi %add3A_74, %sub3A_75 : i32
      %dma_wait3A_77 = arith.constant 0 : i32
      %dma_wait3A_78 = tpu.memref_slice %arg6[%sub3A_76, %dma_wait3A_77] : memref<125x80xi32, #tpu.memory_space<vmem>> -> memref<1x80xi32, #tpu.memory_space<vmem>>
      %dma_wait3A_79 = tpu.memref_squeeze %dma_wait3A_78 : memref<1x80xi32, #tpu.memory_space<vmem>> -> memref<80xi32, #tpu.memory_space<vmem>>
      %dma_wait3A_80 = arith.constant 0 : i32
      %dma_wait3A_81 = arith.constant 0 : i32
      %dma_wait3A_82 = tpu.memref_slice %arg8[%dma_wait3A_80, %dma_wait3A_81] : memref<10000x16xf32, #tpu.memory_space<vmem_shared>> -> memref<10000x16xf32, #tpu.memory_space<vmem_shared>>
      tpu.wait_indirect_dma semaphore(%arg9 : memref<!tpu.dma_semaphore, #tpu.memory_space<semaphore_mem>>) src(%arg7 : memref<80x16xf32, #tpu.memory_space<vmem>>) dst(%dma_wait3A_82 : memref<10000x16xf32, #tpu.memory_space<vmem_shared>>)
      %add3A_83 = arith.constant 4 : i32
      %add3A_84 = arith.addi %mul3A_13, %add3A_83 : i32
      %dma_start3A_85 = arith.constant 0 : i32
      %dma_start3A_86 = tpu.memref_slice %arg6[%add3A_84, %dma_start3A_85] : memref<125x80xi32, #tpu.memory_space<vmem>> -> memref<1x80xi32, #tpu.memory_space<vmem>>
      %dma_start3A_87 = tpu.memref_squeeze %dma_start3A_86 : memref<1x80xi32, #tpu.memory_space<vmem>> -> memref<80xi32, #tpu.memory_space<vmem>>
      %dma_start3A_88 = arith.constant 0 : i32
      %dma_start3A_89 = arith.constant 0 : i32
      %dma_start3A_90 = tpu.memref_slice %arg8[%dma_start3A_88, %dma_start3A_89] : memref<10000x16xf32, #tpu.memory_space<vmem_shared>> -> memref<10000x16xf32, #tpu.memory_space<vmem_shared>>
      tpu.enqueue_indirect_dma source(%arg7 : memref<80x16xf32, #tpu.memory_space<vmem>>) target(%dma_start3A_90 : memref<10000x16xf32, #tpu.memory_space<vmem_shared>>) offsets(%dma_start3A_87 : memref<80xi32, #tpu.memory_space<vmem>>) semaphore(%arg9 : memref<!tpu.dma_semaphore, #tpu.memory_space<semaphore_mem>>) {add = true}
      %add3A_91 = arith.constant 5 : i32
      %add3A_92 = arith.addi %mul3A_13, %add3A_91 : i32
      %sub3A_93 = arith.constant 1 : i32
      %sub3A_94 = arith.subi %add3A_92, %sub3A_93 : i32
      %dma_wait3A_95 = arith.constant 0 : i32
      %dma_wait3A_96 = tpu.memref_slice %arg6[%sub3A_94, %dma_wait3A_95] : memref<125x80xi32, #tpu.memory_space<vmem>> -> memref<1x80xi32, #tpu.memory_space<vmem>>
      %dma_wait3A_97 = tpu.memref_squeeze %dma_wait3A_96 : memref<1x80xi32, #tpu.memory_space<vmem>> -> memref<80xi32, #tpu.memory_space<vmem>>
      %dma_wait3A_98 = arith.constant 0 : i32
      %dma_wait3A_99 = arith.constant 0 : i32
      %dma_wait3A_100 = tpu.memref_slice %arg8[%dma_wait3A_98, %dma_wait3A_99] : memref<10000x16xf32, #tpu.memory_space<vmem_shared>> -> memref<10000x16xf32, #tpu.memory_space<vmem_shared>>
      tpu.wait_indirect_dma semaphore(%arg9 : memref<!tpu.dma_semaphore, #tpu.memory_space<semaphore_mem>>) src(%arg7 : memref<80x16xf32, #tpu.memory_space<vmem>>) dst(%dma_wait3A_100 : memref<10000x16xf32, #tpu.memory_space<vmem_shared>>)
    }
    %scan3A_9 = arith.constant 25 : i32
    %barrier3A_10 = arith.constant 0 : index
    tpu.barrier barrier_id(%barrier3A_10)
    "tpu.region"() ({
      %run_scoped3A_11 = tpu.sem_alloc : memref<!tpu.dma_semaphore, #tpu.memory_space<semaphore_mem>>
      %dma_start3A = arith.constant 0 : i32
      %dma_start3A_12 = tpu.memref_slice %arg5[%arg0, %mul3A_2, %dma_start3A] : memref<2x10000x16xf32, #tpu.memory_space<hbm>> -> memref<1x625x16xf32, #tpu.memory_space<hbm>>
      %dma_start3A_13 = tpu.memref_squeeze %dma_start3A_12 : memref<1x625x16xf32, #tpu.memory_space<hbm>> -> memref<625x16xf32, #tpu.memory_space<hbm>>
      %dma_start3A_14 = arith.constant 0 : i32
      %dma_start3A_15 = tpu.memref_slice %arg8[%mul3A_2, %dma_start3A_14] : memref<10000x16xf32, #tpu.memory_space<vmem_shared>> -> memref<625x16xf32, #tpu.memory_space<vmem_shared>>
      tpu.enqueue_dma source(%dma_start3A_15 : memref<625x16xf32, #tpu.memory_space<vmem_shared>>) target(%dma_start3A_13 : memref<625x16xf32, #tpu.memory_space<hbm>>) target_semaphore(%run_scoped3A_11 : memref<!tpu.dma_semaphore, #tpu.memory_space<semaphore_mem>>)
      %dma_wait3A = arith.constant 0 : i32
      %dma_wait3A_16 = tpu.memref_slice %arg5[%arg0, %mul3A_2, %dma_wait3A] : memref<2x10000x16xf32, #tpu.memory_space<hbm>> -> memref<1x625x16xf32, #tpu.memory_space<hbm>>
      %dma_wait3A_17 = tpu.memref_squeeze %dma_wait3A_16 : memref<1x625x16xf32, #tpu.memory_space<hbm>> -> memref<625x16xf32, #tpu.memory_space<hbm>>
      %dma_wait3A_18 = arith.constant 0 : i32
      %dma_wait3A_19 = tpu.memref_slice %arg8[%mul3A_2, %dma_wait3A_18] : memref<10000x16xf32, #tpu.memory_space<vmem_shared>> -> memref<625x16xf32, #tpu.memory_space<vmem_shared>>
      tpu.wait_dma2 semaphore(%run_scoped3A_11 : memref<!tpu.dma_semaphore, #tpu.memory_space<semaphore_mem>>) src(%dma_wait3A_19 : memref<625x16xf32, #tpu.memory_space<vmem_shared>>) dst(%dma_wait3A_17 : memref<625x16xf32, #tpu.memory_space<hbm>>)
      tpu.yield
    }) : () -> ()
    return
  }
}

#map = affine_map<(d0, d1) -> (0, 0)>
#map1 = affine_map<(d0, d1) -> (0, 0, 0)>
#map2 = affine_map<(d0, d1) -> (0, 0, 0, 0)>
module attributes {stable_mosaic.version = 14 : i64} {
  func.func @_sc_agg_body(%arg0: i32, %arg1: i32, %arg2: memref<10000x256xf32, #tpu.memory_space<hbm>>, %arg3: memref<10000x256xf32, #tpu.memory_space<hbm>>, %arg4: memref<10000x256xf32, #tpu.memory_space<hbm>>, %arg5: memref<10000x256xf32, #tpu.memory_space<hbm>>, %arg6: memref<2x4000x80xi32, #tpu.memory_space<hbm>>, %arg7: memref<10000x64xf32, #tpu.memory_space<hbm>>, %arg8: memref<2x2x10000x128xf32, #tpu.memory_space<hbm>>, %arg9: memref<125x80xi32, #tpu.memory_space<vmem>>, %arg10: memref<125x80xi32, #tpu.memory_space<vmem>>, %arg11: memref<80x64xf32, #tpu.memory_space<vmem>>, %arg12: memref<80x64xf32, #tpu.memory_space<vmem>>, %arg13: memref<80x64xf32, #tpu.memory_space<vmem>>, %arg14: memref<80x64xf32, #tpu.memory_space<vmem>>, %arg15: memref<80x64xf32, #tpu.memory_space<vmem>>, %arg16: memref<10000x64xf32, #tpu.memory_space<vmem_shared>>, %arg17: memref<10000x64xf32, #tpu.memory_space<vmem_shared>>, %arg18: memref<!tpu.dma_semaphore, #tpu.memory_space<semaphore_mem>>, %arg19: memref<!tpu.dma_semaphore, #tpu.memory_space<semaphore_mem>>, %arg20: memref<!tpu.dma_semaphore, #tpu.memory_space<semaphore_mem>>, %arg21: memref<!tpu.dma_semaphore, #tpu.memory_space<semaphore_mem>>, %arg22: memref<!tpu.dma_semaphore, #tpu.memory_space<semaphore_mem>>, %arg23: memref<!tpu.dma_semaphore, #tpu.memory_space<semaphore_mem>>, %arg24: memref<!tpu.dma_semaphore, #tpu.memory_space<semaphore_mem>>, %arg25: memref<!tpu.dma_semaphore, #tpu.memory_space<semaphore_mem>>, %arg26: memref<!tpu.dma_semaphore, #tpu.memory_space<semaphore_mem>>, %arg27: memref<!tpu.dma_semaphore, #tpu.memory_space<semaphore_mem>>) attributes {dimension_semantics = [#tpu.dimension_semantics<core_parallel>, #tpu.dimension_semantics<subcore_parallel>], iteration_bounds = array<i64: 2, 16>, scalar_prefetch = 0 : i64, scratch_operands = 19 : i64, tpu.core_type = #tpu.core_type<sc_vector_subcore>, window_params = [{transform_indices = #map}, {transform_indices = #map}, {transform_indices = #map}, {transform_indices = #map}, {transform_indices = #map1}, {transform_indices = #map}, {transform_indices = #map2}]} {
    %mul3A = arith.constant 16 : i32
    %mul3A_0 = arith.muli %arg0, %mul3A : i32
    %add3A = arith.addi %mul3A_0, %arg1 : i32
    %mul3A_1 = arith.constant 625 : i32
    %mul3A_2 = arith.muli %arg1, %mul3A_1 : i32
    %mul3A_3 = arith.constant 125 : i32
    %mul3A_4 = arith.muli %add3A, %mul3A_3 : i32
    %run_scoped3A = arith.constant 0 : i32
    "tpu.region"() ({
      %run_scoped3A_155 = tpu.sem_alloc : memref<!tpu.dma_semaphore, #tpu.memory_space<semaphore_mem>>
      %dma_start3A_156 = arith.constant 0 : i32
      %dma_start3A_157 = tpu.memref_slice %arg6[%run_scoped3A, %mul3A_4, %dma_start3A_156] : memref<2x4000x80xi32, #tpu.memory_space<hbm>> -> memref<1x125x80xi32, #tpu.memory_space<hbm>>
      %dma_start3A_158 = tpu.memref_squeeze %dma_start3A_157 : memref<1x125x80xi32, #tpu.memory_space<hbm>> -> memref<125x80xi32, #tpu.memory_space<hbm>>
      %dma_start3A_159 = arith.constant 0 : i32
      %dma_start3A_160 = tpu.memref_slice %arg6[%run_scoped3A, %mul3A_4, %dma_start3A_159] : memref<2x4000x80xi32, #tpu.memory_space<hbm>> -> memref<1x125x80xi32, #tpu.memory_space<hbm>>
      %dma_start3A_161 = tpu.memref_squeeze %dma_start3A_160 : memref<1x125x80xi32, #tpu.memory_space<hbm>> -> memref<125x80xi32, #tpu.memory_space<hbm>>
      tpu.enqueue_dma source(%dma_start3A_161 : memref<125x80xi32, #tpu.memory_space<hbm>>) target(%arg9 : memref<125x80xi32, #tpu.memory_space<vmem>>) target_semaphore(%run_scoped3A_155 : memref<!tpu.dma_semaphore, #tpu.memory_space<semaphore_mem>>)
      %dma_wait3A_162 = arith.constant 0 : i32
      %dma_wait3A_163 = tpu.memref_slice %arg6[%run_scoped3A, %mul3A_4, %dma_wait3A_162] : memref<2x4000x80xi32, #tpu.memory_space<hbm>> -> memref<1x125x80xi32, #tpu.memory_space<hbm>>
      %dma_wait3A_164 = tpu.memref_squeeze %dma_wait3A_163 : memref<1x125x80xi32, #tpu.memory_space<hbm>> -> memref<125x80xi32, #tpu.memory_space<hbm>>
      %dma_wait3A_165 = arith.constant 0 : i32
      %dma_wait3A_166 = tpu.memref_slice %arg6[%run_scoped3A, %mul3A_4, %dma_wait3A_165] : memref<2x4000x80xi32, #tpu.memory_space<hbm>> -> memref<1x125x80xi32, #tpu.memory_space<hbm>>
      %dma_wait3A_167 = tpu.memref_squeeze %dma_wait3A_166 : memref<1x125x80xi32, #tpu.memory_space<hbm>> -> memref<125x80xi32, #tpu.memory_space<hbm>>
      tpu.wait_dma2 semaphore(%run_scoped3A_155 : memref<!tpu.dma_semaphore, #tpu.memory_space<semaphore_mem>>) src(%dma_wait3A_167 : memref<125x80xi32, #tpu.memory_space<hbm>>) dst(%arg9 : memref<125x80xi32, #tpu.memory_space<vmem>>)
      tpu.yield
    }) : () -> ()
    %mul3A_5 = arith.constant 125 : i32
    %mul3A_6 = arith.muli %add3A, %mul3A_5 : i32
    %run_scoped3A_7 = arith.constant 1 : i32
    "tpu.region"() ({
      %run_scoped3A_155 = tpu.sem_alloc : memref<!tpu.dma_semaphore, #tpu.memory_space<semaphore_mem>>
      %dma_start3A_156 = arith.constant 0 : i32
      %dma_start3A_157 = tpu.memref_slice %arg6[%run_scoped3A_7, %mul3A_6, %dma_start3A_156] : memref<2x4000x80xi32, #tpu.memory_space<hbm>> -> memref<1x125x80xi32, #tpu.memory_space<hbm>>
      %dma_start3A_158 = tpu.memref_squeeze %dma_start3A_157 : memref<1x125x80xi32, #tpu.memory_space<hbm>> -> memref<125x80xi32, #tpu.memory_space<hbm>>
      %dma_start3A_159 = arith.constant 0 : i32
      %dma_start3A_160 = tpu.memref_slice %arg6[%run_scoped3A_7, %mul3A_6, %dma_start3A_159] : memref<2x4000x80xi32, #tpu.memory_space<hbm>> -> memref<1x125x80xi32, #tpu.memory_space<hbm>>
      %dma_start3A_161 = tpu.memref_squeeze %dma_start3A_160 : memref<1x125x80xi32, #tpu.memory_space<hbm>> -> memref<125x80xi32, #tpu.memory_space<hbm>>
      tpu.enqueue_dma source(%dma_start3A_161 : memref<125x80xi32, #tpu.memory_space<hbm>>) target(%arg10 : memref<125x80xi32, #tpu.memory_space<vmem>>) target_semaphore(%run_scoped3A_155 : memref<!tpu.dma_semaphore, #tpu.memory_space<semaphore_mem>>)
      %dma_wait3A_162 = arith.constant 0 : i32
      %dma_wait3A_163 = tpu.memref_slice %arg6[%run_scoped3A_7, %mul3A_6, %dma_wait3A_162] : memref<2x4000x80xi32, #tpu.memory_space<hbm>> -> memref<1x125x80xi32, #tpu.memory_space<hbm>>
      %dma_wait3A_164 = tpu.memref_squeeze %dma_wait3A_163 : memref<1x125x80xi32, #tpu.memory_space<hbm>> -> memref<125x80xi32, #tpu.memory_space<hbm>>
      %dma_wait3A_165 = arith.constant 0 : i32
      %dma_wait3A_166 = tpu.memref_slice %arg6[%run_scoped3A_7, %mul3A_6, %dma_wait3A_165] : memref<2x4000x80xi32, #tpu.memory_space<hbm>> -> memref<1x125x80xi32, #tpu.memory_space<hbm>>
      %dma_wait3A_167 = tpu.memref_squeeze %dma_wait3A_166 : memref<1x125x80xi32, #tpu.memory_space<hbm>> -> memref<125x80xi32, #tpu.memory_space<hbm>>
      tpu.wait_dma2 semaphore(%run_scoped3A_155 : memref<!tpu.dma_semaphore, #tpu.memory_space<semaphore_mem>>) src(%dma_wait3A_167 : memref<125x80xi32, #tpu.memory_space<hbm>>) dst(%arg10 : memref<125x80xi32, #tpu.memory_space<vmem>>)
      tpu.yield
    }) : () -> ()
    "tpu.region"() ({
      %run_scoped3A_155 = tpu.sem_alloc : memref<!tpu.dma_semaphore, #tpu.memory_space<semaphore_mem>>
      %dma_start3A_156 = arith.constant 0 : i32
      %dma_start3A_157 = tpu.memref_slice %arg16[%mul3A_2, %dma_start3A_156] : memref<10000x64xf32, #tpu.memory_space<vmem_shared>> -> memref<625x64xf32, #tpu.memory_space<vmem_shared>>
      %dma_start3A_158 = arith.constant 0 : i32
      %dma_start3A_159 = tpu.memref_slice %arg7[%mul3A_2, %dma_start3A_158] : memref<10000x64xf32, #tpu.memory_space<hbm>> -> memref<625x64xf32, #tpu.memory_space<hbm>>
      tpu.enqueue_dma source(%dma_start3A_159 : memref<625x64xf32, #tpu.memory_space<hbm>>) target(%dma_start3A_157 : memref<625x64xf32, #tpu.memory_space<vmem_shared>>) target_semaphore(%run_scoped3A_155 : memref<!tpu.dma_semaphore, #tpu.memory_space<semaphore_mem>>)
      %dma_wait3A_160 = arith.constant 0 : i32
      %dma_wait3A_161 = tpu.memref_slice %arg16[%mul3A_2, %dma_wait3A_160] : memref<10000x64xf32, #tpu.memory_space<vmem_shared>> -> memref<625x64xf32, #tpu.memory_space<vmem_shared>>
      %dma_wait3A_162 = arith.constant 0 : i32
      %dma_wait3A_163 = tpu.memref_slice %arg7[%mul3A_2, %dma_wait3A_162] : memref<10000x64xf32, #tpu.memory_space<hbm>> -> memref<625x64xf32, #tpu.memory_space<hbm>>
      tpu.wait_dma2 semaphore(%run_scoped3A_155 : memref<!tpu.dma_semaphore, #tpu.memory_space<semaphore_mem>>) src(%dma_wait3A_163 : memref<625x64xf32, #tpu.memory_space<hbm>>) dst(%dma_wait3A_161 : memref<625x64xf32, #tpu.memory_space<vmem_shared>>)
      tpu.yield
    }) : () -> ()
    "tpu.region"() ({
      %run_scoped3A_155 = tpu.sem_alloc : memref<!tpu.dma_semaphore, #tpu.memory_space<semaphore_mem>>
      %dma_start3A_156 = arith.constant 0 : i32
      %dma_start3A_157 = tpu.memref_slice %arg17[%mul3A_2, %dma_start3A_156] : memref<10000x64xf32, #tpu.memory_space<vmem_shared>> -> memref<625x64xf32, #tpu.memory_space<vmem_shared>>
      %dma_start3A_158 = arith.constant 0 : i32
      %dma_start3A_159 = tpu.memref_slice %arg2[%mul3A_2, %dma_start3A_158] : memref<10000x256xf32, #tpu.memory_space<hbm>> -> memref<625x64xf32, #tpu.memory_space<hbm>>
      tpu.enqueue_dma source(%dma_start3A_159 : memref<625x64xf32, #tpu.memory_space<hbm>>) target(%dma_start3A_157 : memref<625x64xf32, #tpu.memory_space<vmem_shared>>) target_semaphore(%run_scoped3A_155 : memref<!tpu.dma_semaphore, #tpu.memory_space<semaphore_mem>>)
      %dma_wait3A_160 = arith.constant 0 : i32
      %dma_wait3A_161 = tpu.memref_slice %arg17[%mul3A_2, %dma_wait3A_160] : memref<10000x64xf32, #tpu.memory_space<vmem_shared>> -> memref<625x64xf32, #tpu.memory_space<vmem_shared>>
      %dma_wait3A_162 = arith.constant 0 : i32
      %dma_wait3A_163 = tpu.memref_slice %arg2[%mul3A_2, %dma_wait3A_162] : memref<10000x256xf32, #tpu.memory_space<hbm>> -> memref<625x64xf32, #tpu.memory_space<hbm>>
      tpu.wait_dma2 semaphore(%run_scoped3A_155 : memref<!tpu.dma_semaphore, #tpu.memory_space<semaphore_mem>>) src(%dma_wait3A_163 : memref<625x64xf32, #tpu.memory_space<hbm>>) dst(%dma_wait3A_161 : memref<625x64xf32, #tpu.memory_space<vmem_shared>>)
      tpu.yield
    }) : () -> ()
    %barrier3A = arith.constant 0 : index
    tpu.barrier barrier_id(%barrier3A)
    %dma_start3A = arith.constant 0 : i32
    %dma_start3A_8 = arith.constant 0 : i32
    %dma_start3A_9 = tpu.memref_slice %arg9[%dma_start3A, %dma_start3A_8] : memref<125x80xi32, #tpu.memory_space<vmem>> -> memref<1x80xi32, #tpu.memory_space<vmem>>
    %dma_start3A_10 = tpu.memref_squeeze %dma_start3A_9 : memref<1x80xi32, #tpu.memory_space<vmem>> -> memref<80xi32, #tpu.memory_space<vmem>>
    %dma_start3A_11 = arith.constant 0 : i32
    %dma_start3A_12 = arith.constant 0 : i32
    %dma_start3A_13 = tpu.memref_slice %arg17[%dma_start3A_11, %dma_start3A_12] : memref<10000x64xf32, #tpu.memory_space<vmem_shared>> -> memref<10000x64xf32, #tpu.memory_space<vmem_shared>>
    tpu.enqueue_indirect_dma source(%dma_start3A_13 : memref<10000x64xf32, #tpu.memory_space<vmem_shared>>) target(%arg11 : memref<80x64xf32, #tpu.memory_space<vmem>>) offsets(%dma_start3A_10 : memref<80xi32, #tpu.memory_space<vmem>>) semaphore(%arg18 : memref<!tpu.dma_semaphore, #tpu.memory_space<semaphore_mem>>)
    %dma_start3A_14 = arith.constant 1 : i32
    %dma_start3A_15 = arith.constant 0 : i32
    %dma_start3A_16 = tpu.memref_slice %arg9[%dma_start3A_14, %dma_start3A_15] : memref<125x80xi32, #tpu.memory_space<vmem>> -> memref<1x80xi32, #tpu.memory_space<vmem>>
    %dma_start3A_17 = tpu.memref_squeeze %dma_start3A_16 : memref<1x80xi32, #tpu.memory_space<vmem>> -> memref<80xi32, #tpu.memory_space<vmem>>
    %dma_start3A_18 = arith.constant 0 : i32
    %dma_start3A_19 = arith.constant 0 : i32
    %dma_start3A_20 = tpu.memref_slice %arg17[%dma_start3A_18, %dma_start3A_19] : memref<10000x64xf32, #tpu.memory_space<vmem_shared>> -> memref<10000x64xf32, #tpu.memory_space<vmem_shared>>
    tpu.enqueue_indirect_dma source(%dma_start3A_20 : memref<10000x64xf32, #tpu.memory_space<vmem_shared>>) target(%arg12 : memref<80x64xf32, #tpu.memory_space<vmem>>) offsets(%dma_start3A_17 : memref<80xi32, #tpu.memory_space<vmem>>) semaphore(%arg19 : memref<!tpu.dma_semaphore, #tpu.memory_space<semaphore_mem>>)
    %dma_start3A_21 = arith.constant 2 : i32
    %dma_start3A_22 = arith.constant 0 : i32
    %dma_start3A_23 = tpu.memref_slice %arg9[%dma_start3A_21, %dma_start3A_22] : memref<125x80xi32, #tpu.memory_space<vmem>> -> memref<1x80xi32, #tpu.memory_space<vmem>>
    %dma_start3A_24 = tpu.memref_squeeze %dma_start3A_23 : memref<1x80xi32, #tpu.memory_space<vmem>> -> memref<80xi32, #tpu.memory_space<vmem>>
    %dma_start3A_25 = arith.constant 0 : i32
    %dma_start3A_26 = arith.constant 0 : i32
    %dma_start3A_27 = tpu.memref_slice %arg17[%dma_start3A_25, %dma_start3A_26] : memref<10000x64xf32, #tpu.memory_space<vmem_shared>> -> memref<10000x64xf32, #tpu.memory_space<vmem_shared>>
    tpu.enqueue_indirect_dma source(%dma_start3A_27 : memref<10000x64xf32, #tpu.memory_space<vmem_shared>>) target(%arg13 : memref<80x64xf32, #tpu.memory_space<vmem>>) offsets(%dma_start3A_24 : memref<80xi32, #tpu.memory_space<vmem>>) semaphore(%arg20 : memref<!tpu.dma_semaphore, #tpu.memory_space<semaphore_mem>>)
    %scan3A = arith.constant 0 : i32
    %scan3A_28 = arith.constant 0 : i32
    %scan3A_29 = arith.constant 25 : i32
    %scan3A_30 = arith.addi %scan3A_28, %scan3A_29 : i32
    %scan3A_31 = arith.constant 1 : i32
    scf.for %scan3A_155 = %scan3A_28 to %scan3A_30 step %scan3A_31  : i32 {
      %mul3A_156 = arith.constant 5 : i32
      %mul3A_157 = arith.muli %mul3A_156, %scan3A_155 : i32
      %add3A_158 = arith.constant 0 : i32
      %add3A_159 = arith.addi %mul3A_157, %add3A_158 : i32
      %dma_wait3A_160 = arith.constant 0 : i32
      %dma_wait3A_161 = tpu.memref_slice %arg9[%add3A_159, %dma_wait3A_160] : memref<125x80xi32, #tpu.memory_space<vmem>> -> memref<1x80xi32, #tpu.memory_space<vmem>>
      %dma_wait3A_162 = tpu.memref_squeeze %dma_wait3A_161 : memref<1x80xi32, #tpu.memory_space<vmem>> -> memref<80xi32, #tpu.memory_space<vmem>>
      %dma_wait3A_163 = arith.constant 0 : i32
      %dma_wait3A_164 = arith.constant 0 : i32
      %dma_wait3A_165 = tpu.memref_slice %arg17[%dma_wait3A_163, %dma_wait3A_164] : memref<10000x64xf32, #tpu.memory_space<vmem_shared>> -> memref<10000x64xf32, #tpu.memory_space<vmem_shared>>
      tpu.wait_indirect_dma semaphore(%arg18 : memref<!tpu.dma_semaphore, #tpu.memory_space<semaphore_mem>>) src(%dma_wait3A_165 : memref<10000x64xf32, #tpu.memory_space<vmem_shared>>) dst(%arg11 : memref<80x64xf32, #tpu.memory_space<vmem>>)
      %ge3A = arith.constant 1 : i32
      %ge3A_166 = arith.cmpi sge, %scan3A_155, %ge3A : i32
      %convert_element_type3A = arith.extui %ge3A_166 : i1 to i32
      %cond3A = arith.constant 0 : i32
      %cond3A_167 = arith.cmpi ne, %convert_element_type3A, %cond3A : i32
      scf.if %cond3A_167 {
        %sub3A_299 = arith.constant 1 : i32
        %sub3A_300 = arith.subi %add3A_159, %sub3A_299 : i32
        %dma_wait3A_301 = arith.constant 0 : i32
        %dma_wait3A_302 = tpu.memref_slice %arg10[%sub3A_300, %dma_wait3A_301] : memref<125x80xi32, #tpu.memory_space<vmem>> -> memref<1x80xi32, #tpu.memory_space<vmem>>
        %dma_wait3A_303 = tpu.memref_squeeze %dma_wait3A_302 : memref<1x80xi32, #tpu.memory_space<vmem>> -> memref<80xi32, #tpu.memory_space<vmem>>
        %dma_wait3A_304 = arith.constant 0 : i32
        %dma_wait3A_305 = arith.constant 0 : i32
        %dma_wait3A_306 = tpu.memref_slice %arg16[%dma_wait3A_304, %dma_wait3A_305] : memref<10000x64xf32, #tpu.memory_space<vmem_shared>> -> memref<10000x64xf32, #tpu.memory_space<vmem_shared>>
        tpu.wait_indirect_dma semaphore(%arg27 : memref<!tpu.dma_semaphore, #tpu.memory_space<semaphore_mem>>) src(%arg15 : memref<80x64xf32, #tpu.memory_space<vmem>>) dst(%dma_wait3A_306 : memref<10000x64xf32, #tpu.memory_space<vmem_shared>>)
      } else {
      }
      %dma_start3A_168 = arith.constant 0 : i32
      %dma_start3A_169 = tpu.memref_slice %arg10[%add3A_159, %dma_start3A_168] : memref<125x80xi32, #tpu.memory_space<vmem>> -> memref<1x80xi32, #tpu.memory_space<vmem>>
      %dma_start3A_170 = tpu.memref_squeeze %dma_start3A_169 : memref<1x80xi32, #tpu.memory_space<vmem>> -> memref<80xi32, #tpu.memory_space<vmem>>
      %dma_start3A_171 = arith.constant 0 : i32
      %dma_start3A_172 = arith.constant 0 : i32
      %dma_start3A_173 = tpu.memref_slice %arg16[%dma_start3A_171, %dma_start3A_172] : memref<10000x64xf32, #tpu.memory_space<vmem_shared>> -> memref<10000x64xf32, #tpu.memory_space<vmem_shared>>
      tpu.enqueue_indirect_dma source(%arg11 : memref<80x64xf32, #tpu.memory_space<vmem>>) target(%dma_start3A_173 : memref<10000x64xf32, #tpu.memory_space<vmem_shared>>) offsets(%dma_start3A_170 : memref<80xi32, #tpu.memory_space<vmem>>) semaphore(%arg23 : memref<!tpu.dma_semaphore, #tpu.memory_space<semaphore_mem>>) {add = true}
      %add3A_174 = arith.constant 3 : i32
      %add3A_175 = arith.addi %add3A_159, %add3A_174 : i32
      %dma_start3A_176 = arith.constant 0 : i32
      %dma_start3A_177 = tpu.memref_slice %arg9[%add3A_175, %dma_start3A_176] : memref<125x80xi32, #tpu.memory_space<vmem>> -> memref<1x80xi32, #tpu.memory_space<vmem>>
      %dma_start3A_178 = tpu.memref_squeeze %dma_start3A_177 : memref<1x80xi32, #tpu.memory_space<vmem>> -> memref<80xi32, #tpu.memory_space<vmem>>
      %dma_start3A_179 = arith.constant 0 : i32
      %dma_start3A_180 = arith.constant 0 : i32
      %dma_start3A_181 = tpu.memref_slice %arg17[%dma_start3A_179, %dma_start3A_180] : memref<10000x64xf32, #tpu.memory_space<vmem_shared>> -> memref<10000x64xf32, #tpu.memory_space<vmem_shared>>
      tpu.enqueue_indirect_dma source(%dma_start3A_181 : memref<10000x64xf32, #tpu.memory_space<vmem_shared>>) target(%arg14 : memref<80x64xf32, #tpu.memory_space<vmem>>) offsets(%dma_start3A_178 : memref<80xi32, #tpu.memory_space<vmem>>) semaphore(%arg21 : memref<!tpu.dma_semaphore, #tpu.memory_space<semaphore_mem>>)
      %mul3A_182 = arith.constant 5 : i32
      %mul3A_183 = arith.muli %mul3A_182, %scan3A_155 : i32
      %add3A_184 = arith.constant 1 : i32
      %add3A_185 = arith.addi %mul3A_183, %add3A_184 : i32
      %dma_wait3A_186 = arith.constant 0 : i32
      %dma_wait3A_187 = tpu.memref_slice %arg9[%add3A_185, %dma_wait3A_186] : memref<125x80xi32, #tpu.memory_space<vmem>> -> memref<1x80xi32, #tpu.memory_space<vmem>>
      %dma_wait3A_188 = tpu.memref_squeeze %dma_wait3A_187 : memref<1x80xi32, #tpu.memory_space<vmem>> -> memref<80xi32, #tpu.memory_space<vmem>>
      %dma_wait3A_189 = arith.constant 0 : i32
      %dma_wait3A_190 = arith.constant 0 : i32
      %dma_wait3A_191 = tpu.memref_slice %arg17[%dma_wait3A_189, %dma_wait3A_190] : memref<10000x64xf32, #tpu.memory_space<vmem_shared>> -> memref<10000x64xf32, #tpu.memory_space<vmem_shared>>
      tpu.wait_indirect_dma semaphore(%arg19 : memref<!tpu.dma_semaphore, #tpu.memory_space<semaphore_mem>>) src(%dma_wait3A_191 : memref<10000x64xf32, #tpu.memory_space<vmem_shared>>) dst(%arg12 : memref<80x64xf32, #tpu.memory_space<vmem>>)
      %sub3A = arith.constant 1 : i32
      %sub3A_192 = arith.subi %add3A_185, %sub3A : i32
      %dma_wait3A_193 = arith.constant 0 : i32
      %dma_wait3A_194 = tpu.memref_slice %arg10[%sub3A_192, %dma_wait3A_193] : memref<125x80xi32, #tpu.memory_space<vmem>> -> memref<1x80xi32, #tpu.memory_space<vmem>>
      %dma_wait3A_195 = tpu.memref_squeeze %dma_wait3A_194 : memref<1x80xi32, #tpu.memory_space<vmem>> -> memref<80xi32, #tpu.memory_space<vmem>>
      %dma_wait3A_196 = arith.constant 0 : i32
      %dma_wait3A_197 = arith.constant 0 : i32
      %dma_wait3A_198 = tpu.memref_slice %arg16[%dma_wait3A_196, %dma_wait3A_197] : memref<10000x64xf32, #tpu.memory_space<vmem_shared>> -> memref<10000x64xf32, #tpu.memory_space<vmem_shared>>
      tpu.wait_indirect_dma semaphore(%arg23 : memref<!tpu.dma_semaphore, #tpu.memory_space<semaphore_mem>>) src(%arg11 : memref<80x64xf32, #tpu.memory_space<vmem>>) dst(%dma_wait3A_198 : memref<10000x64xf32, #tpu.memory_space<vmem_shared>>)
      %dma_start3A_199 = arith.constant 0 : i32
      %dma_start3A_200 = tpu.memref_slice %arg10[%add3A_185, %dma_start3A_199] : memref<125x80xi32, #tpu.memory_space<vmem>> -> memref<1x80xi32, #tpu.memory_space<vmem>>
      %dma_start3A_201 = tpu.memref_squeeze %dma_start3A_200 : memref<1x80xi32, #tpu.memory_space<vmem>> -> memref<80xi32, #tpu.memory_space<vmem>>
      %dma_start3A_202 = arith.constant 0 : i32
      %dma_start3A_203 = arith.constant 0 : i32
      %dma_start3A_204 = tpu.memref_slice %arg16[%dma_start3A_202, %dma_start3A_203] : memref<10000x64xf32, #tpu.memory_space<vmem_shared>> -> memref<10000x64xf32, #tpu.memory_space<vmem_shared>>
      tpu.enqueue_indirect_dma source(%arg12 : memref<80x64xf32, #tpu.memory_space<vmem>>) target(%dma_start3A_204 : memref<10000x64xf32, #tpu.memory_space<vmem_shared>>) offsets(%dma_start3A_201 : memref<80xi32, #tpu.memory_space<vmem>>) semaphore(%arg24 : memref<!tpu.dma_semaphore, #tpu.memory_space<semaphore_mem>>) {add = true}
      %add3A_205 = arith.constant 3 : i32
      %add3A_206 = arith.addi %add3A_185, %add3A_205 : i32
      %dma_start3A_207 = arith.constant 0 : i32
      %dma_start3A_208 = tpu.memref_slice %arg9[%add3A_206, %dma_start3A_207] : memref<125x80xi32, #tpu.memory_space<vmem>> -> memref<1x80xi32, #tpu.memory_space<vmem>>
      %dma_start3A_209 = tpu.memref_squeeze %dma_start3A_208 : memref<1x80xi32, #tpu.memory_space<vmem>> -> memref<80xi32, #tpu.memory_space<vmem>>
      %dma_start3A_210 = arith.constant 0 : i32
      %dma_start3A_211 = arith.constant 0 : i32
      %dma_start3A_212 = tpu.memref_slice %arg17[%dma_start3A_210, %dma_start3A_211] : memref<10000x64xf32, #tpu.memory_space<vmem_shared>> -> memref<10000x64xf32, #tpu.memory_space<vmem_shared>>
      tpu.enqueue_indirect_dma source(%dma_start3A_212 : memref<10000x64xf32, #tpu.memory_space<vmem_shared>>) target(%arg15 : memref<80x64xf32, #tpu.memory_space<vmem>>) offsets(%dma_start3A_209 : memref<80xi32, #tpu.memory_space<vmem>>) semaphore(%arg22 : memref<!tpu.dma_semaphore, #tpu.memory_space<semaphore_mem>>)
      %mul3A_213 = arith.constant 5 : i32
      %mul3A_214 = arith.muli %mul3A_213, %scan3A_155 : i32
      %add3A_215 = arith.constant 2 : i32
      %add3A_216 = arith.addi %mul3A_214, %add3A_215 : i32
      %dma_wait3A_217 = arith.constant 0 : i32
      %dma_wait3A_218 = tpu.memref_slice %arg9[%add3A_216, %dma_wait3A_217] : memref<125x80xi32, #tpu.memory_space<vmem>> -> memref<1x80xi32, #tpu.memory_space<vmem>>
      %dma_wait3A_219 = tpu.memref_squeeze %dma_wait3A_218 : memref<1x80xi32, #tpu.memory_space<vmem>> -> memref<80xi32, #tpu.memory_space<vmem>>
      %dma_wait3A_220 = arith.constant 0 : i32
      %dma_wait3A_221 = arith.constant 0 : i32
      %dma_wait3A_222 = tpu.memref_slice %arg17[%dma_wait3A_220, %dma_wait3A_221] : memref<10000x64xf32, #tpu.memory_space<vmem_shared>> -> memref<10000x64xf32, #tpu.memory_space<vmem_shared>>
      tpu.wait_indirect_dma semaphore(%arg20 : memref<!tpu.dma_semaphore, #tpu.memory_space<semaphore_mem>>) src(%dma_wait3A_222 : memref<10000x64xf32, #tpu.memory_space<vmem_shared>>) dst(%arg13 : memref<80x64xf32, #tpu.memory_space<vmem>>)
      %sub3A_223 = arith.constant 1 : i32
      %sub3A_224 = arith.subi %add3A_216, %sub3A_223 : i32
      %dma_wait3A_225 = arith.constant 0 : i32
      %dma_wait3A_226 = tpu.memref_slice %arg10[%sub3A_224, %dma_wait3A_225] : memref<125x80xi32, #tpu.memory_space<vmem>> -> memref<1x80xi32, #tpu.memory_space<vmem>>
      %dma_wait3A_227 = tpu.memref_squeeze %dma_wait3A_226 : memref<1x80xi32, #tpu.memory_space<vmem>> -> memref<80xi32, #tpu.memory_space<vmem>>
      %dma_wait3A_228 = arith.constant 0 : i32
      %dma_wait3A_229 = arith.constant 0 : i32
      %dma_wait3A_230 = tpu.memref_slice %arg16[%dma_wait3A_228, %dma_wait3A_229] : memref<10000x64xf32, #tpu.memory_space<vmem_shared>> -> memref<10000x64xf32, #tpu.memory_space<vmem_shared>>
      tpu.wait_indirect_dma semaphore(%arg24 : memref<!tpu.dma_semaphore, #tpu.memory_space<semaphore_mem>>) src(%arg12 : memref<80x64xf32, #tpu.memory_space<vmem>>) dst(%dma_wait3A_230 : memref<10000x64xf32, #tpu.memory_space<vmem_shared>>)
      %dma_start3A_231 = arith.constant 0 : i32
      %dma_start3A_232 = tpu.memref_slice %arg10[%add3A_216, %dma_start3A_231] : memref<125x80xi32, #tpu.memory_space<vmem>> -> memref<1x80xi32, #tpu.memory_space<vmem>>
      %dma_start3A_233 = tpu.memref_squeeze %dma_start3A_232 : memref<1x80xi32, #tpu.memory_space<vmem>> -> memref<80xi32, #tpu.memory_space<vmem>>
      %dma_start3A_234 = arith.constant 0 : i32
      %dma_start3A_235 = arith.constant 0 : i32
      %dma_start3A_236 = tpu.memref_slice %arg16[%dma_start3A_234, %dma_start3A_235] : memref<10000x64xf32, #tpu.memory_space<vmem_shared>> -> memref<10000x64xf32, #tpu.memory_space<vmem_shared>>
      tpu.enqueue_indirect_dma source(%arg13 : memref<80x64xf32, #tpu.memory_space<vmem>>) target(%dma_start3A_236 : memref<10000x64xf32, #tpu.memory_space<vmem_shared>>) offsets(%dma_start3A_233 : memref<80xi32, #tpu.memory_space<vmem>>) semaphore(%arg25 : memref<!tpu.dma_semaphore, #tpu.memory_space<semaphore_mem>>) {add = true}
      %lt3A = arith.constant 24 : i32
      %lt3A_237 = arith.cmpi slt, %scan3A_155, %lt3A : i32
      %convert_element_type3A_238 = arith.extui %lt3A_237 : i1 to i32
      %cond3A_239 = arith.constant 0 : i32
      %cond3A_240 = arith.cmpi ne, %convert_element_type3A_238, %cond3A_239 : i32
      scf.if %cond3A_240 {
        %add3A_299 = arith.constant 3 : i32
        %add3A_300 = arith.addi %add3A_216, %add3A_299 : i32
        %dma_start3A_301 = arith.constant 0 : i32
        %dma_start3A_302 = tpu.memref_slice %arg9[%add3A_300, %dma_start3A_301] : memref<125x80xi32, #tpu.memory_space<vmem>> -> memref<1x80xi32, #tpu.memory_space<vmem>>
        %dma_start3A_303 = tpu.memref_squeeze %dma_start3A_302 : memref<1x80xi32, #tpu.memory_space<vmem>> -> memref<80xi32, #tpu.memory_space<vmem>>
        %dma_start3A_304 = arith.constant 0 : i32
        %dma_start3A_305 = arith.constant 0 : i32
        %dma_start3A_306 = tpu.memref_slice %arg17[%dma_start3A_304, %dma_start3A_305] : memref<10000x64xf32, #tpu.memory_space<vmem_shared>> -> memref<10000x64xf32, #tpu.memory_space<vmem_shared>>
        tpu.enqueue_indirect_dma source(%dma_start3A_306 : memref<10000x64xf32, #tpu.memory_space<vmem_shared>>) target(%arg11 : memref<80x64xf32, #tpu.memory_space<vmem>>) offsets(%dma_start3A_303 : memref<80xi32, #tpu.memory_space<vmem>>) semaphore(%arg18 : memref<!tpu.dma_semaphore, #tpu.memory_space<semaphore_mem>>)
      } else {
      }
      %mul3A_241 = arith.constant 5 : i32
      %mul3A_242 = arith.muli %mul3A_241, %scan3A_155 : i32
      %add3A_243 = arith.constant 3 : i32
      %add3A_244 = arith.addi %mul3A_242, %add3A_243 : i32
      %dma_wait3A_245 = arith.constant 0 : i32
      %dma_wait3A_246 = tpu.memref_slice %arg9[%add3A_244, %dma_wait3A_245] : memref<125x80xi32, #tpu.memory_space<vmem>> -> memref<1x80xi32, #tpu.memory_space<vmem>>
      %dma_wait3A_247 = tpu.memref_squeeze %dma_wait3A_246 : memref<1x80xi32, #tpu.memory_space<vmem>> -> memref<80xi32, #tpu.memory_space<vmem>>
      %dma_wait3A_248 = arith.constant 0 : i32
      %dma_wait3A_249 = arith.constant 0 : i32
      %dma_wait3A_250 = tpu.memref_slice %arg17[%dma_wait3A_248, %dma_wait3A_249] : memref<10000x64xf32, #tpu.memory_space<vmem_shared>> -> memref<10000x64xf32, #tpu.memory_space<vmem_shared>>
      tpu.wait_indirect_dma semaphore(%arg21 : memref<!tpu.dma_semaphore, #tpu.memory_space<semaphore_mem>>) src(%dma_wait3A_250 : memref<10000x64xf32, #tpu.memory_space<vmem_shared>>) dst(%arg14 : memref<80x64xf32, #tpu.memory_space<vmem>>)
      %sub3A_251 = arith.constant 1 : i32
      %sub3A_252 = arith.subi %add3A_244, %sub3A_251 : i32
      %dma_wait3A_253 = arith.constant 0 : i32
      %dma_wait3A_254 = tpu.memref_slice %arg10[%sub3A_252, %dma_wait3A_253] : memref<125x80xi32, #tpu.memory_space<vmem>> -> memref<1x80xi32, #tpu.memory_space<vmem>>
      %dma_wait3A_255 = tpu.memref_squeeze %dma_wait3A_254 : memref<1x80xi32, #tpu.memory_space<vmem>> -> memref<80xi32, #tpu.memory_space<vmem>>
      %dma_wait3A_256 = arith.constant 0 : i32
      %dma_wait3A_257 = arith.constant 0 : i32
      %dma_wait3A_258 = tpu.memref_slice %arg16[%dma_wait3A_256, %dma_wait3A_257] : memref<10000x64xf32, #tpu.memory_space<vmem_shared>> -> memref<10000x64xf32, #tpu.memory_space<vmem_shared>>
      tpu.wait_indirect_dma semaphore(%arg25 : memref<!tpu.dma_semaphore, #tpu.memory_space<semaphore_mem>>) src(%arg13 : memref<80x64xf32, #tpu.memory_space<vmem>>) dst(%dma_wait3A_258 : memref<10000x64xf32, #tpu.memory_space<vmem_shared>>)
      %dma_start3A_259 = arith.constant 0 : i32
      %dma_start3A_260 = tpu.memref_slice %arg10[%add3A_244, %dma_start3A_259] : memref<125x80xi32, #tpu.memory_space<vmem>> -> memref<1x80xi32, #tpu.memory_space<vmem>>
      %dma_start3A_261 = tpu.memref_squeeze %dma_start3A_260 : memref<1x80xi32, #tpu.memory_space<vmem>> -> memref<80xi32, #tpu.memory_space<vmem>>
      %dma_start3A_262 = arith.constant 0 : i32
      %dma_start3A_263 = arith.constant 0 : i32
      %dma_start3A_264 = tpu.memref_slice %arg16[%dma_start3A_262, %dma_start3A_263] : memref<10000x64xf32, #tpu.memory_space<vmem_shared>> -> memref<10000x64xf32, #tpu.memory_space<vmem_shared>>
      tpu.enqueue_indirect_dma source(%arg14 : memref<80x64xf32, #tpu.memory_space<vmem>>) target(%dma_start3A_264 : memref<10000x64xf32, #tpu.memory_space<vmem_shared>>) offsets(%dma_start3A_261 : memref<80xi32, #tpu.memory_space<vmem>>) semaphore(%arg26 : memref<!tpu.dma_semaphore, #tpu.memory_space<semaphore_mem>>) {add = true}
      %lt3A_265 = arith.constant 24 : i32
      %lt3A_266 = arith.cmpi slt, %scan3A_155, %lt3A_265 : i32
      %convert_element_type3A_267 = arith.extui %lt3A_266 : i1 to i32
      %cond3A_268 = arith.constant 0 : i32
      %cond3A_269 = arith.cmpi ne, %convert_element_type3A_267, %cond3A_268 : i32
      scf.if %cond3A_269 {
        %add3A_299 = arith.constant 3 : i32
        %add3A_300 = arith.addi %add3A_244, %add3A_299 : i32
        %dma_start3A_301 = arith.constant 0 : i32
        %dma_start3A_302 = tpu.memref_slice %arg9[%add3A_300, %dma_start3A_301] : memref<125x80xi32, #tpu.memory_space<vmem>> -> memref<1x80xi32, #tpu.memory_space<vmem>>
        %dma_start3A_303 = tpu.memref_squeeze %dma_start3A_302 : memref<1x80xi32, #tpu.memory_space<vmem>> -> memref<80xi32, #tpu.memory_space<vmem>>
        %dma_start3A_304 = arith.constant 0 : i32
        %dma_start3A_305 = arith.constant 0 : i32
        %dma_start3A_306 = tpu.memref_slice %arg17[%dma_start3A_304, %dma_start3A_305] : memref<10000x64xf32, #tpu.memory_space<vmem_shared>> -> memref<10000x64xf32, #tpu.memory_space<vmem_shared>>
        tpu.enqueue_indirect_dma source(%dma_start3A_306 : memref<10000x64xf32, #tpu.memory_space<vmem_shared>>) target(%arg12 : memref<80x64xf32, #tpu.memory_space<vmem>>) offsets(%dma_start3A_303 : memref<80xi32, #tpu.memory_space<vmem>>) semaphore(%arg19 : memref<!tpu.dma_semaphore, #tpu.memory_space<semaphore_mem>>)
      } else {
      }
      %mul3A_270 = arith.constant 5 : i32
      %mul3A_271 = arith.muli %mul3A_270, %scan3A_155 : i32
      %add3A_272 = arith.constant 4 : i32
      %add3A_273 = arith.addi %mul3A_271, %add3A_272 : i32
      %dma_wait3A_274 = arith.constant 0 : i32
      %dma_wait3A_275 = tpu.memref_slice %arg9[%add3A_273, %dma_wait3A_274] : memref<125x80xi32, #tpu.memory_space<vmem>> -> memref<1x80xi32, #tpu.memory_space<vmem>>
      %dma_wait3A_276 = tpu.memref_squeeze %dma_wait3A_275 : memref<1x80xi32, #tpu.memory_space<vmem>> -> memref<80xi32, #tpu.memory_space<vmem>>
      %dma_wait3A_277 = arith.constant 0 : i32
      %dma_wait3A_278 = arith.constant 0 : i32
      %dma_wait3A_279 = tpu.memref_slice %arg17[%dma_wait3A_277, %dma_wait3A_278] : memref<10000x64xf32, #tpu.memory_space<vmem_shared>> -> memref<10000x64xf32, #tpu.memory_space<vmem_shared>>
      tpu.wait_indirect_dma semaphore(%arg22 : memref<!tpu.dma_semaphore, #tpu.memory_space<semaphore_mem>>) src(%dma_wait3A_279 : memref<10000x64xf32, #tpu.memory_space<vmem_shared>>) dst(%arg15 : memref<80x64xf32, #tpu.memory_space<vmem>>)
      %sub3A_280 = arith.constant 1 : i32
      %sub3A_281 = arith.subi %add3A_273, %sub3A_280 : i32
      %dma_wait3A_282 = arith.constant 0 : i32
      %dma_wait3A_283 = tpu.memref_slice %arg10[%sub3A_281, %dma_wait3A_282] : memref<125x80xi32, #tpu.memory_space<vmem>> -> memref<1x80xi32, #tpu.memory_space<vmem>>
      %dma_wait3A_284 = tpu.memref_squeeze %dma_wait3A_283 : memref<1x80xi32, #tpu.memory_space<vmem>> -> memref<80xi32, #tpu.memory_space<vmem>>
      %dma_wait3A_285 = arith.constant 0 : i32
      %dma_wait3A_286 = arith.constant 0 : i32
      %dma_wait3A_287 = tpu.memref_slice %arg16[%dma_wait3A_285, %dma_wait3A_286] : memref<10000x64xf32, #tpu.memory_space<vmem_shared>> -> memref<10000x64xf32, #tpu.memory_space<vmem_shared>>
      tpu.wait_indirect_dma semaphore(%arg26 : memref<!tpu.dma_semaphore, #tpu.memory_space<semaphore_mem>>) src(%arg14 : memref<80x64xf32, #tpu.memory_space<vmem>>) dst(%dma_wait3A_287 : memref<10000x64xf32, #tpu.memory_space<vmem_shared>>)
      %dma_start3A_288 = arith.constant 0 : i32
      %dma_start3A_289 = tpu.memref_slice %arg10[%add3A_273, %dma_start3A_288] : memref<125x80xi32, #tpu.memory_space<vmem>> -> memref<1x80xi32, #tpu.memory_space<vmem>>
      %dma_start3A_290 = tpu.memref_squeeze %dma_start3A_289 : memref<1x80xi32, #tpu.memory_space<vmem>> -> memref<80xi32, #tpu.memory_space<vmem>>
      %dma_start3A_291 = arith.constant 0 : i32
      %dma_start3A_292 = arith.constant 0 : i32
      %dma_start3A_293 = tpu.memref_slice %arg16[%dma_start3A_291, %dma_start3A_292] : memref<10000x64xf32, #tpu.memory_space<vmem_shared>> -> memref<10000x64xf32, #tpu.memory_space<vmem_shared>>
      tpu.enqueue_indirect_dma source(%arg15 : memref<80x64xf32, #tpu.memory_space<vmem>>) target(%dma_start3A_293 : memref<10000x64xf32, #tpu.memory_space<vmem_shared>>) offsets(%dma_start3A_290 : memref<80xi32, #tpu.memory_space<vmem>>) semaphore(%arg27 : memref<!tpu.dma_semaphore, #tpu.memory_space<semaphore_mem>>) {add = true}
      %lt3A_294 = arith.constant 24 : i32
      %lt3A_295 = arith.cmpi slt, %scan3A_155, %lt3A_294 : i32
      %convert_element_type3A_296 = arith.extui %lt3A_295 : i1 to i32
      %cond3A_297 = arith.constant 0 : i32
      %cond3A_298 = arith.cmpi ne, %convert_element_type3A_296, %cond3A_297 : i32
      scf.if %cond3A_298 {
        %add3A_299 = arith.constant 3 : i32
        %add3A_300 = arith.addi %add3A_273, %add3A_299 : i32
        %dma_start3A_301 = arith.constant 0 : i32
        %dma_start3A_302 = tpu.memref_slice %arg9[%add3A_300, %dma_start3A_301] : memref<125x80xi32, #tpu.memory_space<vmem>> -> memref<1x80xi32, #tpu.memory_space<vmem>>
        %dma_start3A_303 = tpu.memref_squeeze %dma_start3A_302 : memref<1x80xi32, #tpu.memory_space<vmem>> -> memref<80xi32, #tpu.memory_space<vmem>>
        %dma_start3A_304 = arith.constant 0 : i32
        %dma_start3A_305 = arith.constant 0 : i32
        %dma_start3A_306 = tpu.memref_slice %arg17[%dma_start3A_304, %dma_start3A_305] : memref<10000x64xf32, #tpu.memory_space<vmem_shared>> -> memref<10000x64xf32, #tpu.memory_space<vmem_shared>>
        tpu.enqueue_indirect_dma source(%dma_start3A_306 : memref<10000x64xf32, #tpu.memory_space<vmem_shared>>) target(%arg13 : memref<80x64xf32, #tpu.memory_space<vmem>>) offsets(%dma_start3A_303 : memref<80xi32, #tpu.memory_space<vmem>>) semaphore(%arg20 : memref<!tpu.dma_semaphore, #tpu.memory_space<semaphore_mem>>)
      } else {
      }
    }
    %scan3A_32 = arith.constant 25 : i32
    %dma_wait3A = arith.constant 124 : i32
    %dma_wait3A_33 = arith.constant 0 : i32
    %dma_wait3A_34 = tpu.memref_slice %arg10[%dma_wait3A, %dma_wait3A_33] : memref<125x80xi32, #tpu.memory_space<vmem>> -> memref<1x80xi32, #tpu.memory_space<vmem>>
    %dma_wait3A_35 = tpu.memref_squeeze %dma_wait3A_34 : memref<1x80xi32, #tpu.memory_space<vmem>> -> memref<80xi32, #tpu.memory_space<vmem>>
    %dma_wait3A_36 = arith.constant 0 : i32
    %dma_wait3A_37 = arith.constant 0 : i32
    %dma_wait3A_38 = tpu.memref_slice %arg16[%dma_wait3A_36, %dma_wait3A_37] : memref<10000x64xf32, #tpu.memory_space<vmem_shared>> -> memref<10000x64xf32, #tpu.memory_space<vmem_shared>>
    tpu.wait_indirect_dma semaphore(%arg27 : memref<!tpu.dma_semaphore, #tpu.memory_space<semaphore_mem>>) src(%arg15 : memref<80x64xf32, #tpu.memory_space<vmem>>) dst(%dma_wait3A_38 : memref<10000x64xf32, #tpu.memory_space<vmem_shared>>)
    %barrier3A_39 = arith.constant 0 : index
    tpu.barrier barrier_id(%barrier3A_39)
    %run_scoped3A_40 = arith.constant 0 : i32
    "tpu.region"() ({
      %run_scoped3A_155 = tpu.sem_alloc : memref<!tpu.dma_semaphore, #tpu.memory_space<semaphore_mem>>
      %dma_start3A_156 = arith.constant 0 : i32
      %dma_start3A_157 = tpu.memref_slice %arg8[%arg0, %run_scoped3A_40, %mul3A_2, %dma_start3A_156] : memref<2x2x10000x128xf32, #tpu.memory_space<hbm>> -> memref<1x1x625x64xf32, #tpu.memory_space<hbm>>
      %dma_start3A_158 = tpu.memref_squeeze %dma_start3A_157 : memref<1x1x625x64xf32, #tpu.memory_space<hbm>> -> memref<625x64xf32, #tpu.memory_space<hbm>>
      %dma_start3A_159 = arith.constant 0 : i32
      %dma_start3A_160 = tpu.memref_slice %arg16[%mul3A_2, %dma_start3A_159] : memref<10000x64xf32, #tpu.memory_space<vmem_shared>> -> memref<625x64xf32, #tpu.memory_space<vmem_shared>>
      tpu.enqueue_dma source(%dma_start3A_160 : memref<625x64xf32, #tpu.memory_space<vmem_shared>>) target(%dma_start3A_158 : memref<625x64xf32, #tpu.memory_space<hbm>>) target_semaphore(%run_scoped3A_155 : memref<!tpu.dma_semaphore, #tpu.memory_space<semaphore_mem>>)
      %dma_wait3A_161 = arith.constant 0 : i32
      %dma_wait3A_162 = tpu.memref_slice %arg8[%arg0, %run_scoped3A_40, %mul3A_2, %dma_wait3A_161] : memref<2x2x10000x128xf32, #tpu.memory_space<hbm>> -> memref<1x1x625x64xf32, #tpu.memory_space<hbm>>
      %dma_wait3A_163 = tpu.memref_squeeze %dma_wait3A_162 : memref<1x1x625x64xf32, #tpu.memory_space<hbm>> -> memref<625x64xf32, #tpu.memory_space<hbm>>
      %dma_wait3A_164 = arith.constant 0 : i32
      %dma_wait3A_165 = tpu.memref_slice %arg16[%mul3A_2, %dma_wait3A_164] : memref<10000x64xf32, #tpu.memory_space<vmem_shared>> -> memref<625x64xf32, #tpu.memory_space<vmem_shared>>
      tpu.wait_dma2 semaphore(%run_scoped3A_155 : memref<!tpu.dma_semaphore, #tpu.memory_space<semaphore_mem>>) src(%dma_wait3A_165 : memref<625x64xf32, #tpu.memory_space<vmem_shared>>) dst(%dma_wait3A_163 : memref<625x64xf32, #tpu.memory_space<hbm>>)
      tpu.yield
    }) : () -> ()
    %barrier3A_41 = arith.constant 0 : index
    tpu.barrier barrier_id(%barrier3A_41)
    "tpu.region"() ({
      %run_scoped3A_155 = tpu.sem_alloc : memref<!tpu.dma_semaphore, #tpu.memory_space<semaphore_mem>>
      %dma_start3A_156 = arith.constant 0 : i32
      %dma_start3A_157 = tpu.memref_slice %arg16[%mul3A_2, %dma_start3A_156] : memref<10000x64xf32, #tpu.memory_space<vmem_shared>> -> memref<625x64xf32, #tpu.memory_space<vmem_shared>>
      %dma_start3A_158 = arith.constant 0 : i32
      %dma_start3A_159 = tpu.memref_slice %arg7[%mul3A_2, %dma_start3A_158] : memref<10000x64xf32, #tpu.memory_space<hbm>> -> memref<625x64xf32, #tpu.memory_space<hbm>>
      tpu.enqueue_dma source(%dma_start3A_159 : memref<625x64xf32, #tpu.memory_space<hbm>>) target(%dma_start3A_157 : memref<625x64xf32, #tpu.memory_space<vmem_shared>>) target_semaphore(%run_scoped3A_155 : memref<!tpu.dma_semaphore, #tpu.memory_space<semaphore_mem>>)
      %dma_wait3A_160 = arith.constant 0 : i32
      %dma_wait3A_161 = tpu.memref_slice %arg16[%mul3A_2, %dma_wait3A_160] : memref<10000x64xf32, #tpu.memory_space<vmem_shared>> -> memref<625x64xf32, #tpu.memory_space<vmem_shared>>
      %dma_wait3A_162 = arith.constant 0 : i32
      %dma_wait3A_163 = tpu.memref_slice %arg7[%mul3A_2, %dma_wait3A_162] : memref<10000x64xf32, #tpu.memory_space<hbm>> -> memref<625x64xf32, #tpu.memory_space<hbm>>
      tpu.wait_dma2 semaphore(%run_scoped3A_155 : memref<!tpu.dma_semaphore, #tpu.memory_space<semaphore_mem>>) src(%dma_wait3A_163 : memref<625x64xf32, #tpu.memory_space<hbm>>) dst(%dma_wait3A_161 : memref<625x64xf32, #tpu.memory_space<vmem_shared>>)
      tpu.yield
    }) : () -> ()
    "tpu.region"() ({
      %run_scoped3A_155 = tpu.sem_alloc : memref<!tpu.dma_semaphore, #tpu.memory_space<semaphore_mem>>
      %dma_start3A_156 = arith.constant 0 : i32
      %dma_start3A_157 = tpu.memref_slice %arg17[%mul3A_2, %dma_start3A_156] : memref<10000x64xf32, #tpu.memory_space<vmem_shared>> -> memref<625x64xf32, #tpu.memory_space<vmem_shared>>
      %dma_start3A_158 = arith.constant 64 : i32
      %dma_start3A_159 = tpu.memref_slice %arg3[%mul3A_2, %dma_start3A_158] : memref<10000x256xf32, #tpu.memory_space<hbm>> -> memref<625x64xf32, #tpu.memory_space<hbm>>
      tpu.enqueue_dma source(%dma_start3A_159 : memref<625x64xf32, #tpu.memory_space<hbm>>) target(%dma_start3A_157 : memref<625x64xf32, #tpu.memory_space<vmem_shared>>) target_semaphore(%run_scoped3A_155 : memref<!tpu.dma_semaphore, #tpu.memory_space<semaphore_mem>>)
      %dma_wait3A_160 = arith.constant 0 : i32
      %dma_wait3A_161 = tpu.memref_slice %arg17[%mul3A_2, %dma_wait3A_160] : memref<10000x64xf32, #tpu.memory_space<vmem_shared>> -> memref<625x64xf32, #tpu.memory_space<vmem_shared>>
      %dma_wait3A_162 = arith.constant 64 : i32
      %dma_wait3A_163 = tpu.memref_slice %arg3[%mul3A_2, %dma_wait3A_162] : memref<10000x256xf32, #tpu.memory_space<hbm>> -> memref<625x64xf32, #tpu.memory_space<hbm>>
      tpu.wait_dma2 semaphore(%run_scoped3A_155 : memref<!tpu.dma_semaphore, #tpu.memory_space<semaphore_mem>>) src(%dma_wait3A_163 : memref<625x64xf32, #tpu.memory_space<hbm>>) dst(%dma_wait3A_161 : memref<625x64xf32, #tpu.memory_space<vmem_shared>>)
      tpu.yield
    }) : () -> ()
    %barrier3A_42 = arith.constant 0 : index
    tpu.barrier barrier_id(%barrier3A_42)
    %dma_start3A_43 = arith.constant 0 : i32
    %dma_start3A_44 = arith.constant 0 : i32
    %dma_start3A_45 = tpu.memref_slice %arg9[%dma_start3A_43, %dma_start3A_44] : memref<125x80xi32, #tpu.memory_space<vmem>> -> memref<1x80xi32, #tpu.memory_space<vmem>>
    %dma_start3A_46 = tpu.memref_squeeze %dma_start3A_45 : memref<1x80xi32, #tpu.memory_space<vmem>> -> memref<80xi32, #tpu.memory_space<vmem>>
    %dma_start3A_47 = arith.constant 0 : i32
    %dma_start3A_48 = arith.constant 0 : i32
    %dma_start3A_49 = tpu.memref_slice %arg17[%dma_start3A_47, %dma_start3A_48] : memref<10000x64xf32, #tpu.memory_space<vmem_shared>> -> memref<10000x64xf32, #tpu.memory_space<vmem_shared>>
    tpu.enqueue_indirect_dma source(%dma_start3A_49 : memref<10000x64xf32, #tpu.memory_space<vmem_shared>>) target(%arg11 : memref<80x64xf32, #tpu.memory_space<vmem>>) offsets(%dma_start3A_46 : memref<80xi32, #tpu.memory_space<vmem>>) semaphore(%arg18 : memref<!tpu.dma_semaphore, #tpu.memory_space<semaphore_mem>>)
    %dma_start3A_50 = arith.constant 1 : i32
    %dma_start3A_51 = arith.constant 0 : i32
    %dma_start3A_52 = tpu.memref_slice %arg9[%dma_start3A_50, %dma_start3A_51] : memref<125x80xi32, #tpu.memory_space<vmem>> -> memref<1x80xi32, #tpu.memory_space<vmem>>
    %dma_start3A_53 = tpu.memref_squeeze %dma_start3A_52 : memref<1x80xi32, #tpu.memory_space<vmem>> -> memref<80xi32, #tpu.memory_space<vmem>>
    %dma_start3A_54 = arith.constant 0 : i32
    %dma_start3A_55 = arith.constant 0 : i32
    %dma_start3A_56 = tpu.memref_slice %arg17[%dma_start3A_54, %dma_start3A_55] : memref<10000x64xf32, #tpu.memory_space<vmem_shared>> -> memref<10000x64xf32, #tpu.memory_space<vmem_shared>>
    tpu.enqueue_indirect_dma source(%dma_start3A_56 : memref<10000x64xf32, #tpu.memory_space<vmem_shared>>) target(%arg12 : memref<80x64xf32, #tpu.memory_space<vmem>>) offsets(%dma_start3A_53 : memref<80xi32, #tpu.memory_space<vmem>>) semaphore(%arg19 : memref<!tpu.dma_semaphore, #tpu.memory_space<semaphore_mem>>)
    %dma_start3A_57 = arith.constant 2 : i32
    %dma_start3A_58 = arith.constant 0 : i32
    %dma_start3A_59 = tpu.memref_slice %arg9[%dma_start3A_57, %dma_start3A_58] : memref<125x80xi32, #tpu.memory_space<vmem>> -> memref<1x80xi32, #tpu.memory_space<vmem>>
    %dma_start3A_60 = tpu.memref_squeeze %dma_start3A_59 : memref<1x80xi32, #tpu.memory_space<vmem>> -> memref<80xi32, #tpu.memory_space<vmem>>
    %dma_start3A_61 = arith.constant 0 : i32
    %dma_start3A_62 = arith.constant 0 : i32
    %dma_start3A_63 = tpu.memref_slice %arg17[%dma_start3A_61, %dma_start3A_62] : memref<10000x64xf32, #tpu.memory_space<vmem_shared>> -> memref<10000x64xf32, #tpu.memory_space<vmem_shared>>
    tpu.enqueue_indirect_dma source(%dma_start3A_63 : memref<10000x64xf32, #tpu.memory_space<vmem_shared>>) target(%arg13 : memref<80x64xf32, #tpu.memory_space<vmem>>) offsets(%dma_start3A_60 : memref<80xi32, #tpu.memory_space<vmem>>) semaphore(%arg20 : memref<!tpu.dma_semaphore, #tpu.memory_space<semaphore_mem>>)
    %scan3A_64 = arith.constant 0 : i32
    %scan3A_65 = arith.constant 0 : i32
    %scan3A_66 = arith.constant 25 : i32
    %scan3A_67 = arith.addi %scan3A_65, %scan3A_66 : i32
    %scan3A_68 = arith.constant 1 : i32
    scf.for %scan3A_155 = %scan3A_65 to %scan3A_67 step %scan3A_68  : i32 {
      %mul3A_156 = arith.constant 5 : i32
      %mul3A_157 = arith.muli %mul3A_156, %scan3A_155 : i32
      %add3A_158 = arith.constant 0 : i32
      %add3A_159 = arith.addi %mul3A_157, %add3A_158 : i32
      %dma_wait3A_160 = arith.constant 0 : i32
      %dma_wait3A_161 = tpu.memref_slice %arg9[%add3A_159, %dma_wait3A_160] : memref<125x80xi32, #tpu.memory_space<vmem>> -> memref<1x80xi32, #tpu.memory_space<vmem>>
      %dma_wait3A_162 = tpu.memref_squeeze %dma_wait3A_161 : memref<1x80xi32, #tpu.memory_space<vmem>> -> memref<80xi32, #tpu.memory_space<vmem>>
      %dma_wait3A_163 = arith.constant 0 : i32
      %dma_wait3A_164 = arith.constant 0 : i32
      %dma_wait3A_165 = tpu.memref_slice %arg17[%dma_wait3A_163, %dma_wait3A_164] : memref<10000x64xf32, #tpu.memory_space<vmem_shared>> -> memref<10000x64xf32, #tpu.memory_space<vmem_shared>>
      tpu.wait_indirect_dma semaphore(%arg18 : memref<!tpu.dma_semaphore, #tpu.memory_space<semaphore_mem>>) src(%dma_wait3A_165 : memref<10000x64xf32, #tpu.memory_space<vmem_shared>>) dst(%arg11 : memref<80x64xf32, #tpu.memory_space<vmem>>)
      %ge3A = arith.constant 1 : i32
      %ge3A_166 = arith.cmpi sge, %scan3A_155, %ge3A : i32
      %convert_element_type3A = arith.extui %ge3A_166 : i1 to i32
      %cond3A = arith.constant 0 : i32
      %cond3A_167 = arith.cmpi ne, %convert_element_type3A, %cond3A : i32
      scf.if %cond3A_167 {
        %sub3A_299 = arith.constant 1 : i32
        %sub3A_300 = arith.subi %add3A_159, %sub3A_299 : i32
        %dma_wait3A_301 = arith.constant 0 : i32
        %dma_wait3A_302 = tpu.memref_slice %arg10[%sub3A_300, %dma_wait3A_301] : memref<125x80xi32, #tpu.memory_space<vmem>> -> memref<1x80xi32, #tpu.memory_space<vmem>>
        %dma_wait3A_303 = tpu.memref_squeeze %dma_wait3A_302 : memref<1x80xi32, #tpu.memory_space<vmem>> -> memref<80xi32, #tpu.memory_space<vmem>>
        %dma_wait3A_304 = arith.constant 0 : i32
        %dma_wait3A_305 = arith.constant 0 : i32
        %dma_wait3A_306 = tpu.memref_slice %arg16[%dma_wait3A_304, %dma_wait3A_305] : memref<10000x64xf32, #tpu.memory_space<vmem_shared>> -> memref<10000x64xf32, #tpu.memory_space<vmem_shared>>
        tpu.wait_indirect_dma semaphore(%arg27 : memref<!tpu.dma_semaphore, #tpu.memory_space<semaphore_mem>>) src(%arg15 : memref<80x64xf32, #tpu.memory_space<vmem>>) dst(%dma_wait3A_306 : memref<10000x64xf32, #tpu.memory_space<vmem_shared>>)
      } else {
      }
      %dma_start3A_168 = arith.constant 0 : i32
      %dma_start3A_169 = tpu.memref_slice %arg10[%add3A_159, %dma_start3A_168] : memref<125x80xi32, #tpu.memory_space<vmem>> -> memref<1x80xi32, #tpu.memory_space<vmem>>
      %dma_start3A_170 = tpu.memref_squeeze %dma_start3A_169 : memref<1x80xi32, #tpu.memory_space<vmem>> -> memref<80xi32, #tpu.memory_space<vmem>>
      %dma_start3A_171 = arith.constant 0 : i32
      %dma_start3A_172 = arith.constant 0 : i32
      %dma_start3A_173 = tpu.memref_slice %arg16[%dma_start3A_171, %dma_start3A_172] : memref<10000x64xf32, #tpu.memory_space<vmem_shared>> -> memref<10000x64xf32, #tpu.memory_space<vmem_shared>>
      tpu.enqueue_indirect_dma source(%arg11 : memref<80x64xf32, #tpu.memory_space<vmem>>) target(%dma_start3A_173 : memref<10000x64xf32, #tpu.memory_space<vmem_shared>>) offsets(%dma_start3A_170 : memref<80xi32, #tpu.memory_space<vmem>>) semaphore(%arg23 : memref<!tpu.dma_semaphore, #tpu.memory_space<semaphore_mem>>) {add = true}
      %add3A_174 = arith.constant 3 : i32
      %add3A_175 = arith.addi %add3A_159, %add3A_174 : i32
      %dma_start3A_176 = arith.constant 0 : i32
      %dma_start3A_177 = tpu.memref_slice %arg9[%add3A_175, %dma_start3A_176] : memref<125x80xi32, #tpu.memory_space<vmem>> -> memref<1x80xi32, #tpu.memory_space<vmem>>
      %dma_start3A_178 = tpu.memref_squeeze %dma_start3A_177 : memref<1x80xi32, #tpu.memory_space<vmem>> -> memref<80xi32, #tpu.memory_space<vmem>>
      %dma_start3A_179 = arith.constant 0 : i32
      %dma_start3A_180 = arith.constant 0 : i32
      %dma_start3A_181 = tpu.memref_slice %arg17[%dma_start3A_179, %dma_start3A_180] : memref<10000x64xf32, #tpu.memory_space<vmem_shared>> -> memref<10000x64xf32, #tpu.memory_space<vmem_shared>>
      tpu.enqueue_indirect_dma source(%dma_start3A_181 : memref<10000x64xf32, #tpu.memory_space<vmem_shared>>) target(%arg14 : memref<80x64xf32, #tpu.memory_space<vmem>>) offsets(%dma_start3A_178 : memref<80xi32, #tpu.memory_space<vmem>>) semaphore(%arg21 : memref<!tpu.dma_semaphore, #tpu.memory_space<semaphore_mem>>)
      %mul3A_182 = arith.constant 5 : i32
      %mul3A_183 = arith.muli %mul3A_182, %scan3A_155 : i32
      %add3A_184 = arith.constant 1 : i32
      %add3A_185 = arith.addi %mul3A_183, %add3A_184 : i32
      %dma_wait3A_186 = arith.constant 0 : i32
      %dma_wait3A_187 = tpu.memref_slice %arg9[%add3A_185, %dma_wait3A_186] : memref<125x80xi32, #tpu.memory_space<vmem>> -> memref<1x80xi32, #tpu.memory_space<vmem>>
      %dma_wait3A_188 = tpu.memref_squeeze %dma_wait3A_187 : memref<1x80xi32, #tpu.memory_space<vmem>> -> memref<80xi32, #tpu.memory_space<vmem>>
      %dma_wait3A_189 = arith.constant 0 : i32
      %dma_wait3A_190 = arith.constant 0 : i32
      %dma_wait3A_191 = tpu.memref_slice %arg17[%dma_wait3A_189, %dma_wait3A_190] : memref<10000x64xf32, #tpu.memory_space<vmem_shared>> -> memref<10000x64xf32, #tpu.memory_space<vmem_shared>>
      tpu.wait_indirect_dma semaphore(%arg19 : memref<!tpu.dma_semaphore, #tpu.memory_space<semaphore_mem>>) src(%dma_wait3A_191 : memref<10000x64xf32, #tpu.memory_space<vmem_shared>>) dst(%arg12 : memref<80x64xf32, #tpu.memory_space<vmem>>)
      %sub3A = arith.constant 1 : i32
      %sub3A_192 = arith.subi %add3A_185, %sub3A : i32
      %dma_wait3A_193 = arith.constant 0 : i32
      %dma_wait3A_194 = tpu.memref_slice %arg10[%sub3A_192, %dma_wait3A_193] : memref<125x80xi32, #tpu.memory_space<vmem>> -> memref<1x80xi32, #tpu.memory_space<vmem>>
      %dma_wait3A_195 = tpu.memref_squeeze %dma_wait3A_194 : memref<1x80xi32, #tpu.memory_space<vmem>> -> memref<80xi32, #tpu.memory_space<vmem>>
      %dma_wait3A_196 = arith.constant 0 : i32
      %dma_wait3A_197 = arith.constant 0 : i32
      %dma_wait3A_198 = tpu.memref_slice %arg16[%dma_wait3A_196, %dma_wait3A_197] : memref<10000x64xf32, #tpu.memory_space<vmem_shared>> -> memref<10000x64xf32, #tpu.memory_space<vmem_shared>>
      tpu.wait_indirect_dma semaphore(%arg23 : memref<!tpu.dma_semaphore, #tpu.memory_space<semaphore_mem>>) src(%arg11 : memref<80x64xf32, #tpu.memory_space<vmem>>) dst(%dma_wait3A_198 : memref<10000x64xf32, #tpu.memory_space<vmem_shared>>)
      %dma_start3A_199 = arith.constant 0 : i32
      %dma_start3A_200 = tpu.memref_slice %arg10[%add3A_185, %dma_start3A_199] : memref<125x80xi32, #tpu.memory_space<vmem>> -> memref<1x80xi32, #tpu.memory_space<vmem>>
      %dma_start3A_201 = tpu.memref_squeeze %dma_start3A_200 : memref<1x80xi32, #tpu.memory_space<vmem>> -> memref<80xi32, #tpu.memory_space<vmem>>
      %dma_start3A_202 = arith.constant 0 : i32
      %dma_start3A_203 = arith.constant 0 : i32
      %dma_start3A_204 = tpu.memref_slice %arg16[%dma_start3A_202, %dma_start3A_203] : memref<10000x64xf32, #tpu.memory_space<vmem_shared>> -> memref<10000x64xf32, #tpu.memory_space<vmem_shared>>
      tpu.enqueue_indirect_dma source(%arg12 : memref<80x64xf32, #tpu.memory_space<vmem>>) target(%dma_start3A_204 : memref<10000x64xf32, #tpu.memory_space<vmem_shared>>) offsets(%dma_start3A_201 : memref<80xi32, #tpu.memory_space<vmem>>) semaphore(%arg24 : memref<!tpu.dma_semaphore, #tpu.memory_space<semaphore_mem>>) {add = true}
      %add3A_205 = arith.constant 3 : i32
      %add3A_206 = arith.addi %add3A_185, %add3A_205 : i32
      %dma_start3A_207 = arith.constant 0 : i32
      %dma_start3A_208 = tpu.memref_slice %arg9[%add3A_206, %dma_start3A_207] : memref<125x80xi32, #tpu.memory_space<vmem>> -> memref<1x80xi32, #tpu.memory_space<vmem>>
      %dma_start3A_209 = tpu.memref_squeeze %dma_start3A_208 : memref<1x80xi32, #tpu.memory_space<vmem>> -> memref<80xi32, #tpu.memory_space<vmem>>
      %dma_start3A_210 = arith.constant 0 : i32
      %dma_start3A_211 = arith.constant 0 : i32
      %dma_start3A_212 = tpu.memref_slice %arg17[%dma_start3A_210, %dma_start3A_211] : memref<10000x64xf32, #tpu.memory_space<vmem_shared>> -> memref<10000x64xf32, #tpu.memory_space<vmem_shared>>
      tpu.enqueue_indirect_dma source(%dma_start3A_212 : memref<10000x64xf32, #tpu.memory_space<vmem_shared>>) target(%arg15 : memref<80x64xf32, #tpu.memory_space<vmem>>) offsets(%dma_start3A_209 : memref<80xi32, #tpu.memory_space<vmem>>) semaphore(%arg22 : memref<!tpu.dma_semaphore, #tpu.memory_space<semaphore_mem>>)
      %mul3A_213 = arith.constant 5 : i32
      %mul3A_214 = arith.muli %mul3A_213, %scan3A_155 : i32
      %add3A_215 = arith.constant 2 : i32
      %add3A_216 = arith.addi %mul3A_214, %add3A_215 : i32
      %dma_wait3A_217 = arith.constant 0 : i32
      %dma_wait3A_218 = tpu.memref_slice %arg9[%add3A_216, %dma_wait3A_217] : memref<125x80xi32, #tpu.memory_space<vmem>> -> memref<1x80xi32, #tpu.memory_space<vmem>>
      %dma_wait3A_219 = tpu.memref_squeeze %dma_wait3A_218 : memref<1x80xi32, #tpu.memory_space<vmem>> -> memref<80xi32, #tpu.memory_space<vmem>>
      %dma_wait3A_220 = arith.constant 0 : i32
      %dma_wait3A_221 = arith.constant 0 : i32
      %dma_wait3A_222 = tpu.memref_slice %arg17[%dma_wait3A_220, %dma_wait3A_221] : memref<10000x64xf32, #tpu.memory_space<vmem_shared>> -> memref<10000x64xf32, #tpu.memory_space<vmem_shared>>
      tpu.wait_indirect_dma semaphore(%arg20 : memref<!tpu.dma_semaphore, #tpu.memory_space<semaphore_mem>>) src(%dma_wait3A_222 : memref<10000x64xf32, #tpu.memory_space<vmem_shared>>) dst(%arg13 : memref<80x64xf32, #tpu.memory_space<vmem>>)
      %sub3A_223 = arith.constant 1 : i32
      %sub3A_224 = arith.subi %add3A_216, %sub3A_223 : i32
      %dma_wait3A_225 = arith.constant 0 : i32
      %dma_wait3A_226 = tpu.memref_slice %arg10[%sub3A_224, %dma_wait3A_225] : memref<125x80xi32, #tpu.memory_space<vmem>> -> memref<1x80xi32, #tpu.memory_space<vmem>>
      %dma_wait3A_227 = tpu.memref_squeeze %dma_wait3A_226 : memref<1x80xi32, #tpu.memory_space<vmem>> -> memref<80xi32, #tpu.memory_space<vmem>>
      %dma_wait3A_228 = arith.constant 0 : i32
      %dma_wait3A_229 = arith.constant 0 : i32
      %dma_wait3A_230 = tpu.memref_slice %arg16[%dma_wait3A_228, %dma_wait3A_229] : memref<10000x64xf32, #tpu.memory_space<vmem_shared>> -> memref<10000x64xf32, #tpu.memory_space<vmem_shared>>
      tpu.wait_indirect_dma semaphore(%arg24 : memref<!tpu.dma_semaphore, #tpu.memory_space<semaphore_mem>>) src(%arg12 : memref<80x64xf32, #tpu.memory_space<vmem>>) dst(%dma_wait3A_230 : memref<10000x64xf32, #tpu.memory_space<vmem_shared>>)
      %dma_start3A_231 = arith.constant 0 : i32
      %dma_start3A_232 = tpu.memref_slice %arg10[%add3A_216, %dma_start3A_231] : memref<125x80xi32, #tpu.memory_space<vmem>> -> memref<1x80xi32, #tpu.memory_space<vmem>>
      %dma_start3A_233 = tpu.memref_squeeze %dma_start3A_232 : memref<1x80xi32, #tpu.memory_space<vmem>> -> memref<80xi32, #tpu.memory_space<vmem>>
      %dma_start3A_234 = arith.constant 0 : i32
      %dma_start3A_235 = arith.constant 0 : i32
      %dma_start3A_236 = tpu.memref_slice %arg16[%dma_start3A_234, %dma_start3A_235] : memref<10000x64xf32, #tpu.memory_space<vmem_shared>> -> memref<10000x64xf32, #tpu.memory_space<vmem_shared>>
      tpu.enqueue_indirect_dma source(%arg13 : memref<80x64xf32, #tpu.memory_space<vmem>>) target(%dma_start3A_236 : memref<10000x64xf32, #tpu.memory_space<vmem_shared>>) offsets(%dma_start3A_233 : memref<80xi32, #tpu.memory_space<vmem>>) semaphore(%arg25 : memref<!tpu.dma_semaphore, #tpu.memory_space<semaphore_mem>>) {add = true}
      %lt3A = arith.constant 24 : i32
      %lt3A_237 = arith.cmpi slt, %scan3A_155, %lt3A : i32
      %convert_element_type3A_238 = arith.extui %lt3A_237 : i1 to i32
      %cond3A_239 = arith.constant 0 : i32
      %cond3A_240 = arith.cmpi ne, %convert_element_type3A_238, %cond3A_239 : i32
      scf.if %cond3A_240 {
        %add3A_299 = arith.constant 3 : i32
        %add3A_300 = arith.addi %add3A_216, %add3A_299 : i32
        %dma_start3A_301 = arith.constant 0 : i32
        %dma_start3A_302 = tpu.memref_slice %arg9[%add3A_300, %dma_start3A_301] : memref<125x80xi32, #tpu.memory_space<vmem>> -> memref<1x80xi32, #tpu.memory_space<vmem>>
        %dma_start3A_303 = tpu.memref_squeeze %dma_start3A_302 : memref<1x80xi32, #tpu.memory_space<vmem>> -> memref<80xi32, #tpu.memory_space<vmem>>
        %dma_start3A_304 = arith.constant 0 : i32
        %dma_start3A_305 = arith.constant 0 : i32
        %dma_start3A_306 = tpu.memref_slice %arg17[%dma_start3A_304, %dma_start3A_305] : memref<10000x64xf32, #tpu.memory_space<vmem_shared>> -> memref<10000x64xf32, #tpu.memory_space<vmem_shared>>
        tpu.enqueue_indirect_dma source(%dma_start3A_306 : memref<10000x64xf32, #tpu.memory_space<vmem_shared>>) target(%arg11 : memref<80x64xf32, #tpu.memory_space<vmem>>) offsets(%dma_start3A_303 : memref<80xi32, #tpu.memory_space<vmem>>) semaphore(%arg18 : memref<!tpu.dma_semaphore, #tpu.memory_space<semaphore_mem>>)
      } else {
      }
      %mul3A_241 = arith.constant 5 : i32
      %mul3A_242 = arith.muli %mul3A_241, %scan3A_155 : i32
      %add3A_243 = arith.constant 3 : i32
      %add3A_244 = arith.addi %mul3A_242, %add3A_243 : i32
      %dma_wait3A_245 = arith.constant 0 : i32
      %dma_wait3A_246 = tpu.memref_slice %arg9[%add3A_244, %dma_wait3A_245] : memref<125x80xi32, #tpu.memory_space<vmem>> -> memref<1x80xi32, #tpu.memory_space<vmem>>
      %dma_wait3A_247 = tpu.memref_squeeze %dma_wait3A_246 : memref<1x80xi32, #tpu.memory_space<vmem>> -> memref<80xi32, #tpu.memory_space<vmem>>
      %dma_wait3A_248 = arith.constant 0 : i32
      %dma_wait3A_249 = arith.constant 0 : i32
      %dma_wait3A_250 = tpu.memref_slice %arg17[%dma_wait3A_248, %dma_wait3A_249] : memref<10000x64xf32, #tpu.memory_space<vmem_shared>> -> memref<10000x64xf32, #tpu.memory_space<vmem_shared>>
      tpu.wait_indirect_dma semaphore(%arg21 : memref<!tpu.dma_semaphore, #tpu.memory_space<semaphore_mem>>) src(%dma_wait3A_250 : memref<10000x64xf32, #tpu.memory_space<vmem_shared>>) dst(%arg14 : memref<80x64xf32, #tpu.memory_space<vmem>>)
      %sub3A_251 = arith.constant 1 : i32
      %sub3A_252 = arith.subi %add3A_244, %sub3A_251 : i32
      %dma_wait3A_253 = arith.constant 0 : i32
      %dma_wait3A_254 = tpu.memref_slice %arg10[%sub3A_252, %dma_wait3A_253] : memref<125x80xi32, #tpu.memory_space<vmem>> -> memref<1x80xi32, #tpu.memory_space<vmem>>
      %dma_wait3A_255 = tpu.memref_squeeze %dma_wait3A_254 : memref<1x80xi32, #tpu.memory_space<vmem>> -> memref<80xi32, #tpu.memory_space<vmem>>
      %dma_wait3A_256 = arith.constant 0 : i32
      %dma_wait3A_257 = arith.constant 0 : i32
      %dma_wait3A_258 = tpu.memref_slice %arg16[%dma_wait3A_256, %dma_wait3A_257] : memref<10000x64xf32, #tpu.memory_space<vmem_shared>> -> memref<10000x64xf32, #tpu.memory_space<vmem_shared>>
      tpu.wait_indirect_dma semaphore(%arg25 : memref<!tpu.dma_semaphore, #tpu.memory_space<semaphore_mem>>) src(%arg13 : memref<80x64xf32, #tpu.memory_space<vmem>>) dst(%dma_wait3A_258 : memref<10000x64xf32, #tpu.memory_space<vmem_shared>>)
      %dma_start3A_259 = arith.constant 0 : i32
      %dma_start3A_260 = tpu.memref_slice %arg10[%add3A_244, %dma_start3A_259] : memref<125x80xi32, #tpu.memory_space<vmem>> -> memref<1x80xi32, #tpu.memory_space<vmem>>
      %dma_start3A_261 = tpu.memref_squeeze %dma_start3A_260 : memref<1x80xi32, #tpu.memory_space<vmem>> -> memref<80xi32, #tpu.memory_space<vmem>>
      %dma_start3A_262 = arith.constant 0 : i32
      %dma_start3A_263 = arith.constant 0 : i32
      %dma_start3A_264 = tpu.memref_slice %arg16[%dma_start3A_262, %dma_start3A_263] : memref<10000x64xf32, #tpu.memory_space<vmem_shared>> -> memref<10000x64xf32, #tpu.memory_space<vmem_shared>>
      tpu.enqueue_indirect_dma source(%arg14 : memref<80x64xf32, #tpu.memory_space<vmem>>) target(%dma_start3A_264 : memref<10000x64xf32, #tpu.memory_space<vmem_shared>>) offsets(%dma_start3A_261 : memref<80xi32, #tpu.memory_space<vmem>>) semaphore(%arg26 : memref<!tpu.dma_semaphore, #tpu.memory_space<semaphore_mem>>) {add = true}
      %lt3A_265 = arith.constant 24 : i32
      %lt3A_266 = arith.cmpi slt, %scan3A_155, %lt3A_265 : i32
      %convert_element_type3A_267 = arith.extui %lt3A_266 : i1 to i32
      %cond3A_268 = arith.constant 0 : i32
      %cond3A_269 = arith.cmpi ne, %convert_element_type3A_267, %cond3A_268 : i32
      scf.if %cond3A_269 {
        %add3A_299 = arith.constant 3 : i32
        %add3A_300 = arith.addi %add3A_244, %add3A_299 : i32
        %dma_start3A_301 = arith.constant 0 : i32
        %dma_start3A_302 = tpu.memref_slice %arg9[%add3A_300, %dma_start3A_301] : memref<125x80xi32, #tpu.memory_space<vmem>> -> memref<1x80xi32, #tpu.memory_space<vmem>>
        %dma_start3A_303 = tpu.memref_squeeze %dma_start3A_302 : memref<1x80xi32, #tpu.memory_space<vmem>> -> memref<80xi32, #tpu.memory_space<vmem>>
        %dma_start3A_304 = arith.constant 0 : i32
        %dma_start3A_305 = arith.constant 0 : i32
        %dma_start3A_306 = tpu.memref_slice %arg17[%dma_start3A_304, %dma_start3A_305] : memref<10000x64xf32, #tpu.memory_space<vmem_shared>> -> memref<10000x64xf32, #tpu.memory_space<vmem_shared>>
        tpu.enqueue_indirect_dma source(%dma_start3A_306 : memref<10000x64xf32, #tpu.memory_space<vmem_shared>>) target(%arg12 : memref<80x64xf32, #tpu.memory_space<vmem>>) offsets(%dma_start3A_303 : memref<80xi32, #tpu.memory_space<vmem>>) semaphore(%arg19 : memref<!tpu.dma_semaphore, #tpu.memory_space<semaphore_mem>>)
      } else {
      }
      %mul3A_270 = arith.constant 5 : i32
      %mul3A_271 = arith.muli %mul3A_270, %scan3A_155 : i32
      %add3A_272 = arith.constant 4 : i32
      %add3A_273 = arith.addi %mul3A_271, %add3A_272 : i32
      %dma_wait3A_274 = arith.constant 0 : i32
      %dma_wait3A_275 = tpu.memref_slice %arg9[%add3A_273, %dma_wait3A_274] : memref<125x80xi32, #tpu.memory_space<vmem>> -> memref<1x80xi32, #tpu.memory_space<vmem>>
      %dma_wait3A_276 = tpu.memref_squeeze %dma_wait3A_275 : memref<1x80xi32, #tpu.memory_space<vmem>> -> memref<80xi32, #tpu.memory_space<vmem>>
      %dma_wait3A_277 = arith.constant 0 : i32
      %dma_wait3A_278 = arith.constant 0 : i32
      %dma_wait3A_279 = tpu.memref_slice %arg17[%dma_wait3A_277, %dma_wait3A_278] : memref<10000x64xf32, #tpu.memory_space<vmem_shared>> -> memref<10000x64xf32, #tpu.memory_space<vmem_shared>>
      tpu.wait_indirect_dma semaphore(%arg22 : memref<!tpu.dma_semaphore, #tpu.memory_space<semaphore_mem>>) src(%dma_wait3A_279 : memref<10000x64xf32, #tpu.memory_space<vmem_shared>>) dst(%arg15 : memref<80x64xf32, #tpu.memory_space<vmem>>)
      %sub3A_280 = arith.constant 1 : i32
      %sub3A_281 = arith.subi %add3A_273, %sub3A_280 : i32
      %dma_wait3A_282 = arith.constant 0 : i32
      %dma_wait3A_283 = tpu.memref_slice %arg10[%sub3A_281, %dma_wait3A_282] : memref<125x80xi32, #tpu.memory_space<vmem>> -> memref<1x80xi32, #tpu.memory_space<vmem>>
      %dma_wait3A_284 = tpu.memref_squeeze %dma_wait3A_283 : memref<1x80xi32, #tpu.memory_space<vmem>> -> memref<80xi32, #tpu.memory_space<vmem>>
      %dma_wait3A_285 = arith.constant 0 : i32
      %dma_wait3A_286 = arith.constant 0 : i32
      %dma_wait3A_287 = tpu.memref_slice %arg16[%dma_wait3A_285, %dma_wait3A_286] : memref<10000x64xf32, #tpu.memory_space<vmem_shared>> -> memref<10000x64xf32, #tpu.memory_space<vmem_shared>>
      tpu.wait_indirect_dma semaphore(%arg26 : memref<!tpu.dma_semaphore, #tpu.memory_space<semaphore_mem>>) src(%arg14 : memref<80x64xf32, #tpu.memory_space<vmem>>) dst(%dma_wait3A_287 : memref<10000x64xf32, #tpu.memory_space<vmem_shared>>)
      %dma_start3A_288 = arith.constant 0 : i32
      %dma_start3A_289 = tpu.memref_slice %arg10[%add3A_273, %dma_start3A_288] : memref<125x80xi32, #tpu.memory_space<vmem>> -> memref<1x80xi32, #tpu.memory_space<vmem>>
      %dma_start3A_290 = tpu.memref_squeeze %dma_start3A_289 : memref<1x80xi32, #tpu.memory_space<vmem>> -> memref<80xi32, #tpu.memory_space<vmem>>
      %dma_start3A_291 = arith.constant 0 : i32
      %dma_start3A_292 = arith.constant 0 : i32
      %dma_start3A_293 = tpu.memref_slice %arg16[%dma_start3A_291, %dma_start3A_292] : memref<10000x64xf32, #tpu.memory_space<vmem_shared>> -> memref<10000x64xf32, #tpu.memory_space<vmem_shared>>
      tpu.enqueue_indirect_dma source(%arg15 : memref<80x64xf32, #tpu.memory_space<vmem>>) target(%dma_start3A_293 : memref<10000x64xf32, #tpu.memory_space<vmem_shared>>) offsets(%dma_start3A_290 : memref<80xi32, #tpu.memory_space<vmem>>) semaphore(%arg27 : memref<!tpu.dma_semaphore, #tpu.memory_space<semaphore_mem>>) {add = true}
      %lt3A_294 = arith.constant 24 : i32
      %lt3A_295 = arith.cmpi slt, %scan3A_155, %lt3A_294 : i32
      %convert_element_type3A_296 = arith.extui %lt3A_295 : i1 to i32
      %cond3A_297 = arith.constant 0 : i32
      %cond3A_298 = arith.cmpi ne, %convert_element_type3A_296, %cond3A_297 : i32
      scf.if %cond3A_298 {
        %add3A_299 = arith.constant 3 : i32
        %add3A_300 = arith.addi %add3A_273, %add3A_299 : i32
        %dma_start3A_301 = arith.constant 0 : i32
        %dma_start3A_302 = tpu.memref_slice %arg9[%add3A_300, %dma_start3A_301] : memref<125x80xi32, #tpu.memory_space<vmem>> -> memref<1x80xi32, #tpu.memory_space<vmem>>
        %dma_start3A_303 = tpu.memref_squeeze %dma_start3A_302 : memref<1x80xi32, #tpu.memory_space<vmem>> -> memref<80xi32, #tpu.memory_space<vmem>>
        %dma_start3A_304 = arith.constant 0 : i32
        %dma_start3A_305 = arith.constant 0 : i32
        %dma_start3A_306 = tpu.memref_slice %arg17[%dma_start3A_304, %dma_start3A_305] : memref<10000x64xf32, #tpu.memory_space<vmem_shared>> -> memref<10000x64xf32, #tpu.memory_space<vmem_shared>>
        tpu.enqueue_indirect_dma source(%dma_start3A_306 : memref<10000x64xf32, #tpu.memory_space<vmem_shared>>) target(%arg13 : memref<80x64xf32, #tpu.memory_space<vmem>>) offsets(%dma_start3A_303 : memref<80xi32, #tpu.memory_space<vmem>>) semaphore(%arg20 : memref<!tpu.dma_semaphore, #tpu.memory_space<semaphore_mem>>)
      } else {
      }
    }
    %scan3A_69 = arith.constant 25 : i32
    %dma_wait3A_70 = arith.constant 124 : i32
    %dma_wait3A_71 = arith.constant 0 : i32
    %dma_wait3A_72 = tpu.memref_slice %arg10[%dma_wait3A_70, %dma_wait3A_71] : memref<125x80xi32, #tpu.memory_space<vmem>> -> memref<1x80xi32, #tpu.memory_space<vmem>>
    %dma_wait3A_73 = tpu.memref_squeeze %dma_wait3A_72 : memref<1x80xi32, #tpu.memory_space<vmem>> -> memref<80xi32, #tpu.memory_space<vmem>>
    %dma_wait3A_74 = arith.constant 0 : i32
    %dma_wait3A_75 = arith.constant 0 : i32
    %dma_wait3A_76 = tpu.memref_slice %arg16[%dma_wait3A_74, %dma_wait3A_75] : memref<10000x64xf32, #tpu.memory_space<vmem_shared>> -> memref<10000x64xf32, #tpu.memory_space<vmem_shared>>
    tpu.wait_indirect_dma semaphore(%arg27 : memref<!tpu.dma_semaphore, #tpu.memory_space<semaphore_mem>>) src(%arg15 : memref<80x64xf32, #tpu.memory_space<vmem>>) dst(%dma_wait3A_76 : memref<10000x64xf32, #tpu.memory_space<vmem_shared>>)
    %barrier3A_77 = arith.constant 0 : index
    tpu.barrier barrier_id(%barrier3A_77)
    %run_scoped3A_78 = arith.constant 0 : i32
    "tpu.region"() ({
      %run_scoped3A_155 = tpu.sem_alloc : memref<!tpu.dma_semaphore, #tpu.memory_space<semaphore_mem>>
      %dma_start3A_156 = arith.constant 64 : i32
      %dma_start3A_157 = tpu.memref_slice %arg8[%arg0, %run_scoped3A_78, %mul3A_2, %dma_start3A_156] : memref<2x2x10000x128xf32, #tpu.memory_space<hbm>> -> memref<1x1x625x64xf32, #tpu.memory_space<hbm>>
      %dma_start3A_158 = tpu.memref_squeeze %dma_start3A_157 : memref<1x1x625x64xf32, #tpu.memory_space<hbm>> -> memref<625x64xf32, #tpu.memory_space<hbm>>
      %dma_start3A_159 = arith.constant 0 : i32
      %dma_start3A_160 = tpu.memref_slice %arg16[%mul3A_2, %dma_start3A_159] : memref<10000x64xf32, #tpu.memory_space<vmem_shared>> -> memref<625x64xf32, #tpu.memory_space<vmem_shared>>
      tpu.enqueue_dma source(%dma_start3A_160 : memref<625x64xf32, #tpu.memory_space<vmem_shared>>) target(%dma_start3A_158 : memref<625x64xf32, #tpu.memory_space<hbm>>) target_semaphore(%run_scoped3A_155 : memref<!tpu.dma_semaphore, #tpu.memory_space<semaphore_mem>>)
      %dma_wait3A_161 = arith.constant 64 : i32
      %dma_wait3A_162 = tpu.memref_slice %arg8[%arg0, %run_scoped3A_78, %mul3A_2, %dma_wait3A_161] : memref<2x2x10000x128xf32, #tpu.memory_space<hbm>> -> memref<1x1x625x64xf32, #tpu.memory_space<hbm>>
      %dma_wait3A_163 = tpu.memref_squeeze %dma_wait3A_162 : memref<1x1x625x64xf32, #tpu.memory_space<hbm>> -> memref<625x64xf32, #tpu.memory_space<hbm>>
      %dma_wait3A_164 = arith.constant 0 : i32
      %dma_wait3A_165 = tpu.memref_slice %arg16[%mul3A_2, %dma_wait3A_164] : memref<10000x64xf32, #tpu.memory_space<vmem_shared>> -> memref<625x64xf32, #tpu.memory_space<vmem_shared>>
      tpu.wait_dma2 semaphore(%run_scoped3A_155 : memref<!tpu.dma_semaphore, #tpu.memory_space<semaphore_mem>>) src(%dma_wait3A_165 : memref<625x64xf32, #tpu.memory_space<vmem_shared>>) dst(%dma_wait3A_163 : memref<625x64xf32, #tpu.memory_space<hbm>>)
      tpu.yield
    }) : () -> ()
    %barrier3A_79 = arith.constant 0 : index
    tpu.barrier barrier_id(%barrier3A_79)
    "tpu.region"() ({
      %run_scoped3A_155 = tpu.sem_alloc : memref<!tpu.dma_semaphore, #tpu.memory_space<semaphore_mem>>
      %dma_start3A_156 = arith.constant 0 : i32
      %dma_start3A_157 = tpu.memref_slice %arg16[%mul3A_2, %dma_start3A_156] : memref<10000x64xf32, #tpu.memory_space<vmem_shared>> -> memref<625x64xf32, #tpu.memory_space<vmem_shared>>
      %dma_start3A_158 = arith.constant 0 : i32
      %dma_start3A_159 = tpu.memref_slice %arg7[%mul3A_2, %dma_start3A_158] : memref<10000x64xf32, #tpu.memory_space<hbm>> -> memref<625x64xf32, #tpu.memory_space<hbm>>
      tpu.enqueue_dma source(%dma_start3A_159 : memref<625x64xf32, #tpu.memory_space<hbm>>) target(%dma_start3A_157 : memref<625x64xf32, #tpu.memory_space<vmem_shared>>) target_semaphore(%run_scoped3A_155 : memref<!tpu.dma_semaphore, #tpu.memory_space<semaphore_mem>>)
      %dma_wait3A_160 = arith.constant 0 : i32
      %dma_wait3A_161 = tpu.memref_slice %arg16[%mul3A_2, %dma_wait3A_160] : memref<10000x64xf32, #tpu.memory_space<vmem_shared>> -> memref<625x64xf32, #tpu.memory_space<vmem_shared>>
      %dma_wait3A_162 = arith.constant 0 : i32
      %dma_wait3A_163 = tpu.memref_slice %arg7[%mul3A_2, %dma_wait3A_162] : memref<10000x64xf32, #tpu.memory_space<hbm>> -> memref<625x64xf32, #tpu.memory_space<hbm>>
      tpu.wait_dma2 semaphore(%run_scoped3A_155 : memref<!tpu.dma_semaphore, #tpu.memory_space<semaphore_mem>>) src(%dma_wait3A_163 : memref<625x64xf32, #tpu.memory_space<hbm>>) dst(%dma_wait3A_161 : memref<625x64xf32, #tpu.memory_space<vmem_shared>>)
      tpu.yield
    }) : () -> ()
    "tpu.region"() ({
      %run_scoped3A_155 = tpu.sem_alloc : memref<!tpu.dma_semaphore, #tpu.memory_space<semaphore_mem>>
      %dma_start3A_156 = arith.constant 0 : i32
      %dma_start3A_157 = tpu.memref_slice %arg17[%mul3A_2, %dma_start3A_156] : memref<10000x64xf32, #tpu.memory_space<vmem_shared>> -> memref<625x64xf32, #tpu.memory_space<vmem_shared>>
      %dma_start3A_158 = arith.constant 128 : i32
      %dma_start3A_159 = tpu.memref_slice %arg4[%mul3A_2, %dma_start3A_158] : memref<10000x256xf32, #tpu.memory_space<hbm>> -> memref<625x64xf32, #tpu.memory_space<hbm>>
      tpu.enqueue_dma source(%dma_start3A_159 : memref<625x64xf32, #tpu.memory_space<hbm>>) target(%dma_start3A_157 : memref<625x64xf32, #tpu.memory_space<vmem_shared>>) target_semaphore(%run_scoped3A_155 : memref<!tpu.dma_semaphore, #tpu.memory_space<semaphore_mem>>)
      %dma_wait3A_160 = arith.constant 0 : i32
      %dma_wait3A_161 = tpu.memref_slice %arg17[%mul3A_2, %dma_wait3A_160] : memref<10000x64xf32, #tpu.memory_space<vmem_shared>> -> memref<625x64xf32, #tpu.memory_space<vmem_shared>>
      %dma_wait3A_162 = arith.constant 128 : i32
      %dma_wait3A_163 = tpu.memref_slice %arg4[%mul3A_2, %dma_wait3A_162] : memref<10000x256xf32, #tpu.memory_space<hbm>> -> memref<625x64xf32, #tpu.memory_space<hbm>>
      tpu.wait_dma2 semaphore(%run_scoped3A_155 : memref<!tpu.dma_semaphore, #tpu.memory_space<semaphore_mem>>) src(%dma_wait3A_163 : memref<625x64xf32, #tpu.memory_space<hbm>>) dst(%dma_wait3A_161 : memref<625x64xf32, #tpu.memory_space<vmem_shared>>)
      tpu.yield
    }) : () -> ()
    %barrier3A_80 = arith.constant 0 : index
    tpu.barrier barrier_id(%barrier3A_80)
    %dma_start3A_81 = arith.constant 0 : i32
    %dma_start3A_82 = arith.constant 0 : i32
    %dma_start3A_83 = tpu.memref_slice %arg9[%dma_start3A_81, %dma_start3A_82] : memref<125x80xi32, #tpu.memory_space<vmem>> -> memref<1x80xi32, #tpu.memory_space<vmem>>
    %dma_start3A_84 = tpu.memref_squeeze %dma_start3A_83 : memref<1x80xi32, #tpu.memory_space<vmem>> -> memref<80xi32, #tpu.memory_space<vmem>>
    %dma_start3A_85 = arith.constant 0 : i32
    %dma_start3A_86 = arith.constant 0 : i32
    %dma_start3A_87 = tpu.memref_slice %arg17[%dma_start3A_85, %dma_start3A_86] : memref<10000x64xf32, #tpu.memory_space<vmem_shared>> -> memref<10000x64xf32, #tpu.memory_space<vmem_shared>>
    tpu.enqueue_indirect_dma source(%dma_start3A_87 : memref<10000x64xf32, #tpu.memory_space<vmem_shared>>) target(%arg11 : memref<80x64xf32, #tpu.memory_space<vmem>>) offsets(%dma_start3A_84 : memref<80xi32, #tpu.memory_space<vmem>>) semaphore(%arg18 : memref<!tpu.dma_semaphore, #tpu.memory_space<semaphore_mem>>)
    %dma_start3A_88 = arith.constant 1 : i32
    %dma_start3A_89 = arith.constant 0 : i32
    %dma_start3A_90 = tpu.memref_slice %arg9[%dma_start3A_88, %dma_start3A_89] : memref<125x80xi32, #tpu.memory_space<vmem>> -> memref<1x80xi32, #tpu.memory_space<vmem>>
    %dma_start3A_91 = tpu.memref_squeeze %dma_start3A_90 : memref<1x80xi32, #tpu.memory_space<vmem>> -> memref<80xi32, #tpu.memory_space<vmem>>
    %dma_start3A_92 = arith.constant 0 : i32
    %dma_start3A_93 = arith.constant 0 : i32
    %dma_start3A_94 = tpu.memref_slice %arg17[%dma_start3A_92, %dma_start3A_93] : memref<10000x64xf32, #tpu.memory_space<vmem_shared>> -> memref<10000x64xf32, #tpu.memory_space<vmem_shared>>
    tpu.enqueue_indirect_dma source(%dma_start3A_94 : memref<10000x64xf32, #tpu.memory_space<vmem_shared>>) target(%arg12 : memref<80x64xf32, #tpu.memory_space<vmem>>) offsets(%dma_start3A_91 : memref<80xi32, #tpu.memory_space<vmem>>) semaphore(%arg19 : memref<!tpu.dma_semaphore, #tpu.memory_space<semaphore_mem>>)
    %dma_start3A_95 = arith.constant 2 : i32
    %dma_start3A_96 = arith.constant 0 : i32
    %dma_start3A_97 = tpu.memref_slice %arg9[%dma_start3A_95, %dma_start3A_96] : memref<125x80xi32, #tpu.memory_space<vmem>> -> memref<1x80xi32, #tpu.memory_space<vmem>>
    %dma_start3A_98 = tpu.memref_squeeze %dma_start3A_97 : memref<1x80xi32, #tpu.memory_space<vmem>> -> memref<80xi32, #tpu.memory_space<vmem>>
    %dma_start3A_99 = arith.constant 0 : i32
    %dma_start3A_100 = arith.constant 0 : i32
    %dma_start3A_101 = tpu.memref_slice %arg17[%dma_start3A_99, %dma_start3A_100] : memref<10000x64xf32, #tpu.memory_space<vmem_shared>> -> memref<10000x64xf32, #tpu.memory_space<vmem_shared>>
    tpu.enqueue_indirect_dma source(%dma_start3A_101 : memref<10000x64xf32, #tpu.memory_space<vmem_shared>>) target(%arg13 : memref<80x64xf32, #tpu.memory_space<vmem>>) offsets(%dma_start3A_98 : memref<80xi32, #tpu.memory_space<vmem>>) semaphore(%arg20 : memref<!tpu.dma_semaphore, #tpu.memory_space<semaphore_mem>>)
    %scan3A_102 = arith.constant 0 : i32
    %scan3A_103 = arith.constant 0 : i32
    %scan3A_104 = arith.constant 25 : i32
    %scan3A_105 = arith.addi %scan3A_103, %scan3A_104 : i32
    %scan3A_106 = arith.constant 1 : i32
    scf.for %scan3A_155 = %scan3A_103 to %scan3A_105 step %scan3A_106  : i32 {
      %mul3A_156 = arith.constant 5 : i32
      %mul3A_157 = arith.muli %mul3A_156, %scan3A_155 : i32
      %add3A_158 = arith.constant 0 : i32
      %add3A_159 = arith.addi %mul3A_157, %add3A_158 : i32
      %dma_wait3A_160 = arith.constant 0 : i32
      %dma_wait3A_161 = tpu.memref_slice %arg9[%add3A_159, %dma_wait3A_160] : memref<125x80xi32, #tpu.memory_space<vmem>> -> memref<1x80xi32, #tpu.memory_space<vmem>>
      %dma_wait3A_162 = tpu.memref_squeeze %dma_wait3A_161 : memref<1x80xi32, #tpu.memory_space<vmem>> -> memref<80xi32, #tpu.memory_space<vmem>>
      %dma_wait3A_163 = arith.constant 0 : i32
      %dma_wait3A_164 = arith.constant 0 : i32
      %dma_wait3A_165 = tpu.memref_slice %arg17[%dma_wait3A_163, %dma_wait3A_164] : memref<10000x64xf32, #tpu.memory_space<vmem_shared>> -> memref<10000x64xf32, #tpu.memory_space<vmem_shared>>
      tpu.wait_indirect_dma semaphore(%arg18 : memref<!tpu.dma_semaphore, #tpu.memory_space<semaphore_mem>>) src(%dma_wait3A_165 : memref<10000x64xf32, #tpu.memory_space<vmem_shared>>) dst(%arg11 : memref<80x64xf32, #tpu.memory_space<vmem>>)
      %ge3A = arith.constant 1 : i32
      %ge3A_166 = arith.cmpi sge, %scan3A_155, %ge3A : i32
      %convert_element_type3A = arith.extui %ge3A_166 : i1 to i32
      %cond3A = arith.constant 0 : i32
      %cond3A_167 = arith.cmpi ne, %convert_element_type3A, %cond3A : i32
      scf.if %cond3A_167 {
        %sub3A_299 = arith.constant 1 : i32
        %sub3A_300 = arith.subi %add3A_159, %sub3A_299 : i32
        %dma_wait3A_301 = arith.constant 0 : i32
        %dma_wait3A_302 = tpu.memref_slice %arg10[%sub3A_300, %dma_wait3A_301] : memref<125x80xi32, #tpu.memory_space<vmem>> -> memref<1x80xi32, #tpu.memory_space<vmem>>
        %dma_wait3A_303 = tpu.memref_squeeze %dma_wait3A_302 : memref<1x80xi32, #tpu.memory_space<vmem>> -> memref<80xi32, #tpu.memory_space<vmem>>
        %dma_wait3A_304 = arith.constant 0 : i32
        %dma_wait3A_305 = arith.constant 0 : i32
        %dma_wait3A_306 = tpu.memref_slice %arg16[%dma_wait3A_304, %dma_wait3A_305] : memref<10000x64xf32, #tpu.memory_space<vmem_shared>> -> memref<10000x64xf32, #tpu.memory_space<vmem_shared>>
        tpu.wait_indirect_dma semaphore(%arg27 : memref<!tpu.dma_semaphore, #tpu.memory_space<semaphore_mem>>) src(%arg15 : memref<80x64xf32, #tpu.memory_space<vmem>>) dst(%dma_wait3A_306 : memref<10000x64xf32, #tpu.memory_space<vmem_shared>>)
      } else {
      }
      %dma_start3A_168 = arith.constant 0 : i32
      %dma_start3A_169 = tpu.memref_slice %arg10[%add3A_159, %dma_start3A_168] : memref<125x80xi32, #tpu.memory_space<vmem>> -> memref<1x80xi32, #tpu.memory_space<vmem>>
      %dma_start3A_170 = tpu.memref_squeeze %dma_start3A_169 : memref<1x80xi32, #tpu.memory_space<vmem>> -> memref<80xi32, #tpu.memory_space<vmem>>
      %dma_start3A_171 = arith.constant 0 : i32
      %dma_start3A_172 = arith.constant 0 : i32
      %dma_start3A_173 = tpu.memref_slice %arg16[%dma_start3A_171, %dma_start3A_172] : memref<10000x64xf32, #tpu.memory_space<vmem_shared>> -> memref<10000x64xf32, #tpu.memory_space<vmem_shared>>
      tpu.enqueue_indirect_dma source(%arg11 : memref<80x64xf32, #tpu.memory_space<vmem>>) target(%dma_start3A_173 : memref<10000x64xf32, #tpu.memory_space<vmem_shared>>) offsets(%dma_start3A_170 : memref<80xi32, #tpu.memory_space<vmem>>) semaphore(%arg23 : memref<!tpu.dma_semaphore, #tpu.memory_space<semaphore_mem>>) {add = true}
      %add3A_174 = arith.constant 3 : i32
      %add3A_175 = arith.addi %add3A_159, %add3A_174 : i32
      %dma_start3A_176 = arith.constant 0 : i32
      %dma_start3A_177 = tpu.memref_slice %arg9[%add3A_175, %dma_start3A_176] : memref<125x80xi32, #tpu.memory_space<vmem>> -> memref<1x80xi32, #tpu.memory_space<vmem>>
      %dma_start3A_178 = tpu.memref_squeeze %dma_start3A_177 : memref<1x80xi32, #tpu.memory_space<vmem>> -> memref<80xi32, #tpu.memory_space<vmem>>
      %dma_start3A_179 = arith.constant 0 : i32
      %dma_start3A_180 = arith.constant 0 : i32
      %dma_start3A_181 = tpu.memref_slice %arg17[%dma_start3A_179, %dma_start3A_180] : memref<10000x64xf32, #tpu.memory_space<vmem_shared>> -> memref<10000x64xf32, #tpu.memory_space<vmem_shared>>
      tpu.enqueue_indirect_dma source(%dma_start3A_181 : memref<10000x64xf32, #tpu.memory_space<vmem_shared>>) target(%arg14 : memref<80x64xf32, #tpu.memory_space<vmem>>) offsets(%dma_start3A_178 : memref<80xi32, #tpu.memory_space<vmem>>) semaphore(%arg21 : memref<!tpu.dma_semaphore, #tpu.memory_space<semaphore_mem>>)
      %mul3A_182 = arith.constant 5 : i32
      %mul3A_183 = arith.muli %mul3A_182, %scan3A_155 : i32
      %add3A_184 = arith.constant 1 : i32
      %add3A_185 = arith.addi %mul3A_183, %add3A_184 : i32
      %dma_wait3A_186 = arith.constant 0 : i32
      %dma_wait3A_187 = tpu.memref_slice %arg9[%add3A_185, %dma_wait3A_186] : memref<125x80xi32, #tpu.memory_space<vmem>> -> memref<1x80xi32, #tpu.memory_space<vmem>>
      %dma_wait3A_188 = tpu.memref_squeeze %dma_wait3A_187 : memref<1x80xi32, #tpu.memory_space<vmem>> -> memref<80xi32, #tpu.memory_space<vmem>>
      %dma_wait3A_189 = arith.constant 0 : i32
      %dma_wait3A_190 = arith.constant 0 : i32
      %dma_wait3A_191 = tpu.memref_slice %arg17[%dma_wait3A_189, %dma_wait3A_190] : memref<10000x64xf32, #tpu.memory_space<vmem_shared>> -> memref<10000x64xf32, #tpu.memory_space<vmem_shared>>
      tpu.wait_indirect_dma semaphore(%arg19 : memref<!tpu.dma_semaphore, #tpu.memory_space<semaphore_mem>>) src(%dma_wait3A_191 : memref<10000x64xf32, #tpu.memory_space<vmem_shared>>) dst(%arg12 : memref<80x64xf32, #tpu.memory_space<vmem>>)
      %sub3A = arith.constant 1 : i32
      %sub3A_192 = arith.subi %add3A_185, %sub3A : i32
      %dma_wait3A_193 = arith.constant 0 : i32
      %dma_wait3A_194 = tpu.memref_slice %arg10[%sub3A_192, %dma_wait3A_193] : memref<125x80xi32, #tpu.memory_space<vmem>> -> memref<1x80xi32, #tpu.memory_space<vmem>>
      %dma_wait3A_195 = tpu.memref_squeeze %dma_wait3A_194 : memref<1x80xi32, #tpu.memory_space<vmem>> -> memref<80xi32, #tpu.memory_space<vmem>>
      %dma_wait3A_196 = arith.constant 0 : i32
      %dma_wait3A_197 = arith.constant 0 : i32
      %dma_wait3A_198 = tpu.memref_slice %arg16[%dma_wait3A_196, %dma_wait3A_197] : memref<10000x64xf32, #tpu.memory_space<vmem_shared>> -> memref<10000x64xf32, #tpu.memory_space<vmem_shared>>
      tpu.wait_indirect_dma semaphore(%arg23 : memref<!tpu.dma_semaphore, #tpu.memory_space<semaphore_mem>>) src(%arg11 : memref<80x64xf32, #tpu.memory_space<vmem>>) dst(%dma_wait3A_198 : memref<10000x64xf32, #tpu.memory_space<vmem_shared>>)
      %dma_start3A_199 = arith.constant 0 : i32
      %dma_start3A_200 = tpu.memref_slice %arg10[%add3A_185, %dma_start3A_199] : memref<125x80xi32, #tpu.memory_space<vmem>> -> memref<1x80xi32, #tpu.memory_space<vmem>>
      %dma_start3A_201 = tpu.memref_squeeze %dma_start3A_200 : memref<1x80xi32, #tpu.memory_space<vmem>> -> memref<80xi32, #tpu.memory_space<vmem>>
      %dma_start3A_202 = arith.constant 0 : i32
      %dma_start3A_203 = arith.constant 0 : i32
      %dma_start3A_204 = tpu.memref_slice %arg16[%dma_start3A_202, %dma_start3A_203] : memref<10000x64xf32, #tpu.memory_space<vmem_shared>> -> memref<10000x64xf32, #tpu.memory_space<vmem_shared>>
      tpu.enqueue_indirect_dma source(%arg12 : memref<80x64xf32, #tpu.memory_space<vmem>>) target(%dma_start3A_204 : memref<10000x64xf32, #tpu.memory_space<vmem_shared>>) offsets(%dma_start3A_201 : memref<80xi32, #tpu.memory_space<vmem>>) semaphore(%arg24 : memref<!tpu.dma_semaphore, #tpu.memory_space<semaphore_mem>>) {add = true}
      %add3A_205 = arith.constant 3 : i32
      %add3A_206 = arith.addi %add3A_185, %add3A_205 : i32
      %dma_start3A_207 = arith.constant 0 : i32
      %dma_start3A_208 = tpu.memref_slice %arg9[%add3A_206, %dma_start3A_207] : memref<125x80xi32, #tpu.memory_space<vmem>> -> memref<1x80xi32, #tpu.memory_space<vmem>>
      %dma_start3A_209 = tpu.memref_squeeze %dma_start3A_208 : memref<1x80xi32, #tpu.memory_space<vmem>> -> memref<80xi32, #tpu.memory_space<vmem>>
      %dma_start3A_210 = arith.constant 0 : i32
      %dma_start3A_211 = arith.constant 0 : i32
      %dma_start3A_212 = tpu.memref_slice %arg17[%dma_start3A_210, %dma_start3A_211] : memref<10000x64xf32, #tpu.memory_space<vmem_shared>> -> memref<10000x64xf32, #tpu.memory_space<vmem_shared>>
      tpu.enqueue_indirect_dma source(%dma_start3A_212 : memref<10000x64xf32, #tpu.memory_space<vmem_shared>>) target(%arg15 : memref<80x64xf32, #tpu.memory_space<vmem>>) offsets(%dma_start3A_209 : memref<80xi32, #tpu.memory_space<vmem>>) semaphore(%arg22 : memref<!tpu.dma_semaphore, #tpu.memory_space<semaphore_mem>>)
      %mul3A_213 = arith.constant 5 : i32
      %mul3A_214 = arith.muli %mul3A_213, %scan3A_155 : i32
      %add3A_215 = arith.constant 2 : i32
      %add3A_216 = arith.addi %mul3A_214, %add3A_215 : i32
      %dma_wait3A_217 = arith.constant 0 : i32
      %dma_wait3A_218 = tpu.memref_slice %arg9[%add3A_216, %dma_wait3A_217] : memref<125x80xi32, #tpu.memory_space<vmem>> -> memref<1x80xi32, #tpu.memory_space<vmem>>
      %dma_wait3A_219 = tpu.memref_squeeze %dma_wait3A_218 : memref<1x80xi32, #tpu.memory_space<vmem>> -> memref<80xi32, #tpu.memory_space<vmem>>
      %dma_wait3A_220 = arith.constant 0 : i32
      %dma_wait3A_221 = arith.constant 0 : i32
      %dma_wait3A_222 = tpu.memref_slice %arg17[%dma_wait3A_220, %dma_wait3A_221] : memref<10000x64xf32, #tpu.memory_space<vmem_shared>> -> memref<10000x64xf32, #tpu.memory_space<vmem_shared>>
      tpu.wait_indirect_dma semaphore(%arg20 : memref<!tpu.dma_semaphore, #tpu.memory_space<semaphore_mem>>) src(%dma_wait3A_222 : memref<10000x64xf32, #tpu.memory_space<vmem_shared>>) dst(%arg13 : memref<80x64xf32, #tpu.memory_space<vmem>>)
      %sub3A_223 = arith.constant 1 : i32
      %sub3A_224 = arith.subi %add3A_216, %sub3A_223 : i32
      %dma_wait3A_225 = arith.constant 0 : i32
      %dma_wait3A_226 = tpu.memref_slice %arg10[%sub3A_224, %dma_wait3A_225] : memref<125x80xi32, #tpu.memory_space<vmem>> -> memref<1x80xi32, #tpu.memory_space<vmem>>
      %dma_wait3A_227 = tpu.memref_squeeze %dma_wait3A_226 : memref<1x80xi32, #tpu.memory_space<vmem>> -> memref<80xi32, #tpu.memory_space<vmem>>
      %dma_wait3A_228 = arith.constant 0 : i32
      %dma_wait3A_229 = arith.constant 0 : i32
      %dma_wait3A_230 = tpu.memref_slice %arg16[%dma_wait3A_228, %dma_wait3A_229] : memref<10000x64xf32, #tpu.memory_space<vmem_shared>> -> memref<10000x64xf32, #tpu.memory_space<vmem_shared>>
      tpu.wait_indirect_dma semaphore(%arg24 : memref<!tpu.dma_semaphore, #tpu.memory_space<semaphore_mem>>) src(%arg12 : memref<80x64xf32, #tpu.memory_space<vmem>>) dst(%dma_wait3A_230 : memref<10000x64xf32, #tpu.memory_space<vmem_shared>>)
      %dma_start3A_231 = arith.constant 0 : i32
      %dma_start3A_232 = tpu.memref_slice %arg10[%add3A_216, %dma_start3A_231] : memref<125x80xi32, #tpu.memory_space<vmem>> -> memref<1x80xi32, #tpu.memory_space<vmem>>
      %dma_start3A_233 = tpu.memref_squeeze %dma_start3A_232 : memref<1x80xi32, #tpu.memory_space<vmem>> -> memref<80xi32, #tpu.memory_space<vmem>>
      %dma_start3A_234 = arith.constant 0 : i32
      %dma_start3A_235 = arith.constant 0 : i32
      %dma_start3A_236 = tpu.memref_slice %arg16[%dma_start3A_234, %dma_start3A_235] : memref<10000x64xf32, #tpu.memory_space<vmem_shared>> -> memref<10000x64xf32, #tpu.memory_space<vmem_shared>>
      tpu.enqueue_indirect_dma source(%arg13 : memref<80x64xf32, #tpu.memory_space<vmem>>) target(%dma_start3A_236 : memref<10000x64xf32, #tpu.memory_space<vmem_shared>>) offsets(%dma_start3A_233 : memref<80xi32, #tpu.memory_space<vmem>>) semaphore(%arg25 : memref<!tpu.dma_semaphore, #tpu.memory_space<semaphore_mem>>) {add = true}
      %lt3A = arith.constant 24 : i32
      %lt3A_237 = arith.cmpi slt, %scan3A_155, %lt3A : i32
      %convert_element_type3A_238 = arith.extui %lt3A_237 : i1 to i32
      %cond3A_239 = arith.constant 0 : i32
      %cond3A_240 = arith.cmpi ne, %convert_element_type3A_238, %cond3A_239 : i32
      scf.if %cond3A_240 {
        %add3A_299 = arith.constant 3 : i32
        %add3A_300 = arith.addi %add3A_216, %add3A_299 : i32
        %dma_start3A_301 = arith.constant 0 : i32
        %dma_start3A_302 = tpu.memref_slice %arg9[%add3A_300, %dma_start3A_301] : memref<125x80xi32, #tpu.memory_space<vmem>> -> memref<1x80xi32, #tpu.memory_space<vmem>>
        %dma_start3A_303 = tpu.memref_squeeze %dma_start3A_302 : memref<1x80xi32, #tpu.memory_space<vmem>> -> memref<80xi32, #tpu.memory_space<vmem>>
        %dma_start3A_304 = arith.constant 0 : i32
        %dma_start3A_305 = arith.constant 0 : i32
        %dma_start3A_306 = tpu.memref_slice %arg17[%dma_start3A_304, %dma_start3A_305] : memref<10000x64xf32, #tpu.memory_space<vmem_shared>> -> memref<10000x64xf32, #tpu.memory_space<vmem_shared>>
        tpu.enqueue_indirect_dma source(%dma_start3A_306 : memref<10000x64xf32, #tpu.memory_space<vmem_shared>>) target(%arg11 : memref<80x64xf32, #tpu.memory_space<vmem>>) offsets(%dma_start3A_303 : memref<80xi32, #tpu.memory_space<vmem>>) semaphore(%arg18 : memref<!tpu.dma_semaphore, #tpu.memory_space<semaphore_mem>>)
      } else {
      }
      %mul3A_241 = arith.constant 5 : i32
      %mul3A_242 = arith.muli %mul3A_241, %scan3A_155 : i32
      %add3A_243 = arith.constant 3 : i32
      %add3A_244 = arith.addi %mul3A_242, %add3A_243 : i32
      %dma_wait3A_245 = arith.constant 0 : i32
      %dma_wait3A_246 = tpu.memref_slice %arg9[%add3A_244, %dma_wait3A_245] : memref<125x80xi32, #tpu.memory_space<vmem>> -> memref<1x80xi32, #tpu.memory_space<vmem>>
      %dma_wait3A_247 = tpu.memref_squeeze %dma_wait3A_246 : memref<1x80xi32, #tpu.memory_space<vmem>> -> memref<80xi32, #tpu.memory_space<vmem>>
      %dma_wait3A_248 = arith.constant 0 : i32
      %dma_wait3A_249 = arith.constant 0 : i32
      %dma_wait3A_250 = tpu.memref_slice %arg17[%dma_wait3A_248, %dma_wait3A_249] : memref<10000x64xf32, #tpu.memory_space<vmem_shared>> -> memref<10000x64xf32, #tpu.memory_space<vmem_shared>>
      tpu.wait_indirect_dma semaphore(%arg21 : memref<!tpu.dma_semaphore, #tpu.memory_space<semaphore_mem>>) src(%dma_wait3A_250 : memref<10000x64xf32, #tpu.memory_space<vmem_shared>>) dst(%arg14 : memref<80x64xf32, #tpu.memory_space<vmem>>)
      %sub3A_251 = arith.constant 1 : i32
      %sub3A_252 = arith.subi %add3A_244, %sub3A_251 : i32
      %dma_wait3A_253 = arith.constant 0 : i32
      %dma_wait3A_254 = tpu.memref_slice %arg10[%sub3A_252, %dma_wait3A_253] : memref<125x80xi32, #tpu.memory_space<vmem>> -> memref<1x80xi32, #tpu.memory_space<vmem>>
      %dma_wait3A_255 = tpu.memref_squeeze %dma_wait3A_254 : memref<1x80xi32, #tpu.memory_space<vmem>> -> memref<80xi32, #tpu.memory_space<vmem>>
      %dma_wait3A_256 = arith.constant 0 : i32
      %dma_wait3A_257 = arith.constant 0 : i32
      %dma_wait3A_258 = tpu.memref_slice %arg16[%dma_wait3A_256, %dma_wait3A_257] : memref<10000x64xf32, #tpu.memory_space<vmem_shared>> -> memref<10000x64xf32, #tpu.memory_space<vmem_shared>>
      tpu.wait_indirect_dma semaphore(%arg25 : memref<!tpu.dma_semaphore, #tpu.memory_space<semaphore_mem>>) src(%arg13 : memref<80x64xf32, #tpu.memory_space<vmem>>) dst(%dma_wait3A_258 : memref<10000x64xf32, #tpu.memory_space<vmem_shared>>)
      %dma_start3A_259 = arith.constant 0 : i32
      %dma_start3A_260 = tpu.memref_slice %arg10[%add3A_244, %dma_start3A_259] : memref<125x80xi32, #tpu.memory_space<vmem>> -> memref<1x80xi32, #tpu.memory_space<vmem>>
      %dma_start3A_261 = tpu.memref_squeeze %dma_start3A_260 : memref<1x80xi32, #tpu.memory_space<vmem>> -> memref<80xi32, #tpu.memory_space<vmem>>
      %dma_start3A_262 = arith.constant 0 : i32
      %dma_start3A_263 = arith.constant 0 : i32
      %dma_start3A_264 = tpu.memref_slice %arg16[%dma_start3A_262, %dma_start3A_263] : memref<10000x64xf32, #tpu.memory_space<vmem_shared>> -> memref<10000x64xf32, #tpu.memory_space<vmem_shared>>
      tpu.enqueue_indirect_dma source(%arg14 : memref<80x64xf32, #tpu.memory_space<vmem>>) target(%dma_start3A_264 : memref<10000x64xf32, #tpu.memory_space<vmem_shared>>) offsets(%dma_start3A_261 : memref<80xi32, #tpu.memory_space<vmem>>) semaphore(%arg26 : memref<!tpu.dma_semaphore, #tpu.memory_space<semaphore_mem>>) {add = true}
      %lt3A_265 = arith.constant 24 : i32
      %lt3A_266 = arith.cmpi slt, %scan3A_155, %lt3A_265 : i32
      %convert_element_type3A_267 = arith.extui %lt3A_266 : i1 to i32
      %cond3A_268 = arith.constant 0 : i32
      %cond3A_269 = arith.cmpi ne, %convert_element_type3A_267, %cond3A_268 : i32
      scf.if %cond3A_269 {
        %add3A_299 = arith.constant 3 : i32
        %add3A_300 = arith.addi %add3A_244, %add3A_299 : i32
        %dma_start3A_301 = arith.constant 0 : i32
        %dma_start3A_302 = tpu.memref_slice %arg9[%add3A_300, %dma_start3A_301] : memref<125x80xi32, #tpu.memory_space<vmem>> -> memref<1x80xi32, #tpu.memory_space<vmem>>
        %dma_start3A_303 = tpu.memref_squeeze %dma_start3A_302 : memref<1x80xi32, #tpu.memory_space<vmem>> -> memref<80xi32, #tpu.memory_space<vmem>>
        %dma_start3A_304 = arith.constant 0 : i32
        %dma_start3A_305 = arith.constant 0 : i32
        %dma_start3A_306 = tpu.memref_slice %arg17[%dma_start3A_304, %dma_start3A_305] : memref<10000x64xf32, #tpu.memory_space<vmem_shared>> -> memref<10000x64xf32, #tpu.memory_space<vmem_shared>>
        tpu.enqueue_indirect_dma source(%dma_start3A_306 : memref<10000x64xf32, #tpu.memory_space<vmem_shared>>) target(%arg12 : memref<80x64xf32, #tpu.memory_space<vmem>>) offsets(%dma_start3A_303 : memref<80xi32, #tpu.memory_space<vmem>>) semaphore(%arg19 : memref<!tpu.dma_semaphore, #tpu.memory_space<semaphore_mem>>)
      } else {
      }
      %mul3A_270 = arith.constant 5 : i32
      %mul3A_271 = arith.muli %mul3A_270, %scan3A_155 : i32
      %add3A_272 = arith.constant 4 : i32
      %add3A_273 = arith.addi %mul3A_271, %add3A_272 : i32
      %dma_wait3A_274 = arith.constant 0 : i32
      %dma_wait3A_275 = tpu.memref_slice %arg9[%add3A_273, %dma_wait3A_274] : memref<125x80xi32, #tpu.memory_space<vmem>> -> memref<1x80xi32, #tpu.memory_space<vmem>>
      %dma_wait3A_276 = tpu.memref_squeeze %dma_wait3A_275 : memref<1x80xi32, #tpu.memory_space<vmem>> -> memref<80xi32, #tpu.memory_space<vmem>>
      %dma_wait3A_277 = arith.constant 0 : i32
      %dma_wait3A_278 = arith.constant 0 : i32
      %dma_wait3A_279 = tpu.memref_slice %arg17[%dma_wait3A_277, %dma_wait3A_278] : memref<10000x64xf32, #tpu.memory_space<vmem_shared>> -> memref<10000x64xf32, #tpu.memory_space<vmem_shared>>
      tpu.wait_indirect_dma semaphore(%arg22 : memref<!tpu.dma_semaphore, #tpu.memory_space<semaphore_mem>>) src(%dma_wait3A_279 : memref<10000x64xf32, #tpu.memory_space<vmem_shared>>) dst(%arg15 : memref<80x64xf32, #tpu.memory_space<vmem>>)
      %sub3A_280 = arith.constant 1 : i32
      %sub3A_281 = arith.subi %add3A_273, %sub3A_280 : i32
      %dma_wait3A_282 = arith.constant 0 : i32
      %dma_wait3A_283 = tpu.memref_slice %arg10[%sub3A_281, %dma_wait3A_282] : memref<125x80xi32, #tpu.memory_space<vmem>> -> memref<1x80xi32, #tpu.memory_space<vmem>>
      %dma_wait3A_284 = tpu.memref_squeeze %dma_wait3A_283 : memref<1x80xi32, #tpu.memory_space<vmem>> -> memref<80xi32, #tpu.memory_space<vmem>>
      %dma_wait3A_285 = arith.constant 0 : i32
      %dma_wait3A_286 = arith.constant 0 : i32
      %dma_wait3A_287 = tpu.memref_slice %arg16[%dma_wait3A_285, %dma_wait3A_286] : memref<10000x64xf32, #tpu.memory_space<vmem_shared>> -> memref<10000x64xf32, #tpu.memory_space<vmem_shared>>
      tpu.wait_indirect_dma semaphore(%arg26 : memref<!tpu.dma_semaphore, #tpu.memory_space<semaphore_mem>>) src(%arg14 : memref<80x64xf32, #tpu.memory_space<vmem>>) dst(%dma_wait3A_287 : memref<10000x64xf32, #tpu.memory_space<vmem_shared>>)
      %dma_start3A_288 = arith.constant 0 : i32
      %dma_start3A_289 = tpu.memref_slice %arg10[%add3A_273, %dma_start3A_288] : memref<125x80xi32, #tpu.memory_space<vmem>> -> memref<1x80xi32, #tpu.memory_space<vmem>>
      %dma_start3A_290 = tpu.memref_squeeze %dma_start3A_289 : memref<1x80xi32, #tpu.memory_space<vmem>> -> memref<80xi32, #tpu.memory_space<vmem>>
      %dma_start3A_291 = arith.constant 0 : i32
      %dma_start3A_292 = arith.constant 0 : i32
      %dma_start3A_293 = tpu.memref_slice %arg16[%dma_start3A_291, %dma_start3A_292] : memref<10000x64xf32, #tpu.memory_space<vmem_shared>> -> memref<10000x64xf32, #tpu.memory_space<vmem_shared>>
      tpu.enqueue_indirect_dma source(%arg15 : memref<80x64xf32, #tpu.memory_space<vmem>>) target(%dma_start3A_293 : memref<10000x64xf32, #tpu.memory_space<vmem_shared>>) offsets(%dma_start3A_290 : memref<80xi32, #tpu.memory_space<vmem>>) semaphore(%arg27 : memref<!tpu.dma_semaphore, #tpu.memory_space<semaphore_mem>>) {add = true}
      %lt3A_294 = arith.constant 24 : i32
      %lt3A_295 = arith.cmpi slt, %scan3A_155, %lt3A_294 : i32
      %convert_element_type3A_296 = arith.extui %lt3A_295 : i1 to i32
      %cond3A_297 = arith.constant 0 : i32
      %cond3A_298 = arith.cmpi ne, %convert_element_type3A_296, %cond3A_297 : i32
      scf.if %cond3A_298 {
        %add3A_299 = arith.constant 3 : i32
        %add3A_300 = arith.addi %add3A_273, %add3A_299 : i32
        %dma_start3A_301 = arith.constant 0 : i32
        %dma_start3A_302 = tpu.memref_slice %arg9[%add3A_300, %dma_start3A_301] : memref<125x80xi32, #tpu.memory_space<vmem>> -> memref<1x80xi32, #tpu.memory_space<vmem>>
        %dma_start3A_303 = tpu.memref_squeeze %dma_start3A_302 : memref<1x80xi32, #tpu.memory_space<vmem>> -> memref<80xi32, #tpu.memory_space<vmem>>
        %dma_start3A_304 = arith.constant 0 : i32
        %dma_start3A_305 = arith.constant 0 : i32
        %dma_start3A_306 = tpu.memref_slice %arg17[%dma_start3A_304, %dma_start3A_305] : memref<10000x64xf32, #tpu.memory_space<vmem_shared>> -> memref<10000x64xf32, #tpu.memory_space<vmem_shared>>
        tpu.enqueue_indirect_dma source(%dma_start3A_306 : memref<10000x64xf32, #tpu.memory_space<vmem_shared>>) target(%arg13 : memref<80x64xf32, #tpu.memory_space<vmem>>) offsets(%dma_start3A_303 : memref<80xi32, #tpu.memory_space<vmem>>) semaphore(%arg20 : memref<!tpu.dma_semaphore, #tpu.memory_space<semaphore_mem>>)
      } else {
      }
    }
    %scan3A_107 = arith.constant 25 : i32
    %dma_wait3A_108 = arith.constant 124 : i32
    %dma_wait3A_109 = arith.constant 0 : i32
    %dma_wait3A_110 = tpu.memref_slice %arg10[%dma_wait3A_108, %dma_wait3A_109] : memref<125x80xi32, #tpu.memory_space<vmem>> -> memref<1x80xi32, #tpu.memory_space<vmem>>
    %dma_wait3A_111 = tpu.memref_squeeze %dma_wait3A_110 : memref<1x80xi32, #tpu.memory_space<vmem>> -> memref<80xi32, #tpu.memory_space<vmem>>
    %dma_wait3A_112 = arith.constant 0 : i32
    %dma_wait3A_113 = arith.constant 0 : i32
    %dma_wait3A_114 = tpu.memref_slice %arg16[%dma_wait3A_112, %dma_wait3A_113] : memref<10000x64xf32, #tpu.memory_space<vmem_shared>> -> memref<10000x64xf32, #tpu.memory_space<vmem_shared>>
    tpu.wait_indirect_dma semaphore(%arg27 : memref<!tpu.dma_semaphore, #tpu.memory_space<semaphore_mem>>) src(%arg15 : memref<80x64xf32, #tpu.memory_space<vmem>>) dst(%dma_wait3A_114 : memref<10000x64xf32, #tpu.memory_space<vmem_shared>>)
    %barrier3A_115 = arith.constant 0 : index
    tpu.barrier barrier_id(%barrier3A_115)
    %run_scoped3A_116 = arith.constant 1 : i32
    "tpu.region"() ({
      %run_scoped3A_155 = tpu.sem_alloc : memref<!tpu.dma_semaphore, #tpu.memory_space<semaphore_mem>>
      %dma_start3A_156 = arith.constant 0 : i32
      %dma_start3A_157 = tpu.memref_slice %arg8[%arg0, %run_scoped3A_116, %mul3A_2, %dma_start3A_156] : memref<2x2x10000x128xf32, #tpu.memory_space<hbm>> -> memref<1x1x625x64xf32, #tpu.memory_space<hbm>>
      %dma_start3A_158 = tpu.memref_squeeze %dma_start3A_157 : memref<1x1x625x64xf32, #tpu.memory_space<hbm>> -> memref<625x64xf32, #tpu.memory_space<hbm>>
      %dma_start3A_159 = arith.constant 0 : i32
      %dma_start3A_160 = tpu.memref_slice %arg16[%mul3A_2, %dma_start3A_159] : memref<10000x64xf32, #tpu.memory_space<vmem_shared>> -> memref<625x64xf32, #tpu.memory_space<vmem_shared>>
      tpu.enqueue_dma source(%dma_start3A_160 : memref<625x64xf32, #tpu.memory_space<vmem_shared>>) target(%dma_start3A_158 : memref<625x64xf32, #tpu.memory_space<hbm>>) target_semaphore(%run_scoped3A_155 : memref<!tpu.dma_semaphore, #tpu.memory_space<semaphore_mem>>)
      %dma_wait3A_161 = arith.constant 0 : i32
      %dma_wait3A_162 = tpu.memref_slice %arg8[%arg0, %run_scoped3A_116, %mul3A_2, %dma_wait3A_161] : memref<2x2x10000x128xf32, #tpu.memory_space<hbm>> -> memref<1x1x625x64xf32, #tpu.memory_space<hbm>>
      %dma_wait3A_163 = tpu.memref_squeeze %dma_wait3A_162 : memref<1x1x625x64xf32, #tpu.memory_space<hbm>> -> memref<625x64xf32, #tpu.memory_space<hbm>>
      %dma_wait3A_164 = arith.constant 0 : i32
      %dma_wait3A_165 = tpu.memref_slice %arg16[%mul3A_2, %dma_wait3A_164] : memref<10000x64xf32, #tpu.memory_space<vmem_shared>> -> memref<625x64xf32, #tpu.memory_space<vmem_shared>>
      tpu.wait_dma2 semaphore(%run_scoped3A_155 : memref<!tpu.dma_semaphore, #tpu.memory_space<semaphore_mem>>) src(%dma_wait3A_165 : memref<625x64xf32, #tpu.memory_space<vmem_shared>>) dst(%dma_wait3A_163 : memref<625x64xf32, #tpu.memory_space<hbm>>)
      tpu.yield
    }) : () -> ()
    %barrier3A_117 = arith.constant 0 : index
    tpu.barrier barrier_id(%barrier3A_117)
    "tpu.region"() ({
      %run_scoped3A_155 = tpu.sem_alloc : memref<!tpu.dma_semaphore, #tpu.memory_space<semaphore_mem>>
      %dma_start3A_156 = arith.constant 0 : i32
      %dma_start3A_157 = tpu.memref_slice %arg16[%mul3A_2, %dma_start3A_156] : memref<10000x64xf32, #tpu.memory_space<vmem_shared>> -> memref<625x64xf32, #tpu.memory_space<vmem_shared>>
      %dma_start3A_158 = arith.constant 0 : i32
      %dma_start3A_159 = tpu.memref_slice %arg7[%mul3A_2, %dma_start3A_158] : memref<10000x64xf32, #tpu.memory_space<hbm>> -> memref<625x64xf32, #tpu.memory_space<hbm>>
      tpu.enqueue_dma source(%dma_start3A_159 : memref<625x64xf32, #tpu.memory_space<hbm>>) target(%dma_start3A_157 : memref<625x64xf32, #tpu.memory_space<vmem_shared>>) target_semaphore(%run_scoped3A_155 : memref<!tpu.dma_semaphore, #tpu.memory_space<semaphore_mem>>)
      %dma_wait3A_160 = arith.constant 0 : i32
      %dma_wait3A_161 = tpu.memref_slice %arg16[%mul3A_2, %dma_wait3A_160] : memref<10000x64xf32, #tpu.memory_space<vmem_shared>> -> memref<625x64xf32, #tpu.memory_space<vmem_shared>>
      %dma_wait3A_162 = arith.constant 0 : i32
      %dma_wait3A_163 = tpu.memref_slice %arg7[%mul3A_2, %dma_wait3A_162] : memref<10000x64xf32, #tpu.memory_space<hbm>> -> memref<625x64xf32, #tpu.memory_space<hbm>>
      tpu.wait_dma2 semaphore(%run_scoped3A_155 : memref<!tpu.dma_semaphore, #tpu.memory_space<semaphore_mem>>) src(%dma_wait3A_163 : memref<625x64xf32, #tpu.memory_space<hbm>>) dst(%dma_wait3A_161 : memref<625x64xf32, #tpu.memory_space<vmem_shared>>)
      tpu.yield
    }) : () -> ()
    "tpu.region"() ({
      %run_scoped3A_155 = tpu.sem_alloc : memref<!tpu.dma_semaphore, #tpu.memory_space<semaphore_mem>>
      %dma_start3A_156 = arith.constant 0 : i32
      %dma_start3A_157 = tpu.memref_slice %arg17[%mul3A_2, %dma_start3A_156] : memref<10000x64xf32, #tpu.memory_space<vmem_shared>> -> memref<625x64xf32, #tpu.memory_space<vmem_shared>>
      %dma_start3A_158 = arith.constant 192 : i32
      %dma_start3A_159 = tpu.memref_slice %arg5[%mul3A_2, %dma_start3A_158] : memref<10000x256xf32, #tpu.memory_space<hbm>> -> memref<625x64xf32, #tpu.memory_space<hbm>>
      tpu.enqueue_dma source(%dma_start3A_159 : memref<625x64xf32, #tpu.memory_space<hbm>>) target(%dma_start3A_157 : memref<625x64xf32, #tpu.memory_space<vmem_shared>>) target_semaphore(%run_scoped3A_155 : memref<!tpu.dma_semaphore, #tpu.memory_space<semaphore_mem>>)
      %dma_wait3A_160 = arith.constant 0 : i32
      %dma_wait3A_161 = tpu.memref_slice %arg17[%mul3A_2, %dma_wait3A_160] : memref<10000x64xf32, #tpu.memory_space<vmem_shared>> -> memref<625x64xf32, #tpu.memory_space<vmem_shared>>
      %dma_wait3A_162 = arith.constant 192 : i32
      %dma_wait3A_163 = tpu.memref_slice %arg5[%mul3A_2, %dma_wait3A_162] : memref<10000x256xf32, #tpu.memory_space<hbm>> -> memref<625x64xf32, #tpu.memory_space<hbm>>
      tpu.wait_dma2 semaphore(%run_scoped3A_155 : memref<!tpu.dma_semaphore, #tpu.memory_space<semaphore_mem>>) src(%dma_wait3A_163 : memref<625x64xf32, #tpu.memory_space<hbm>>) dst(%dma_wait3A_161 : memref<625x64xf32, #tpu.memory_space<vmem_shared>>)
      tpu.yield
    }) : () -> ()
    %barrier3A_118 = arith.constant 0 : index
    tpu.barrier barrier_id(%barrier3A_118)
    %dma_start3A_119 = arith.constant 0 : i32
    %dma_start3A_120 = arith.constant 0 : i32
    %dma_start3A_121 = tpu.memref_slice %arg9[%dma_start3A_119, %dma_start3A_120] : memref<125x80xi32, #tpu.memory_space<vmem>> -> memref<1x80xi32, #tpu.memory_space<vmem>>
    %dma_start3A_122 = tpu.memref_squeeze %dma_start3A_121 : memref<1x80xi32, #tpu.memory_space<vmem>> -> memref<80xi32, #tpu.memory_space<vmem>>
    %dma_start3A_123 = arith.constant 0 : i32
    %dma_start3A_124 = arith.constant 0 : i32
    %dma_start3A_125 = tpu.memref_slice %arg17[%dma_start3A_123, %dma_start3A_124] : memref<10000x64xf32, #tpu.memory_space<vmem_shared>> -> memref<10000x64xf32, #tpu.memory_space<vmem_shared>>
    tpu.enqueue_indirect_dma source(%dma_start3A_125 : memref<10000x64xf32, #tpu.memory_space<vmem_shared>>) target(%arg11 : memref<80x64xf32, #tpu.memory_space<vmem>>) offsets(%dma_start3A_122 : memref<80xi32, #tpu.memory_space<vmem>>) semaphore(%arg18 : memref<!tpu.dma_semaphore, #tpu.memory_space<semaphore_mem>>)
    %dma_start3A_126 = arith.constant 1 : i32
    %dma_start3A_127 = arith.constant 0 : i32
    %dma_start3A_128 = tpu.memref_slice %arg9[%dma_start3A_126, %dma_start3A_127] : memref<125x80xi32, #tpu.memory_space<vmem>> -> memref<1x80xi32, #tpu.memory_space<vmem>>
    %dma_start3A_129 = tpu.memref_squeeze %dma_start3A_128 : memref<1x80xi32, #tpu.memory_space<vmem>> -> memref<80xi32, #tpu.memory_space<vmem>>
    %dma_start3A_130 = arith.constant 0 : i32
    %dma_start3A_131 = arith.constant 0 : i32
    %dma_start3A_132 = tpu.memref_slice %arg17[%dma_start3A_130, %dma_start3A_131] : memref<10000x64xf32, #tpu.memory_space<vmem_shared>> -> memref<10000x64xf32, #tpu.memory_space<vmem_shared>>
    tpu.enqueue_indirect_dma source(%dma_start3A_132 : memref<10000x64xf32, #tpu.memory_space<vmem_shared>>) target(%arg12 : memref<80x64xf32, #tpu.memory_space<vmem>>) offsets(%dma_start3A_129 : memref<80xi32, #tpu.memory_space<vmem>>) semaphore(%arg19 : memref<!tpu.dma_semaphore, #tpu.memory_space<semaphore_mem>>)
    %dma_start3A_133 = arith.constant 2 : i32
    %dma_start3A_134 = arith.constant 0 : i32
    %dma_start3A_135 = tpu.memref_slice %arg9[%dma_start3A_133, %dma_start3A_134] : memref<125x80xi32, #tpu.memory_space<vmem>> -> memref<1x80xi32, #tpu.memory_space<vmem>>
    %dma_start3A_136 = tpu.memref_squeeze %dma_start3A_135 : memref<1x80xi32, #tpu.memory_space<vmem>> -> memref<80xi32, #tpu.memory_space<vmem>>
    %dma_start3A_137 = arith.constant 0 : i32
    %dma_start3A_138 = arith.constant 0 : i32
    %dma_start3A_139 = tpu.memref_slice %arg17[%dma_start3A_137, %dma_start3A_138] : memref<10000x64xf32, #tpu.memory_space<vmem_shared>> -> memref<10000x64xf32, #tpu.memory_space<vmem_shared>>
    tpu.enqueue_indirect_dma source(%dma_start3A_139 : memref<10000x64xf32, #tpu.memory_space<vmem_shared>>) target(%arg13 : memref<80x64xf32, #tpu.memory_space<vmem>>) offsets(%dma_start3A_136 : memref<80xi32, #tpu.memory_space<vmem>>) semaphore(%arg20 : memref<!tpu.dma_semaphore, #tpu.memory_space<semaphore_mem>>)
    %scan3A_140 = arith.constant 0 : i32
    %scan3A_141 = arith.constant 0 : i32
    %scan3A_142 = arith.constant 25 : i32
    %scan3A_143 = arith.addi %scan3A_141, %scan3A_142 : i32
    %scan3A_144 = arith.constant 1 : i32
    scf.for %scan3A_155 = %scan3A_141 to %scan3A_143 step %scan3A_144  : i32 {
      %mul3A_156 = arith.constant 5 : i32
      %mul3A_157 = arith.muli %mul3A_156, %scan3A_155 : i32
      %add3A_158 = arith.constant 0 : i32
      %add3A_159 = arith.addi %mul3A_157, %add3A_158 : i32
      %dma_wait3A_160 = arith.constant 0 : i32
      %dma_wait3A_161 = tpu.memref_slice %arg9[%add3A_159, %dma_wait3A_160] : memref<125x80xi32, #tpu.memory_space<vmem>> -> memref<1x80xi32, #tpu.memory_space<vmem>>
      %dma_wait3A_162 = tpu.memref_squeeze %dma_wait3A_161 : memref<1x80xi32, #tpu.memory_space<vmem>> -> memref<80xi32, #tpu.memory_space<vmem>>
      %dma_wait3A_163 = arith.constant 0 : i32
      %dma_wait3A_164 = arith.constant 0 : i32
      %dma_wait3A_165 = tpu.memref_slice %arg17[%dma_wait3A_163, %dma_wait3A_164] : memref<10000x64xf32, #tpu.memory_space<vmem_shared>> -> memref<10000x64xf32, #tpu.memory_space<vmem_shared>>
      tpu.wait_indirect_dma semaphore(%arg18 : memref<!tpu.dma_semaphore, #tpu.memory_space<semaphore_mem>>) src(%dma_wait3A_165 : memref<10000x64xf32, #tpu.memory_space<vmem_shared>>) dst(%arg11 : memref<80x64xf32, #tpu.memory_space<vmem>>)
      %ge3A = arith.constant 1 : i32
      %ge3A_166 = arith.cmpi sge, %scan3A_155, %ge3A : i32
      %convert_element_type3A = arith.extui %ge3A_166 : i1 to i32
      %cond3A = arith.constant 0 : i32
      %cond3A_167 = arith.cmpi ne, %convert_element_type3A, %cond3A : i32
      scf.if %cond3A_167 {
        %sub3A_299 = arith.constant 1 : i32
        %sub3A_300 = arith.subi %add3A_159, %sub3A_299 : i32
        %dma_wait3A_301 = arith.constant 0 : i32
        %dma_wait3A_302 = tpu.memref_slice %arg10[%sub3A_300, %dma_wait3A_301] : memref<125x80xi32, #tpu.memory_space<vmem>> -> memref<1x80xi32, #tpu.memory_space<vmem>>
        %dma_wait3A_303 = tpu.memref_squeeze %dma_wait3A_302 : memref<1x80xi32, #tpu.memory_space<vmem>> -> memref<80xi32, #tpu.memory_space<vmem>>
        %dma_wait3A_304 = arith.constant 0 : i32
        %dma_wait3A_305 = arith.constant 0 : i32
        %dma_wait3A_306 = tpu.memref_slice %arg16[%dma_wait3A_304, %dma_wait3A_305] : memref<10000x64xf32, #tpu.memory_space<vmem_shared>> -> memref<10000x64xf32, #tpu.memory_space<vmem_shared>>
        tpu.wait_indirect_dma semaphore(%arg27 : memref<!tpu.dma_semaphore, #tpu.memory_space<semaphore_mem>>) src(%arg15 : memref<80x64xf32, #tpu.memory_space<vmem>>) dst(%dma_wait3A_306 : memref<10000x64xf32, #tpu.memory_space<vmem_shared>>)
      } else {
      }
      %dma_start3A_168 = arith.constant 0 : i32
      %dma_start3A_169 = tpu.memref_slice %arg10[%add3A_159, %dma_start3A_168] : memref<125x80xi32, #tpu.memory_space<vmem>> -> memref<1x80xi32, #tpu.memory_space<vmem>>
      %dma_start3A_170 = tpu.memref_squeeze %dma_start3A_169 : memref<1x80xi32, #tpu.memory_space<vmem>> -> memref<80xi32, #tpu.memory_space<vmem>>
      %dma_start3A_171 = arith.constant 0 : i32
      %dma_start3A_172 = arith.constant 0 : i32
      %dma_start3A_173 = tpu.memref_slice %arg16[%dma_start3A_171, %dma_start3A_172] : memref<10000x64xf32, #tpu.memory_space<vmem_shared>> -> memref<10000x64xf32, #tpu.memory_space<vmem_shared>>
      tpu.enqueue_indirect_dma source(%arg11 : memref<80x64xf32, #tpu.memory_space<vmem>>) target(%dma_start3A_173 : memref<10000x64xf32, #tpu.memory_space<vmem_shared>>) offsets(%dma_start3A_170 : memref<80xi32, #tpu.memory_space<vmem>>) semaphore(%arg23 : memref<!tpu.dma_semaphore, #tpu.memory_space<semaphore_mem>>) {add = true}
      %add3A_174 = arith.constant 3 : i32
      %add3A_175 = arith.addi %add3A_159, %add3A_174 : i32
      %dma_start3A_176 = arith.constant 0 : i32
      %dma_start3A_177 = tpu.memref_slice %arg9[%add3A_175, %dma_start3A_176] : memref<125x80xi32, #tpu.memory_space<vmem>> -> memref<1x80xi32, #tpu.memory_space<vmem>>
      %dma_start3A_178 = tpu.memref_squeeze %dma_start3A_177 : memref<1x80xi32, #tpu.memory_space<vmem>> -> memref<80xi32, #tpu.memory_space<vmem>>
      %dma_start3A_179 = arith.constant 0 : i32
      %dma_start3A_180 = arith.constant 0 : i32
      %dma_start3A_181 = tpu.memref_slice %arg17[%dma_start3A_179, %dma_start3A_180] : memref<10000x64xf32, #tpu.memory_space<vmem_shared>> -> memref<10000x64xf32, #tpu.memory_space<vmem_shared>>
      tpu.enqueue_indirect_dma source(%dma_start3A_181 : memref<10000x64xf32, #tpu.memory_space<vmem_shared>>) target(%arg14 : memref<80x64xf32, #tpu.memory_space<vmem>>) offsets(%dma_start3A_178 : memref<80xi32, #tpu.memory_space<vmem>>) semaphore(%arg21 : memref<!tpu.dma_semaphore, #tpu.memory_space<semaphore_mem>>)
      %mul3A_182 = arith.constant 5 : i32
      %mul3A_183 = arith.muli %mul3A_182, %scan3A_155 : i32
      %add3A_184 = arith.constant 1 : i32
      %add3A_185 = arith.addi %mul3A_183, %add3A_184 : i32
      %dma_wait3A_186 = arith.constant 0 : i32
      %dma_wait3A_187 = tpu.memref_slice %arg9[%add3A_185, %dma_wait3A_186] : memref<125x80xi32, #tpu.memory_space<vmem>> -> memref<1x80xi32, #tpu.memory_space<vmem>>
      %dma_wait3A_188 = tpu.memref_squeeze %dma_wait3A_187 : memref<1x80xi32, #tpu.memory_space<vmem>> -> memref<80xi32, #tpu.memory_space<vmem>>
      %dma_wait3A_189 = arith.constant 0 : i32
      %dma_wait3A_190 = arith.constant 0 : i32
      %dma_wait3A_191 = tpu.memref_slice %arg17[%dma_wait3A_189, %dma_wait3A_190] : memref<10000x64xf32, #tpu.memory_space<vmem_shared>> -> memref<10000x64xf32, #tpu.memory_space<vmem_shared>>
      tpu.wait_indirect_dma semaphore(%arg19 : memref<!tpu.dma_semaphore, #tpu.memory_space<semaphore_mem>>) src(%dma_wait3A_191 : memref<10000x64xf32, #tpu.memory_space<vmem_shared>>) dst(%arg12 : memref<80x64xf32, #tpu.memory_space<vmem>>)
      %sub3A = arith.constant 1 : i32
      %sub3A_192 = arith.subi %add3A_185, %sub3A : i32
      %dma_wait3A_193 = arith.constant 0 : i32
      %dma_wait3A_194 = tpu.memref_slice %arg10[%sub3A_192, %dma_wait3A_193] : memref<125x80xi32, #tpu.memory_space<vmem>> -> memref<1x80xi32, #tpu.memory_space<vmem>>
      %dma_wait3A_195 = tpu.memref_squeeze %dma_wait3A_194 : memref<1x80xi32, #tpu.memory_space<vmem>> -> memref<80xi32, #tpu.memory_space<vmem>>
      %dma_wait3A_196 = arith.constant 0 : i32
      %dma_wait3A_197 = arith.constant 0 : i32
      %dma_wait3A_198 = tpu.memref_slice %arg16[%dma_wait3A_196, %dma_wait3A_197] : memref<10000x64xf32, #tpu.memory_space<vmem_shared>> -> memref<10000x64xf32, #tpu.memory_space<vmem_shared>>
      tpu.wait_indirect_dma semaphore(%arg23 : memref<!tpu.dma_semaphore, #tpu.memory_space<semaphore_mem>>) src(%arg11 : memref<80x64xf32, #tpu.memory_space<vmem>>) dst(%dma_wait3A_198 : memref<10000x64xf32, #tpu.memory_space<vmem_shared>>)
      %dma_start3A_199 = arith.constant 0 : i32
      %dma_start3A_200 = tpu.memref_slice %arg10[%add3A_185, %dma_start3A_199] : memref<125x80xi32, #tpu.memory_space<vmem>> -> memref<1x80xi32, #tpu.memory_space<vmem>>
      %dma_start3A_201 = tpu.memref_squeeze %dma_start3A_200 : memref<1x80xi32, #tpu.memory_space<vmem>> -> memref<80xi32, #tpu.memory_space<vmem>>
      %dma_start3A_202 = arith.constant 0 : i32
      %dma_start3A_203 = arith.constant 0 : i32
      %dma_start3A_204 = tpu.memref_slice %arg16[%dma_start3A_202, %dma_start3A_203] : memref<10000x64xf32, #tpu.memory_space<vmem_shared>> -> memref<10000x64xf32, #tpu.memory_space<vmem_shared>>
      tpu.enqueue_indirect_dma source(%arg12 : memref<80x64xf32, #tpu.memory_space<vmem>>) target(%dma_start3A_204 : memref<10000x64xf32, #tpu.memory_space<vmem_shared>>) offsets(%dma_start3A_201 : memref<80xi32, #tpu.memory_space<vmem>>) semaphore(%arg24 : memref<!tpu.dma_semaphore, #tpu.memory_space<semaphore_mem>>) {add = true}
      %add3A_205 = arith.constant 3 : i32
      %add3A_206 = arith.addi %add3A_185, %add3A_205 : i32
      %dma_start3A_207 = arith.constant 0 : i32
      %dma_start3A_208 = tpu.memref_slice %arg9[%add3A_206, %dma_start3A_207] : memref<125x80xi32, #tpu.memory_space<vmem>> -> memref<1x80xi32, #tpu.memory_space<vmem>>
      %dma_start3A_209 = tpu.memref_squeeze %dma_start3A_208 : memref<1x80xi32, #tpu.memory_space<vmem>> -> memref<80xi32, #tpu.memory_space<vmem>>
      %dma_start3A_210 = arith.constant 0 : i32
      %dma_start3A_211 = arith.constant 0 : i32
      %dma_start3A_212 = tpu.memref_slice %arg17[%dma_start3A_210, %dma_start3A_211] : memref<10000x64xf32, #tpu.memory_space<vmem_shared>> -> memref<10000x64xf32, #tpu.memory_space<vmem_shared>>
      tpu.enqueue_indirect_dma source(%dma_start3A_212 : memref<10000x64xf32, #tpu.memory_space<vmem_shared>>) target(%arg15 : memref<80x64xf32, #tpu.memory_space<vmem>>) offsets(%dma_start3A_209 : memref<80xi32, #tpu.memory_space<vmem>>) semaphore(%arg22 : memref<!tpu.dma_semaphore, #tpu.memory_space<semaphore_mem>>)
      %mul3A_213 = arith.constant 5 : i32
      %mul3A_214 = arith.muli %mul3A_213, %scan3A_155 : i32
      %add3A_215 = arith.constant 2 : i32
      %add3A_216 = arith.addi %mul3A_214, %add3A_215 : i32
      %dma_wait3A_217 = arith.constant 0 : i32
      %dma_wait3A_218 = tpu.memref_slice %arg9[%add3A_216, %dma_wait3A_217] : memref<125x80xi32, #tpu.memory_space<vmem>> -> memref<1x80xi32, #tpu.memory_space<vmem>>
      %dma_wait3A_219 = tpu.memref_squeeze %dma_wait3A_218 : memref<1x80xi32, #tpu.memory_space<vmem>> -> memref<80xi32, #tpu.memory_space<vmem>>
      %dma_wait3A_220 = arith.constant 0 : i32
      %dma_wait3A_221 = arith.constant 0 : i32
      %dma_wait3A_222 = tpu.memref_slice %arg17[%dma_wait3A_220, %dma_wait3A_221] : memref<10000x64xf32, #tpu.memory_space<vmem_shared>> -> memref<10000x64xf32, #tpu.memory_space<vmem_shared>>
      tpu.wait_indirect_dma semaphore(%arg20 : memref<!tpu.dma_semaphore, #tpu.memory_space<semaphore_mem>>) src(%dma_wait3A_222 : memref<10000x64xf32, #tpu.memory_space<vmem_shared>>) dst(%arg13 : memref<80x64xf32, #tpu.memory_space<vmem>>)
      %sub3A_223 = arith.constant 1 : i32
      %sub3A_224 = arith.subi %add3A_216, %sub3A_223 : i32
      %dma_wait3A_225 = arith.constant 0 : i32
      %dma_wait3A_226 = tpu.memref_slice %arg10[%sub3A_224, %dma_wait3A_225] : memref<125x80xi32, #tpu.memory_space<vmem>> -> memref<1x80xi32, #tpu.memory_space<vmem>>
      %dma_wait3A_227 = tpu.memref_squeeze %dma_wait3A_226 : memref<1x80xi32, #tpu.memory_space<vmem>> -> memref<80xi32, #tpu.memory_space<vmem>>
      %dma_wait3A_228 = arith.constant 0 : i32
      %dma_wait3A_229 = arith.constant 0 : i32
      %dma_wait3A_230 = tpu.memref_slice %arg16[%dma_wait3A_228, %dma_wait3A_229] : memref<10000x64xf32, #tpu.memory_space<vmem_shared>> -> memref<10000x64xf32, #tpu.memory_space<vmem_shared>>
      tpu.wait_indirect_dma semaphore(%arg24 : memref<!tpu.dma_semaphore, #tpu.memory_space<semaphore_mem>>) src(%arg12 : memref<80x64xf32, #tpu.memory_space<vmem>>) dst(%dma_wait3A_230 : memref<10000x64xf32, #tpu.memory_space<vmem_shared>>)
      %dma_start3A_231 = arith.constant 0 : i32
      %dma_start3A_232 = tpu.memref_slice %arg10[%add3A_216, %dma_start3A_231] : memref<125x80xi32, #tpu.memory_space<vmem>> -> memref<1x80xi32, #tpu.memory_space<vmem>>
      %dma_start3A_233 = tpu.memref_squeeze %dma_start3A_232 : memref<1x80xi32, #tpu.memory_space<vmem>> -> memref<80xi32, #tpu.memory_space<vmem>>
      %dma_start3A_234 = arith.constant 0 : i32
      %dma_start3A_235 = arith.constant 0 : i32
      %dma_start3A_236 = tpu.memref_slice %arg16[%dma_start3A_234, %dma_start3A_235] : memref<10000x64xf32, #tpu.memory_space<vmem_shared>> -> memref<10000x64xf32, #tpu.memory_space<vmem_shared>>
      tpu.enqueue_indirect_dma source(%arg13 : memref<80x64xf32, #tpu.memory_space<vmem>>) target(%dma_start3A_236 : memref<10000x64xf32, #tpu.memory_space<vmem_shared>>) offsets(%dma_start3A_233 : memref<80xi32, #tpu.memory_space<vmem>>) semaphore(%arg25 : memref<!tpu.dma_semaphore, #tpu.memory_space<semaphore_mem>>) {add = true}
      %lt3A = arith.constant 24 : i32
      %lt3A_237 = arith.cmpi slt, %scan3A_155, %lt3A : i32
      %convert_element_type3A_238 = arith.extui %lt3A_237 : i1 to i32
      %cond3A_239 = arith.constant 0 : i32
      %cond3A_240 = arith.cmpi ne, %convert_element_type3A_238, %cond3A_239 : i32
      scf.if %cond3A_240 {
        %add3A_299 = arith.constant 3 : i32
        %add3A_300 = arith.addi %add3A_216, %add3A_299 : i32
        %dma_start3A_301 = arith.constant 0 : i32
        %dma_start3A_302 = tpu.memref_slice %arg9[%add3A_300, %dma_start3A_301] : memref<125x80xi32, #tpu.memory_space<vmem>> -> memref<1x80xi32, #tpu.memory_space<vmem>>
        %dma_start3A_303 = tpu.memref_squeeze %dma_start3A_302 : memref<1x80xi32, #tpu.memory_space<vmem>> -> memref<80xi32, #tpu.memory_space<vmem>>
        %dma_start3A_304 = arith.constant 0 : i32
        %dma_start3A_305 = arith.constant 0 : i32
        %dma_start3A_306 = tpu.memref_slice %arg17[%dma_start3A_304, %dma_start3A_305] : memref<10000x64xf32, #tpu.memory_space<vmem_shared>> -> memref<10000x64xf32, #tpu.memory_space<vmem_shared>>
        tpu.enqueue_indirect_dma source(%dma_start3A_306 : memref<10000x64xf32, #tpu.memory_space<vmem_shared>>) target(%arg11 : memref<80x64xf32, #tpu.memory_space<vmem>>) offsets(%dma_start3A_303 : memref<80xi32, #tpu.memory_space<vmem>>) semaphore(%arg18 : memref<!tpu.dma_semaphore, #tpu.memory_space<semaphore_mem>>)
      } else {
      }
      %mul3A_241 = arith.constant 5 : i32
      %mul3A_242 = arith.muli %mul3A_241, %scan3A_155 : i32
      %add3A_243 = arith.constant 3 : i32
      %add3A_244 = arith.addi %mul3A_242, %add3A_243 : i32
      %dma_wait3A_245 = arith.constant 0 : i32
      %dma_wait3A_246 = tpu.memref_slice %arg9[%add3A_244, %dma_wait3A_245] : memref<125x80xi32, #tpu.memory_space<vmem>> -> memref<1x80xi32, #tpu.memory_space<vmem>>
      %dma_wait3A_247 = tpu.memref_squeeze %dma_wait3A_246 : memref<1x80xi32, #tpu.memory_space<vmem>> -> memref<80xi32, #tpu.memory_space<vmem>>
      %dma_wait3A_248 = arith.constant 0 : i32
      %dma_wait3A_249 = arith.constant 0 : i32
      %dma_wait3A_250 = tpu.memref_slice %arg17[%dma_wait3A_248, %dma_wait3A_249] : memref<10000x64xf32, #tpu.memory_space<vmem_shared>> -> memref<10000x64xf32, #tpu.memory_space<vmem_shared>>
      tpu.wait_indirect_dma semaphore(%arg21 : memref<!tpu.dma_semaphore, #tpu.memory_space<semaphore_mem>>) src(%dma_wait3A_250 : memref<10000x64xf32, #tpu.memory_space<vmem_shared>>) dst(%arg14 : memref<80x64xf32, #tpu.memory_space<vmem>>)
      %sub3A_251 = arith.constant 1 : i32
      %sub3A_252 = arith.subi %add3A_244, %sub3A_251 : i32
      %dma_wait3A_253 = arith.constant 0 : i32
      %dma_wait3A_254 = tpu.memref_slice %arg10[%sub3A_252, %dma_wait3A_253] : memref<125x80xi32, #tpu.memory_space<vmem>> -> memref<1x80xi32, #tpu.memory_space<vmem>>
      %dma_wait3A_255 = tpu.memref_squeeze %dma_wait3A_254 : memref<1x80xi32, #tpu.memory_space<vmem>> -> memref<80xi32, #tpu.memory_space<vmem>>
      %dma_wait3A_256 = arith.constant 0 : i32
      %dma_wait3A_257 = arith.constant 0 : i32
      %dma_wait3A_258 = tpu.memref_slice %arg16[%dma_wait3A_256, %dma_wait3A_257] : memref<10000x64xf32, #tpu.memory_space<vmem_shared>> -> memref<10000x64xf32, #tpu.memory_space<vmem_shared>>
      tpu.wait_indirect_dma semaphore(%arg25 : memref<!tpu.dma_semaphore, #tpu.memory_space<semaphore_mem>>) src(%arg13 : memref<80x64xf32, #tpu.memory_space<vmem>>) dst(%dma_wait3A_258 : memref<10000x64xf32, #tpu.memory_space<vmem_shared>>)
      %dma_start3A_259 = arith.constant 0 : i32
      %dma_start3A_260 = tpu.memref_slice %arg10[%add3A_244, %dma_start3A_259] : memref<125x80xi32, #tpu.memory_space<vmem>> -> memref<1x80xi32, #tpu.memory_space<vmem>>
      %dma_start3A_261 = tpu.memref_squeeze %dma_start3A_260 : memref<1x80xi32, #tpu.memory_space<vmem>> -> memref<80xi32, #tpu.memory_space<vmem>>
      %dma_start3A_262 = arith.constant 0 : i32
      %dma_start3A_263 = arith.constant 0 : i32
      %dma_start3A_264 = tpu.memref_slice %arg16[%dma_start3A_262, %dma_start3A_263] : memref<10000x64xf32, #tpu.memory_space<vmem_shared>> -> memref<10000x64xf32, #tpu.memory_space<vmem_shared>>
      tpu.enqueue_indirect_dma source(%arg14 : memref<80x64xf32, #tpu.memory_space<vmem>>) target(%dma_start3A_264 : memref<10000x64xf32, #tpu.memory_space<vmem_shared>>) offsets(%dma_start3A_261 : memref<80xi32, #tpu.memory_space<vmem>>) semaphore(%arg26 : memref<!tpu.dma_semaphore, #tpu.memory_space<semaphore_mem>>) {add = true}
      %lt3A_265 = arith.constant 24 : i32
      %lt3A_266 = arith.cmpi slt, %scan3A_155, %lt3A_265 : i32
      %convert_element_type3A_267 = arith.extui %lt3A_266 : i1 to i32
      %cond3A_268 = arith.constant 0 : i32
      %cond3A_269 = arith.cmpi ne, %convert_element_type3A_267, %cond3A_268 : i32
      scf.if %cond3A_269 {
        %add3A_299 = arith.constant 3 : i32
        %add3A_300 = arith.addi %add3A_244, %add3A_299 : i32
        %dma_start3A_301 = arith.constant 0 : i32
        %dma_start3A_302 = tpu.memref_slice %arg9[%add3A_300, %dma_start3A_301] : memref<125x80xi32, #tpu.memory_space<vmem>> -> memref<1x80xi32, #tpu.memory_space<vmem>>
        %dma_start3A_303 = tpu.memref_squeeze %dma_start3A_302 : memref<1x80xi32, #tpu.memory_space<vmem>> -> memref<80xi32, #tpu.memory_space<vmem>>
        %dma_start3A_304 = arith.constant 0 : i32
        %dma_start3A_305 = arith.constant 0 : i32
        %dma_start3A_306 = tpu.memref_slice %arg17[%dma_start3A_304, %dma_start3A_305] : memref<10000x64xf32, #tpu.memory_space<vmem_shared>> -> memref<10000x64xf32, #tpu.memory_space<vmem_shared>>
        tpu.enqueue_indirect_dma source(%dma_start3A_306 : memref<10000x64xf32, #tpu.memory_space<vmem_shared>>) target(%arg12 : memref<80x64xf32, #tpu.memory_space<vmem>>) offsets(%dma_start3A_303 : memref<80xi32, #tpu.memory_space<vmem>>) semaphore(%arg19 : memref<!tpu.dma_semaphore, #tpu.memory_space<semaphore_mem>>)
      } else {
      }
      %mul3A_270 = arith.constant 5 : i32
      %mul3A_271 = arith.muli %mul3A_270, %scan3A_155 : i32
      %add3A_272 = arith.constant 4 : i32
      %add3A_273 = arith.addi %mul3A_271, %add3A_272 : i32
      %dma_wait3A_274 = arith.constant 0 : i32
      %dma_wait3A_275 = tpu.memref_slice %arg9[%add3A_273, %dma_wait3A_274] : memref<125x80xi32, #tpu.memory_space<vmem>> -> memref<1x80xi32, #tpu.memory_space<vmem>>
      %dma_wait3A_276 = tpu.memref_squeeze %dma_wait3A_275 : memref<1x80xi32, #tpu.memory_space<vmem>> -> memref<80xi32, #tpu.memory_space<vmem>>
      %dma_wait3A_277 = arith.constant 0 : i32
      %dma_wait3A_278 = arith.constant 0 : i32
      %dma_wait3A_279 = tpu.memref_slice %arg17[%dma_wait3A_277, %dma_wait3A_278] : memref<10000x64xf32, #tpu.memory_space<vmem_shared>> -> memref<10000x64xf32, #tpu.memory_space<vmem_shared>>
      tpu.wait_indirect_dma semaphore(%arg22 : memref<!tpu.dma_semaphore, #tpu.memory_space<semaphore_mem>>) src(%dma_wait3A_279 : memref<10000x64xf32, #tpu.memory_space<vmem_shared>>) dst(%arg15 : memref<80x64xf32, #tpu.memory_space<vmem>>)
      %sub3A_280 = arith.constant 1 : i32
      %sub3A_281 = arith.subi %add3A_273, %sub3A_280 : i32
      %dma_wait3A_282 = arith.constant 0 : i32
      %dma_wait3A_283 = tpu.memref_slice %arg10[%sub3A_281, %dma_wait3A_282] : memref<125x80xi32, #tpu.memory_space<vmem>> -> memref<1x80xi32, #tpu.memory_space<vmem>>
      %dma_wait3A_284 = tpu.memref_squeeze %dma_wait3A_283 : memref<1x80xi32, #tpu.memory_space<vmem>> -> memref<80xi32, #tpu.memory_space<vmem>>
      %dma_wait3A_285 = arith.constant 0 : i32
      %dma_wait3A_286 = arith.constant 0 : i32
      %dma_wait3A_287 = tpu.memref_slice %arg16[%dma_wait3A_285, %dma_wait3A_286] : memref<10000x64xf32, #tpu.memory_space<vmem_shared>> -> memref<10000x64xf32, #tpu.memory_space<vmem_shared>>
      tpu.wait_indirect_dma semaphore(%arg26 : memref<!tpu.dma_semaphore, #tpu.memory_space<semaphore_mem>>) src(%arg14 : memref<80x64xf32, #tpu.memory_space<vmem>>) dst(%dma_wait3A_287 : memref<10000x64xf32, #tpu.memory_space<vmem_shared>>)
      %dma_start3A_288 = arith.constant 0 : i32
      %dma_start3A_289 = tpu.memref_slice %arg10[%add3A_273, %dma_start3A_288] : memref<125x80xi32, #tpu.memory_space<vmem>> -> memref<1x80xi32, #tpu.memory_space<vmem>>
      %dma_start3A_290 = tpu.memref_squeeze %dma_start3A_289 : memref<1x80xi32, #tpu.memory_space<vmem>> -> memref<80xi32, #tpu.memory_space<vmem>>
      %dma_start3A_291 = arith.constant 0 : i32
      %dma_start3A_292 = arith.constant 0 : i32
      %dma_start3A_293 = tpu.memref_slice %arg16[%dma_start3A_291, %dma_start3A_292] : memref<10000x64xf32, #tpu.memory_space<vmem_shared>> -> memref<10000x64xf32, #tpu.memory_space<vmem_shared>>
      tpu.enqueue_indirect_dma source(%arg15 : memref<80x64xf32, #tpu.memory_space<vmem>>) target(%dma_start3A_293 : memref<10000x64xf32, #tpu.memory_space<vmem_shared>>) offsets(%dma_start3A_290 : memref<80xi32, #tpu.memory_space<vmem>>) semaphore(%arg27 : memref<!tpu.dma_semaphore, #tpu.memory_space<semaphore_mem>>) {add = true}
      %lt3A_294 = arith.constant 24 : i32
      %lt3A_295 = arith.cmpi slt, %scan3A_155, %lt3A_294 : i32
      %convert_element_type3A_296 = arith.extui %lt3A_295 : i1 to i32
      %cond3A_297 = arith.constant 0 : i32
      %cond3A_298 = arith.cmpi ne, %convert_element_type3A_296, %cond3A_297 : i32
      scf.if %cond3A_298 {
        %add3A_299 = arith.constant 3 : i32
        %add3A_300 = arith.addi %add3A_273, %add3A_299 : i32
        %dma_start3A_301 = arith.constant 0 : i32
        %dma_start3A_302 = tpu.memref_slice %arg9[%add3A_300, %dma_start3A_301] : memref<125x80xi32, #tpu.memory_space<vmem>> -> memref<1x80xi32, #tpu.memory_space<vmem>>
        %dma_start3A_303 = tpu.memref_squeeze %dma_start3A_302 : memref<1x80xi32, #tpu.memory_space<vmem>> -> memref<80xi32, #tpu.memory_space<vmem>>
        %dma_start3A_304 = arith.constant 0 : i32
        %dma_start3A_305 = arith.constant 0 : i32
        %dma_start3A_306 = tpu.memref_slice %arg17[%dma_start3A_304, %dma_start3A_305] : memref<10000x64xf32, #tpu.memory_space<vmem_shared>> -> memref<10000x64xf32, #tpu.memory_space<vmem_shared>>
        tpu.enqueue_indirect_dma source(%dma_start3A_306 : memref<10000x64xf32, #tpu.memory_space<vmem_shared>>) target(%arg13 : memref<80x64xf32, #tpu.memory_space<vmem>>) offsets(%dma_start3A_303 : memref<80xi32, #tpu.memory_space<vmem>>) semaphore(%arg20 : memref<!tpu.dma_semaphore, #tpu.memory_space<semaphore_mem>>)
      } else {
      }
    }
    %scan3A_145 = arith.constant 25 : i32
    %dma_wait3A_146 = arith.constant 124 : i32
    %dma_wait3A_147 = arith.constant 0 : i32
    %dma_wait3A_148 = tpu.memref_slice %arg10[%dma_wait3A_146, %dma_wait3A_147] : memref<125x80xi32, #tpu.memory_space<vmem>> -> memref<1x80xi32, #tpu.memory_space<vmem>>
    %dma_wait3A_149 = tpu.memref_squeeze %dma_wait3A_148 : memref<1x80xi32, #tpu.memory_space<vmem>> -> memref<80xi32, #tpu.memory_space<vmem>>
    %dma_wait3A_150 = arith.constant 0 : i32
    %dma_wait3A_151 = arith.constant 0 : i32
    %dma_wait3A_152 = tpu.memref_slice %arg16[%dma_wait3A_150, %dma_wait3A_151] : memref<10000x64xf32, #tpu.memory_space<vmem_shared>> -> memref<10000x64xf32, #tpu.memory_space<vmem_shared>>
    tpu.wait_indirect_dma semaphore(%arg27 : memref<!tpu.dma_semaphore, #tpu.memory_space<semaphore_mem>>) src(%arg15 : memref<80x64xf32, #tpu.memory_space<vmem>>) dst(%dma_wait3A_152 : memref<10000x64xf32, #tpu.memory_space<vmem_shared>>)
    %barrier3A_153 = arith.constant 0 : index
    tpu.barrier barrier_id(%barrier3A_153)
    %run_scoped3A_154 = arith.constant 1 : i32
    "tpu.region"() ({
      %run_scoped3A_155 = tpu.sem_alloc : memref<!tpu.dma_semaphore, #tpu.memory_space<semaphore_mem>>
      %dma_start3A_156 = arith.constant 64 : i32
      %dma_start3A_157 = tpu.memref_slice %arg8[%arg0, %run_scoped3A_154, %mul3A_2, %dma_start3A_156] : memref<2x2x10000x128xf32, #tpu.memory_space<hbm>> -> memref<1x1x625x64xf32, #tpu.memory_space<hbm>>
      %dma_start3A_158 = tpu.memref_squeeze %dma_start3A_157 : memref<1x1x625x64xf32, #tpu.memory_space<hbm>> -> memref<625x64xf32, #tpu.memory_space<hbm>>
      %dma_start3A_159 = arith.constant 0 : i32
      %dma_start3A_160 = tpu.memref_slice %arg16[%mul3A_2, %dma_start3A_159] : memref<10000x64xf32, #tpu.memory_space<vmem_shared>> -> memref<625x64xf32, #tpu.memory_space<vmem_shared>>
      tpu.enqueue_dma source(%dma_start3A_160 : memref<625x64xf32, #tpu.memory_space<vmem_shared>>) target(%dma_start3A_158 : memref<625x64xf32, #tpu.memory_space<hbm>>) target_semaphore(%run_scoped3A_155 : memref<!tpu.dma_semaphore, #tpu.memory_space<semaphore_mem>>)
      %dma_wait3A_161 = arith.constant 64 : i32
      %dma_wait3A_162 = tpu.memref_slice %arg8[%arg0, %run_scoped3A_154, %mul3A_2, %dma_wait3A_161] : memref<2x2x10000x128xf32, #tpu.memory_space<hbm>> -> memref<1x1x625x64xf32, #tpu.memory_space<hbm>>
      %dma_wait3A_163 = tpu.memref_squeeze %dma_wait3A_162 : memref<1x1x625x64xf32, #tpu.memory_space<hbm>> -> memref<625x64xf32, #tpu.memory_space<hbm>>
      %dma_wait3A_164 = arith.constant 0 : i32
      %dma_wait3A_165 = tpu.memref_slice %arg16[%mul3A_2, %dma_wait3A_164] : memref<10000x64xf32, #tpu.memory_space<vmem_shared>> -> memref<625x64xf32, #tpu.memory_space<vmem_shared>>
      tpu.wait_dma2 semaphore(%run_scoped3A_155 : memref<!tpu.dma_semaphore, #tpu.memory_space<semaphore_mem>>) src(%dma_wait3A_165 : memref<625x64xf32, #tpu.memory_space<vmem_shared>>) dst(%dma_wait3A_163 : memref<625x64xf32, #tpu.memory_space<hbm>>)
      tpu.yield
    }) : () -> ()
    return
  }
}

#map = affine_map<(d0, d1) -> (0, 0)>
#map1 = affine_map<(d0, d1) -> (0, 0, 0)>
#map2 = affine_map<(d0, d1) -> (0, 0, 0, 0)>
module attributes {stable_mosaic.version = 14 : i64} {
  func.func @_sc_agg_body(%arg0: i32, %arg1: i32, %arg2: memref<10000x128xf32, #tpu.memory_space<hbm>>, %arg3: memref<10000x128xf32, #tpu.memory_space<hbm>>, %arg4: memref<2x4000x80xi32, #tpu.memory_space<hbm>>, %arg5: memref<10000x64xf32, #tpu.memory_space<hbm>>, %arg6: memref<2x1x10000x128xf32, #tpu.memory_space<hbm>>, %arg7: memref<125x80xi32, #tpu.memory_space<vmem>>, %arg8: memref<125x80xi32, #tpu.memory_space<vmem>>, %arg9: memref<80x64xf32, #tpu.memory_space<vmem>>, %arg10: memref<80x64xf32, #tpu.memory_space<vmem>>, %arg11: memref<80x64xf32, #tpu.memory_space<vmem>>, %arg12: memref<80x64xf32, #tpu.memory_space<vmem>>, %arg13: memref<80x64xf32, #tpu.memory_space<vmem>>, %arg14: memref<10000x64xf32, #tpu.memory_space<vmem_shared>>, %arg15: memref<10000x64xf32, #tpu.memory_space<vmem_shared>>, %arg16: memref<!tpu.dma_semaphore, #tpu.memory_space<semaphore_mem>>, %arg17: memref<!tpu.dma_semaphore, #tpu.memory_space<semaphore_mem>>, %arg18: memref<!tpu.dma_semaphore, #tpu.memory_space<semaphore_mem>>, %arg19: memref<!tpu.dma_semaphore, #tpu.memory_space<semaphore_mem>>, %arg20: memref<!tpu.dma_semaphore, #tpu.memory_space<semaphore_mem>>, %arg21: memref<!tpu.dma_semaphore, #tpu.memory_space<semaphore_mem>>, %arg22: memref<!tpu.dma_semaphore, #tpu.memory_space<semaphore_mem>>, %arg23: memref<!tpu.dma_semaphore, #tpu.memory_space<semaphore_mem>>, %arg24: memref<!tpu.dma_semaphore, #tpu.memory_space<semaphore_mem>>, %arg25: memref<!tpu.dma_semaphore, #tpu.memory_space<semaphore_mem>>) attributes {dimension_semantics = [#tpu.dimension_semantics<core_parallel>, #tpu.dimension_semantics<subcore_parallel>], iteration_bounds = array<i64: 2, 16>, scalar_prefetch = 0 : i64, scratch_operands = 19 : i64, tpu.core_type = #tpu.core_type<sc_vector_subcore>, window_params = [{transform_indices = #map}, {transform_indices = #map}, {transform_indices = #map1}, {transform_indices = #map}, {transform_indices = #map2}]} {
    %mul3A = arith.constant 16 : i32
    %mul3A_0 = arith.muli %arg0, %mul3A : i32
    %add3A = arith.addi %mul3A_0, %arg1 : i32
    %mul3A_1 = arith.constant 625 : i32
    %mul3A_2 = arith.muli %arg1, %mul3A_1 : i32
    %mul3A_3 = arith.constant 125 : i32
    %mul3A_4 = arith.muli %add3A, %mul3A_3 : i32
    %run_scoped3A = arith.constant 0 : i32
    "tpu.region"() ({
      %run_scoped3A_79 = tpu.sem_alloc : memref<!tpu.dma_semaphore, #tpu.memory_space<semaphore_mem>>
      %dma_start3A_80 = arith.constant 0 : i32
      %dma_start3A_81 = tpu.memref_slice %arg4[%run_scoped3A, %mul3A_4, %dma_start3A_80] : memref<2x4000x80xi32, #tpu.memory_space<hbm>> -> memref<1x125x80xi32, #tpu.memory_space<hbm>>
      %dma_start3A_82 = tpu.memref_squeeze %dma_start3A_81 : memref<1x125x80xi32, #tpu.memory_space<hbm>> -> memref<125x80xi32, #tpu.memory_space<hbm>>
      %dma_start3A_83 = arith.constant 0 : i32
      %dma_start3A_84 = tpu.memref_slice %arg4[%run_scoped3A, %mul3A_4, %dma_start3A_83] : memref<2x4000x80xi32, #tpu.memory_space<hbm>> -> memref<1x125x80xi32, #tpu.memory_space<hbm>>
      %dma_start3A_85 = tpu.memref_squeeze %dma_start3A_84 : memref<1x125x80xi32, #tpu.memory_space<hbm>> -> memref<125x80xi32, #tpu.memory_space<hbm>>
      tpu.enqueue_dma source(%dma_start3A_85 : memref<125x80xi32, #tpu.memory_space<hbm>>) target(%arg7 : memref<125x80xi32, #tpu.memory_space<vmem>>) target_semaphore(%run_scoped3A_79 : memref<!tpu.dma_semaphore, #tpu.memory_space<semaphore_mem>>)
      %dma_wait3A_86 = arith.constant 0 : i32
      %dma_wait3A_87 = tpu.memref_slice %arg4[%run_scoped3A, %mul3A_4, %dma_wait3A_86] : memref<2x4000x80xi32, #tpu.memory_space<hbm>> -> memref<1x125x80xi32, #tpu.memory_space<hbm>>
      %dma_wait3A_88 = tpu.memref_squeeze %dma_wait3A_87 : memref<1x125x80xi32, #tpu.memory_space<hbm>> -> memref<125x80xi32, #tpu.memory_space<hbm>>
      %dma_wait3A_89 = arith.constant 0 : i32
      %dma_wait3A_90 = tpu.memref_slice %arg4[%run_scoped3A, %mul3A_4, %dma_wait3A_89] : memref<2x4000x80xi32, #tpu.memory_space<hbm>> -> memref<1x125x80xi32, #tpu.memory_space<hbm>>
      %dma_wait3A_91 = tpu.memref_squeeze %dma_wait3A_90 : memref<1x125x80xi32, #tpu.memory_space<hbm>> -> memref<125x80xi32, #tpu.memory_space<hbm>>
      tpu.wait_dma2 semaphore(%run_scoped3A_79 : memref<!tpu.dma_semaphore, #tpu.memory_space<semaphore_mem>>) src(%dma_wait3A_91 : memref<125x80xi32, #tpu.memory_space<hbm>>) dst(%arg7 : memref<125x80xi32, #tpu.memory_space<vmem>>)
      tpu.yield
    }) : () -> ()
    %mul3A_5 = arith.constant 125 : i32
    %mul3A_6 = arith.muli %add3A, %mul3A_5 : i32
    %run_scoped3A_7 = arith.constant 1 : i32
    "tpu.region"() ({
      %run_scoped3A_79 = tpu.sem_alloc : memref<!tpu.dma_semaphore, #tpu.memory_space<semaphore_mem>>
      %dma_start3A_80 = arith.constant 0 : i32
      %dma_start3A_81 = tpu.memref_slice %arg4[%run_scoped3A_7, %mul3A_6, %dma_start3A_80] : memref<2x4000x80xi32, #tpu.memory_space<hbm>> -> memref<1x125x80xi32, #tpu.memory_space<hbm>>
      %dma_start3A_82 = tpu.memref_squeeze %dma_start3A_81 : memref<1x125x80xi32, #tpu.memory_space<hbm>> -> memref<125x80xi32, #tpu.memory_space<hbm>>
      %dma_start3A_83 = arith.constant 0 : i32
      %dma_start3A_84 = tpu.memref_slice %arg4[%run_scoped3A_7, %mul3A_6, %dma_start3A_83] : memref<2x4000x80xi32, #tpu.memory_space<hbm>> -> memref<1x125x80xi32, #tpu.memory_space<hbm>>
      %dma_start3A_85 = tpu.memref_squeeze %dma_start3A_84 : memref<1x125x80xi32, #tpu.memory_space<hbm>> -> memref<125x80xi32, #tpu.memory_space<hbm>>
      tpu.enqueue_dma source(%dma_start3A_85 : memref<125x80xi32, #tpu.memory_space<hbm>>) target(%arg8 : memref<125x80xi32, #tpu.memory_space<vmem>>) target_semaphore(%run_scoped3A_79 : memref<!tpu.dma_semaphore, #tpu.memory_space<semaphore_mem>>)
      %dma_wait3A_86 = arith.constant 0 : i32
      %dma_wait3A_87 = tpu.memref_slice %arg4[%run_scoped3A_7, %mul3A_6, %dma_wait3A_86] : memref<2x4000x80xi32, #tpu.memory_space<hbm>> -> memref<1x125x80xi32, #tpu.memory_space<hbm>>
      %dma_wait3A_88 = tpu.memref_squeeze %dma_wait3A_87 : memref<1x125x80xi32, #tpu.memory_space<hbm>> -> memref<125x80xi32, #tpu.memory_space<hbm>>
      %dma_wait3A_89 = arith.constant 0 : i32
      %dma_wait3A_90 = tpu.memref_slice %arg4[%run_scoped3A_7, %mul3A_6, %dma_wait3A_89] : memref<2x4000x80xi32, #tpu.memory_space<hbm>> -> memref<1x125x80xi32, #tpu.memory_space<hbm>>
      %dma_wait3A_91 = tpu.memref_squeeze %dma_wait3A_90 : memref<1x125x80xi32, #tpu.memory_space<hbm>> -> memref<125x80xi32, #tpu.memory_space<hbm>>
      tpu.wait_dma2 semaphore(%run_scoped3A_79 : memref<!tpu.dma_semaphore, #tpu.memory_space<semaphore_mem>>) src(%dma_wait3A_91 : memref<125x80xi32, #tpu.memory_space<hbm>>) dst(%arg8 : memref<125x80xi32, #tpu.memory_space<vmem>>)
      tpu.yield
    }) : () -> ()
    "tpu.region"() ({
      %run_scoped3A_79 = tpu.sem_alloc : memref<!tpu.dma_semaphore, #tpu.memory_space<semaphore_mem>>
      %dma_start3A_80 = arith.constant 0 : i32
      %dma_start3A_81 = tpu.memref_slice %arg14[%mul3A_2, %dma_start3A_80] : memref<10000x64xf32, #tpu.memory_space<vmem_shared>> -> memref<625x64xf32, #tpu.memory_space<vmem_shared>>
      %dma_start3A_82 = arith.constant 0 : i32
      %dma_start3A_83 = tpu.memref_slice %arg5[%mul3A_2, %dma_start3A_82] : memref<10000x64xf32, #tpu.memory_space<hbm>> -> memref<625x64xf32, #tpu.memory_space<hbm>>
      tpu.enqueue_dma source(%dma_start3A_83 : memref<625x64xf32, #tpu.memory_space<hbm>>) target(%dma_start3A_81 : memref<625x64xf32, #tpu.memory_space<vmem_shared>>) target_semaphore(%run_scoped3A_79 : memref<!tpu.dma_semaphore, #tpu.memory_space<semaphore_mem>>)
      %dma_wait3A_84 = arith.constant 0 : i32
      %dma_wait3A_85 = tpu.memref_slice %arg14[%mul3A_2, %dma_wait3A_84] : memref<10000x64xf32, #tpu.memory_space<vmem_shared>> -> memref<625x64xf32, #tpu.memory_space<vmem_shared>>
      %dma_wait3A_86 = arith.constant 0 : i32
      %dma_wait3A_87 = tpu.memref_slice %arg5[%mul3A_2, %dma_wait3A_86] : memref<10000x64xf32, #tpu.memory_space<hbm>> -> memref<625x64xf32, #tpu.memory_space<hbm>>
      tpu.wait_dma2 semaphore(%run_scoped3A_79 : memref<!tpu.dma_semaphore, #tpu.memory_space<semaphore_mem>>) src(%dma_wait3A_87 : memref<625x64xf32, #tpu.memory_space<hbm>>) dst(%dma_wait3A_85 : memref<625x64xf32, #tpu.memory_space<vmem_shared>>)
      tpu.yield
    }) : () -> ()
    "tpu.region"() ({
      %run_scoped3A_79 = tpu.sem_alloc : memref<!tpu.dma_semaphore, #tpu.memory_space<semaphore_mem>>
      %dma_start3A_80 = arith.constant 0 : i32
      %dma_start3A_81 = tpu.memref_slice %arg15[%mul3A_2, %dma_start3A_80] : memref<10000x64xf32, #tpu.memory_space<vmem_shared>> -> memref<625x64xf32, #tpu.memory_space<vmem_shared>>
      %dma_start3A_82 = arith.constant 0 : i32
      %dma_start3A_83 = tpu.memref_slice %arg2[%mul3A_2, %dma_start3A_82] : memref<10000x128xf32, #tpu.memory_space<hbm>> -> memref<625x64xf32, #tpu.memory_space<hbm>>
      tpu.enqueue_dma source(%dma_start3A_83 : memref<625x64xf32, #tpu.memory_space<hbm>>) target(%dma_start3A_81 : memref<625x64xf32, #tpu.memory_space<vmem_shared>>) target_semaphore(%run_scoped3A_79 : memref<!tpu.dma_semaphore, #tpu.memory_space<semaphore_mem>>)
      %dma_wait3A_84 = arith.constant 0 : i32
      %dma_wait3A_85 = tpu.memref_slice %arg15[%mul3A_2, %dma_wait3A_84] : memref<10000x64xf32, #tpu.memory_space<vmem_shared>> -> memref<625x64xf32, #tpu.memory_space<vmem_shared>>
      %dma_wait3A_86 = arith.constant 0 : i32
      %dma_wait3A_87 = tpu.memref_slice %arg2[%mul3A_2, %dma_wait3A_86] : memref<10000x128xf32, #tpu.memory_space<hbm>> -> memref<625x64xf32, #tpu.memory_space<hbm>>
      tpu.wait_dma2 semaphore(%run_scoped3A_79 : memref<!tpu.dma_semaphore, #tpu.memory_space<semaphore_mem>>) src(%dma_wait3A_87 : memref<625x64xf32, #tpu.memory_space<hbm>>) dst(%dma_wait3A_85 : memref<625x64xf32, #tpu.memory_space<vmem_shared>>)
      tpu.yield
    }) : () -> ()
    %barrier3A = arith.constant 0 : index
    tpu.barrier barrier_id(%barrier3A)
    %dma_start3A = arith.constant 0 : i32
    %dma_start3A_8 = arith.constant 0 : i32
    %dma_start3A_9 = tpu.memref_slice %arg7[%dma_start3A, %dma_start3A_8] : memref<125x80xi32, #tpu.memory_space<vmem>> -> memref<1x80xi32, #tpu.memory_space<vmem>>
    %dma_start3A_10 = tpu.memref_squeeze %dma_start3A_9 : memref<1x80xi32, #tpu.memory_space<vmem>> -> memref<80xi32, #tpu.memory_space<vmem>>
    %dma_start3A_11 = arith.constant 0 : i32
    %dma_start3A_12 = arith.constant 0 : i32
    %dma_start3A_13 = tpu.memref_slice %arg15[%dma_start3A_11, %dma_start3A_12] : memref<10000x64xf32, #tpu.memory_space<vmem_shared>> -> memref<10000x64xf32, #tpu.memory_space<vmem_shared>>
    tpu.enqueue_indirect_dma source(%dma_start3A_13 : memref<10000x64xf32, #tpu.memory_space<vmem_shared>>) target(%arg9 : memref<80x64xf32, #tpu.memory_space<vmem>>) offsets(%dma_start3A_10 : memref<80xi32, #tpu.memory_space<vmem>>) semaphore(%arg16 : memref<!tpu.dma_semaphore, #tpu.memory_space<semaphore_mem>>)
    %dma_start3A_14 = arith.constant 1 : i32
    %dma_start3A_15 = arith.constant 0 : i32
    %dma_start3A_16 = tpu.memref_slice %arg7[%dma_start3A_14, %dma_start3A_15] : memref<125x80xi32, #tpu.memory_space<vmem>> -> memref<1x80xi32, #tpu.memory_space<vmem>>
    %dma_start3A_17 = tpu.memref_squeeze %dma_start3A_16 : memref<1x80xi32, #tpu.memory_space<vmem>> -> memref<80xi32, #tpu.memory_space<vmem>>
    %dma_start3A_18 = arith.constant 0 : i32
    %dma_start3A_19 = arith.constant 0 : i32
    %dma_start3A_20 = tpu.memref_slice %arg15[%dma_start3A_18, %dma_start3A_19] : memref<10000x64xf32, #tpu.memory_space<vmem_shared>> -> memref<10000x64xf32, #tpu.memory_space<vmem_shared>>
    tpu.enqueue_indirect_dma source(%dma_start3A_20 : memref<10000x64xf32, #tpu.memory_space<vmem_shared>>) target(%arg10 : memref<80x64xf32, #tpu.memory_space<vmem>>) offsets(%dma_start3A_17 : memref<80xi32, #tpu.memory_space<vmem>>) semaphore(%arg17 : memref<!tpu.dma_semaphore, #tpu.memory_space<semaphore_mem>>)
    %dma_start3A_21 = arith.constant 2 : i32
    %dma_start3A_22 = arith.constant 0 : i32
    %dma_start3A_23 = tpu.memref_slice %arg7[%dma_start3A_21, %dma_start3A_22] : memref<125x80xi32, #tpu.memory_space<vmem>> -> memref<1x80xi32, #tpu.memory_space<vmem>>
    %dma_start3A_24 = tpu.memref_squeeze %dma_start3A_23 : memref<1x80xi32, #tpu.memory_space<vmem>> -> memref<80xi32, #tpu.memory_space<vmem>>
    %dma_start3A_25 = arith.constant 0 : i32
    %dma_start3A_26 = arith.constant 0 : i32
    %dma_start3A_27 = tpu.memref_slice %arg15[%dma_start3A_25, %dma_start3A_26] : memref<10000x64xf32, #tpu.memory_space<vmem_shared>> -> memref<10000x64xf32, #tpu.memory_space<vmem_shared>>
    tpu.enqueue_indirect_dma source(%dma_start3A_27 : memref<10000x64xf32, #tpu.memory_space<vmem_shared>>) target(%arg11 : memref<80x64xf32, #tpu.memory_space<vmem>>) offsets(%dma_start3A_24 : memref<80xi32, #tpu.memory_space<vmem>>) semaphore(%arg18 : memref<!tpu.dma_semaphore, #tpu.memory_space<semaphore_mem>>)
    %scan3A = arith.constant 0 : i32
    %scan3A_28 = arith.constant 0 : i32
    %scan3A_29 = arith.constant 25 : i32
    %scan3A_30 = arith.addi %scan3A_28, %scan3A_29 : i32
    %scan3A_31 = arith.constant 1 : i32
    scf.for %scan3A_79 = %scan3A_28 to %scan3A_30 step %scan3A_31  : i32 {
      %mul3A_80 = arith.constant 5 : i32
      %mul3A_81 = arith.muli %mul3A_80, %scan3A_79 : i32
      %add3A_82 = arith.constant 0 : i32
      %add3A_83 = arith.addi %mul3A_81, %add3A_82 : i32
      %dma_wait3A_84 = arith.constant 0 : i32
      %dma_wait3A_85 = tpu.memref_slice %arg7[%add3A_83, %dma_wait3A_84] : memref<125x80xi32, #tpu.memory_space<vmem>> -> memref<1x80xi32, #tpu.memory_space<vmem>>
      %dma_wait3A_86 = tpu.memref_squeeze %dma_wait3A_85 : memref<1x80xi32, #tpu.memory_space<vmem>> -> memref<80xi32, #tpu.memory_space<vmem>>
      %dma_wait3A_87 = arith.constant 0 : i32
      %dma_wait3A_88 = arith.constant 0 : i32
      %dma_wait3A_89 = tpu.memref_slice %arg15[%dma_wait3A_87, %dma_wait3A_88] : memref<10000x64xf32, #tpu.memory_space<vmem_shared>> -> memref<10000x64xf32, #tpu.memory_space<vmem_shared>>
      tpu.wait_indirect_dma semaphore(%arg16 : memref<!tpu.dma_semaphore, #tpu.memory_space<semaphore_mem>>) src(%dma_wait3A_89 : memref<10000x64xf32, #tpu.memory_space<vmem_shared>>) dst(%arg9 : memref<80x64xf32, #tpu.memory_space<vmem>>)
      %ge3A = arith.constant 1 : i32
      %ge3A_90 = arith.cmpi sge, %scan3A_79, %ge3A : i32
      %convert_element_type3A = arith.extui %ge3A_90 : i1 to i32
      %cond3A = arith.constant 0 : i32
      %cond3A_91 = arith.cmpi ne, %convert_element_type3A, %cond3A : i32
      scf.if %cond3A_91 {
        %sub3A_223 = arith.constant 1 : i32
        %sub3A_224 = arith.subi %add3A_83, %sub3A_223 : i32
        %dma_wait3A_225 = arith.constant 0 : i32
        %dma_wait3A_226 = tpu.memref_slice %arg8[%sub3A_224, %dma_wait3A_225] : memref<125x80xi32, #tpu.memory_space<vmem>> -> memref<1x80xi32, #tpu.memory_space<vmem>>
        %dma_wait3A_227 = tpu.memref_squeeze %dma_wait3A_226 : memref<1x80xi32, #tpu.memory_space<vmem>> -> memref<80xi32, #tpu.memory_space<vmem>>
        %dma_wait3A_228 = arith.constant 0 : i32
        %dma_wait3A_229 = arith.constant 0 : i32
        %dma_wait3A_230 = tpu.memref_slice %arg14[%dma_wait3A_228, %dma_wait3A_229] : memref<10000x64xf32, #tpu.memory_space<vmem_shared>> -> memref<10000x64xf32, #tpu.memory_space<vmem_shared>>
        tpu.wait_indirect_dma semaphore(%arg25 : memref<!tpu.dma_semaphore, #tpu.memory_space<semaphore_mem>>) src(%arg13 : memref<80x64xf32, #tpu.memory_space<vmem>>) dst(%dma_wait3A_230 : memref<10000x64xf32, #tpu.memory_space<vmem_shared>>)
      } else {
      }
      %dma_start3A_92 = arith.constant 0 : i32
      %dma_start3A_93 = tpu.memref_slice %arg8[%add3A_83, %dma_start3A_92] : memref<125x80xi32, #tpu.memory_space<vmem>> -> memref<1x80xi32, #tpu.memory_space<vmem>>
      %dma_start3A_94 = tpu.memref_squeeze %dma_start3A_93 : memref<1x80xi32, #tpu.memory_space<vmem>> -> memref<80xi32, #tpu.memory_space<vmem>>
      %dma_start3A_95 = arith.constant 0 : i32
      %dma_start3A_96 = arith.constant 0 : i32
      %dma_start3A_97 = tpu.memref_slice %arg14[%dma_start3A_95, %dma_start3A_96] : memref<10000x64xf32, #tpu.memory_space<vmem_shared>> -> memref<10000x64xf32, #tpu.memory_space<vmem_shared>>
      tpu.enqueue_indirect_dma source(%arg9 : memref<80x64xf32, #tpu.memory_space<vmem>>) target(%dma_start3A_97 : memref<10000x64xf32, #tpu.memory_space<vmem_shared>>) offsets(%dma_start3A_94 : memref<80xi32, #tpu.memory_space<vmem>>) semaphore(%arg21 : memref<!tpu.dma_semaphore, #tpu.memory_space<semaphore_mem>>) {add = true}
      %add3A_98 = arith.constant 3 : i32
      %add3A_99 = arith.addi %add3A_83, %add3A_98 : i32
      %dma_start3A_100 = arith.constant 0 : i32
      %dma_start3A_101 = tpu.memref_slice %arg7[%add3A_99, %dma_start3A_100] : memref<125x80xi32, #tpu.memory_space<vmem>> -> memref<1x80xi32, #tpu.memory_space<vmem>>
      %dma_start3A_102 = tpu.memref_squeeze %dma_start3A_101 : memref<1x80xi32, #tpu.memory_space<vmem>> -> memref<80xi32, #tpu.memory_space<vmem>>
      %dma_start3A_103 = arith.constant 0 : i32
      %dma_start3A_104 = arith.constant 0 : i32
      %dma_start3A_105 = tpu.memref_slice %arg15[%dma_start3A_103, %dma_start3A_104] : memref<10000x64xf32, #tpu.memory_space<vmem_shared>> -> memref<10000x64xf32, #tpu.memory_space<vmem_shared>>
      tpu.enqueue_indirect_dma source(%dma_start3A_105 : memref<10000x64xf32, #tpu.memory_space<vmem_shared>>) target(%arg12 : memref<80x64xf32, #tpu.memory_space<vmem>>) offsets(%dma_start3A_102 : memref<80xi32, #tpu.memory_space<vmem>>) semaphore(%arg19 : memref<!tpu.dma_semaphore, #tpu.memory_space<semaphore_mem>>)
      %mul3A_106 = arith.constant 5 : i32
      %mul3A_107 = arith.muli %mul3A_106, %scan3A_79 : i32
      %add3A_108 = arith.constant 1 : i32
      %add3A_109 = arith.addi %mul3A_107, %add3A_108 : i32
      %dma_wait3A_110 = arith.constant 0 : i32
      %dma_wait3A_111 = tpu.memref_slice %arg7[%add3A_109, %dma_wait3A_110] : memref<125x80xi32, #tpu.memory_space<vmem>> -> memref<1x80xi32, #tpu.memory_space<vmem>>
      %dma_wait3A_112 = tpu.memref_squeeze %dma_wait3A_111 : memref<1x80xi32, #tpu.memory_space<vmem>> -> memref<80xi32, #tpu.memory_space<vmem>>
      %dma_wait3A_113 = arith.constant 0 : i32
      %dma_wait3A_114 = arith.constant 0 : i32
      %dma_wait3A_115 = tpu.memref_slice %arg15[%dma_wait3A_113, %dma_wait3A_114] : memref<10000x64xf32, #tpu.memory_space<vmem_shared>> -> memref<10000x64xf32, #tpu.memory_space<vmem_shared>>
      tpu.wait_indirect_dma semaphore(%arg17 : memref<!tpu.dma_semaphore, #tpu.memory_space<semaphore_mem>>) src(%dma_wait3A_115 : memref<10000x64xf32, #tpu.memory_space<vmem_shared>>) dst(%arg10 : memref<80x64xf32, #tpu.memory_space<vmem>>)
      %sub3A = arith.constant 1 : i32
      %sub3A_116 = arith.subi %add3A_109, %sub3A : i32
      %dma_wait3A_117 = arith.constant 0 : i32
      %dma_wait3A_118 = tpu.memref_slice %arg8[%sub3A_116, %dma_wait3A_117] : memref<125x80xi32, #tpu.memory_space<vmem>> -> memref<1x80xi32, #tpu.memory_space<vmem>>
      %dma_wait3A_119 = tpu.memref_squeeze %dma_wait3A_118 : memref<1x80xi32, #tpu.memory_space<vmem>> -> memref<80xi32, #tpu.memory_space<vmem>>
      %dma_wait3A_120 = arith.constant 0 : i32
      %dma_wait3A_121 = arith.constant 0 : i32
      %dma_wait3A_122 = tpu.memref_slice %arg14[%dma_wait3A_120, %dma_wait3A_121] : memref<10000x64xf32, #tpu.memory_space<vmem_shared>> -> memref<10000x64xf32, #tpu.memory_space<vmem_shared>>
      tpu.wait_indirect_dma semaphore(%arg21 : memref<!tpu.dma_semaphore, #tpu.memory_space<semaphore_mem>>) src(%arg9 : memref<80x64xf32, #tpu.memory_space<vmem>>) dst(%dma_wait3A_122 : memref<10000x64xf32, #tpu.memory_space<vmem_shared>>)
      %dma_start3A_123 = arith.constant 0 : i32
      %dma_start3A_124 = tpu.memref_slice %arg8[%add3A_109, %dma_start3A_123] : memref<125x80xi32, #tpu.memory_space<vmem>> -> memref<1x80xi32, #tpu.memory_space<vmem>>
      %dma_start3A_125 = tpu.memref_squeeze %dma_start3A_124 : memref<1x80xi32, #tpu.memory_space<vmem>> -> memref<80xi32, #tpu.memory_space<vmem>>
      %dma_start3A_126 = arith.constant 0 : i32
      %dma_start3A_127 = arith.constant 0 : i32
      %dma_start3A_128 = tpu.memref_slice %arg14[%dma_start3A_126, %dma_start3A_127] : memref<10000x64xf32, #tpu.memory_space<vmem_shared>> -> memref<10000x64xf32, #tpu.memory_space<vmem_shared>>
      tpu.enqueue_indirect_dma source(%arg10 : memref<80x64xf32, #tpu.memory_space<vmem>>) target(%dma_start3A_128 : memref<10000x64xf32, #tpu.memory_space<vmem_shared>>) offsets(%dma_start3A_125 : memref<80xi32, #tpu.memory_space<vmem>>) semaphore(%arg22 : memref<!tpu.dma_semaphore, #tpu.memory_space<semaphore_mem>>) {add = true}
      %add3A_129 = arith.constant 3 : i32
      %add3A_130 = arith.addi %add3A_109, %add3A_129 : i32
      %dma_start3A_131 = arith.constant 0 : i32
      %dma_start3A_132 = tpu.memref_slice %arg7[%add3A_130, %dma_start3A_131] : memref<125x80xi32, #tpu.memory_space<vmem>> -> memref<1x80xi32, #tpu.memory_space<vmem>>
      %dma_start3A_133 = tpu.memref_squeeze %dma_start3A_132 : memref<1x80xi32, #tpu.memory_space<vmem>> -> memref<80xi32, #tpu.memory_space<vmem>>
      %dma_start3A_134 = arith.constant 0 : i32
      %dma_start3A_135 = arith.constant 0 : i32
      %dma_start3A_136 = tpu.memref_slice %arg15[%dma_start3A_134, %dma_start3A_135] : memref<10000x64xf32, #tpu.memory_space<vmem_shared>> -> memref<10000x64xf32, #tpu.memory_space<vmem_shared>>
      tpu.enqueue_indirect_dma source(%dma_start3A_136 : memref<10000x64xf32, #tpu.memory_space<vmem_shared>>) target(%arg13 : memref<80x64xf32, #tpu.memory_space<vmem>>) offsets(%dma_start3A_133 : memref<80xi32, #tpu.memory_space<vmem>>) semaphore(%arg20 : memref<!tpu.dma_semaphore, #tpu.memory_space<semaphore_mem>>)
      %mul3A_137 = arith.constant 5 : i32
      %mul3A_138 = arith.muli %mul3A_137, %scan3A_79 : i32
      %add3A_139 = arith.constant 2 : i32
      %add3A_140 = arith.addi %mul3A_138, %add3A_139 : i32
      %dma_wait3A_141 = arith.constant 0 : i32
      %dma_wait3A_142 = tpu.memref_slice %arg7[%add3A_140, %dma_wait3A_141] : memref<125x80xi32, #tpu.memory_space<vmem>> -> memref<1x80xi32, #tpu.memory_space<vmem>>
      %dma_wait3A_143 = tpu.memref_squeeze %dma_wait3A_142 : memref<1x80xi32, #tpu.memory_space<vmem>> -> memref<80xi32, #tpu.memory_space<vmem>>
      %dma_wait3A_144 = arith.constant 0 : i32
      %dma_wait3A_145 = arith.constant 0 : i32
      %dma_wait3A_146 = tpu.memref_slice %arg15[%dma_wait3A_144, %dma_wait3A_145] : memref<10000x64xf32, #tpu.memory_space<vmem_shared>> -> memref<10000x64xf32, #tpu.memory_space<vmem_shared>>
      tpu.wait_indirect_dma semaphore(%arg18 : memref<!tpu.dma_semaphore, #tpu.memory_space<semaphore_mem>>) src(%dma_wait3A_146 : memref<10000x64xf32, #tpu.memory_space<vmem_shared>>) dst(%arg11 : memref<80x64xf32, #tpu.memory_space<vmem>>)
      %sub3A_147 = arith.constant 1 : i32
      %sub3A_148 = arith.subi %add3A_140, %sub3A_147 : i32
      %dma_wait3A_149 = arith.constant 0 : i32
      %dma_wait3A_150 = tpu.memref_slice %arg8[%sub3A_148, %dma_wait3A_149] : memref<125x80xi32, #tpu.memory_space<vmem>> -> memref<1x80xi32, #tpu.memory_space<vmem>>
      %dma_wait3A_151 = tpu.memref_squeeze %dma_wait3A_150 : memref<1x80xi32, #tpu.memory_space<vmem>> -> memref<80xi32, #tpu.memory_space<vmem>>
      %dma_wait3A_152 = arith.constant 0 : i32
      %dma_wait3A_153 = arith.constant 0 : i32
      %dma_wait3A_154 = tpu.memref_slice %arg14[%dma_wait3A_152, %dma_wait3A_153] : memref<10000x64xf32, #tpu.memory_space<vmem_shared>> -> memref<10000x64xf32, #tpu.memory_space<vmem_shared>>
      tpu.wait_indirect_dma semaphore(%arg22 : memref<!tpu.dma_semaphore, #tpu.memory_space<semaphore_mem>>) src(%arg10 : memref<80x64xf32, #tpu.memory_space<vmem>>) dst(%dma_wait3A_154 : memref<10000x64xf32, #tpu.memory_space<vmem_shared>>)
      %dma_start3A_155 = arith.constant 0 : i32
      %dma_start3A_156 = tpu.memref_slice %arg8[%add3A_140, %dma_start3A_155] : memref<125x80xi32, #tpu.memory_space<vmem>> -> memref<1x80xi32, #tpu.memory_space<vmem>>
      %dma_start3A_157 = tpu.memref_squeeze %dma_start3A_156 : memref<1x80xi32, #tpu.memory_space<vmem>> -> memref<80xi32, #tpu.memory_space<vmem>>
      %dma_start3A_158 = arith.constant 0 : i32
      %dma_start3A_159 = arith.constant 0 : i32
      %dma_start3A_160 = tpu.memref_slice %arg14[%dma_start3A_158, %dma_start3A_159] : memref<10000x64xf32, #tpu.memory_space<vmem_shared>> -> memref<10000x64xf32, #tpu.memory_space<vmem_shared>>
      tpu.enqueue_indirect_dma source(%arg11 : memref<80x64xf32, #tpu.memory_space<vmem>>) target(%dma_start3A_160 : memref<10000x64xf32, #tpu.memory_space<vmem_shared>>) offsets(%dma_start3A_157 : memref<80xi32, #tpu.memory_space<vmem>>) semaphore(%arg23 : memref<!tpu.dma_semaphore, #tpu.memory_space<semaphore_mem>>) {add = true}
      %lt3A = arith.constant 24 : i32
      %lt3A_161 = arith.cmpi slt, %scan3A_79, %lt3A : i32
      %convert_element_type3A_162 = arith.extui %lt3A_161 : i1 to i32
      %cond3A_163 = arith.constant 0 : i32
      %cond3A_164 = arith.cmpi ne, %convert_element_type3A_162, %cond3A_163 : i32
      scf.if %cond3A_164 {
        %add3A_223 = arith.constant 3 : i32
        %add3A_224 = arith.addi %add3A_140, %add3A_223 : i32
        %dma_start3A_225 = arith.constant 0 : i32
        %dma_start3A_226 = tpu.memref_slice %arg7[%add3A_224, %dma_start3A_225] : memref<125x80xi32, #tpu.memory_space<vmem>> -> memref<1x80xi32, #tpu.memory_space<vmem>>
        %dma_start3A_227 = tpu.memref_squeeze %dma_start3A_226 : memref<1x80xi32, #tpu.memory_space<vmem>> -> memref<80xi32, #tpu.memory_space<vmem>>
        %dma_start3A_228 = arith.constant 0 : i32
        %dma_start3A_229 = arith.constant 0 : i32
        %dma_start3A_230 = tpu.memref_slice %arg15[%dma_start3A_228, %dma_start3A_229] : memref<10000x64xf32, #tpu.memory_space<vmem_shared>> -> memref<10000x64xf32, #tpu.memory_space<vmem_shared>>
        tpu.enqueue_indirect_dma source(%dma_start3A_230 : memref<10000x64xf32, #tpu.memory_space<vmem_shared>>) target(%arg9 : memref<80x64xf32, #tpu.memory_space<vmem>>) offsets(%dma_start3A_227 : memref<80xi32, #tpu.memory_space<vmem>>) semaphore(%arg16 : memref<!tpu.dma_semaphore, #tpu.memory_space<semaphore_mem>>)
      } else {
      }
      %mul3A_165 = arith.constant 5 : i32
      %mul3A_166 = arith.muli %mul3A_165, %scan3A_79 : i32
      %add3A_167 = arith.constant 3 : i32
      %add3A_168 = arith.addi %mul3A_166, %add3A_167 : i32
      %dma_wait3A_169 = arith.constant 0 : i32
      %dma_wait3A_170 = tpu.memref_slice %arg7[%add3A_168, %dma_wait3A_169] : memref<125x80xi32, #tpu.memory_space<vmem>> -> memref<1x80xi32, #tpu.memory_space<vmem>>
      %dma_wait3A_171 = tpu.memref_squeeze %dma_wait3A_170 : memref<1x80xi32, #tpu.memory_space<vmem>> -> memref<80xi32, #tpu.memory_space<vmem>>
      %dma_wait3A_172 = arith.constant 0 : i32
      %dma_wait3A_173 = arith.constant 0 : i32
      %dma_wait3A_174 = tpu.memref_slice %arg15[%dma_wait3A_172, %dma_wait3A_173] : memref<10000x64xf32, #tpu.memory_space<vmem_shared>> -> memref<10000x64xf32, #tpu.memory_space<vmem_shared>>
      tpu.wait_indirect_dma semaphore(%arg19 : memref<!tpu.dma_semaphore, #tpu.memory_space<semaphore_mem>>) src(%dma_wait3A_174 : memref<10000x64xf32, #tpu.memory_space<vmem_shared>>) dst(%arg12 : memref<80x64xf32, #tpu.memory_space<vmem>>)
      %sub3A_175 = arith.constant 1 : i32
      %sub3A_176 = arith.subi %add3A_168, %sub3A_175 : i32
      %dma_wait3A_177 = arith.constant 0 : i32
      %dma_wait3A_178 = tpu.memref_slice %arg8[%sub3A_176, %dma_wait3A_177] : memref<125x80xi32, #tpu.memory_space<vmem>> -> memref<1x80xi32, #tpu.memory_space<vmem>>
      %dma_wait3A_179 = tpu.memref_squeeze %dma_wait3A_178 : memref<1x80xi32, #tpu.memory_space<vmem>> -> memref<80xi32, #tpu.memory_space<vmem>>
      %dma_wait3A_180 = arith.constant 0 : i32
      %dma_wait3A_181 = arith.constant 0 : i32
      %dma_wait3A_182 = tpu.memref_slice %arg14[%dma_wait3A_180, %dma_wait3A_181] : memref<10000x64xf32, #tpu.memory_space<vmem_shared>> -> memref<10000x64xf32, #tpu.memory_space<vmem_shared>>
      tpu.wait_indirect_dma semaphore(%arg23 : memref<!tpu.dma_semaphore, #tpu.memory_space<semaphore_mem>>) src(%arg11 : memref<80x64xf32, #tpu.memory_space<vmem>>) dst(%dma_wait3A_182 : memref<10000x64xf32, #tpu.memory_space<vmem_shared>>)
      %dma_start3A_183 = arith.constant 0 : i32
      %dma_start3A_184 = tpu.memref_slice %arg8[%add3A_168, %dma_start3A_183] : memref<125x80xi32, #tpu.memory_space<vmem>> -> memref<1x80xi32, #tpu.memory_space<vmem>>
      %dma_start3A_185 = tpu.memref_squeeze %dma_start3A_184 : memref<1x80xi32, #tpu.memory_space<vmem>> -> memref<80xi32, #tpu.memory_space<vmem>>
      %dma_start3A_186 = arith.constant 0 : i32
      %dma_start3A_187 = arith.constant 0 : i32
      %dma_start3A_188 = tpu.memref_slice %arg14[%dma_start3A_186, %dma_start3A_187] : memref<10000x64xf32, #tpu.memory_space<vmem_shared>> -> memref<10000x64xf32, #tpu.memory_space<vmem_shared>>
      tpu.enqueue_indirect_dma source(%arg12 : memref<80x64xf32, #tpu.memory_space<vmem>>) target(%dma_start3A_188 : memref<10000x64xf32, #tpu.memory_space<vmem_shared>>) offsets(%dma_start3A_185 : memref<80xi32, #tpu.memory_space<vmem>>) semaphore(%arg24 : memref<!tpu.dma_semaphore, #tpu.memory_space<semaphore_mem>>) {add = true}
      %lt3A_189 = arith.constant 24 : i32
      %lt3A_190 = arith.cmpi slt, %scan3A_79, %lt3A_189 : i32
      %convert_element_type3A_191 = arith.extui %lt3A_190 : i1 to i32
      %cond3A_192 = arith.constant 0 : i32
      %cond3A_193 = arith.cmpi ne, %convert_element_type3A_191, %cond3A_192 : i32
      scf.if %cond3A_193 {
        %add3A_223 = arith.constant 3 : i32
        %add3A_224 = arith.addi %add3A_168, %add3A_223 : i32
        %dma_start3A_225 = arith.constant 0 : i32
        %dma_start3A_226 = tpu.memref_slice %arg7[%add3A_224, %dma_start3A_225] : memref<125x80xi32, #tpu.memory_space<vmem>> -> memref<1x80xi32, #tpu.memory_space<vmem>>
        %dma_start3A_227 = tpu.memref_squeeze %dma_start3A_226 : memref<1x80xi32, #tpu.memory_space<vmem>> -> memref<80xi32, #tpu.memory_space<vmem>>
        %dma_start3A_228 = arith.constant 0 : i32
        %dma_start3A_229 = arith.constant 0 : i32
        %dma_start3A_230 = tpu.memref_slice %arg15[%dma_start3A_228, %dma_start3A_229] : memref<10000x64xf32, #tpu.memory_space<vmem_shared>> -> memref<10000x64xf32, #tpu.memory_space<vmem_shared>>
        tpu.enqueue_indirect_dma source(%dma_start3A_230 : memref<10000x64xf32, #tpu.memory_space<vmem_shared>>) target(%arg10 : memref<80x64xf32, #tpu.memory_space<vmem>>) offsets(%dma_start3A_227 : memref<80xi32, #tpu.memory_space<vmem>>) semaphore(%arg17 : memref<!tpu.dma_semaphore, #tpu.memory_space<semaphore_mem>>)
      } else {
      }
      %mul3A_194 = arith.constant 5 : i32
      %mul3A_195 = arith.muli %mul3A_194, %scan3A_79 : i32
      %add3A_196 = arith.constant 4 : i32
      %add3A_197 = arith.addi %mul3A_195, %add3A_196 : i32
      %dma_wait3A_198 = arith.constant 0 : i32
      %dma_wait3A_199 = tpu.memref_slice %arg7[%add3A_197, %dma_wait3A_198] : memref<125x80xi32, #tpu.memory_space<vmem>> -> memref<1x80xi32, #tpu.memory_space<vmem>>
      %dma_wait3A_200 = tpu.memref_squeeze %dma_wait3A_199 : memref<1x80xi32, #tpu.memory_space<vmem>> -> memref<80xi32, #tpu.memory_space<vmem>>
      %dma_wait3A_201 = arith.constant 0 : i32
      %dma_wait3A_202 = arith.constant 0 : i32
      %dma_wait3A_203 = tpu.memref_slice %arg15[%dma_wait3A_201, %dma_wait3A_202] : memref<10000x64xf32, #tpu.memory_space<vmem_shared>> -> memref<10000x64xf32, #tpu.memory_space<vmem_shared>>
      tpu.wait_indirect_dma semaphore(%arg20 : memref<!tpu.dma_semaphore, #tpu.memory_space<semaphore_mem>>) src(%dma_wait3A_203 : memref<10000x64xf32, #tpu.memory_space<vmem_shared>>) dst(%arg13 : memref<80x64xf32, #tpu.memory_space<vmem>>)
      %sub3A_204 = arith.constant 1 : i32
      %sub3A_205 = arith.subi %add3A_197, %sub3A_204 : i32
      %dma_wait3A_206 = arith.constant 0 : i32
      %dma_wait3A_207 = tpu.memref_slice %arg8[%sub3A_205, %dma_wait3A_206] : memref<125x80xi32, #tpu.memory_space<vmem>> -> memref<1x80xi32, #tpu.memory_space<vmem>>
      %dma_wait3A_208 = tpu.memref_squeeze %dma_wait3A_207 : memref<1x80xi32, #tpu.memory_space<vmem>> -> memref<80xi32, #tpu.memory_space<vmem>>
      %dma_wait3A_209 = arith.constant 0 : i32
      %dma_wait3A_210 = arith.constant 0 : i32
      %dma_wait3A_211 = tpu.memref_slice %arg14[%dma_wait3A_209, %dma_wait3A_210] : memref<10000x64xf32, #tpu.memory_space<vmem_shared>> -> memref<10000x64xf32, #tpu.memory_space<vmem_shared>>
      tpu.wait_indirect_dma semaphore(%arg24 : memref<!tpu.dma_semaphore, #tpu.memory_space<semaphore_mem>>) src(%arg12 : memref<80x64xf32, #tpu.memory_space<vmem>>) dst(%dma_wait3A_211 : memref<10000x64xf32, #tpu.memory_space<vmem_shared>>)
      %dma_start3A_212 = arith.constant 0 : i32
      %dma_start3A_213 = tpu.memref_slice %arg8[%add3A_197, %dma_start3A_212] : memref<125x80xi32, #tpu.memory_space<vmem>> -> memref<1x80xi32, #tpu.memory_space<vmem>>
      %dma_start3A_214 = tpu.memref_squeeze %dma_start3A_213 : memref<1x80xi32, #tpu.memory_space<vmem>> -> memref<80xi32, #tpu.memory_space<vmem>>
      %dma_start3A_215 = arith.constant 0 : i32
      %dma_start3A_216 = arith.constant 0 : i32
      %dma_start3A_217 = tpu.memref_slice %arg14[%dma_start3A_215, %dma_start3A_216] : memref<10000x64xf32, #tpu.memory_space<vmem_shared>> -> memref<10000x64xf32, #tpu.memory_space<vmem_shared>>
      tpu.enqueue_indirect_dma source(%arg13 : memref<80x64xf32, #tpu.memory_space<vmem>>) target(%dma_start3A_217 : memref<10000x64xf32, #tpu.memory_space<vmem_shared>>) offsets(%dma_start3A_214 : memref<80xi32, #tpu.memory_space<vmem>>) semaphore(%arg25 : memref<!tpu.dma_semaphore, #tpu.memory_space<semaphore_mem>>) {add = true}
      %lt3A_218 = arith.constant 24 : i32
      %lt3A_219 = arith.cmpi slt, %scan3A_79, %lt3A_218 : i32
      %convert_element_type3A_220 = arith.extui %lt3A_219 : i1 to i32
      %cond3A_221 = arith.constant 0 : i32
      %cond3A_222 = arith.cmpi ne, %convert_element_type3A_220, %cond3A_221 : i32
      scf.if %cond3A_222 {
        %add3A_223 = arith.constant 3 : i32
        %add3A_224 = arith.addi %add3A_197, %add3A_223 : i32
        %dma_start3A_225 = arith.constant 0 : i32
        %dma_start3A_226 = tpu.memref_slice %arg7[%add3A_224, %dma_start3A_225] : memref<125x80xi32, #tpu.memory_space<vmem>> -> memref<1x80xi32, #tpu.memory_space<vmem>>
        %dma_start3A_227 = tpu.memref_squeeze %dma_start3A_226 : memref<1x80xi32, #tpu.memory_space<vmem>> -> memref<80xi32, #tpu.memory_space<vmem>>
        %dma_start3A_228 = arith.constant 0 : i32
        %dma_start3A_229 = arith.constant 0 : i32
        %dma_start3A_230 = tpu.memref_slice %arg15[%dma_start3A_228, %dma_start3A_229] : memref<10000x64xf32, #tpu.memory_space<vmem_shared>> -> memref<10000x64xf32, #tpu.memory_space<vmem_shared>>
        tpu.enqueue_indirect_dma source(%dma_start3A_230 : memref<10000x64xf32, #tpu.memory_space<vmem_shared>>) target(%arg11 : memref<80x64xf32, #tpu.memory_space<vmem>>) offsets(%dma_start3A_227 : memref<80xi32, #tpu.memory_space<vmem>>) semaphore(%arg18 : memref<!tpu.dma_semaphore, #tpu.memory_space<semaphore_mem>>)
      } else {
      }
    }
    %scan3A_32 = arith.constant 25 : i32
    %dma_wait3A = arith.constant 124 : i32
    %dma_wait3A_33 = arith.constant 0 : i32
    %dma_wait3A_34 = tpu.memref_slice %arg8[%dma_wait3A, %dma_wait3A_33] : memref<125x80xi32, #tpu.memory_space<vmem>> -> memref<1x80xi32, #tpu.memory_space<vmem>>
    %dma_wait3A_35 = tpu.memref_squeeze %dma_wait3A_34 : memref<1x80xi32, #tpu.memory_space<vmem>> -> memref<80xi32, #tpu.memory_space<vmem>>
    %dma_wait3A_36 = arith.constant 0 : i32
    %dma_wait3A_37 = arith.constant 0 : i32
    %dma_wait3A_38 = tpu.memref_slice %arg14[%dma_wait3A_36, %dma_wait3A_37] : memref<10000x64xf32, #tpu.memory_space<vmem_shared>> -> memref<10000x64xf32, #tpu.memory_space<vmem_shared>>
    tpu.wait_indirect_dma semaphore(%arg25 : memref<!tpu.dma_semaphore, #tpu.memory_space<semaphore_mem>>) src(%arg13 : memref<80x64xf32, #tpu.memory_space<vmem>>) dst(%dma_wait3A_38 : memref<10000x64xf32, #tpu.memory_space<vmem_shared>>)
    %barrier3A_39 = arith.constant 0 : index
    tpu.barrier barrier_id(%barrier3A_39)
    %run_scoped3A_40 = arith.constant 0 : i32
    "tpu.region"() ({
      %run_scoped3A_79 = tpu.sem_alloc : memref<!tpu.dma_semaphore, #tpu.memory_space<semaphore_mem>>
      %dma_start3A_80 = arith.constant 0 : i32
      %dma_start3A_81 = tpu.memref_slice %arg6[%arg0, %run_scoped3A_40, %mul3A_2, %dma_start3A_80] : memref<2x1x10000x128xf32, #tpu.memory_space<hbm>> -> memref<1x1x625x64xf32, #tpu.memory_space<hbm>>
      %dma_start3A_82 = tpu.memref_squeeze %dma_start3A_81 : memref<1x1x625x64xf32, #tpu.memory_space<hbm>> -> memref<625x64xf32, #tpu.memory_space<hbm>>
      %dma_start3A_83 = arith.constant 0 : i32
      %dma_start3A_84 = tpu.memref_slice %arg14[%mul3A_2, %dma_start3A_83] : memref<10000x64xf32, #tpu.memory_space<vmem_shared>> -> memref<625x64xf32, #tpu.memory_space<vmem_shared>>
      tpu.enqueue_dma source(%dma_start3A_84 : memref<625x64xf32, #tpu.memory_space<vmem_shared>>) target(%dma_start3A_82 : memref<625x64xf32, #tpu.memory_space<hbm>>) target_semaphore(%run_scoped3A_79 : memref<!tpu.dma_semaphore, #tpu.memory_space<semaphore_mem>>)
      %dma_wait3A_85 = arith.constant 0 : i32
      %dma_wait3A_86 = tpu.memref_slice %arg6[%arg0, %run_scoped3A_40, %mul3A_2, %dma_wait3A_85] : memref<2x1x10000x128xf32, #tpu.memory_space<hbm>> -> memref<1x1x625x64xf32, #tpu.memory_space<hbm>>
      %dma_wait3A_87 = tpu.memref_squeeze %dma_wait3A_86 : memref<1x1x625x64xf32, #tpu.memory_space<hbm>> -> memref<625x64xf32, #tpu.memory_space<hbm>>
      %dma_wait3A_88 = arith.constant 0 : i32
      %dma_wait3A_89 = tpu.memref_slice %arg14[%mul3A_2, %dma_wait3A_88] : memref<10000x64xf32, #tpu.memory_space<vmem_shared>> -> memref<625x64xf32, #tpu.memory_space<vmem_shared>>
      tpu.wait_dma2 semaphore(%run_scoped3A_79 : memref<!tpu.dma_semaphore, #tpu.memory_space<semaphore_mem>>) src(%dma_wait3A_89 : memref<625x64xf32, #tpu.memory_space<vmem_shared>>) dst(%dma_wait3A_87 : memref<625x64xf32, #tpu.memory_space<hbm>>)
      tpu.yield
    }) : () -> ()
    %barrier3A_41 = arith.constant 0 : index
    tpu.barrier barrier_id(%barrier3A_41)
    "tpu.region"() ({
      %run_scoped3A_79 = tpu.sem_alloc : memref<!tpu.dma_semaphore, #tpu.memory_space<semaphore_mem>>
      %dma_start3A_80 = arith.constant 0 : i32
      %dma_start3A_81 = tpu.memref_slice %arg14[%mul3A_2, %dma_start3A_80] : memref<10000x64xf32, #tpu.memory_space<vmem_shared>> -> memref<625x64xf32, #tpu.memory_space<vmem_shared>>
      %dma_start3A_82 = arith.constant 0 : i32
      %dma_start3A_83 = tpu.memref_slice %arg5[%mul3A_2, %dma_start3A_82] : memref<10000x64xf32, #tpu.memory_space<hbm>> -> memref<625x64xf32, #tpu.memory_space<hbm>>
      tpu.enqueue_dma source(%dma_start3A_83 : memref<625x64xf32, #tpu.memory_space<hbm>>) target(%dma_start3A_81 : memref<625x64xf32, #tpu.memory_space<vmem_shared>>) target_semaphore(%run_scoped3A_79 : memref<!tpu.dma_semaphore, #tpu.memory_space<semaphore_mem>>)
      %dma_wait3A_84 = arith.constant 0 : i32
      %dma_wait3A_85 = tpu.memref_slice %arg14[%mul3A_2, %dma_wait3A_84] : memref<10000x64xf32, #tpu.memory_space<vmem_shared>> -> memref<625x64xf32, #tpu.memory_space<vmem_shared>>
      %dma_wait3A_86 = arith.constant 0 : i32
      %dma_wait3A_87 = tpu.memref_slice %arg5[%mul3A_2, %dma_wait3A_86] : memref<10000x64xf32, #tpu.memory_space<hbm>> -> memref<625x64xf32, #tpu.memory_space<hbm>>
      tpu.wait_dma2 semaphore(%run_scoped3A_79 : memref<!tpu.dma_semaphore, #tpu.memory_space<semaphore_mem>>) src(%dma_wait3A_87 : memref<625x64xf32, #tpu.memory_space<hbm>>) dst(%dma_wait3A_85 : memref<625x64xf32, #tpu.memory_space<vmem_shared>>)
      tpu.yield
    }) : () -> ()
    "tpu.region"() ({
      %run_scoped3A_79 = tpu.sem_alloc : memref<!tpu.dma_semaphore, #tpu.memory_space<semaphore_mem>>
      %dma_start3A_80 = arith.constant 0 : i32
      %dma_start3A_81 = tpu.memref_slice %arg15[%mul3A_2, %dma_start3A_80] : memref<10000x64xf32, #tpu.memory_space<vmem_shared>> -> memref<625x64xf32, #tpu.memory_space<vmem_shared>>
      %dma_start3A_82 = arith.constant 64 : i32
      %dma_start3A_83 = tpu.memref_slice %arg3[%mul3A_2, %dma_start3A_82] : memref<10000x128xf32, #tpu.memory_space<hbm>> -> memref<625x64xf32, #tpu.memory_space<hbm>>
      tpu.enqueue_dma source(%dma_start3A_83 : memref<625x64xf32, #tpu.memory_space<hbm>>) target(%dma_start3A_81 : memref<625x64xf32, #tpu.memory_space<vmem_shared>>) target_semaphore(%run_scoped3A_79 : memref<!tpu.dma_semaphore, #tpu.memory_space<semaphore_mem>>)
      %dma_wait3A_84 = arith.constant 0 : i32
      %dma_wait3A_85 = tpu.memref_slice %arg15[%mul3A_2, %dma_wait3A_84] : memref<10000x64xf32, #tpu.memory_space<vmem_shared>> -> memref<625x64xf32, #tpu.memory_space<vmem_shared>>
      %dma_wait3A_86 = arith.constant 64 : i32
      %dma_wait3A_87 = tpu.memref_slice %arg3[%mul3A_2, %dma_wait3A_86] : memref<10000x128xf32, #tpu.memory_space<hbm>> -> memref<625x64xf32, #tpu.memory_space<hbm>>
      tpu.wait_dma2 semaphore(%run_scoped3A_79 : memref<!tpu.dma_semaphore, #tpu.memory_space<semaphore_mem>>) src(%dma_wait3A_87 : memref<625x64xf32, #tpu.memory_space<hbm>>) dst(%dma_wait3A_85 : memref<625x64xf32, #tpu.memory_space<vmem_shared>>)
      tpu.yield
    }) : () -> ()
    %barrier3A_42 = arith.constant 0 : index
    tpu.barrier barrier_id(%barrier3A_42)
    %dma_start3A_43 = arith.constant 0 : i32
    %dma_start3A_44 = arith.constant 0 : i32
    %dma_start3A_45 = tpu.memref_slice %arg7[%dma_start3A_43, %dma_start3A_44] : memref<125x80xi32, #tpu.memory_space<vmem>> -> memref<1x80xi32, #tpu.memory_space<vmem>>
    %dma_start3A_46 = tpu.memref_squeeze %dma_start3A_45 : memref<1x80xi32, #tpu.memory_space<vmem>> -> memref<80xi32, #tpu.memory_space<vmem>>
    %dma_start3A_47 = arith.constant 0 : i32
    %dma_start3A_48 = arith.constant 0 : i32
    %dma_start3A_49 = tpu.memref_slice %arg15[%dma_start3A_47, %dma_start3A_48] : memref<10000x64xf32, #tpu.memory_space<vmem_shared>> -> memref<10000x64xf32, #tpu.memory_space<vmem_shared>>
    tpu.enqueue_indirect_dma source(%dma_start3A_49 : memref<10000x64xf32, #tpu.memory_space<vmem_shared>>) target(%arg9 : memref<80x64xf32, #tpu.memory_space<vmem>>) offsets(%dma_start3A_46 : memref<80xi32, #tpu.memory_space<vmem>>) semaphore(%arg16 : memref<!tpu.dma_semaphore, #tpu.memory_space<semaphore_mem>>)
    %dma_start3A_50 = arith.constant 1 : i32
    %dma_start3A_51 = arith.constant 0 : i32
    %dma_start3A_52 = tpu.memref_slice %arg7[%dma_start3A_50, %dma_start3A_51] : memref<125x80xi32, #tpu.memory_space<vmem>> -> memref<1x80xi32, #tpu.memory_space<vmem>>
    %dma_start3A_53 = tpu.memref_squeeze %dma_start3A_52 : memref<1x80xi32, #tpu.memory_space<vmem>> -> memref<80xi32, #tpu.memory_space<vmem>>
    %dma_start3A_54 = arith.constant 0 : i32
    %dma_start3A_55 = arith.constant 0 : i32
    %dma_start3A_56 = tpu.memref_slice %arg15[%dma_start3A_54, %dma_start3A_55] : memref<10000x64xf32, #tpu.memory_space<vmem_shared>> -> memref<10000x64xf32, #tpu.memory_space<vmem_shared>>
    tpu.enqueue_indirect_dma source(%dma_start3A_56 : memref<10000x64xf32, #tpu.memory_space<vmem_shared>>) target(%arg10 : memref<80x64xf32, #tpu.memory_space<vmem>>) offsets(%dma_start3A_53 : memref<80xi32, #tpu.memory_space<vmem>>) semaphore(%arg17 : memref<!tpu.dma_semaphore, #tpu.memory_space<semaphore_mem>>)
    %dma_start3A_57 = arith.constant 2 : i32
    %dma_start3A_58 = arith.constant 0 : i32
    %dma_start3A_59 = tpu.memref_slice %arg7[%dma_start3A_57, %dma_start3A_58] : memref<125x80xi32, #tpu.memory_space<vmem>> -> memref<1x80xi32, #tpu.memory_space<vmem>>
    %dma_start3A_60 = tpu.memref_squeeze %dma_start3A_59 : memref<1x80xi32, #tpu.memory_space<vmem>> -> memref<80xi32, #tpu.memory_space<vmem>>
    %dma_start3A_61 = arith.constant 0 : i32
    %dma_start3A_62 = arith.constant 0 : i32
    %dma_start3A_63 = tpu.memref_slice %arg15[%dma_start3A_61, %dma_start3A_62] : memref<10000x64xf32, #tpu.memory_space<vmem_shared>> -> memref<10000x64xf32, #tpu.memory_space<vmem_shared>>
    tpu.enqueue_indirect_dma source(%dma_start3A_63 : memref<10000x64xf32, #tpu.memory_space<vmem_shared>>) target(%arg11 : memref<80x64xf32, #tpu.memory_space<vmem>>) offsets(%dma_start3A_60 : memref<80xi32, #tpu.memory_space<vmem>>) semaphore(%arg18 : memref<!tpu.dma_semaphore, #tpu.memory_space<semaphore_mem>>)
    %scan3A_64 = arith.constant 0 : i32
    %scan3A_65 = arith.constant 0 : i32
    %scan3A_66 = arith.constant 25 : i32
    %scan3A_67 = arith.addi %scan3A_65, %scan3A_66 : i32
    %scan3A_68 = arith.constant 1 : i32
    scf.for %scan3A_79 = %scan3A_65 to %scan3A_67 step %scan3A_68  : i32 {
      %mul3A_80 = arith.constant 5 : i32
      %mul3A_81 = arith.muli %mul3A_80, %scan3A_79 : i32
      %add3A_82 = arith.constant 0 : i32
      %add3A_83 = arith.addi %mul3A_81, %add3A_82 : i32
      %dma_wait3A_84 = arith.constant 0 : i32
      %dma_wait3A_85 = tpu.memref_slice %arg7[%add3A_83, %dma_wait3A_84] : memref<125x80xi32, #tpu.memory_space<vmem>> -> memref<1x80xi32, #tpu.memory_space<vmem>>
      %dma_wait3A_86 = tpu.memref_squeeze %dma_wait3A_85 : memref<1x80xi32, #tpu.memory_space<vmem>> -> memref<80xi32, #tpu.memory_space<vmem>>
      %dma_wait3A_87 = arith.constant 0 : i32
      %dma_wait3A_88 = arith.constant 0 : i32
      %dma_wait3A_89 = tpu.memref_slice %arg15[%dma_wait3A_87, %dma_wait3A_88] : memref<10000x64xf32, #tpu.memory_space<vmem_shared>> -> memref<10000x64xf32, #tpu.memory_space<vmem_shared>>
      tpu.wait_indirect_dma semaphore(%arg16 : memref<!tpu.dma_semaphore, #tpu.memory_space<semaphore_mem>>) src(%dma_wait3A_89 : memref<10000x64xf32, #tpu.memory_space<vmem_shared>>) dst(%arg9 : memref<80x64xf32, #tpu.memory_space<vmem>>)
      %ge3A = arith.constant 1 : i32
      %ge3A_90 = arith.cmpi sge, %scan3A_79, %ge3A : i32
      %convert_element_type3A = arith.extui %ge3A_90 : i1 to i32
      %cond3A = arith.constant 0 : i32
      %cond3A_91 = arith.cmpi ne, %convert_element_type3A, %cond3A : i32
      scf.if %cond3A_91 {
        %sub3A_223 = arith.constant 1 : i32
        %sub3A_224 = arith.subi %add3A_83, %sub3A_223 : i32
        %dma_wait3A_225 = arith.constant 0 : i32
        %dma_wait3A_226 = tpu.memref_slice %arg8[%sub3A_224, %dma_wait3A_225] : memref<125x80xi32, #tpu.memory_space<vmem>> -> memref<1x80xi32, #tpu.memory_space<vmem>>
        %dma_wait3A_227 = tpu.memref_squeeze %dma_wait3A_226 : memref<1x80xi32, #tpu.memory_space<vmem>> -> memref<80xi32, #tpu.memory_space<vmem>>
        %dma_wait3A_228 = arith.constant 0 : i32
        %dma_wait3A_229 = arith.constant 0 : i32
        %dma_wait3A_230 = tpu.memref_slice %arg14[%dma_wait3A_228, %dma_wait3A_229] : memref<10000x64xf32, #tpu.memory_space<vmem_shared>> -> memref<10000x64xf32, #tpu.memory_space<vmem_shared>>
        tpu.wait_indirect_dma semaphore(%arg25 : memref<!tpu.dma_semaphore, #tpu.memory_space<semaphore_mem>>) src(%arg13 : memref<80x64xf32, #tpu.memory_space<vmem>>) dst(%dma_wait3A_230 : memref<10000x64xf32, #tpu.memory_space<vmem_shared>>)
      } else {
      }
      %dma_start3A_92 = arith.constant 0 : i32
      %dma_start3A_93 = tpu.memref_slice %arg8[%add3A_83, %dma_start3A_92] : memref<125x80xi32, #tpu.memory_space<vmem>> -> memref<1x80xi32, #tpu.memory_space<vmem>>
      %dma_start3A_94 = tpu.memref_squeeze %dma_start3A_93 : memref<1x80xi32, #tpu.memory_space<vmem>> -> memref<80xi32, #tpu.memory_space<vmem>>
      %dma_start3A_95 = arith.constant 0 : i32
      %dma_start3A_96 = arith.constant 0 : i32
      %dma_start3A_97 = tpu.memref_slice %arg14[%dma_start3A_95, %dma_start3A_96] : memref<10000x64xf32, #tpu.memory_space<vmem_shared>> -> memref<10000x64xf32, #tpu.memory_space<vmem_shared>>
      tpu.enqueue_indirect_dma source(%arg9 : memref<80x64xf32, #tpu.memory_space<vmem>>) target(%dma_start3A_97 : memref<10000x64xf32, #tpu.memory_space<vmem_shared>>) offsets(%dma_start3A_94 : memref<80xi32, #tpu.memory_space<vmem>>) semaphore(%arg21 : memref<!tpu.dma_semaphore, #tpu.memory_space<semaphore_mem>>) {add = true}
      %add3A_98 = arith.constant 3 : i32
      %add3A_99 = arith.addi %add3A_83, %add3A_98 : i32
      %dma_start3A_100 = arith.constant 0 : i32
      %dma_start3A_101 = tpu.memref_slice %arg7[%add3A_99, %dma_start3A_100] : memref<125x80xi32, #tpu.memory_space<vmem>> -> memref<1x80xi32, #tpu.memory_space<vmem>>
      %dma_start3A_102 = tpu.memref_squeeze %dma_start3A_101 : memref<1x80xi32, #tpu.memory_space<vmem>> -> memref<80xi32, #tpu.memory_space<vmem>>
      %dma_start3A_103 = arith.constant 0 : i32
      %dma_start3A_104 = arith.constant 0 : i32
      %dma_start3A_105 = tpu.memref_slice %arg15[%dma_start3A_103, %dma_start3A_104] : memref<10000x64xf32, #tpu.memory_space<vmem_shared>> -> memref<10000x64xf32, #tpu.memory_space<vmem_shared>>
      tpu.enqueue_indirect_dma source(%dma_start3A_105 : memref<10000x64xf32, #tpu.memory_space<vmem_shared>>) target(%arg12 : memref<80x64xf32, #tpu.memory_space<vmem>>) offsets(%dma_start3A_102 : memref<80xi32, #tpu.memory_space<vmem>>) semaphore(%arg19 : memref<!tpu.dma_semaphore, #tpu.memory_space<semaphore_mem>>)
      %mul3A_106 = arith.constant 5 : i32
      %mul3A_107 = arith.muli %mul3A_106, %scan3A_79 : i32
      %add3A_108 = arith.constant 1 : i32
      %add3A_109 = arith.addi %mul3A_107, %add3A_108 : i32
      %dma_wait3A_110 = arith.constant 0 : i32
      %dma_wait3A_111 = tpu.memref_slice %arg7[%add3A_109, %dma_wait3A_110] : memref<125x80xi32, #tpu.memory_space<vmem>> -> memref<1x80xi32, #tpu.memory_space<vmem>>
      %dma_wait3A_112 = tpu.memref_squeeze %dma_wait3A_111 : memref<1x80xi32, #tpu.memory_space<vmem>> -> memref<80xi32, #tpu.memory_space<vmem>>
      %dma_wait3A_113 = arith.constant 0 : i32
      %dma_wait3A_114 = arith.constant 0 : i32
      %dma_wait3A_115 = tpu.memref_slice %arg15[%dma_wait3A_113, %dma_wait3A_114] : memref<10000x64xf32, #tpu.memory_space<vmem_shared>> -> memref<10000x64xf32, #tpu.memory_space<vmem_shared>>
      tpu.wait_indirect_dma semaphore(%arg17 : memref<!tpu.dma_semaphore, #tpu.memory_space<semaphore_mem>>) src(%dma_wait3A_115 : memref<10000x64xf32, #tpu.memory_space<vmem_shared>>) dst(%arg10 : memref<80x64xf32, #tpu.memory_space<vmem>>)
      %sub3A = arith.constant 1 : i32
      %sub3A_116 = arith.subi %add3A_109, %sub3A : i32
      %dma_wait3A_117 = arith.constant 0 : i32
      %dma_wait3A_118 = tpu.memref_slice %arg8[%sub3A_116, %dma_wait3A_117] : memref<125x80xi32, #tpu.memory_space<vmem>> -> memref<1x80xi32, #tpu.memory_space<vmem>>
      %dma_wait3A_119 = tpu.memref_squeeze %dma_wait3A_118 : memref<1x80xi32, #tpu.memory_space<vmem>> -> memref<80xi32, #tpu.memory_space<vmem>>
      %dma_wait3A_120 = arith.constant 0 : i32
      %dma_wait3A_121 = arith.constant 0 : i32
      %dma_wait3A_122 = tpu.memref_slice %arg14[%dma_wait3A_120, %dma_wait3A_121] : memref<10000x64xf32, #tpu.memory_space<vmem_shared>> -> memref<10000x64xf32, #tpu.memory_space<vmem_shared>>
      tpu.wait_indirect_dma semaphore(%arg21 : memref<!tpu.dma_semaphore, #tpu.memory_space<semaphore_mem>>) src(%arg9 : memref<80x64xf32, #tpu.memory_space<vmem>>) dst(%dma_wait3A_122 : memref<10000x64xf32, #tpu.memory_space<vmem_shared>>)
      %dma_start3A_123 = arith.constant 0 : i32
      %dma_start3A_124 = tpu.memref_slice %arg8[%add3A_109, %dma_start3A_123] : memref<125x80xi32, #tpu.memory_space<vmem>> -> memref<1x80xi32, #tpu.memory_space<vmem>>
      %dma_start3A_125 = tpu.memref_squeeze %dma_start3A_124 : memref<1x80xi32, #tpu.memory_space<vmem>> -> memref<80xi32, #tpu.memory_space<vmem>>
      %dma_start3A_126 = arith.constant 0 : i32
      %dma_start3A_127 = arith.constant 0 : i32
      %dma_start3A_128 = tpu.memref_slice %arg14[%dma_start3A_126, %dma_start3A_127] : memref<10000x64xf32, #tpu.memory_space<vmem_shared>> -> memref<10000x64xf32, #tpu.memory_space<vmem_shared>>
      tpu.enqueue_indirect_dma source(%arg10 : memref<80x64xf32, #tpu.memory_space<vmem>>) target(%dma_start3A_128 : memref<10000x64xf32, #tpu.memory_space<vmem_shared>>) offsets(%dma_start3A_125 : memref<80xi32, #tpu.memory_space<vmem>>) semaphore(%arg22 : memref<!tpu.dma_semaphore, #tpu.memory_space<semaphore_mem>>) {add = true}
      %add3A_129 = arith.constant 3 : i32
      %add3A_130 = arith.addi %add3A_109, %add3A_129 : i32
      %dma_start3A_131 = arith.constant 0 : i32
      %dma_start3A_132 = tpu.memref_slice %arg7[%add3A_130, %dma_start3A_131] : memref<125x80xi32, #tpu.memory_space<vmem>> -> memref<1x80xi32, #tpu.memory_space<vmem>>
      %dma_start3A_133 = tpu.memref_squeeze %dma_start3A_132 : memref<1x80xi32, #tpu.memory_space<vmem>> -> memref<80xi32, #tpu.memory_space<vmem>>
      %dma_start3A_134 = arith.constant 0 : i32
      %dma_start3A_135 = arith.constant 0 : i32
      %dma_start3A_136 = tpu.memref_slice %arg15[%dma_start3A_134, %dma_start3A_135] : memref<10000x64xf32, #tpu.memory_space<vmem_shared>> -> memref<10000x64xf32, #tpu.memory_space<vmem_shared>>
      tpu.enqueue_indirect_dma source(%dma_start3A_136 : memref<10000x64xf32, #tpu.memory_space<vmem_shared>>) target(%arg13 : memref<80x64xf32, #tpu.memory_space<vmem>>) offsets(%dma_start3A_133 : memref<80xi32, #tpu.memory_space<vmem>>) semaphore(%arg20 : memref<!tpu.dma_semaphore, #tpu.memory_space<semaphore_mem>>)
      %mul3A_137 = arith.constant 5 : i32
      %mul3A_138 = arith.muli %mul3A_137, %scan3A_79 : i32
      %add3A_139 = arith.constant 2 : i32
      %add3A_140 = arith.addi %mul3A_138, %add3A_139 : i32
      %dma_wait3A_141 = arith.constant 0 : i32
      %dma_wait3A_142 = tpu.memref_slice %arg7[%add3A_140, %dma_wait3A_141] : memref<125x80xi32, #tpu.memory_space<vmem>> -> memref<1x80xi32, #tpu.memory_space<vmem>>
      %dma_wait3A_143 = tpu.memref_squeeze %dma_wait3A_142 : memref<1x80xi32, #tpu.memory_space<vmem>> -> memref<80xi32, #tpu.memory_space<vmem>>
      %dma_wait3A_144 = arith.constant 0 : i32
      %dma_wait3A_145 = arith.constant 0 : i32
      %dma_wait3A_146 = tpu.memref_slice %arg15[%dma_wait3A_144, %dma_wait3A_145] : memref<10000x64xf32, #tpu.memory_space<vmem_shared>> -> memref<10000x64xf32, #tpu.memory_space<vmem_shared>>
      tpu.wait_indirect_dma semaphore(%arg18 : memref<!tpu.dma_semaphore, #tpu.memory_space<semaphore_mem>>) src(%dma_wait3A_146 : memref<10000x64xf32, #tpu.memory_space<vmem_shared>>) dst(%arg11 : memref<80x64xf32, #tpu.memory_space<vmem>>)
      %sub3A_147 = arith.constant 1 : i32
      %sub3A_148 = arith.subi %add3A_140, %sub3A_147 : i32
      %dma_wait3A_149 = arith.constant 0 : i32
      %dma_wait3A_150 = tpu.memref_slice %arg8[%sub3A_148, %dma_wait3A_149] : memref<125x80xi32, #tpu.memory_space<vmem>> -> memref<1x80xi32, #tpu.memory_space<vmem>>
      %dma_wait3A_151 = tpu.memref_squeeze %dma_wait3A_150 : memref<1x80xi32, #tpu.memory_space<vmem>> -> memref<80xi32, #tpu.memory_space<vmem>>
      %dma_wait3A_152 = arith.constant 0 : i32
      %dma_wait3A_153 = arith.constant 0 : i32
      %dma_wait3A_154 = tpu.memref_slice %arg14[%dma_wait3A_152, %dma_wait3A_153] : memref<10000x64xf32, #tpu.memory_space<vmem_shared>> -> memref<10000x64xf32, #tpu.memory_space<vmem_shared>>
      tpu.wait_indirect_dma semaphore(%arg22 : memref<!tpu.dma_semaphore, #tpu.memory_space<semaphore_mem>>) src(%arg10 : memref<80x64xf32, #tpu.memory_space<vmem>>) dst(%dma_wait3A_154 : memref<10000x64xf32, #tpu.memory_space<vmem_shared>>)
      %dma_start3A_155 = arith.constant 0 : i32
      %dma_start3A_156 = tpu.memref_slice %arg8[%add3A_140, %dma_start3A_155] : memref<125x80xi32, #tpu.memory_space<vmem>> -> memref<1x80xi32, #tpu.memory_space<vmem>>
      %dma_start3A_157 = tpu.memref_squeeze %dma_start3A_156 : memref<1x80xi32, #tpu.memory_space<vmem>> -> memref<80xi32, #tpu.memory_space<vmem>>
      %dma_start3A_158 = arith.constant 0 : i32
      %dma_start3A_159 = arith.constant 0 : i32
      %dma_start3A_160 = tpu.memref_slice %arg14[%dma_start3A_158, %dma_start3A_159] : memref<10000x64xf32, #tpu.memory_space<vmem_shared>> -> memref<10000x64xf32, #tpu.memory_space<vmem_shared>>
      tpu.enqueue_indirect_dma source(%arg11 : memref<80x64xf32, #tpu.memory_space<vmem>>) target(%dma_start3A_160 : memref<10000x64xf32, #tpu.memory_space<vmem_shared>>) offsets(%dma_start3A_157 : memref<80xi32, #tpu.memory_space<vmem>>) semaphore(%arg23 : memref<!tpu.dma_semaphore, #tpu.memory_space<semaphore_mem>>) {add = true}
      %lt3A = arith.constant 24 : i32
      %lt3A_161 = arith.cmpi slt, %scan3A_79, %lt3A : i32
      %convert_element_type3A_162 = arith.extui %lt3A_161 : i1 to i32
      %cond3A_163 = arith.constant 0 : i32
      %cond3A_164 = arith.cmpi ne, %convert_element_type3A_162, %cond3A_163 : i32
      scf.if %cond3A_164 {
        %add3A_223 = arith.constant 3 : i32
        %add3A_224 = arith.addi %add3A_140, %add3A_223 : i32
        %dma_start3A_225 = arith.constant 0 : i32
        %dma_start3A_226 = tpu.memref_slice %arg7[%add3A_224, %dma_start3A_225] : memref<125x80xi32, #tpu.memory_space<vmem>> -> memref<1x80xi32, #tpu.memory_space<vmem>>
        %dma_start3A_227 = tpu.memref_squeeze %dma_start3A_226 : memref<1x80xi32, #tpu.memory_space<vmem>> -> memref<80xi32, #tpu.memory_space<vmem>>
        %dma_start3A_228 = arith.constant 0 : i32
        %dma_start3A_229 = arith.constant 0 : i32
        %dma_start3A_230 = tpu.memref_slice %arg15[%dma_start3A_228, %dma_start3A_229] : memref<10000x64xf32, #tpu.memory_space<vmem_shared>> -> memref<10000x64xf32, #tpu.memory_space<vmem_shared>>
        tpu.enqueue_indirect_dma source(%dma_start3A_230 : memref<10000x64xf32, #tpu.memory_space<vmem_shared>>) target(%arg9 : memref<80x64xf32, #tpu.memory_space<vmem>>) offsets(%dma_start3A_227 : memref<80xi32, #tpu.memory_space<vmem>>) semaphore(%arg16 : memref<!tpu.dma_semaphore, #tpu.memory_space<semaphore_mem>>)
      } else {
      }
      %mul3A_165 = arith.constant 5 : i32
      %mul3A_166 = arith.muli %mul3A_165, %scan3A_79 : i32
      %add3A_167 = arith.constant 3 : i32
      %add3A_168 = arith.addi %mul3A_166, %add3A_167 : i32
      %dma_wait3A_169 = arith.constant 0 : i32
      %dma_wait3A_170 = tpu.memref_slice %arg7[%add3A_168, %dma_wait3A_169] : memref<125x80xi32, #tpu.memory_space<vmem>> -> memref<1x80xi32, #tpu.memory_space<vmem>>
      %dma_wait3A_171 = tpu.memref_squeeze %dma_wait3A_170 : memref<1x80xi32, #tpu.memory_space<vmem>> -> memref<80xi32, #tpu.memory_space<vmem>>
      %dma_wait3A_172 = arith.constant 0 : i32
      %dma_wait3A_173 = arith.constant 0 : i32
      %dma_wait3A_174 = tpu.memref_slice %arg15[%dma_wait3A_172, %dma_wait3A_173] : memref<10000x64xf32, #tpu.memory_space<vmem_shared>> -> memref<10000x64xf32, #tpu.memory_space<vmem_shared>>
      tpu.wait_indirect_dma semaphore(%arg19 : memref<!tpu.dma_semaphore, #tpu.memory_space<semaphore_mem>>) src(%dma_wait3A_174 : memref<10000x64xf32, #tpu.memory_space<vmem_shared>>) dst(%arg12 : memref<80x64xf32, #tpu.memory_space<vmem>>)
      %sub3A_175 = arith.constant 1 : i32
      %sub3A_176 = arith.subi %add3A_168, %sub3A_175 : i32
      %dma_wait3A_177 = arith.constant 0 : i32
      %dma_wait3A_178 = tpu.memref_slice %arg8[%sub3A_176, %dma_wait3A_177] : memref<125x80xi32, #tpu.memory_space<vmem>> -> memref<1x80xi32, #tpu.memory_space<vmem>>
      %dma_wait3A_179 = tpu.memref_squeeze %dma_wait3A_178 : memref<1x80xi32, #tpu.memory_space<vmem>> -> memref<80xi32, #tpu.memory_space<vmem>>
      %dma_wait3A_180 = arith.constant 0 : i32
      %dma_wait3A_181 = arith.constant 0 : i32
      %dma_wait3A_182 = tpu.memref_slice %arg14[%dma_wait3A_180, %dma_wait3A_181] : memref<10000x64xf32, #tpu.memory_space<vmem_shared>> -> memref<10000x64xf32, #tpu.memory_space<vmem_shared>>
      tpu.wait_indirect_dma semaphore(%arg23 : memref<!tpu.dma_semaphore, #tpu.memory_space<semaphore_mem>>) src(%arg11 : memref<80x64xf32, #tpu.memory_space<vmem>>) dst(%dma_wait3A_182 : memref<10000x64xf32, #tpu.memory_space<vmem_shared>>)
      %dma_start3A_183 = arith.constant 0 : i32
      %dma_start3A_184 = tpu.memref_slice %arg8[%add3A_168, %dma_start3A_183] : memref<125x80xi32, #tpu.memory_space<vmem>> -> memref<1x80xi32, #tpu.memory_space<vmem>>
      %dma_start3A_185 = tpu.memref_squeeze %dma_start3A_184 : memref<1x80xi32, #tpu.memory_space<vmem>> -> memref<80xi32, #tpu.memory_space<vmem>>
      %dma_start3A_186 = arith.constant 0 : i32
      %dma_start3A_187 = arith.constant 0 : i32
      %dma_start3A_188 = tpu.memref_slice %arg14[%dma_start3A_186, %dma_start3A_187] : memref<10000x64xf32, #tpu.memory_space<vmem_shared>> -> memref<10000x64xf32, #tpu.memory_space<vmem_shared>>
      tpu.enqueue_indirect_dma source(%arg12 : memref<80x64xf32, #tpu.memory_space<vmem>>) target(%dma_start3A_188 : memref<10000x64xf32, #tpu.memory_space<vmem_shared>>) offsets(%dma_start3A_185 : memref<80xi32, #tpu.memory_space<vmem>>) semaphore(%arg24 : memref<!tpu.dma_semaphore, #tpu.memory_space<semaphore_mem>>) {add = true}
      %lt3A_189 = arith.constant 24 : i32
      %lt3A_190 = arith.cmpi slt, %scan3A_79, %lt3A_189 : i32
      %convert_element_type3A_191 = arith.extui %lt3A_190 : i1 to i32
      %cond3A_192 = arith.constant 0 : i32
      %cond3A_193 = arith.cmpi ne, %convert_element_type3A_191, %cond3A_192 : i32
      scf.if %cond3A_193 {
        %add3A_223 = arith.constant 3 : i32
        %add3A_224 = arith.addi %add3A_168, %add3A_223 : i32
        %dma_start3A_225 = arith.constant 0 : i32
        %dma_start3A_226 = tpu.memref_slice %arg7[%add3A_224, %dma_start3A_225] : memref<125x80xi32, #tpu.memory_space<vmem>> -> memref<1x80xi32, #tpu.memory_space<vmem>>
        %dma_start3A_227 = tpu.memref_squeeze %dma_start3A_226 : memref<1x80xi32, #tpu.memory_space<vmem>> -> memref<80xi32, #tpu.memory_space<vmem>>
        %dma_start3A_228 = arith.constant 0 : i32
        %dma_start3A_229 = arith.constant 0 : i32
        %dma_start3A_230 = tpu.memref_slice %arg15[%dma_start3A_228, %dma_start3A_229] : memref<10000x64xf32, #tpu.memory_space<vmem_shared>> -> memref<10000x64xf32, #tpu.memory_space<vmem_shared>>
        tpu.enqueue_indirect_dma source(%dma_start3A_230 : memref<10000x64xf32, #tpu.memory_space<vmem_shared>>) target(%arg10 : memref<80x64xf32, #tpu.memory_space<vmem>>) offsets(%dma_start3A_227 : memref<80xi32, #tpu.memory_space<vmem>>) semaphore(%arg17 : memref<!tpu.dma_semaphore, #tpu.memory_space<semaphore_mem>>)
      } else {
      }
      %mul3A_194 = arith.constant 5 : i32
      %mul3A_195 = arith.muli %mul3A_194, %scan3A_79 : i32
      %add3A_196 = arith.constant 4 : i32
      %add3A_197 = arith.addi %mul3A_195, %add3A_196 : i32
      %dma_wait3A_198 = arith.constant 0 : i32
      %dma_wait3A_199 = tpu.memref_slice %arg7[%add3A_197, %dma_wait3A_198] : memref<125x80xi32, #tpu.memory_space<vmem>> -> memref<1x80xi32, #tpu.memory_space<vmem>>
      %dma_wait3A_200 = tpu.memref_squeeze %dma_wait3A_199 : memref<1x80xi32, #tpu.memory_space<vmem>> -> memref<80xi32, #tpu.memory_space<vmem>>
      %dma_wait3A_201 = arith.constant 0 : i32
      %dma_wait3A_202 = arith.constant 0 : i32
      %dma_wait3A_203 = tpu.memref_slice %arg15[%dma_wait3A_201, %dma_wait3A_202] : memref<10000x64xf32, #tpu.memory_space<vmem_shared>> -> memref<10000x64xf32, #tpu.memory_space<vmem_shared>>
      tpu.wait_indirect_dma semaphore(%arg20 : memref<!tpu.dma_semaphore, #tpu.memory_space<semaphore_mem>>) src(%dma_wait3A_203 : memref<10000x64xf32, #tpu.memory_space<vmem_shared>>) dst(%arg13 : memref<80x64xf32, #tpu.memory_space<vmem>>)
      %sub3A_204 = arith.constant 1 : i32
      %sub3A_205 = arith.subi %add3A_197, %sub3A_204 : i32
      %dma_wait3A_206 = arith.constant 0 : i32
      %dma_wait3A_207 = tpu.memref_slice %arg8[%sub3A_205, %dma_wait3A_206] : memref<125x80xi32, #tpu.memory_space<vmem>> -> memref<1x80xi32, #tpu.memory_space<vmem>>
      %dma_wait3A_208 = tpu.memref_squeeze %dma_wait3A_207 : memref<1x80xi32, #tpu.memory_space<vmem>> -> memref<80xi32, #tpu.memory_space<vmem>>
      %dma_wait3A_209 = arith.constant 0 : i32
      %dma_wait3A_210 = arith.constant 0 : i32
      %dma_wait3A_211 = tpu.memref_slice %arg14[%dma_wait3A_209, %dma_wait3A_210] : memref<10000x64xf32, #tpu.memory_space<vmem_shared>> -> memref<10000x64xf32, #tpu.memory_space<vmem_shared>>
      tpu.wait_indirect_dma semaphore(%arg24 : memref<!tpu.dma_semaphore, #tpu.memory_space<semaphore_mem>>) src(%arg12 : memref<80x64xf32, #tpu.memory_space<vmem>>) dst(%dma_wait3A_211 : memref<10000x64xf32, #tpu.memory_space<vmem_shared>>)
      %dma_start3A_212 = arith.constant 0 : i32
      %dma_start3A_213 = tpu.memref_slice %arg8[%add3A_197, %dma_start3A_212] : memref<125x80xi32, #tpu.memory_space<vmem>> -> memref<1x80xi32, #tpu.memory_space<vmem>>
      %dma_start3A_214 = tpu.memref_squeeze %dma_start3A_213 : memref<1x80xi32, #tpu.memory_space<vmem>> -> memref<80xi32, #tpu.memory_space<vmem>>
      %dma_start3A_215 = arith.constant 0 : i32
      %dma_start3A_216 = arith.constant 0 : i32
      %dma_start3A_217 = tpu.memref_slice %arg14[%dma_start3A_215, %dma_start3A_216] : memref<10000x64xf32, #tpu.memory_space<vmem_shared>> -> memref<10000x64xf32, #tpu.memory_space<vmem_shared>>
      tpu.enqueue_indirect_dma source(%arg13 : memref<80x64xf32, #tpu.memory_space<vmem>>) target(%dma_start3A_217 : memref<10000x64xf32, #tpu.memory_space<vmem_shared>>) offsets(%dma_start3A_214 : memref<80xi32, #tpu.memory_space<vmem>>) semaphore(%arg25 : memref<!tpu.dma_semaphore, #tpu.memory_space<semaphore_mem>>) {add = true}
      %lt3A_218 = arith.constant 24 : i32
      %lt3A_219 = arith.cmpi slt, %scan3A_79, %lt3A_218 : i32
      %convert_element_type3A_220 = arith.extui %lt3A_219 : i1 to i32
      %cond3A_221 = arith.constant 0 : i32
      %cond3A_222 = arith.cmpi ne, %convert_element_type3A_220, %cond3A_221 : i32
      scf.if %cond3A_222 {
        %add3A_223 = arith.constant 3 : i32
        %add3A_224 = arith.addi %add3A_197, %add3A_223 : i32
        %dma_start3A_225 = arith.constant 0 : i32
        %dma_start3A_226 = tpu.memref_slice %arg7[%add3A_224, %dma_start3A_225] : memref<125x80xi32, #tpu.memory_space<vmem>> -> memref<1x80xi32, #tpu.memory_space<vmem>>
        %dma_start3A_227 = tpu.memref_squeeze %dma_start3A_226 : memref<1x80xi32, #tpu.memory_space<vmem>> -> memref<80xi32, #tpu.memory_space<vmem>>
        %dma_start3A_228 = arith.constant 0 : i32
        %dma_start3A_229 = arith.constant 0 : i32
        %dma_start3A_230 = tpu.memref_slice %arg15[%dma_start3A_228, %dma_start3A_229] : memref<10000x64xf32, #tpu.memory_space<vmem_shared>> -> memref<10000x64xf32, #tpu.memory_space<vmem_shared>>
        tpu.enqueue_indirect_dma source(%dma_start3A_230 : memref<10000x64xf32, #tpu.memory_space<vmem_shared>>) target(%arg11 : memref<80x64xf32, #tpu.memory_space<vmem>>) offsets(%dma_start3A_227 : memref<80xi32, #tpu.memory_space<vmem>>) semaphore(%arg18 : memref<!tpu.dma_semaphore, #tpu.memory_space<semaphore_mem>>)
      } else {
      }
    }
    %scan3A_69 = arith.constant 25 : i32
    %dma_wait3A_70 = arith.constant 124 : i32
    %dma_wait3A_71 = arith.constant 0 : i32
    %dma_wait3A_72 = tpu.memref_slice %arg8[%dma_wait3A_70, %dma_wait3A_71] : memref<125x80xi32, #tpu.memory_space<vmem>> -> memref<1x80xi32, #tpu.memory_space<vmem>>
    %dma_wait3A_73 = tpu.memref_squeeze %dma_wait3A_72 : memref<1x80xi32, #tpu.memory_space<vmem>> -> memref<80xi32, #tpu.memory_space<vmem>>
    %dma_wait3A_74 = arith.constant 0 : i32
    %dma_wait3A_75 = arith.constant 0 : i32
    %dma_wait3A_76 = tpu.memref_slice %arg14[%dma_wait3A_74, %dma_wait3A_75] : memref<10000x64xf32, #tpu.memory_space<vmem_shared>> -> memref<10000x64xf32, #tpu.memory_space<vmem_shared>>
    tpu.wait_indirect_dma semaphore(%arg25 : memref<!tpu.dma_semaphore, #tpu.memory_space<semaphore_mem>>) src(%arg13 : memref<80x64xf32, #tpu.memory_space<vmem>>) dst(%dma_wait3A_76 : memref<10000x64xf32, #tpu.memory_space<vmem_shared>>)
    %barrier3A_77 = arith.constant 0 : index
    tpu.barrier barrier_id(%barrier3A_77)
    %run_scoped3A_78 = arith.constant 0 : i32
    "tpu.region"() ({
      %run_scoped3A_79 = tpu.sem_alloc : memref<!tpu.dma_semaphore, #tpu.memory_space<semaphore_mem>>
      %dma_start3A_80 = arith.constant 64 : i32
      %dma_start3A_81 = tpu.memref_slice %arg6[%arg0, %run_scoped3A_78, %mul3A_2, %dma_start3A_80] : memref<2x1x10000x128xf32, #tpu.memory_space<hbm>> -> memref<1x1x625x64xf32, #tpu.memory_space<hbm>>
      %dma_start3A_82 = tpu.memref_squeeze %dma_start3A_81 : memref<1x1x625x64xf32, #tpu.memory_space<hbm>> -> memref<625x64xf32, #tpu.memory_space<hbm>>
      %dma_start3A_83 = arith.constant 0 : i32
      %dma_start3A_84 = tpu.memref_slice %arg14[%mul3A_2, %dma_start3A_83] : memref<10000x64xf32, #tpu.memory_space<vmem_shared>> -> memref<625x64xf32, #tpu.memory_space<vmem_shared>>
      tpu.enqueue_dma source(%dma_start3A_84 : memref<625x64xf32, #tpu.memory_space<vmem_shared>>) target(%dma_start3A_82 : memref<625x64xf32, #tpu.memory_space<hbm>>) target_semaphore(%run_scoped3A_79 : memref<!tpu.dma_semaphore, #tpu.memory_space<semaphore_mem>>)
      %dma_wait3A_85 = arith.constant 64 : i32
      %dma_wait3A_86 = tpu.memref_slice %arg6[%arg0, %run_scoped3A_78, %mul3A_2, %dma_wait3A_85] : memref<2x1x10000x128xf32, #tpu.memory_space<hbm>> -> memref<1x1x625x64xf32, #tpu.memory_space<hbm>>
      %dma_wait3A_87 = tpu.memref_squeeze %dma_wait3A_86 : memref<1x1x625x64xf32, #tpu.memory_space<hbm>> -> memref<625x64xf32, #tpu.memory_space<hbm>>
      %dma_wait3A_88 = arith.constant 0 : i32
      %dma_wait3A_89 = tpu.memref_slice %arg14[%mul3A_2, %dma_wait3A_88] : memref<10000x64xf32, #tpu.memory_space<vmem_shared>> -> memref<625x64xf32, #tpu.memory_space<vmem_shared>>
      tpu.wait_dma2 semaphore(%run_scoped3A_79 : memref<!tpu.dma_semaphore, #tpu.memory_space<semaphore_mem>>) src(%dma_wait3A_89 : memref<625x64xf32, #tpu.memory_space<vmem_shared>>) dst(%dma_wait3A_87 : memref<625x64xf32, #tpu.memory_space<hbm>>)
      tpu.yield
    }) : () -> ()
    return
  }
}

#map = affine_map<(d0, d1) -> (0, 0)>
#map1 = affine_map<(d0, d1) -> (0, 0, 0)>
#map2 = affine_map<(d0, d1) -> (0, 0, 0, 0)>
module attributes {stable_mosaic.version = 14 : i64} {
  func.func @_sc_agg_body(%arg0: i32, %arg1: i32, %arg2: memref<10000x128xf32, #tpu.memory_space<hbm>>, %arg3: memref<2x4000x80xi32, #tpu.memory_space<hbm>>, %arg4: memref<10000x64xf32, #tpu.memory_space<hbm>>, %arg5: memref<2x1x10000x128xf32, #tpu.memory_space<hbm>>, %arg6: memref<125x80xi32, #tpu.memory_space<vmem>>, %arg7: memref<125x80xi32, #tpu.memory_space<vmem>>, %arg8: memref<80x64xf32, #tpu.memory_space<vmem>>, %arg9: memref<80x64xf32, #tpu.memory_space<vmem>>, %arg10: memref<80x64xf32, #tpu.memory_space<vmem>>, %arg11: memref<80x64xf32, #tpu.memory_space<vmem>>, %arg12: memref<80x64xf32, #tpu.memory_space<vmem>>, %arg13: memref<10000x64xf32, #tpu.memory_space<vmem_shared>>, %arg14: memref<10000x64xf32, #tpu.memory_space<vmem_shared>>, %arg15: memref<!tpu.dma_semaphore, #tpu.memory_space<semaphore_mem>>, %arg16: memref<!tpu.dma_semaphore, #tpu.memory_space<semaphore_mem>>, %arg17: memref<!tpu.dma_semaphore, #tpu.memory_space<semaphore_mem>>, %arg18: memref<!tpu.dma_semaphore, #tpu.memory_space<semaphore_mem>>, %arg19: memref<!tpu.dma_semaphore, #tpu.memory_space<semaphore_mem>>, %arg20: memref<!tpu.dma_semaphore, #tpu.memory_space<semaphore_mem>>, %arg21: memref<!tpu.dma_semaphore, #tpu.memory_space<semaphore_mem>>, %arg22: memref<!tpu.dma_semaphore, #tpu.memory_space<semaphore_mem>>, %arg23: memref<!tpu.dma_semaphore, #tpu.memory_space<semaphore_mem>>, %arg24: memref<!tpu.dma_semaphore, #tpu.memory_space<semaphore_mem>>) attributes {dimension_semantics = [#tpu.dimension_semantics<core_parallel>, #tpu.dimension_semantics<subcore_parallel>], iteration_bounds = array<i64: 2, 16>, scalar_prefetch = 0 : i64, scratch_operands = 19 : i64, tpu.core_type = #tpu.core_type<sc_vector_subcore>, window_params = [{transform_indices = #map}, {transform_indices = #map1}, {transform_indices = #map}, {transform_indices = #map2}]} {
    %mul3A = arith.constant 16 : i32
    %mul3A_0 = arith.muli %arg0, %mul3A : i32
    %add3A = arith.addi %mul3A_0, %arg1 : i32
    %mul3A_1 = arith.constant 625 : i32
    %mul3A_2 = arith.muli %arg1, %mul3A_1 : i32
    %mul3A_3 = arith.constant 125 : i32
    %mul3A_4 = arith.muli %add3A, %mul3A_3 : i32
    %run_scoped3A = arith.constant 0 : i32
    "tpu.region"() ({
      %run_scoped3A_41 = tpu.sem_alloc : memref<!tpu.dma_semaphore, #tpu.memory_space<semaphore_mem>>
      %dma_start3A_42 = arith.constant 0 : i32
      %dma_start3A_43 = tpu.memref_slice %arg3[%run_scoped3A, %mul3A_4, %dma_start3A_42] : memref<2x4000x80xi32, #tpu.memory_space<hbm>> -> memref<1x125x80xi32, #tpu.memory_space<hbm>>
      %dma_start3A_44 = tpu.memref_squeeze %dma_start3A_43 : memref<1x125x80xi32, #tpu.memory_space<hbm>> -> memref<125x80xi32, #tpu.memory_space<hbm>>
      %dma_start3A_45 = arith.constant 0 : i32
      %dma_start3A_46 = tpu.memref_slice %arg3[%run_scoped3A, %mul3A_4, %dma_start3A_45] : memref<2x4000x80xi32, #tpu.memory_space<hbm>> -> memref<1x125x80xi32, #tpu.memory_space<hbm>>
      %dma_start3A_47 = tpu.memref_squeeze %dma_start3A_46 : memref<1x125x80xi32, #tpu.memory_space<hbm>> -> memref<125x80xi32, #tpu.memory_space<hbm>>
      tpu.enqueue_dma source(%dma_start3A_47 : memref<125x80xi32, #tpu.memory_space<hbm>>) target(%arg6 : memref<125x80xi32, #tpu.memory_space<vmem>>) target_semaphore(%run_scoped3A_41 : memref<!tpu.dma_semaphore, #tpu.memory_space<semaphore_mem>>)
      %dma_wait3A_48 = arith.constant 0 : i32
      %dma_wait3A_49 = tpu.memref_slice %arg3[%run_scoped3A, %mul3A_4, %dma_wait3A_48] : memref<2x4000x80xi32, #tpu.memory_space<hbm>> -> memref<1x125x80xi32, #tpu.memory_space<hbm>>
      %dma_wait3A_50 = tpu.memref_squeeze %dma_wait3A_49 : memref<1x125x80xi32, #tpu.memory_space<hbm>> -> memref<125x80xi32, #tpu.memory_space<hbm>>
      %dma_wait3A_51 = arith.constant 0 : i32
      %dma_wait3A_52 = tpu.memref_slice %arg3[%run_scoped3A, %mul3A_4, %dma_wait3A_51] : memref<2x4000x80xi32, #tpu.memory_space<hbm>> -> memref<1x125x80xi32, #tpu.memory_space<hbm>>
      %dma_wait3A_53 = tpu.memref_squeeze %dma_wait3A_52 : memref<1x125x80xi32, #tpu.memory_space<hbm>> -> memref<125x80xi32, #tpu.memory_space<hbm>>
      tpu.wait_dma2 semaphore(%run_scoped3A_41 : memref<!tpu.dma_semaphore, #tpu.memory_space<semaphore_mem>>) src(%dma_wait3A_53 : memref<125x80xi32, #tpu.memory_space<hbm>>) dst(%arg6 : memref<125x80xi32, #tpu.memory_space<vmem>>)
      tpu.yield
    }) : () -> ()
    %mul3A_5 = arith.constant 125 : i32
    %mul3A_6 = arith.muli %add3A, %mul3A_5 : i32
    %run_scoped3A_7 = arith.constant 1 : i32
    "tpu.region"() ({
      %run_scoped3A_41 = tpu.sem_alloc : memref<!tpu.dma_semaphore, #tpu.memory_space<semaphore_mem>>
      %dma_start3A_42 = arith.constant 0 : i32
      %dma_start3A_43 = tpu.memref_slice %arg3[%run_scoped3A_7, %mul3A_6, %dma_start3A_42] : memref<2x4000x80xi32, #tpu.memory_space<hbm>> -> memref<1x125x80xi32, #tpu.memory_space<hbm>>
      %dma_start3A_44 = tpu.memref_squeeze %dma_start3A_43 : memref<1x125x80xi32, #tpu.memory_space<hbm>> -> memref<125x80xi32, #tpu.memory_space<hbm>>
      %dma_start3A_45 = arith.constant 0 : i32
      %dma_start3A_46 = tpu.memref_slice %arg3[%run_scoped3A_7, %mul3A_6, %dma_start3A_45] : memref<2x4000x80xi32, #tpu.memory_space<hbm>> -> memref<1x125x80xi32, #tpu.memory_space<hbm>>
      %dma_start3A_47 = tpu.memref_squeeze %dma_start3A_46 : memref<1x125x80xi32, #tpu.memory_space<hbm>> -> memref<125x80xi32, #tpu.memory_space<hbm>>
      tpu.enqueue_dma source(%dma_start3A_47 : memref<125x80xi32, #tpu.memory_space<hbm>>) target(%arg7 : memref<125x80xi32, #tpu.memory_space<vmem>>) target_semaphore(%run_scoped3A_41 : memref<!tpu.dma_semaphore, #tpu.memory_space<semaphore_mem>>)
      %dma_wait3A_48 = arith.constant 0 : i32
      %dma_wait3A_49 = tpu.memref_slice %arg3[%run_scoped3A_7, %mul3A_6, %dma_wait3A_48] : memref<2x4000x80xi32, #tpu.memory_space<hbm>> -> memref<1x125x80xi32, #tpu.memory_space<hbm>>
      %dma_wait3A_50 = tpu.memref_squeeze %dma_wait3A_49 : memref<1x125x80xi32, #tpu.memory_space<hbm>> -> memref<125x80xi32, #tpu.memory_space<hbm>>
      %dma_wait3A_51 = arith.constant 0 : i32
      %dma_wait3A_52 = tpu.memref_slice %arg3[%run_scoped3A_7, %mul3A_6, %dma_wait3A_51] : memref<2x4000x80xi32, #tpu.memory_space<hbm>> -> memref<1x125x80xi32, #tpu.memory_space<hbm>>
      %dma_wait3A_53 = tpu.memref_squeeze %dma_wait3A_52 : memref<1x125x80xi32, #tpu.memory_space<hbm>> -> memref<125x80xi32, #tpu.memory_space<hbm>>
      tpu.wait_dma2 semaphore(%run_scoped3A_41 : memref<!tpu.dma_semaphore, #tpu.memory_space<semaphore_mem>>) src(%dma_wait3A_53 : memref<125x80xi32, #tpu.memory_space<hbm>>) dst(%arg7 : memref<125x80xi32, #tpu.memory_space<vmem>>)
      tpu.yield
    }) : () -> ()
    "tpu.region"() ({
      %run_scoped3A_41 = tpu.sem_alloc : memref<!tpu.dma_semaphore, #tpu.memory_space<semaphore_mem>>
      %dma_start3A_42 = arith.constant 0 : i32
      %dma_start3A_43 = tpu.memref_slice %arg13[%mul3A_2, %dma_start3A_42] : memref<10000x64xf32, #tpu.memory_space<vmem_shared>> -> memref<625x64xf32, #tpu.memory_space<vmem_shared>>
      %dma_start3A_44 = arith.constant 0 : i32
      %dma_start3A_45 = tpu.memref_slice %arg4[%mul3A_2, %dma_start3A_44] : memref<10000x64xf32, #tpu.memory_space<hbm>> -> memref<625x64xf32, #tpu.memory_space<hbm>>
      tpu.enqueue_dma source(%dma_start3A_45 : memref<625x64xf32, #tpu.memory_space<hbm>>) target(%dma_start3A_43 : memref<625x64xf32, #tpu.memory_space<vmem_shared>>) target_semaphore(%run_scoped3A_41 : memref<!tpu.dma_semaphore, #tpu.memory_space<semaphore_mem>>)
      %dma_wait3A_46 = arith.constant 0 : i32
      %dma_wait3A_47 = tpu.memref_slice %arg13[%mul3A_2, %dma_wait3A_46] : memref<10000x64xf32, #tpu.memory_space<vmem_shared>> -> memref<625x64xf32, #tpu.memory_space<vmem_shared>>
      %dma_wait3A_48 = arith.constant 0 : i32
      %dma_wait3A_49 = tpu.memref_slice %arg4[%mul3A_2, %dma_wait3A_48] : memref<10000x64xf32, #tpu.memory_space<hbm>> -> memref<625x64xf32, #tpu.memory_space<hbm>>
      tpu.wait_dma2 semaphore(%run_scoped3A_41 : memref<!tpu.dma_semaphore, #tpu.memory_space<semaphore_mem>>) src(%dma_wait3A_49 : memref<625x64xf32, #tpu.memory_space<hbm>>) dst(%dma_wait3A_47 : memref<625x64xf32, #tpu.memory_space<vmem_shared>>)
      tpu.yield
    }) : () -> ()
    "tpu.region"() ({
      %run_scoped3A_41 = tpu.sem_alloc : memref<!tpu.dma_semaphore, #tpu.memory_space<semaphore_mem>>
      %dma_start3A_42 = arith.constant 0 : i32
      %dma_start3A_43 = tpu.memref_slice %arg14[%mul3A_2, %dma_start3A_42] : memref<10000x64xf32, #tpu.memory_space<vmem_shared>> -> memref<625x64xf32, #tpu.memory_space<vmem_shared>>
      %dma_start3A_44 = arith.constant 0 : i32
      %dma_start3A_45 = tpu.memref_slice %arg2[%mul3A_2, %dma_start3A_44] : memref<10000x128xf32, #tpu.memory_space<hbm>> -> memref<625x64xf32, #tpu.memory_space<hbm>>
      tpu.enqueue_dma source(%dma_start3A_45 : memref<625x64xf32, #tpu.memory_space<hbm>>) target(%dma_start3A_43 : memref<625x64xf32, #tpu.memory_space<vmem_shared>>) target_semaphore(%run_scoped3A_41 : memref<!tpu.dma_semaphore, #tpu.memory_space<semaphore_mem>>)
      %dma_wait3A_46 = arith.constant 0 : i32
      %dma_wait3A_47 = tpu.memref_slice %arg14[%mul3A_2, %dma_wait3A_46] : memref<10000x64xf32, #tpu.memory_space<vmem_shared>> -> memref<625x64xf32, #tpu.memory_space<vmem_shared>>
      %dma_wait3A_48 = arith.constant 0 : i32
      %dma_wait3A_49 = tpu.memref_slice %arg2[%mul3A_2, %dma_wait3A_48] : memref<10000x128xf32, #tpu.memory_space<hbm>> -> memref<625x64xf32, #tpu.memory_space<hbm>>
      tpu.wait_dma2 semaphore(%run_scoped3A_41 : memref<!tpu.dma_semaphore, #tpu.memory_space<semaphore_mem>>) src(%dma_wait3A_49 : memref<625x64xf32, #tpu.memory_space<hbm>>) dst(%dma_wait3A_47 : memref<625x64xf32, #tpu.memory_space<vmem_shared>>)
      tpu.yield
    }) : () -> ()
    %barrier3A = arith.constant 0 : index
    tpu.barrier barrier_id(%barrier3A)
    %dma_start3A = arith.constant 0 : i32
    %dma_start3A_8 = arith.constant 0 : i32
    %dma_start3A_9 = tpu.memref_slice %arg6[%dma_start3A, %dma_start3A_8] : memref<125x80xi32, #tpu.memory_space<vmem>> -> memref<1x80xi32, #tpu.memory_space<vmem>>
    %dma_start3A_10 = tpu.memref_squeeze %dma_start3A_9 : memref<1x80xi32, #tpu.memory_space<vmem>> -> memref<80xi32, #tpu.memory_space<vmem>>
    %dma_start3A_11 = arith.constant 0 : i32
    %dma_start3A_12 = arith.constant 0 : i32
    %dma_start3A_13 = tpu.memref_slice %arg14[%dma_start3A_11, %dma_start3A_12] : memref<10000x64xf32, #tpu.memory_space<vmem_shared>> -> memref<10000x64xf32, #tpu.memory_space<vmem_shared>>
    tpu.enqueue_indirect_dma source(%dma_start3A_13 : memref<10000x64xf32, #tpu.memory_space<vmem_shared>>) target(%arg8 : memref<80x64xf32, #tpu.memory_space<vmem>>) offsets(%dma_start3A_10 : memref<80xi32, #tpu.memory_space<vmem>>) semaphore(%arg15 : memref<!tpu.dma_semaphore, #tpu.memory_space<semaphore_mem>>)
    %dma_start3A_14 = arith.constant 1 : i32
    %dma_start3A_15 = arith.constant 0 : i32
    %dma_start3A_16 = tpu.memref_slice %arg6[%dma_start3A_14, %dma_start3A_15] : memref<125x80xi32, #tpu.memory_space<vmem>> -> memref<1x80xi32, #tpu.memory_space<vmem>>
    %dma_start3A_17 = tpu.memref_squeeze %dma_start3A_16 : memref<1x80xi32, #tpu.memory_space<vmem>> -> memref<80xi32, #tpu.memory_space<vmem>>
    %dma_start3A_18 = arith.constant 0 : i32
    %dma_start3A_19 = arith.constant 0 : i32
    %dma_start3A_20 = tpu.memref_slice %arg14[%dma_start3A_18, %dma_start3A_19] : memref<10000x64xf32, #tpu.memory_space<vmem_shared>> -> memref<10000x64xf32, #tpu.memory_space<vmem_shared>>
    tpu.enqueue_indirect_dma source(%dma_start3A_20 : memref<10000x64xf32, #tpu.memory_space<vmem_shared>>) target(%arg9 : memref<80x64xf32, #tpu.memory_space<vmem>>) offsets(%dma_start3A_17 : memref<80xi32, #tpu.memory_space<vmem>>) semaphore(%arg16 : memref<!tpu.dma_semaphore, #tpu.memory_space<semaphore_mem>>)
    %dma_start3A_21 = arith.constant 2 : i32
    %dma_start3A_22 = arith.constant 0 : i32
    %dma_start3A_23 = tpu.memref_slice %arg6[%dma_start3A_21, %dma_start3A_22] : memref<125x80xi32, #tpu.memory_space<vmem>> -> memref<1x80xi32, #tpu.memory_space<vmem>>
    %dma_start3A_24 = tpu.memref_squeeze %dma_start3A_23 : memref<1x80xi32, #tpu.memory_space<vmem>> -> memref<80xi32, #tpu.memory_space<vmem>>
    %dma_start3A_25 = arith.constant 0 : i32
    %dma_start3A_26 = arith.constant 0 : i32
    %dma_start3A_27 = tpu.memref_slice %arg14[%dma_start3A_25, %dma_start3A_26] : memref<10000x64xf32, #tpu.memory_space<vmem_shared>> -> memref<10000x64xf32, #tpu.memory_space<vmem_shared>>
    tpu.enqueue_indirect_dma source(%dma_start3A_27 : memref<10000x64xf32, #tpu.memory_space<vmem_shared>>) target(%arg10 : memref<80x64xf32, #tpu.memory_space<vmem>>) offsets(%dma_start3A_24 : memref<80xi32, #tpu.memory_space<vmem>>) semaphore(%arg17 : memref<!tpu.dma_semaphore, #tpu.memory_space<semaphore_mem>>)
    %scan3A = arith.constant 0 : i32
    %scan3A_28 = arith.constant 0 : i32
    %scan3A_29 = arith.constant 25 : i32
    %scan3A_30 = arith.addi %scan3A_28, %scan3A_29 : i32
    %scan3A_31 = arith.constant 1 : i32
    scf.for %scan3A_41 = %scan3A_28 to %scan3A_30 step %scan3A_31  : i32 {
      %mul3A_42 = arith.constant 5 : i32
      %mul3A_43 = arith.muli %mul3A_42, %scan3A_41 : i32
      %add3A_44 = arith.constant 0 : i32
      %add3A_45 = arith.addi %mul3A_43, %add3A_44 : i32
      %dma_wait3A_46 = arith.constant 0 : i32
      %dma_wait3A_47 = tpu.memref_slice %arg6[%add3A_45, %dma_wait3A_46] : memref<125x80xi32, #tpu.memory_space<vmem>> -> memref<1x80xi32, #tpu.memory_space<vmem>>
      %dma_wait3A_48 = tpu.memref_squeeze %dma_wait3A_47 : memref<1x80xi32, #tpu.memory_space<vmem>> -> memref<80xi32, #tpu.memory_space<vmem>>
      %dma_wait3A_49 = arith.constant 0 : i32
      %dma_wait3A_50 = arith.constant 0 : i32
      %dma_wait3A_51 = tpu.memref_slice %arg14[%dma_wait3A_49, %dma_wait3A_50] : memref<10000x64xf32, #tpu.memory_space<vmem_shared>> -> memref<10000x64xf32, #tpu.memory_space<vmem_shared>>
      tpu.wait_indirect_dma semaphore(%arg15 : memref<!tpu.dma_semaphore, #tpu.memory_space<semaphore_mem>>) src(%dma_wait3A_51 : memref<10000x64xf32, #tpu.memory_space<vmem_shared>>) dst(%arg8 : memref<80x64xf32, #tpu.memory_space<vmem>>)
      %ge3A = arith.constant 1 : i32
      %ge3A_52 = arith.cmpi sge, %scan3A_41, %ge3A : i32
      %convert_element_type3A = arith.extui %ge3A_52 : i1 to i32
      %cond3A = arith.constant 0 : i32
      %cond3A_53 = arith.cmpi ne, %convert_element_type3A, %cond3A : i32
      scf.if %cond3A_53 {
        %sub3A_185 = arith.constant 1 : i32
        %sub3A_186 = arith.subi %add3A_45, %sub3A_185 : i32
        %dma_wait3A_187 = arith.constant 0 : i32
        %dma_wait3A_188 = tpu.memref_slice %arg7[%sub3A_186, %dma_wait3A_187] : memref<125x80xi32, #tpu.memory_space<vmem>> -> memref<1x80xi32, #tpu.memory_space<vmem>>
        %dma_wait3A_189 = tpu.memref_squeeze %dma_wait3A_188 : memref<1x80xi32, #tpu.memory_space<vmem>> -> memref<80xi32, #tpu.memory_space<vmem>>
        %dma_wait3A_190 = arith.constant 0 : i32
        %dma_wait3A_191 = arith.constant 0 : i32
        %dma_wait3A_192 = tpu.memref_slice %arg13[%dma_wait3A_190, %dma_wait3A_191] : memref<10000x64xf32, #tpu.memory_space<vmem_shared>> -> memref<10000x64xf32, #tpu.memory_space<vmem_shared>>
        tpu.wait_indirect_dma semaphore(%arg24 : memref<!tpu.dma_semaphore, #tpu.memory_space<semaphore_mem>>) src(%arg12 : memref<80x64xf32, #tpu.memory_space<vmem>>) dst(%dma_wait3A_192 : memref<10000x64xf32, #tpu.memory_space<vmem_shared>>)
      } else {
      }
      %dma_start3A_54 = arith.constant 0 : i32
      %dma_start3A_55 = tpu.memref_slice %arg7[%add3A_45, %dma_start3A_54] : memref<125x80xi32, #tpu.memory_space<vmem>> -> memref<1x80xi32, #tpu.memory_space<vmem>>
      %dma_start3A_56 = tpu.memref_squeeze %dma_start3A_55 : memref<1x80xi32, #tpu.memory_space<vmem>> -> memref<80xi32, #tpu.memory_space<vmem>>
      %dma_start3A_57 = arith.constant 0 : i32
      %dma_start3A_58 = arith.constant 0 : i32
      %dma_start3A_59 = tpu.memref_slice %arg13[%dma_start3A_57, %dma_start3A_58] : memref<10000x64xf32, #tpu.memory_space<vmem_shared>> -> memref<10000x64xf32, #tpu.memory_space<vmem_shared>>
      tpu.enqueue_indirect_dma source(%arg8 : memref<80x64xf32, #tpu.memory_space<vmem>>) target(%dma_start3A_59 : memref<10000x64xf32, #tpu.memory_space<vmem_shared>>) offsets(%dma_start3A_56 : memref<80xi32, #tpu.memory_space<vmem>>) semaphore(%arg20 : memref<!tpu.dma_semaphore, #tpu.memory_space<semaphore_mem>>) {add = true}
      %add3A_60 = arith.constant 3 : i32
      %add3A_61 = arith.addi %add3A_45, %add3A_60 : i32
      %dma_start3A_62 = arith.constant 0 : i32
      %dma_start3A_63 = tpu.memref_slice %arg6[%add3A_61, %dma_start3A_62] : memref<125x80xi32, #tpu.memory_space<vmem>> -> memref<1x80xi32, #tpu.memory_space<vmem>>
      %dma_start3A_64 = tpu.memref_squeeze %dma_start3A_63 : memref<1x80xi32, #tpu.memory_space<vmem>> -> memref<80xi32, #tpu.memory_space<vmem>>
      %dma_start3A_65 = arith.constant 0 : i32
      %dma_start3A_66 = arith.constant 0 : i32
      %dma_start3A_67 = tpu.memref_slice %arg14[%dma_start3A_65, %dma_start3A_66] : memref<10000x64xf32, #tpu.memory_space<vmem_shared>> -> memref<10000x64xf32, #tpu.memory_space<vmem_shared>>
      tpu.enqueue_indirect_dma source(%dma_start3A_67 : memref<10000x64xf32, #tpu.memory_space<vmem_shared>>) target(%arg11 : memref<80x64xf32, #tpu.memory_space<vmem>>) offsets(%dma_start3A_64 : memref<80xi32, #tpu.memory_space<vmem>>) semaphore(%arg18 : memref<!tpu.dma_semaphore, #tpu.memory_space<semaphore_mem>>)
      %mul3A_68 = arith.constant 5 : i32
      %mul3A_69 = arith.muli %mul3A_68, %scan3A_41 : i32
      %add3A_70 = arith.constant 1 : i32
      %add3A_71 = arith.addi %mul3A_69, %add3A_70 : i32
      %dma_wait3A_72 = arith.constant 0 : i32
      %dma_wait3A_73 = tpu.memref_slice %arg6[%add3A_71, %dma_wait3A_72] : memref<125x80xi32, #tpu.memory_space<vmem>> -> memref<1x80xi32, #tpu.memory_space<vmem>>
      %dma_wait3A_74 = tpu.memref_squeeze %dma_wait3A_73 : memref<1x80xi32, #tpu.memory_space<vmem>> -> memref<80xi32, #tpu.memory_space<vmem>>
      %dma_wait3A_75 = arith.constant 0 : i32
      %dma_wait3A_76 = arith.constant 0 : i32
      %dma_wait3A_77 = tpu.memref_slice %arg14[%dma_wait3A_75, %dma_wait3A_76] : memref<10000x64xf32, #tpu.memory_space<vmem_shared>> -> memref<10000x64xf32, #tpu.memory_space<vmem_shared>>
      tpu.wait_indirect_dma semaphore(%arg16 : memref<!tpu.dma_semaphore, #tpu.memory_space<semaphore_mem>>) src(%dma_wait3A_77 : memref<10000x64xf32, #tpu.memory_space<vmem_shared>>) dst(%arg9 : memref<80x64xf32, #tpu.memory_space<vmem>>)
      %sub3A = arith.constant 1 : i32
      %sub3A_78 = arith.subi %add3A_71, %sub3A : i32
      %dma_wait3A_79 = arith.constant 0 : i32
      %dma_wait3A_80 = tpu.memref_slice %arg7[%sub3A_78, %dma_wait3A_79] : memref<125x80xi32, #tpu.memory_space<vmem>> -> memref<1x80xi32, #tpu.memory_space<vmem>>
      %dma_wait3A_81 = tpu.memref_squeeze %dma_wait3A_80 : memref<1x80xi32, #tpu.memory_space<vmem>> -> memref<80xi32, #tpu.memory_space<vmem>>
      %dma_wait3A_82 = arith.constant 0 : i32
      %dma_wait3A_83 = arith.constant 0 : i32
      %dma_wait3A_84 = tpu.memref_slice %arg13[%dma_wait3A_82, %dma_wait3A_83] : memref<10000x64xf32, #tpu.memory_space<vmem_shared>> -> memref<10000x64xf32, #tpu.memory_space<vmem_shared>>
      tpu.wait_indirect_dma semaphore(%arg20 : memref<!tpu.dma_semaphore, #tpu.memory_space<semaphore_mem>>) src(%arg8 : memref<80x64xf32, #tpu.memory_space<vmem>>) dst(%dma_wait3A_84 : memref<10000x64xf32, #tpu.memory_space<vmem_shared>>)
      %dma_start3A_85 = arith.constant 0 : i32
      %dma_start3A_86 = tpu.memref_slice %arg7[%add3A_71, %dma_start3A_85] : memref<125x80xi32, #tpu.memory_space<vmem>> -> memref<1x80xi32, #tpu.memory_space<vmem>>
      %dma_start3A_87 = tpu.memref_squeeze %dma_start3A_86 : memref<1x80xi32, #tpu.memory_space<vmem>> -> memref<80xi32, #tpu.memory_space<vmem>>
      %dma_start3A_88 = arith.constant 0 : i32
      %dma_start3A_89 = arith.constant 0 : i32
      %dma_start3A_90 = tpu.memref_slice %arg13[%dma_start3A_88, %dma_start3A_89] : memref<10000x64xf32, #tpu.memory_space<vmem_shared>> -> memref<10000x64xf32, #tpu.memory_space<vmem_shared>>
      tpu.enqueue_indirect_dma source(%arg9 : memref<80x64xf32, #tpu.memory_space<vmem>>) target(%dma_start3A_90 : memref<10000x64xf32, #tpu.memory_space<vmem_shared>>) offsets(%dma_start3A_87 : memref<80xi32, #tpu.memory_space<vmem>>) semaphore(%arg21 : memref<!tpu.dma_semaphore, #tpu.memory_space<semaphore_mem>>) {add = true}
      %add3A_91 = arith.constant 3 : i32
      %add3A_92 = arith.addi %add3A_71, %add3A_91 : i32
      %dma_start3A_93 = arith.constant 0 : i32
      %dma_start3A_94 = tpu.memref_slice %arg6[%add3A_92, %dma_start3A_93] : memref<125x80xi32, #tpu.memory_space<vmem>> -> memref<1x80xi32, #tpu.memory_space<vmem>>
      %dma_start3A_95 = tpu.memref_squeeze %dma_start3A_94 : memref<1x80xi32, #tpu.memory_space<vmem>> -> memref<80xi32, #tpu.memory_space<vmem>>
      %dma_start3A_96 = arith.constant 0 : i32
      %dma_start3A_97 = arith.constant 0 : i32
      %dma_start3A_98 = tpu.memref_slice %arg14[%dma_start3A_96, %dma_start3A_97] : memref<10000x64xf32, #tpu.memory_space<vmem_shared>> -> memref<10000x64xf32, #tpu.memory_space<vmem_shared>>
      tpu.enqueue_indirect_dma source(%dma_start3A_98 : memref<10000x64xf32, #tpu.memory_space<vmem_shared>>) target(%arg12 : memref<80x64xf32, #tpu.memory_space<vmem>>) offsets(%dma_start3A_95 : memref<80xi32, #tpu.memory_space<vmem>>) semaphore(%arg19 : memref<!tpu.dma_semaphore, #tpu.memory_space<semaphore_mem>>)
      %mul3A_99 = arith.constant 5 : i32
      %mul3A_100 = arith.muli %mul3A_99, %scan3A_41 : i32
      %add3A_101 = arith.constant 2 : i32
      %add3A_102 = arith.addi %mul3A_100, %add3A_101 : i32
      %dma_wait3A_103 = arith.constant 0 : i32
      %dma_wait3A_104 = tpu.memref_slice %arg6[%add3A_102, %dma_wait3A_103] : memref<125x80xi32, #tpu.memory_space<vmem>> -> memref<1x80xi32, #tpu.memory_space<vmem>>
      %dma_wait3A_105 = tpu.memref_squeeze %dma_wait3A_104 : memref<1x80xi32, #tpu.memory_space<vmem>> -> memref<80xi32, #tpu.memory_space<vmem>>
      %dma_wait3A_106 = arith.constant 0 : i32
      %dma_wait3A_107 = arith.constant 0 : i32
      %dma_wait3A_108 = tpu.memref_slice %arg14[%dma_wait3A_106, %dma_wait3A_107] : memref<10000x64xf32, #tpu.memory_space<vmem_shared>> -> memref<10000x64xf32, #tpu.memory_space<vmem_shared>>
      tpu.wait_indirect_dma semaphore(%arg17 : memref<!tpu.dma_semaphore, #tpu.memory_space<semaphore_mem>>) src(%dma_wait3A_108 : memref<10000x64xf32, #tpu.memory_space<vmem_shared>>) dst(%arg10 : memref<80x64xf32, #tpu.memory_space<vmem>>)
      %sub3A_109 = arith.constant 1 : i32
      %sub3A_110 = arith.subi %add3A_102, %sub3A_109 : i32
      %dma_wait3A_111 = arith.constant 0 : i32
      %dma_wait3A_112 = tpu.memref_slice %arg7[%sub3A_110, %dma_wait3A_111] : memref<125x80xi32, #tpu.memory_space<vmem>> -> memref<1x80xi32, #tpu.memory_space<vmem>>
      %dma_wait3A_113 = tpu.memref_squeeze %dma_wait3A_112 : memref<1x80xi32, #tpu.memory_space<vmem>> -> memref<80xi32, #tpu.memory_space<vmem>>
      %dma_wait3A_114 = arith.constant 0 : i32
      %dma_wait3A_115 = arith.constant 0 : i32
      %dma_wait3A_116 = tpu.memref_slice %arg13[%dma_wait3A_114, %dma_wait3A_115] : memref<10000x64xf32, #tpu.memory_space<vmem_shared>> -> memref<10000x64xf32, #tpu.memory_space<vmem_shared>>
      tpu.wait_indirect_dma semaphore(%arg21 : memref<!tpu.dma_semaphore, #tpu.memory_space<semaphore_mem>>) src(%arg9 : memref<80x64xf32, #tpu.memory_space<vmem>>) dst(%dma_wait3A_116 : memref<10000x64xf32, #tpu.memory_space<vmem_shared>>)
      %dma_start3A_117 = arith.constant 0 : i32
      %dma_start3A_118 = tpu.memref_slice %arg7[%add3A_102, %dma_start3A_117] : memref<125x80xi32, #tpu.memory_space<vmem>> -> memref<1x80xi32, #tpu.memory_space<vmem>>
      %dma_start3A_119 = tpu.memref_squeeze %dma_start3A_118 : memref<1x80xi32, #tpu.memory_space<vmem>> -> memref<80xi32, #tpu.memory_space<vmem>>
      %dma_start3A_120 = arith.constant 0 : i32
      %dma_start3A_121 = arith.constant 0 : i32
      %dma_start3A_122 = tpu.memref_slice %arg13[%dma_start3A_120, %dma_start3A_121] : memref<10000x64xf32, #tpu.memory_space<vmem_shared>> -> memref<10000x64xf32, #tpu.memory_space<vmem_shared>>
      tpu.enqueue_indirect_dma source(%arg10 : memref<80x64xf32, #tpu.memory_space<vmem>>) target(%dma_start3A_122 : memref<10000x64xf32, #tpu.memory_space<vmem_shared>>) offsets(%dma_start3A_119 : memref<80xi32, #tpu.memory_space<vmem>>) semaphore(%arg22 : memref<!tpu.dma_semaphore, #tpu.memory_space<semaphore_mem>>) {add = true}
      %lt3A = arith.constant 24 : i32
      %lt3A_123 = arith.cmpi slt, %scan3A_41, %lt3A : i32
      %convert_element_type3A_124 = arith.extui %lt3A_123 : i1 to i32
      %cond3A_125 = arith.constant 0 : i32
      %cond3A_126 = arith.cmpi ne, %convert_element_type3A_124, %cond3A_125 : i32
      scf.if %cond3A_126 {
        %add3A_185 = arith.constant 3 : i32
        %add3A_186 = arith.addi %add3A_102, %add3A_185 : i32
        %dma_start3A_187 = arith.constant 0 : i32
        %dma_start3A_188 = tpu.memref_slice %arg6[%add3A_186, %dma_start3A_187] : memref<125x80xi32, #tpu.memory_space<vmem>> -> memref<1x80xi32, #tpu.memory_space<vmem>>
        %dma_start3A_189 = tpu.memref_squeeze %dma_start3A_188 : memref<1x80xi32, #tpu.memory_space<vmem>> -> memref<80xi32, #tpu.memory_space<vmem>>
        %dma_start3A_190 = arith.constant 0 : i32
        %dma_start3A_191 = arith.constant 0 : i32
        %dma_start3A_192 = tpu.memref_slice %arg14[%dma_start3A_190, %dma_start3A_191] : memref<10000x64xf32, #tpu.memory_space<vmem_shared>> -> memref<10000x64xf32, #tpu.memory_space<vmem_shared>>
        tpu.enqueue_indirect_dma source(%dma_start3A_192 : memref<10000x64xf32, #tpu.memory_space<vmem_shared>>) target(%arg8 : memref<80x64xf32, #tpu.memory_space<vmem>>) offsets(%dma_start3A_189 : memref<80xi32, #tpu.memory_space<vmem>>) semaphore(%arg15 : memref<!tpu.dma_semaphore, #tpu.memory_space<semaphore_mem>>)
      } else {
      }
      %mul3A_127 = arith.constant 5 : i32
      %mul3A_128 = arith.muli %mul3A_127, %scan3A_41 : i32
      %add3A_129 = arith.constant 3 : i32
      %add3A_130 = arith.addi %mul3A_128, %add3A_129 : i32
      %dma_wait3A_131 = arith.constant 0 : i32
      %dma_wait3A_132 = tpu.memref_slice %arg6[%add3A_130, %dma_wait3A_131] : memref<125x80xi32, #tpu.memory_space<vmem>> -> memref<1x80xi32, #tpu.memory_space<vmem>>
      %dma_wait3A_133 = tpu.memref_squeeze %dma_wait3A_132 : memref<1x80xi32, #tpu.memory_space<vmem>> -> memref<80xi32, #tpu.memory_space<vmem>>
      %dma_wait3A_134 = arith.constant 0 : i32
      %dma_wait3A_135 = arith.constant 0 : i32
      %dma_wait3A_136 = tpu.memref_slice %arg14[%dma_wait3A_134, %dma_wait3A_135] : memref<10000x64xf32, #tpu.memory_space<vmem_shared>> -> memref<10000x64xf32, #tpu.memory_space<vmem_shared>>
      tpu.wait_indirect_dma semaphore(%arg18 : memref<!tpu.dma_semaphore, #tpu.memory_space<semaphore_mem>>) src(%dma_wait3A_136 : memref<10000x64xf32, #tpu.memory_space<vmem_shared>>) dst(%arg11 : memref<80x64xf32, #tpu.memory_space<vmem>>)
      %sub3A_137 = arith.constant 1 : i32
      %sub3A_138 = arith.subi %add3A_130, %sub3A_137 : i32
      %dma_wait3A_139 = arith.constant 0 : i32
      %dma_wait3A_140 = tpu.memref_slice %arg7[%sub3A_138, %dma_wait3A_139] : memref<125x80xi32, #tpu.memory_space<vmem>> -> memref<1x80xi32, #tpu.memory_space<vmem>>
      %dma_wait3A_141 = tpu.memref_squeeze %dma_wait3A_140 : memref<1x80xi32, #tpu.memory_space<vmem>> -> memref<80xi32, #tpu.memory_space<vmem>>
      %dma_wait3A_142 = arith.constant 0 : i32
      %dma_wait3A_143 = arith.constant 0 : i32
      %dma_wait3A_144 = tpu.memref_slice %arg13[%dma_wait3A_142, %dma_wait3A_143] : memref<10000x64xf32, #tpu.memory_space<vmem_shared>> -> memref<10000x64xf32, #tpu.memory_space<vmem_shared>>
      tpu.wait_indirect_dma semaphore(%arg22 : memref<!tpu.dma_semaphore, #tpu.memory_space<semaphore_mem>>) src(%arg10 : memref<80x64xf32, #tpu.memory_space<vmem>>) dst(%dma_wait3A_144 : memref<10000x64xf32, #tpu.memory_space<vmem_shared>>)
      %dma_start3A_145 = arith.constant 0 : i32
      %dma_start3A_146 = tpu.memref_slice %arg7[%add3A_130, %dma_start3A_145] : memref<125x80xi32, #tpu.memory_space<vmem>> -> memref<1x80xi32, #tpu.memory_space<vmem>>
      %dma_start3A_147 = tpu.memref_squeeze %dma_start3A_146 : memref<1x80xi32, #tpu.memory_space<vmem>> -> memref<80xi32, #tpu.memory_space<vmem>>
      %dma_start3A_148 = arith.constant 0 : i32
      %dma_start3A_149 = arith.constant 0 : i32
      %dma_start3A_150 = tpu.memref_slice %arg13[%dma_start3A_148, %dma_start3A_149] : memref<10000x64xf32, #tpu.memory_space<vmem_shared>> -> memref<10000x64xf32, #tpu.memory_space<vmem_shared>>
      tpu.enqueue_indirect_dma source(%arg11 : memref<80x64xf32, #tpu.memory_space<vmem>>) target(%dma_start3A_150 : memref<10000x64xf32, #tpu.memory_space<vmem_shared>>) offsets(%dma_start3A_147 : memref<80xi32, #tpu.memory_space<vmem>>) semaphore(%arg23 : memref<!tpu.dma_semaphore, #tpu.memory_space<semaphore_mem>>) {add = true}
      %lt3A_151 = arith.constant 24 : i32
      %lt3A_152 = arith.cmpi slt, %scan3A_41, %lt3A_151 : i32
      %convert_element_type3A_153 = arith.extui %lt3A_152 : i1 to i32
      %cond3A_154 = arith.constant 0 : i32
      %cond3A_155 = arith.cmpi ne, %convert_element_type3A_153, %cond3A_154 : i32
      scf.if %cond3A_155 {
        %add3A_185 = arith.constant 3 : i32
        %add3A_186 = arith.addi %add3A_130, %add3A_185 : i32
        %dma_start3A_187 = arith.constant 0 : i32
        %dma_start3A_188 = tpu.memref_slice %arg6[%add3A_186, %dma_start3A_187] : memref<125x80xi32, #tpu.memory_space<vmem>> -> memref<1x80xi32, #tpu.memory_space<vmem>>
        %dma_start3A_189 = tpu.memref_squeeze %dma_start3A_188 : memref<1x80xi32, #tpu.memory_space<vmem>> -> memref<80xi32, #tpu.memory_space<vmem>>
        %dma_start3A_190 = arith.constant 0 : i32
        %dma_start3A_191 = arith.constant 0 : i32
        %dma_start3A_192 = tpu.memref_slice %arg14[%dma_start3A_190, %dma_start3A_191] : memref<10000x64xf32, #tpu.memory_space<vmem_shared>> -> memref<10000x64xf32, #tpu.memory_space<vmem_shared>>
        tpu.enqueue_indirect_dma source(%dma_start3A_192 : memref<10000x64xf32, #tpu.memory_space<vmem_shared>>) target(%arg9 : memref<80x64xf32, #tpu.memory_space<vmem>>) offsets(%dma_start3A_189 : memref<80xi32, #tpu.memory_space<vmem>>) semaphore(%arg16 : memref<!tpu.dma_semaphore, #tpu.memory_space<semaphore_mem>>)
      } else {
      }
      %mul3A_156 = arith.constant 5 : i32
      %mul3A_157 = arith.muli %mul3A_156, %scan3A_41 : i32
      %add3A_158 = arith.constant 4 : i32
      %add3A_159 = arith.addi %mul3A_157, %add3A_158 : i32
      %dma_wait3A_160 = arith.constant 0 : i32
      %dma_wait3A_161 = tpu.memref_slice %arg6[%add3A_159, %dma_wait3A_160] : memref<125x80xi32, #tpu.memory_space<vmem>> -> memref<1x80xi32, #tpu.memory_space<vmem>>
      %dma_wait3A_162 = tpu.memref_squeeze %dma_wait3A_161 : memref<1x80xi32, #tpu.memory_space<vmem>> -> memref<80xi32, #tpu.memory_space<vmem>>
      %dma_wait3A_163 = arith.constant 0 : i32
      %dma_wait3A_164 = arith.constant 0 : i32
      %dma_wait3A_165 = tpu.memref_slice %arg14[%dma_wait3A_163, %dma_wait3A_164] : memref<10000x64xf32, #tpu.memory_space<vmem_shared>> -> memref<10000x64xf32, #tpu.memory_space<vmem_shared>>
      tpu.wait_indirect_dma semaphore(%arg19 : memref<!tpu.dma_semaphore, #tpu.memory_space<semaphore_mem>>) src(%dma_wait3A_165 : memref<10000x64xf32, #tpu.memory_space<vmem_shared>>) dst(%arg12 : memref<80x64xf32, #tpu.memory_space<vmem>>)
      %sub3A_166 = arith.constant 1 : i32
      %sub3A_167 = arith.subi %add3A_159, %sub3A_166 : i32
      %dma_wait3A_168 = arith.constant 0 : i32
      %dma_wait3A_169 = tpu.memref_slice %arg7[%sub3A_167, %dma_wait3A_168] : memref<125x80xi32, #tpu.memory_space<vmem>> -> memref<1x80xi32, #tpu.memory_space<vmem>>
      %dma_wait3A_170 = tpu.memref_squeeze %dma_wait3A_169 : memref<1x80xi32, #tpu.memory_space<vmem>> -> memref<80xi32, #tpu.memory_space<vmem>>
      %dma_wait3A_171 = arith.constant 0 : i32
      %dma_wait3A_172 = arith.constant 0 : i32
      %dma_wait3A_173 = tpu.memref_slice %arg13[%dma_wait3A_171, %dma_wait3A_172] : memref<10000x64xf32, #tpu.memory_space<vmem_shared>> -> memref<10000x64xf32, #tpu.memory_space<vmem_shared>>
      tpu.wait_indirect_dma semaphore(%arg23 : memref<!tpu.dma_semaphore, #tpu.memory_space<semaphore_mem>>) src(%arg11 : memref<80x64xf32, #tpu.memory_space<vmem>>) dst(%dma_wait3A_173 : memref<10000x64xf32, #tpu.memory_space<vmem_shared>>)
      %dma_start3A_174 = arith.constant 0 : i32
      %dma_start3A_175 = tpu.memref_slice %arg7[%add3A_159, %dma_start3A_174] : memref<125x80xi32, #tpu.memory_space<vmem>> -> memref<1x80xi32, #tpu.memory_space<vmem>>
      %dma_start3A_176 = tpu.memref_squeeze %dma_start3A_175 : memref<1x80xi32, #tpu.memory_space<vmem>> -> memref<80xi32, #tpu.memory_space<vmem>>
      %dma_start3A_177 = arith.constant 0 : i32
      %dma_start3A_178 = arith.constant 0 : i32
      %dma_start3A_179 = tpu.memref_slice %arg13[%dma_start3A_177, %dma_start3A_178] : memref<10000x64xf32, #tpu.memory_space<vmem_shared>> -> memref<10000x64xf32, #tpu.memory_space<vmem_shared>>
      tpu.enqueue_indirect_dma source(%arg12 : memref<80x64xf32, #tpu.memory_space<vmem>>) target(%dma_start3A_179 : memref<10000x64xf32, #tpu.memory_space<vmem_shared>>) offsets(%dma_start3A_176 : memref<80xi32, #tpu.memory_space<vmem>>) semaphore(%arg24 : memref<!tpu.dma_semaphore, #tpu.memory_space<semaphore_mem>>) {add = true}
      %lt3A_180 = arith.constant 24 : i32
      %lt3A_181 = arith.cmpi slt, %scan3A_41, %lt3A_180 : i32
      %convert_element_type3A_182 = arith.extui %lt3A_181 : i1 to i32
      %cond3A_183 = arith.constant 0 : i32
      %cond3A_184 = arith.cmpi ne, %convert_element_type3A_182, %cond3A_183 : i32
      scf.if %cond3A_184 {
        %add3A_185 = arith.constant 3 : i32
        %add3A_186 = arith.addi %add3A_159, %add3A_185 : i32
        %dma_start3A_187 = arith.constant 0 : i32
        %dma_start3A_188 = tpu.memref_slice %arg6[%add3A_186, %dma_start3A_187] : memref<125x80xi32, #tpu.memory_space<vmem>> -> memref<1x80xi32, #tpu.memory_space<vmem>>
        %dma_start3A_189 = tpu.memref_squeeze %dma_start3A_188 : memref<1x80xi32, #tpu.memory_space<vmem>> -> memref<80xi32, #tpu.memory_space<vmem>>
        %dma_start3A_190 = arith.constant 0 : i32
        %dma_start3A_191 = arith.constant 0 : i32
        %dma_start3A_192 = tpu.memref_slice %arg14[%dma_start3A_190, %dma_start3A_191] : memref<10000x64xf32, #tpu.memory_space<vmem_shared>> -> memref<10000x64xf32, #tpu.memory_space<vmem_shared>>
        tpu.enqueue_indirect_dma source(%dma_start3A_192 : memref<10000x64xf32, #tpu.memory_space<vmem_shared>>) target(%arg10 : memref<80x64xf32, #tpu.memory_space<vmem>>) offsets(%dma_start3A_189 : memref<80xi32, #tpu.memory_space<vmem>>) semaphore(%arg17 : memref<!tpu.dma_semaphore, #tpu.memory_space<semaphore_mem>>)
      } else {
      }
    }
    %scan3A_32 = arith.constant 25 : i32
    %dma_wait3A = arith.constant 124 : i32
    %dma_wait3A_33 = arith.constant 0 : i32
    %dma_wait3A_34 = tpu.memref_slice %arg7[%dma_wait3A, %dma_wait3A_33] : memref<125x80xi32, #tpu.memory_space<vmem>> -> memref<1x80xi32, #tpu.memory_space<vmem>>
    %dma_wait3A_35 = tpu.memref_squeeze %dma_wait3A_34 : memref<1x80xi32, #tpu.memory_space<vmem>> -> memref<80xi32, #tpu.memory_space<vmem>>
    %dma_wait3A_36 = arith.constant 0 : i32
    %dma_wait3A_37 = arith.constant 0 : i32
    %dma_wait3A_38 = tpu.memref_slice %arg13[%dma_wait3A_36, %dma_wait3A_37] : memref<10000x64xf32, #tpu.memory_space<vmem_shared>> -> memref<10000x64xf32, #tpu.memory_space<vmem_shared>>
    tpu.wait_indirect_dma semaphore(%arg24 : memref<!tpu.dma_semaphore, #tpu.memory_space<semaphore_mem>>) src(%arg12 : memref<80x64xf32, #tpu.memory_space<vmem>>) dst(%dma_wait3A_38 : memref<10000x64xf32, #tpu.memory_space<vmem_shared>>)
    %barrier3A_39 = arith.constant 0 : index
    tpu.barrier barrier_id(%barrier3A_39)
    %run_scoped3A_40 = arith.constant 0 : i32
    "tpu.region"() ({
      %run_scoped3A_41 = tpu.sem_alloc : memref<!tpu.dma_semaphore, #tpu.memory_space<semaphore_mem>>
      %dma_start3A_42 = arith.constant 0 : i32
      %dma_start3A_43 = tpu.memref_slice %arg5[%arg0, %run_scoped3A_40, %mul3A_2, %dma_start3A_42] : memref<2x1x10000x128xf32, #tpu.memory_space<hbm>> -> memref<1x1x625x64xf32, #tpu.memory_space<hbm>>
      %dma_start3A_44 = tpu.memref_squeeze %dma_start3A_43 : memref<1x1x625x64xf32, #tpu.memory_space<hbm>> -> memref<625x64xf32, #tpu.memory_space<hbm>>
      %dma_start3A_45 = arith.constant 0 : i32
      %dma_start3A_46 = tpu.memref_slice %arg13[%mul3A_2, %dma_start3A_45] : memref<10000x64xf32, #tpu.memory_space<vmem_shared>> -> memref<625x64xf32, #tpu.memory_space<vmem_shared>>
      tpu.enqueue_dma source(%dma_start3A_46 : memref<625x64xf32, #tpu.memory_space<vmem_shared>>) target(%dma_start3A_44 : memref<625x64xf32, #tpu.memory_space<hbm>>) target_semaphore(%run_scoped3A_41 : memref<!tpu.dma_semaphore, #tpu.memory_space<semaphore_mem>>)
      %dma_wait3A_47 = arith.constant 0 : i32
      %dma_wait3A_48 = tpu.memref_slice %arg5[%arg0, %run_scoped3A_40, %mul3A_2, %dma_wait3A_47] : memref<2x1x10000x128xf32, #tpu.memory_space<hbm>> -> memref<1x1x625x64xf32, #tpu.memory_space<hbm>>
      %dma_wait3A_49 = tpu.memref_squeeze %dma_wait3A_48 : memref<1x1x625x64xf32, #tpu.memory_space<hbm>> -> memref<625x64xf32, #tpu.memory_space<hbm>>
      %dma_wait3A_50 = arith.constant 0 : i32
      %dma_wait3A_51 = tpu.memref_slice %arg13[%mul3A_2, %dma_wait3A_50] : memref<10000x64xf32, #tpu.memory_space<vmem_shared>> -> memref<625x64xf32, #tpu.memory_space<vmem_shared>>
      tpu.wait_dma2 semaphore(%run_scoped3A_41 : memref<!tpu.dma_semaphore, #tpu.memory_space<semaphore_mem>>) src(%dma_wait3A_51 : memref<625x64xf32, #tpu.memory_space<vmem_shared>>) dst(%dma_wait3A_49 : memref<625x64xf32, #tpu.memory_space<hbm>>)
      tpu.yield
    }) : () -> ()
    return
  }
}

module attributes {stable_mosaic.version = 14 : i64} {
  func.func @_mm_self_body(%arg0: i32, %arg1: memref<1000x128xf32, #tpu.memory_space<vmem>>, %arg2: memref<128x256xf32, #tpu.memory_space<vmem>>, %arg3: memref<1x256xf32, #tpu.memory_space<vmem>>, %arg4: memref<1000x256xf32, #tpu.memory_space<vmem>>) attributes {dimension_semantics = [#tpu.dimension_semantics<arbitrary>], iteration_bounds = array<i64: 10>, scalar_prefetch = 0 : i64, scratch_operands = 0 : i64, tpu.core_type = #tpu.core_type<tc>, window_params = [{transform_indices = @transform_0, window_bounds = array<i64: 1000, 128>}, {pipeline_mode = #tpu.pipeline_mode<synchronous>, transform_indices = @transform_1, window_bounds = array<i64: 128, 256>}, {pipeline_mode = #tpu.pipeline_mode<synchronous>, transform_indices = @transform_2, window_bounds = array<i64: 1, 256>}, {transform_indices = @transform_3, window_bounds = array<i64: 1000, 256>}]} {
    %get3A = arith.constant 0 : index
    %get3A_0 = arith.constant 0 : index
    %get3A_1 = vector.load %arg1[%get3A, %get3A_0] : memref<1000x128xf32, #tpu.memory_space<vmem>>, vector<1000x128xf32>
    %get3A_2 = arith.constant 0 : index
    %get3A_3 = arith.constant 0 : index
    %get3A_4 = vector.load %arg2[%get3A_2, %get3A_3] : memref<128x256xf32, #tpu.memory_space<vmem>>, vector<128x256xf32>
    %dot_general3A = arith.constant dense<0.000000e+00> : vector<1000x256xf32>
    %dot_general3A_5 = tpu.matmul %get3A_1, %get3A_4, %dot_general3A {dimension_numbers = #tpu.dot_dimension_numbers<[1], [0], [0], [1], [0, 0, 1, 1], [], []>, transpose_lhs_hint = false} : vector<1000x128xf32>, vector<128x256xf32>, vector<1000x256xf32> -> vector<1000x256xf32>
    %get3A_6 = arith.constant 0 : index
    %get3A_7 = arith.constant 0 : index
    %get3A_8 = vector.load %arg3[%get3A_6, %get3A_7] : memref<1x256xf32, #tpu.memory_space<vmem>>, vector<1x256xf32>
    %add3A = vector.broadcast %get3A_8 : vector<1x256xf32> to vector<1000x256xf32>
    %add3A_9 = arith.addf %dot_general3A_5, %add3A : vector<1000x256xf32>
    %swap3A = arith.constant 0 : index
    %swap3A_10 = arith.constant 0 : index
    %swap3A_11 = vector.load %arg4[%swap3A, %swap3A_10] : memref<1000x256xf32, #tpu.memory_space<vmem>>, vector<1000x256xf32>
    tpu.vector_store %arg4[%swap3A, %swap3A_10], %add3A_9 {strides = array<i32>} : memref<1000x256xf32, #tpu.memory_space<vmem>>, vector<1000x256xf32>,
    return
  }
  func.func @transform_0(%arg0: i32) -> (i32, i32) {
    %c0_i32 = arith.constant 0 : i32
    %c0_i32_0 = arith.constant 0 : i32
    return %arg0, %c0_i32 : i32, i32
  }
  func.func @transform_1(%arg0: i32) -> (i32, i32) {
    %c0_i32 = arith.constant 0 : i32
    %c0_i32_0 = arith.constant 0 : i32
    %c0_i32_1 = arith.constant 0 : i32
    return %c0_i32, %c0_i32_0 : i32, i32
  }
  func.func @transform_2(%arg0: i32) -> (i32, i32) {
    %c0_i32 = arith.constant 0 : i32
    %c0_i32_0 = arith.constant 0 : i32
    %c0_i32_1 = arith.constant 0 : i32
    return %c0_i32, %c0_i32_0 : i32, i32
  }
  func.func @transform_3(%arg0: i32) -> (i32, i32) {
    %c0_i32 = arith.constant 0 : i32
    %c0_i32_0 = arith.constant 0 : i32
    return %arg0, %c0_i32 : i32, i32
  }
}

module attributes {stable_mosaic.version = 14 : i64} {
  func.func @_mm0_body(%arg0: i32, %arg1: memref<1000x256xf32, #tpu.memory_space<vmem>>, %arg2: memref<2x1x1000x128xf32, #tpu.memory_space<vmem>>, %arg3: memref<2x1000x16xf32, #tpu.memory_space<vmem>>, %arg4: memref<128x256xf32, #tpu.memory_space<vmem>>, %arg5: memref<1000x256xf32, #tpu.memory_space<vmem>>) attributes {dimension_semantics = [#tpu.dimension_semantics<arbitrary>], iteration_bounds = array<i64: 10>, scalar_prefetch = 0 : i64, scratch_operands = 0 : i64, tpu.core_type = #tpu.core_type<tc>, window_params = [{transform_indices = @transform_0, window_bounds = array<i64: 1000, 256>}, {transform_indices = @transform_1, window_bounds = array<i64: 2, 1, 1000, 128>}, {transform_indices = @transform_2, window_bounds = array<i64: 2, 1000, 16>}, {pipeline_mode = #tpu.pipeline_mode<synchronous>, transform_indices = @transform_3, window_bounds = array<i64: 128, 256>}, {transform_indices = @transform_4, window_bounds = array<i64: 1000, 256>}]} {
    %get3A = arith.constant 0 : index
    %get3A_0 = arith.constant 0 : index
    %get3A_1 = arith.constant 0 : index
    %get3A_2 = arith.constant 0 : index
    %get3A_3 = vector.load %arg2[%get3A, %get3A_0, %get3A_1, %get3A_2] : memref<2x1x1000x128xf32, #tpu.memory_space<vmem>>, vector<1x1x1000x128xf32>
    %get3A_4 = vector.shape_cast %get3A_3 : vector<1x1x1000x128xf32> to vector<1000x128xf32>
    %get3A_5 = arith.constant 1 : index
    %get3A_6 = arith.constant 0 : index
    %get3A_7 = arith.constant 0 : index
    %get3A_8 = arith.constant 0 : index
    %get3A_9 = vector.load %arg2[%get3A_5, %get3A_6, %get3A_7, %get3A_8] : memref<2x1x1000x128xf32, #tpu.memory_space<vmem>>, vector<1x1x1000x128xf32>
    %get3A_10 = vector.shape_cast %get3A_9 : vector<1x1x1000x128xf32> to vector<1000x128xf32>
    %add3A = arith.addf %get3A_4, %get3A_10 : vector<1000x128xf32>
    %get3A_11 = arith.constant 0 : index
    %get3A_12 = arith.constant 0 : index
    %get3A_13 = arith.constant 0 : index
    %get3A_14 = vector.load %arg3[%get3A_11, %get3A_12, %get3A_13] : memref<2x1000x16xf32, #tpu.memory_space<vmem>>, vector<1x1000x16xf32>
    %get3A_15 = vector.shape_cast %get3A_14 : vector<1x1000x16xf32> to vector<1000x16xf32>
    %slice3A = vector.extract_strided_slice %get3A_15 {offsets = [0, 0], sizes = [1000, 1], strides = [1, 1]} : vector<1000x16xf32> to vector<1000x1xf32>
    %get3A_16 = arith.constant 1 : index
    %get3A_17 = arith.constant 0 : index
    %get3A_18 = arith.constant 0 : index
    %get3A_19 = vector.load %arg3[%get3A_16, %get3A_17, %get3A_18] : memref<2x1000x16xf32, #tpu.memory_space<vmem>>, vector<1x1000x16xf32>
    %get3A_20 = vector.shape_cast %get3A_19 : vector<1x1000x16xf32> to vector<1000x16xf32>
    %slice3A_21 = vector.extract_strided_slice %get3A_20 {offsets = [0, 0], sizes = [1000, 1], strides = [1, 1]} : vector<1000x16xf32> to vector<1000x1xf32>
    %add3A_22 = arith.addf %slice3A, %slice3A_21 : vector<1000x1xf32>
    %max3A = arith.constant 1.000000e+00 : f32
    %max3A_23 = vector.broadcast %max3A : f32 to vector<1000x1xf32>
    %max3A_24 = arith.maximumf %add3A_22, %max3A_23 : vector<1000x1xf32>
    %div3A = vector.broadcast %max3A_24 : vector<1000x1xf32> to vector<1000x128xf32>
    %div3A_25 = arith.divf %add3A, %div3A : vector<1000x128xf32>
    %get3A_26 = arith.constant 0 : index
    %get3A_27 = arith.constant 0 : index
    %get3A_28 = vector.load %arg1[%get3A_26, %get3A_27] : memref<1000x256xf32, #tpu.memory_space<vmem>>, vector<1000x256xf32>
    %get3A_29 = arith.constant 0 : index
    %get3A_30 = arith.constant 0 : index
    %get3A_31 = vector.load %arg4[%get3A_29, %get3A_30] : memref<128x256xf32, #tpu.memory_space<vmem>>, vector<128x256xf32>
    %dot_general3A = arith.constant dense<0.000000e+00> : vector<1000x256xf32>
    %dot_general3A_32 = tpu.matmul %div3A_25, %get3A_31, %dot_general3A {dimension_numbers = #tpu.dot_dimension_numbers<[1], [0], [0], [1], [0, 0, 1, 1], [], []>, transpose_lhs_hint = false} : vector<1000x128xf32>, vector<128x256xf32>, vector<1000x256xf32> -> vector<1000x256xf32>
    %add3A_33 = arith.addf %get3A_28, %dot_general3A_32 : vector<1000x256xf32>
    %max3A_34 = arith.constant 0.000000e+00 : f32
    %max3A_35 = vector.broadcast %max3A_34 : f32 to vector<1000x256xf32>
    %max3A_36 = arith.maximumf %add3A_33, %max3A_35 : vector<1000x256xf32>
    %swap3A = arith.constant 0 : index
    %swap3A_37 = arith.constant 0 : index
    %swap3A_38 = vector.load %arg5[%swap3A, %swap3A_37] : memref<1000x256xf32, #tpu.memory_space<vmem>>, vector<1000x256xf32>
    tpu.vector_store %arg5[%swap3A, %swap3A_37], %max3A_36 {strides = array<i32>} : memref<1000x256xf32, #tpu.memory_space<vmem>>, vector<1000x256xf32>,
    return
  }
  func.func @transform_0(%arg0: i32) -> (i32, i32) {
    %c0_i32 = arith.constant 0 : i32
    %c0_i32_0 = arith.constant 0 : i32
    return %arg0, %c0_i32 : i32, i32
  }
  func.func @transform_1(%arg0: i32) -> (i32, i32, i32, i32) {
    %c0_i32 = arith.constant 0 : i32
    %c0_i32_0 = arith.constant 0 : i32
    %c0_i32_1 = arith.constant 0 : i32
    %c0_i32_2 = arith.constant 0 : i32
    return %c0_i32, %c0_i32_0, %arg0, %c0_i32_1 : i32, i32, i32, i32
  }
  func.func @transform_2(%arg0: i32) -> (i32, i32, i32) {
    %c0_i32 = arith.constant 0 : i32
    %c0_i32_0 = arith.constant 0 : i32
    %c0_i32_1 = arith.constant 0 : i32
    return %c0_i32, %arg0, %c0_i32_0 : i32, i32, i32
  }
  func.func @transform_3(%arg0: i32) -> (i32, i32) {
    %c0_i32 = arith.constant 0 : i32
    %c0_i32_0 = arith.constant 0 : i32
    %c0_i32_1 = arith.constant 0 : i32
    return %c0_i32, %c0_i32_0 : i32, i32
  }
  func.func @transform_4(%arg0: i32) -> (i32, i32) {
    %c0_i32 = arith.constant 0 : i32
    %c0_i32_0 = arith.constant 0 : i32
    return %arg0, %c0_i32 : i32, i32
  }
}

module attributes {stable_mosaic.version = 14 : i64} {
  func.func @_mm_self_body(%arg0: i32, %arg1: memref<1000x256xf32, #tpu.memory_space<vmem>>, %arg2: memref<256x256xf32, #tpu.memory_space<vmem>>, %arg3: memref<1x256xf32, #tpu.memory_space<vmem>>, %arg4: memref<1000x256xf32, #tpu.memory_space<vmem>>) attributes {dimension_semantics = [#tpu.dimension_semantics<arbitrary>], iteration_bounds = array<i64: 10>, scalar_prefetch = 0 : i64, scratch_operands = 0 : i64, tpu.core_type = #tpu.core_type<tc>, window_params = [{transform_indices = @transform_0, window_bounds = array<i64: 1000, 256>}, {pipeline_mode = #tpu.pipeline_mode<synchronous>, transform_indices = @transform_1, window_bounds = array<i64: 256, 256>}, {pipeline_mode = #tpu.pipeline_mode<synchronous>, transform_indices = @transform_2, window_bounds = array<i64: 1, 256>}, {transform_indices = @transform_3, window_bounds = array<i64: 1000, 256>}]} {
    %get3A = arith.constant 0 : index
    %get3A_0 = arith.constant 0 : index
    %get3A_1 = vector.load %arg1[%get3A, %get3A_0] : memref<1000x256xf32, #tpu.memory_space<vmem>>, vector<1000x256xf32>
    %get3A_2 = arith.constant 0 : index
    %get3A_3 = arith.constant 0 : index
    %get3A_4 = vector.load %arg2[%get3A_2, %get3A_3] : memref<256x256xf32, #tpu.memory_space<vmem>>, vector<256x256xf32>
    %dot_general3A = arith.constant dense<0.000000e+00> : vector<1000x256xf32>
    %dot_general3A_5 = tpu.matmul %get3A_1, %get3A_4, %dot_general3A {dimension_numbers = #tpu.dot_dimension_numbers<[1], [0], [0], [1], [0, 0, 1, 1], [], []>, transpose_lhs_hint = false} : vector<1000x256xf32>, vector<256x256xf32>, vector<1000x256xf32> -> vector<1000x256xf32>
    %get3A_6 = arith.constant 0 : index
    %get3A_7 = arith.constant 0 : index
    %get3A_8 = vector.load %arg3[%get3A_6, %get3A_7] : memref<1x256xf32, #tpu.memory_space<vmem>>, vector<1x256xf32>
    %add3A = vector.broadcast %get3A_8 : vector<1x256xf32> to vector<1000x256xf32>
    %add3A_9 = arith.addf %dot_general3A_5, %add3A : vector<1000x256xf32>
    %swap3A = arith.constant 0 : index
    %swap3A_10 = arith.constant 0 : index
    %swap3A_11 = vector.load %arg4[%swap3A, %swap3A_10] : memref<1000x256xf32, #tpu.memory_space<vmem>>, vector<1000x256xf32>
    tpu.vector_store %arg4[%swap3A, %swap3A_10], %add3A_9 {strides = array<i32>} : memref<1000x256xf32, #tpu.memory_space<vmem>>, vector<1000x256xf32>,
    return
  }
  func.func @transform_0(%arg0: i32) -> (i32, i32) {
    %c0_i32 = arith.constant 0 : i32
    %c0_i32_0 = arith.constant 0 : i32
    return %arg0, %c0_i32 : i32, i32
  }
  func.func @transform_1(%arg0: i32) -> (i32, i32) {
    %c0_i32 = arith.constant 0 : i32
    %c0_i32_0 = arith.constant 0 : i32
    %c0_i32_1 = arith.constant 0 : i32
    return %c0_i32, %c0_i32_0 : i32, i32
  }
  func.func @transform_2(%arg0: i32) -> (i32, i32) {
    %c0_i32 = arith.constant 0 : i32
    %c0_i32_0 = arith.constant 0 : i32
    %c0_i32_1 = arith.constant 0 : i32
    return %c0_i32, %c0_i32_0 : i32, i32
  }
  func.func @transform_3(%arg0: i32) -> (i32, i32) {
    %c0_i32 = arith.constant 0 : i32
    %c0_i32_0 = arith.constant 0 : i32
    return %arg0, %c0_i32 : i32, i32
  }
}

module attributes {stable_mosaic.version = 14 : i64} {
  func.func @_mm1_body(%arg0: i32, %arg1: memref<1000x256xf32, #tpu.memory_space<vmem>>, %arg2: memref<2x2x1000x128xf32, #tpu.memory_space<vmem>>, %arg3: memref<2x1000x16xf32, #tpu.memory_space<vmem>>, %arg4: memref<256x256xf32, #tpu.memory_space<vmem>>, %arg5: memref<256x64xf32, #tpu.memory_space<vmem>>, %arg6: memref<1000x256xf32, #tpu.memory_space<vmem>>, %arg7: memref<1000x128xf32, #tpu.memory_space<vmem>>) attributes {dimension_semantics = [#tpu.dimension_semantics<arbitrary>], iteration_bounds = array<i64: 10>, scalar_prefetch = 0 : i64, scratch_operands = 0 : i64, tpu.core_type = #tpu.core_type<tc>, window_params = [{transform_indices = @transform_0, window_bounds = array<i64: 1000, 256>}, {transform_indices = @transform_1, window_bounds = array<i64: 2, 2, 1000, 128>}, {transform_indices = @transform_2, window_bounds = array<i64: 2, 1000, 16>}, {pipeline_mode = #tpu.pipeline_mode<synchronous>, transform_indices = @transform_3, window_bounds = array<i64: 256, 256>}, {pipeline_mode = #tpu.pipeline_mode<synchronous>, transform_indices = @transform_4, window_bounds = array<i64: 256, 64>}, {transform_indices = @transform_5, window_bounds = array<i64: 1000, 256>}, {transform_indices = @transform_6, window_bounds = array<i64: 1000, 128>}]} {
    %get3A = arith.constant 0 : index
    %get3A_0 = arith.constant 0 : index
    %get3A_1 = arith.constant 0 : index
    %get3A_2 = arith.constant 0 : index
    %get3A_3 = vector.load %arg2[%get3A, %get3A_0, %get3A_1, %get3A_2] : memref<2x2x1000x128xf32, #tpu.memory_space<vmem>>, vector<1x1x1000x128xf32>
    %get3A_4 = vector.shape_cast %get3A_3 : vector<1x1x1000x128xf32> to vector<1000x128xf32>
    %get3A_5 = arith.constant 1 : index
    %get3A_6 = arith.constant 0 : index
    %get3A_7 = arith.constant 0 : index
    %get3A_8 = arith.constant 0 : index
    %get3A_9 = vector.load %arg2[%get3A_5, %get3A_6, %get3A_7, %get3A_8] : memref<2x2x1000x128xf32, #tpu.memory_space<vmem>>, vector<1x1x1000x128xf32>
    %get3A_10 = vector.shape_cast %get3A_9 : vector<1x1x1000x128xf32> to vector<1000x128xf32>
    %add3A = arith.addf %get3A_4, %get3A_10 : vector<1000x128xf32>
    %get3A_11 = arith.constant 0 : index
    %get3A_12 = arith.constant 1 : index
    %get3A_13 = arith.constant 0 : index
    %get3A_14 = arith.constant 0 : index
    %get3A_15 = vector.load %arg2[%get3A_11, %get3A_12, %get3A_13, %get3A_14] : memref<2x2x1000x128xf32, #tpu.memory_space<vmem>>, vector<1x1x1000x128xf32>
    %get3A_16 = vector.shape_cast %get3A_15 : vector<1x1x1000x128xf32> to vector<1000x128xf32>
    %get3A_17 = arith.constant 1 : index
    %get3A_18 = arith.constant 1 : index
    %get3A_19 = arith.constant 0 : index
    %get3A_20 = arith.constant 0 : index
    %get3A_21 = vector.load %arg2[%get3A_17, %get3A_18, %get3A_19, %get3A_20] : memref<2x2x1000x128xf32, #tpu.memory_space<vmem>>, vector<1x1x1000x128xf32>
    %get3A_22 = vector.shape_cast %get3A_21 : vector<1x1x1000x128xf32> to vector<1000x128xf32>
    %add3A_23 = arith.addf %get3A_16, %get3A_22 : vector<1000x128xf32>
    %concatenate3A = tpu.concatenate %add3A, %add3A_23 in 1 : vector<1000x128xf32>, vector<1000x128xf32> -> vector<1000x256xf32>
    %get3A_24 = arith.constant 0 : index
    %get3A_25 = arith.constant 0 : index
    %get3A_26 = arith.constant 0 : index
    %get3A_27 = vector.load %arg3[%get3A_24, %get3A_25, %get3A_26] : memref<2x1000x16xf32, #tpu.memory_space<vmem>>, vector<1x1000x16xf32>
    %get3A_28 = vector.shape_cast %get3A_27 : vector<1x1000x16xf32> to vector<1000x16xf32>
    %slice3A = vector.extract_strided_slice %get3A_28 {offsets = [0, 0], sizes = [1000, 1], strides = [1, 1]} : vector<1000x16xf32> to vector<1000x1xf32>
    %get3A_29 = arith.constant 1 : index
    %get3A_30 = arith.constant 0 : index
    %get3A_31 = arith.constant 0 : index
    %get3A_32 = vector.load %arg3[%get3A_29, %get3A_30, %get3A_31] : memref<2x1000x16xf32, #tpu.memory_space<vmem>>, vector<1x1000x16xf32>
    %get3A_33 = vector.shape_cast %get3A_32 : vector<1x1000x16xf32> to vector<1000x16xf32>
    %slice3A_34 = vector.extract_strided_slice %get3A_33 {offsets = [0, 0], sizes = [1000, 1], strides = [1, 1]} : vector<1000x16xf32> to vector<1000x1xf32>
    %add3A_35 = arith.addf %slice3A, %slice3A_34 : vector<1000x1xf32>
    %max3A = arith.constant 1.000000e+00 : f32
    %max3A_36 = vector.broadcast %max3A : f32 to vector<1000x1xf32>
    %max3A_37 = arith.maximumf %add3A_35, %max3A_36 : vector<1000x1xf32>
    %div3A = vector.broadcast %max3A_37 : vector<1000x1xf32> to vector<1000x256xf32>
    %div3A_38 = arith.divf %concatenate3A, %div3A : vector<1000x256xf32>
    %get3A_39 = arith.constant 0 : index
    %get3A_40 = arith.constant 0 : index
    %get3A_41 = vector.load %arg1[%get3A_39, %get3A_40] : memref<1000x256xf32, #tpu.memory_space<vmem>>, vector<1000x256xf32>
    %get3A_42 = arith.constant 0 : index
    %get3A_43 = arith.constant 0 : index
    %get3A_44 = vector.load %arg4[%get3A_42, %get3A_43] : memref<256x256xf32, #tpu.memory_space<vmem>>, vector<256x256xf32>
    %dot_general3A = arith.constant dense<0.000000e+00> : vector<1000x256xf32>
    %dot_general3A_45 = tpu.matmul %div3A_38, %get3A_44, %dot_general3A {dimension_numbers = #tpu.dot_dimension_numbers<[1], [0], [0], [1], [0, 0, 1, 1], [], []>, transpose_lhs_hint = false} : vector<1000x256xf32>, vector<256x256xf32>, vector<1000x256xf32> -> vector<1000x256xf32>
    %add3A_46 = arith.addf %get3A_41, %dot_general3A_45 : vector<1000x256xf32>
    %max3A_47 = arith.constant 0.000000e+00 : f32
    %max3A_48 = vector.broadcast %max3A_47 : f32 to vector<1000x256xf32>
    %max3A_49 = arith.maximumf %add3A_46, %max3A_48 : vector<1000x256xf32>
    %swap3A = arith.constant 0 : index
    %swap3A_50 = arith.constant 0 : index
    %swap3A_51 = vector.load %arg6[%swap3A, %swap3A_50] : memref<1000x256xf32, #tpu.memory_space<vmem>>, vector<1000x256xf32>
    tpu.vector_store %arg6[%swap3A, %swap3A_50], %max3A_49 {strides = array<i32>} : memref<1000x256xf32, #tpu.memory_space<vmem>>, vector<1000x256xf32>,
    %get3A_52 = arith.constant 0 : index
    %get3A_53 = arith.constant 0 : index
    %get3A_54 = vector.load %arg5[%get3A_52, %get3A_53] : memref<256x64xf32, #tpu.memory_space<vmem>>, vector<256x64xf32>
    %dot_general3A_55 = arith.constant dense<0.000000e+00> : vector<1000x64xf32>
    %dot_general3A_56 = tpu.matmul %max3A_49, %get3A_54, %dot_general3A_55 {dimension_numbers = #tpu.dot_dimension_numbers<[1], [0], [0], [1], [0, 0, 1, 1], [], []>, transpose_lhs_hint = false} : vector<1000x256xf32>, vector<256x64xf32>, vector<1000x64xf32> -> vector<1000x64xf32>
    %broadcast_in_dim3A = arith.constant 0.000000e+00 : f32
    %broadcast_in_dim3A_57 = vector.broadcast %broadcast_in_dim3A : f32 to vector<1000x64xf32>
    %concatenate3A_58 = tpu.concatenate %dot_general3A_56, %broadcast_in_dim3A_57 in 1 : vector<1000x64xf32>, vector<1000x64xf32> -> vector<1000x128xf32>
    %swap3A_59 = arith.constant 0 : index
    %swap3A_60 = arith.constant 0 : index
    %swap3A_61 = vector.load %arg7[%swap3A_59, %swap3A_60] : memref<1000x128xf32, #tpu.memory_space<vmem>>, vector<1000x128xf32>
    tpu.vector_store %arg7[%swap3A_59, %swap3A_60], %concatenate3A_58 {strides = array<i32>} : memref<1000x128xf32, #tpu.memory_space<vmem>>, vector<1000x128xf32>,
    return
  }
  func.func @transform_0(%arg0: i32) -> (i32, i32) {
    %c0_i32 = arith.constant 0 : i32
    %c0_i32_0 = arith.constant 0 : i32
    return %arg0, %c0_i32 : i32, i32
  }
  func.func @transform_1(%arg0: i32) -> (i32, i32, i32, i32) {
    %c0_i32 = arith.constant 0 : i32
    %c0_i32_0 = arith.constant 0 : i32
    %c0_i32_1 = arith.constant 0 : i32
    %c0_i32_2 = arith.constant 0 : i32
    return %c0_i32, %c0_i32_0, %arg0, %c0_i32_1 : i32, i32, i32, i32
  }
  func.func @transform_2(%arg0: i32) -> (i32, i32, i32) {
    %c0_i32 = arith.constant 0 : i32
    %c0_i32_0 = arith.constant 0 : i32
    %c0_i32_1 = arith.constant 0 : i32
    return %c0_i32, %arg0, %c0_i32_0 : i32, i32, i32
  }
  func.func @transform_3(%arg0: i32) -> (i32, i32) {
    %c0_i32 = arith.constant 0 : i32
    %c0_i32_0 = arith.constant 0 : i32
    %c0_i32_1 = arith.constant 0 : i32
    return %c0_i32, %c0_i32_0 : i32, i32
  }
  func.func @transform_4(%arg0: i32) -> (i32, i32) {
    %c0_i32 = arith.constant 0 : i32
    %c0_i32_0 = arith.constant 0 : i32
    %c0_i32_1 = arith.constant 0 : i32
    return %c0_i32, %c0_i32_0 : i32, i32
  }
  func.func @transform_5(%arg0: i32) -> (i32, i32) {
    %c0_i32 = arith.constant 0 : i32
    %c0_i32_0 = arith.constant 0 : i32
    return %arg0, %c0_i32 : i32, i32
  }
  func.func @transform_6(%arg0: i32) -> (i32, i32) {
    %c0_i32 = arith.constant 0 : i32
    %c0_i32_0 = arith.constant 0 : i32
    return %arg0, %c0_i32 : i32, i32
  }
}

module attributes {stable_mosaic.version = 14 : i64} {
  func.func @_mm_self_body(%arg0: i32, %arg1: memref<1000x256xf32, #tpu.memory_space<vmem>>, %arg2: memref<256x64xf32, #tpu.memory_space<vmem>>, %arg3: memref<1x64xf32, #tpu.memory_space<vmem>>, %arg4: memref<1000x64xf32, #tpu.memory_space<vmem>>) attributes {dimension_semantics = [#tpu.dimension_semantics<arbitrary>], iteration_bounds = array<i64: 10>, scalar_prefetch = 0 : i64, scratch_operands = 0 : i64, tpu.core_type = #tpu.core_type<tc>, window_params = [{transform_indices = @transform_0, window_bounds = array<i64: 1000, 256>}, {pipeline_mode = #tpu.pipeline_mode<synchronous>, transform_indices = @transform_1, window_bounds = array<i64: 256, 64>}, {pipeline_mode = #tpu.pipeline_mode<synchronous>, transform_indices = @transform_2, window_bounds = array<i64: 1, 64>}, {transform_indices = @transform_3, window_bounds = array<i64: 1000, 64>}]} {
    %get3A = arith.constant 0 : index
    %get3A_0 = arith.constant 0 : index
    %get3A_1 = vector.load %arg1[%get3A, %get3A_0] : memref<1000x256xf32, #tpu.memory_space<vmem>>, vector<1000x256xf32>
    %get3A_2 = arith.constant 0 : index
    %get3A_3 = arith.constant 0 : index
    %get3A_4 = vector.load %arg2[%get3A_2, %get3A_3] : memref<256x64xf32, #tpu.memory_space<vmem>>, vector<256x64xf32>
    %dot_general3A = arith.constant dense<0.000000e+00> : vector<1000x64xf32>
    %dot_general3A_5 = tpu.matmul %get3A_1, %get3A_4, %dot_general3A {dimension_numbers = #tpu.dot_dimension_numbers<[1], [0], [0], [1], [0, 0, 1, 1], [], []>, transpose_lhs_hint = false} : vector<1000x256xf32>, vector<256x64xf32>, vector<1000x64xf32> -> vector<1000x64xf32>
    %get3A_6 = arith.constant 0 : index
    %get3A_7 = arith.constant 0 : index
    %get3A_8 = vector.load %arg3[%get3A_6, %get3A_7] : memref<1x64xf32, #tpu.memory_space<vmem>>, vector<1x64xf32>
    %add3A = vector.broadcast %get3A_8 : vector<1x64xf32> to vector<1000x64xf32>
    %add3A_9 = arith.addf %dot_general3A_5, %add3A : vector<1000x64xf32>
    %swap3A = arith.constant 0 : index
    %swap3A_10 = arith.constant 0 : index
    %swap3A_11 = vector.load %arg4[%swap3A, %swap3A_10] : memref<1000x64xf32, #tpu.memory_space<vmem>>, vector<1000x64xf32>
    tpu.vector_store %arg4[%swap3A, %swap3A_10], %add3A_9 {strides = array<i32>} : memref<1000x64xf32, #tpu.memory_space<vmem>>, vector<1000x64xf32>,
    return
  }
  func.func @transform_0(%arg0: i32) -> (i32, i32) {
    %c0_i32 = arith.constant 0 : i32
    %c0_i32_0 = arith.constant 0 : i32
    return %arg0, %c0_i32 : i32, i32
  }
  func.func @transform_1(%arg0: i32) -> (i32, i32) {
    %c0_i32 = arith.constant 0 : i32
    %c0_i32_0 = arith.constant 0 : i32
    %c0_i32_1 = arith.constant 0 : i32
    return %c0_i32, %c0_i32_0 : i32, i32
  }
  func.func @transform_2(%arg0: i32) -> (i32, i32) {
    %c0_i32 = arith.constant 0 : i32
    %c0_i32_0 = arith.constant 0 : i32
    %c0_i32_1 = arith.constant 0 : i32
    return %c0_i32, %c0_i32_0 : i32, i32
  }
  func.func @transform_3(%arg0: i32) -> (i32, i32) {
    %c0_i32 = arith.constant 0 : i32
    %c0_i32_0 = arith.constant 0 : i32
    return %arg0, %c0_i32 : i32, i32
  }
}

module attributes {stable_mosaic.version = 14 : i64} {
  func.func @_mm2_body(%arg0: i32, %arg1: memref<1000x64xf32, #tpu.memory_space<vmem>>, %arg2: memref<2x1x1000x128xf32, #tpu.memory_space<vmem>>, %arg3: memref<2x1000x16xf32, #tpu.memory_space<vmem>>, %arg4: memref<1000x64xf32, #tpu.memory_space<vmem>>) attributes {dimension_semantics = [#tpu.dimension_semantics<arbitrary>], iteration_bounds = array<i64: 10>, scalar_prefetch = 0 : i64, scratch_operands = 0 : i64, tpu.core_type = #tpu.core_type<tc>, window_params = [{transform_indices = @transform_0, window_bounds = array<i64: 1000, 64>}, {transform_indices = @transform_1, window_bounds = array<i64: 2, 1, 1000, 128>}, {transform_indices = @transform_2, window_bounds = array<i64: 2, 1000, 16>}, {transform_indices = @transform_3, window_bounds = array<i64: 1000, 64>}]} {
    %get3A = arith.constant 0 : index
    %get3A_0 = arith.constant 0 : index
    %get3A_1 = arith.constant 0 : index
    %get3A_2 = arith.constant 0 : index
    %get3A_3 = vector.load %arg2[%get3A, %get3A_0, %get3A_1, %get3A_2] : memref<2x1x1000x128xf32, #tpu.memory_space<vmem>>, vector<1x1x1000x128xf32>
    %get3A_4 = vector.shape_cast %get3A_3 : vector<1x1x1000x128xf32> to vector<1000x128xf32>
    %slice3A = vector.extract_strided_slice %get3A_4 {offsets = [0, 0], sizes = [1000, 64], strides = [1, 1]} : vector<1000x128xf32> to vector<1000x64xf32>
    %get3A_5 = arith.constant 1 : index
    %get3A_6 = arith.constant 0 : index
    %get3A_7 = arith.constant 0 : index
    %get3A_8 = arith.constant 0 : index
    %get3A_9 = vector.load %arg2[%get3A_5, %get3A_6, %get3A_7, %get3A_8] : memref<2x1x1000x128xf32, #tpu.memory_space<vmem>>, vector<1x1x1000x128xf32>
    %get3A_10 = vector.shape_cast %get3A_9 : vector<1x1x1000x128xf32> to vector<1000x128xf32>
    %slice3A_11 = vector.extract_strided_slice %get3A_10 {offsets = [0, 0], sizes = [1000, 64], strides = [1, 1]} : vector<1000x128xf32> to vector<1000x64xf32>
    %add3A = arith.addf %slice3A, %slice3A_11 : vector<1000x64xf32>
    %get3A_12 = arith.constant 0 : index
    %get3A_13 = arith.constant 0 : index
    %get3A_14 = arith.constant 0 : index
    %get3A_15 = vector.load %arg3[%get3A_12, %get3A_13, %get3A_14] : memref<2x1000x16xf32, #tpu.memory_space<vmem>>, vector<1x1000x16xf32>
    %get3A_16 = vector.shape_cast %get3A_15 : vector<1x1000x16xf32> to vector<1000x16xf32>
    %slice3A_17 = vector.extract_strided_slice %get3A_16 {offsets = [0, 0], sizes = [1000, 1], strides = [1, 1]} : vector<1000x16xf32> to vector<1000x1xf32>
    %get3A_18 = arith.constant 1 : index
    %get3A_19 = arith.constant 0 : index
    %get3A_20 = arith.constant 0 : index
    %get3A_21 = vector.load %arg3[%get3A_18, %get3A_19, %get3A_20] : memref<2x1000x16xf32, #tpu.memory_space<vmem>>, vector<1x1000x16xf32>
    %get3A_22 = vector.shape_cast %get3A_21 : vector<1x1000x16xf32> to vector<1000x16xf32>
    %slice3A_23 = vector.extract_strided_slice %get3A_22 {offsets = [0, 0], sizes = [1000, 1], strides = [1, 1]} : vector<1000x16xf32> to vector<1000x1xf32>
    %add3A_24 = arith.addf %slice3A_17, %slice3A_23 : vector<1000x1xf32>
    %max3A = arith.constant 1.000000e+00 : f32
    %max3A_25 = vector.broadcast %max3A : f32 to vector<1000x1xf32>
    %max3A_26 = arith.maximumf %add3A_24, %max3A_25 : vector<1000x1xf32>
    %div3A = vector.broadcast %max3A_26 : vector<1000x1xf32> to vector<1000x64xf32>
    %div3A_27 = arith.divf %add3A, %div3A : vector<1000x64xf32>
    %get3A_28 = arith.constant 0 : index
    %get3A_29 = arith.constant 0 : index
    %get3A_30 = vector.load %arg1[%get3A_28, %get3A_29] : memref<1000x64xf32, #tpu.memory_space<vmem>>, vector<1000x64xf32>
    %add3A_31 = arith.addf %get3A_30, %div3A_27 : vector<1000x64xf32>
    %swap3A = arith.constant 0 : index
    %swap3A_32 = arith.constant 0 : index
    %swap3A_33 = vector.load %arg4[%swap3A, %swap3A_32] : memref<1000x64xf32, #tpu.memory_space<vmem>>, vector<1000x64xf32>
    tpu.vector_store %arg4[%swap3A, %swap3A_32], %add3A_31 {strides = array<i32>} : memref<1000x64xf32, #tpu.memory_space<vmem>>, vector<1000x64xf32>,
    return
  }
  func.func @transform_0(%arg0: i32) -> (i32, i32) {
    %c0_i32 = arith.constant 0 : i32
    %c0_i32_0 = arith.constant 0 : i32
    return %arg0, %c0_i32 : i32, i32
  }
  func.func @transform_1(%arg0: i32) -> (i32, i32, i32, i32) {
    %c0_i32 = arith.constant 0 : i32
    %c0_i32_0 = arith.constant 0 : i32
    %c0_i32_1 = arith.constant 0 : i32
    %c0_i32_2 = arith.constant 0 : i32
    return %c0_i32, %c0_i32_0, %arg0, %c0_i32_1 : i32, i32, i32, i32
  }
  func.func @transform_2(%arg0: i32) -> (i32, i32, i32) {
    %c0_i32 = arith.constant 0 : i32
    %c0_i32_0 = arith.constant 0 : i32
    %c0_i32_1 = arith.constant 0 : i32
    return %c0_i32, %arg0, %c0_i32_0 : i32, i32, i32
  }
  func.func @transform_3(%arg0: i32) -> (i32, i32) {
    %c0_i32 = arith.constant 0 : i32
    %c0_i32_0 = arith.constant 0 : i32
    return %arg0, %c0_i32 : i32, i32
  }
}

</mosaic_0001>

<sc_bundles>
// kernel: kernel.12.cloned.1.call-start
scs
__scs_entry_jumppad:
0x0: {  	(pc) =	sbr.rel $0x88, $3  }
0x1: {  	(tag) =	ssettag $0x0;
	lr =	simm.s32 $0x1  }
0x2: {  	[smem:$0x3F96] =	sst lr;
	_ =	strace $0xD0000000  }
0x3: {  	_ = 	snop  }
0x4: {  	_ = 	snop  }
0x5: {  	_ = 	snop  }
0x6: {  	_ = 	snop  }
0x7: {  	_ = 	snop  }
__scs_overlays_trampoline_lowered:
0x8: {  	[smem:$0x3FA5] =	sst s0  }
0x9: {  	[smem:$0x3FA6] =	sst s1  }
0xa: {  	[smem:$0x3FA7] =	sst s2  }
0xb: {  	[smem:$0x3FA8] =	sst s3  }
0xc: {  	[smem:$0x3FA9] =	sst s4  }
0xd: {  	[smem:$0x3FAA] =	sst s5  }
0xe: {  	[smem:$0x3FAB] =	sst s6  }
0xf: {  	[smem:$0x3FAC] =	sst s7  }
0x10: {  	[smem:$0x3FAD] =	sst s8  }
0x11: {  	[smem:$0x3FAE] =	sst s9;
	s0 =	simm.s32 @!p0 $0x0  }
0x12: {  	s1 =	sld [smem:$0x3F94];
	s0 =	simm.s32 @p0 $0x1  }
0x13: {  	[smem:$0x3FAF] =	sst s0;
	s0 =	simm.s32 @!p1 $0x0  }
0x14: {  	s2 =	sld [smem:$0x3F93];
	s0 =	simm.s32 @p1 $0x1  }
0x15: {  	[smem:$0x3FB0] =	sst s0;
	s0 =	simm.s32 @!p2 $0x0  }
0x16: {  	s3 =	sld [smem:$0x3FDB];
	s0 =	simm.s32 @p2 $0x1  }
0x17: {  	s4 =	simm.s32 $0x1BF5;
	[smem:$0x3FB2] =	sst s0  }
0x18: {  	s0 =	sld [smem:$0x3F95];
	_ =	swait.ge [sflag:s4], $0x0  }
0x19: {  	s7 =	sld [smem:$0x3F96]  }
0x1a: {  	s8 =	sadd.s32 $0xFFFFE003, lr  }
0x1b: {  	s9 =	sadd.s32 $0xFFFFFEF7, lr;
	s5 =	simm.s32 $0xFFFFFFFF;
	p2 =	slt.u32 s8, $0xFFFFF086  }
0x1c: {  	p1 =	slt.u32 s9, $0xF7A;
	s5 =	simm.s32 @!p2 $0x0  }
0x1d: {  	s5 =	simm.s32 @p1 $0x1;
	p0 =	seq.s32 s7, s2  }
0x1e: {  	s7 =	smul.u32 @!p0 $0xF7A, s2;
	p2 =	seq.s32 @!p0 s5, $0x0  }
0x1f: {  	s9 =	smul.u32 $0xF7A, s1;
	s8 =	simm.s32 @!p0 $0x1BF5;
	p2 =	por !p2, p0  }
0x20: {  	[sflag:s8] =	ssyncset.s32 @!p0 $0xFFFFF086;
	s6 =	sadd.s32 @!p0 s3, s7;
	s7 =	simm.s32 @!p0 $0x108  }
0x21: {  	s3 =	sadd.s32 s3, s9;
	s6 =	sadd.s32 @!p0 $0x88, s6;
	s7 =	simm.s32 @p2 $0x1082  }
0x22: {  	[simem:s7], [sflag:s8] =	dma.local @!p0 [hbm:s6], $0xF7A  }
0x23: {  	s9 =	sor.u32 $0xD0000000, s2;
	s6 =	simm.s32 $0x108;
	_ =	swait.ge @!p0 [sflag:s8], $0x0  }
0x24: {  	s3 =	sadd.s32 $0x88, s3;
	s6 =	simm.s32 @!p1 $0x1082;
	[sflag:s4] =	ssyncset.s32 $0xFFFFF086  }
0x25: {  	[simem:s6], [sflag:s4] =	dma.local [hbm:s3], $0xF7A  }
0x26: {  	[smem:$0x3F96] =	sst s1;
	(tag) =	ssettag s2;
	_ =	strace s9  }
0x27: {  	s1 =	sld [smem:$0x3FA6]  }
0x28: {  	s2 =	sld [smem:$0x3FA7]  }
0x29: {  	s4 =	sld [smem:$0x3FA9]  }
0x2a: {  	p0 =	seq.s32 s5, $0x0;
	s5 =	sld [smem:$0x3FAA]  }
0x2b: {  	s6 =	sld [smem:$0x3FAB]  }
0x2c: {  	s7 =	sld [smem:$0x3FAC]  }
0x2d: {  	s3 =	simm.s32 $0x108;
	s8 =	sld [smem:$0x3FAD]  }
0x2e: {  	s3 =	simm.s32 @!p0 $0x1082;
	s9 =	sld [smem:$0x3FAE]  }
0x2f: {  	lr =	sadd.s32 s0, s3;
	s0 =	sld [smem:$0x3FA5]  }
0x30: {  	s3 =	sld [smem:$0x3FA8]  }
0x31: {  	[smem:$0x3FB1] =	sst s10  }
0x32: {  	s10 =	sld [smem:$0x3FAF];
	_ =	sdelay $0x3  }
0x33: {  	p0 =	seq.s32 s10, $0x1;
	s10 =	sld [smem:$0x3FB1];
	_ =	sdelay $0x3  }
0x34: {  	[smem:$0x3FB1] =	sst s10  }
0x35: {  	s10 =	sld [smem:$0x3FB0];
	_ =	sdelay $0x3  }
0x36: {  	p1 =	seq.s32 s10, $0x1;
	s10 =	sld [smem:$0x3FB1];
	_ =	sdelay $0x3  }
0x37: {  	[smem:$0x3FB1] =	sst s10  }
0x38: {  	s10 =	sld [smem:$0x3FB2]  }
0x39: {  	_ = 	snop;
	(pc) =	sbr.ind lr, $3  }
0x3a: {  	_ = 	snop  }
0x3b: {  	_ = 	snop  }
0x3c: {  	p2 =	seq.s32 s10, $0x1;
	s10 =	sld [smem:$0x3FB1]  }
0x3d: {  	_ =	shalt  }
0x3e: {  	_ =	shalt  }
0x3f: {  	_ =	shalt  }
0x40: {  	_ =	shalt  }
0x41: {  	_ =	shalt  }
0x42: {  	_ =	shalt  }
0x43: {  	_ =	shalt  }
0x44: {  	_ =	shalt  }
0x45: {  	_ =	shalt  }
0x46: {  	_ =	shalt  }
0x47: {  	_ =	shalt  }
0x48: {  	_ =	shalt  }
0x49: {  	_ =	shalt  }
0x4a: {  	_ =	shalt  }
0x4b: {  	_ =	shalt  }
0x4c: {  	_ =	shalt  }
0x4d: {  	_ =	shalt  }
0x4e: {  	_ =	shalt  }
0x4f: {  	_ =	shalt  }
0x50: {  	_ =	shalt  }
0x51: {  	_ =	shalt  }
0x52: {  	_ =	shalt  }
0x53: {  	_ =	shalt  }
0x54: {  	_ =	shalt  }
0x55: {  	_ =	shalt  }
0x56: {  	_ =	shalt  }
0x57: {  	_ =	shalt  }
0x58: {  	_ =	shalt  }
0x59: {  	_ =	shalt  }
0x5a: {  	_ =	shalt  }
0x5b: {  	_ =	shalt  }
0x5c: {  	_ =	shalt  }
0x5d: {  	_ =	shalt  }
0x5e: {  	_ =	shalt  }
0x5f: {  	_ =	shalt  }
0x60: {  	_ =	shalt  }
0x61: {  	_ =	shalt  }
0x62: {  	_ =	shalt  }
0x63: {  	_ =	shalt  }
0x64: {  	_ =	shalt  }
0x65: {  	_ =	shalt  }
0x66: {  	_ =	shalt  }
0x67: {  	_ =	shalt  }
0x68: {  	_ =	shalt  }
0x69: {  	_ =	shalt  }
0x6a: {  	_ =	shalt  }
0x6b: {  	_ =	shalt  }
0x6c: {  	_ =	shalt  }
0x6d: {  	_ =	shalt  }
0x6e: {  	_ =	shalt  }
0x6f: {  	_ =	shalt  }
0x70: {  	_ =	shalt  }
0x71: {  	_ =	shalt  }
0x72: {  	_ =	shalt  }
0x73: {  	_ =	shalt  }
0x74: {  	_ =	shalt  }
0x75: {  	_ =	shalt  }
0x76: {  	_ =	shalt  }
0x77: {  	_ =	shalt  }
0x78: {  	_ =	shalt  }
0x79: {  	_ =	shalt  }
0x7a: {  	_ =	shalt  }
0x7b: {  	_ =	shalt  }
0x7c: {  	_ =	shalt  }
0x7d: {  	_ =	shalt  }
0x7e: {  	_ =	shalt  }
0x7f: {  	_ =	shalt  }
0x80: {  	_ =	shalt  }
0x81: {  	_ =	shalt  }
0x82: {  	_ =	shalt  }
0x83: {  	_ =	shalt  }
0x84: {  	_ =	shalt  }
0x85: {  	_ =	shalt  }
0x86: {  	_ =	shalt  }
0x87: {  	_ =	shalt  }
.Lfunc_end0:
.L_simem_size_0:
called_computation_lowered:
.L_overlay_start_0:
0x88: {  	s2 =	sld [smem:$0x3FD9]  }
0x89: {  	s3 =	sld [smem:$0x3FFE];
	_ =	sdelay $0x1  }
0x8a: {  	s1 =	srdreg.scid  }
0x8b: {  	s0 =	sand.u32 $0x1, s1  }
0x8c: {  	s14 =	sshll.u32 s0, $0xA;
	s2 =	sadd.s32 s3, s2  }
0x8d: {  	s2 =	sadd.s32 s2, s14  }
0x8e: {  	[smem:$0x3FBD] =	sst s2  }
0x8f: {  	_ = 	snop  }
0x90: {  	s2 =	sld [smem:$0x3FD0];
	_ =	sdelay $0x2  }
0x91: {  	s15 =	simm.s32 $0xB;
	s4 =	simm.s32 $0x10  }
0x92: {  	[smem:s4], [sflag:s15] =	dma.local [hbm:s2], $0x1  }
0x93: {  	_ =	swait.eq [sflag:s15], $0x1  }
0x94: {  	[sflag:s15] =	ssyncset.done $0x0  }
0x95: {  	s16 =	sld [smem:$0x10];
	[sflag:s15] =	ssyncadd.s32 $0xFFFFFFFF  }
0x96: {  	s17 =	sld [smem:$0x11];
	(tm) =	ssettm $0x1  }
0x97: {  	s18 =	sld [smem:$0x3FFB];
	_ =	sdelay $0x3  }
0x98: {  	_ =	strace s18  }
0x99: {  	s4 =	sld [smem:$0x3FFC];
	_ =	sdelay $0x3  }
0x9a: {  	_ =	strace s4  }
0x9b: {  	s4 =	sld [smem:$0x3FFD];
	_ =	sdelay $0x3  }
0x9c: {  	_ =	strace s4  }
0x9d: {  	_ =	strace $0x8FFFFFFF  }
0x9e: {  	s19 =	sld [smem:$0x3FDB];
	_ =	sdelay $0x1  }
0x9f: {  	s5 =	simm.s32 $_scs_section_size  }
0xa0: {  	s6 =	simm.s32 $_size__tile_overlayer_lowered;
	s7 =	simm.s32 $_tile_overlayer_lowered  }
0xa1: {  	s22 =	simm.s32 $0x1BFF;
	s21 =	sshll.u32 s7, $0x1;
	s4 =	sadd.s32 s5, s19  }
0xa2: {  	s8 =	simm.s32 $0x0;
	s20 =	sshll.u32 s6, $0x1;
	s6 =	sadd.s32 s21, s4  }
0xa3: {  	[timem:s8], [sflag:s22] =	dma.local [hbm:s6], s20  }
0xa4: {  	_ =	swait.ge [sflag:s22], s20  }
0xa5: {  	s5 =	ssub.s32 $0x0, s20;
	[sflag:s22] =	ssyncset.done $0x0  }
0xa6: {  	[sflag:s22] =	ssyncadd.s32 s5;
	_ =	sdelay $0x1  }
0xa7: {  	s23 =	simm.s32 $0x1B8B  }
0xa8: {  	_ =	swait.ge [sflag:s23], $0x1  }
0xa9: {  	[sflag:s23] =	ssyncset.done $0x0  }
0xaa: {  	s25 =	simm.s32 $0x1B8E;
	s24 =	sld [smem:$0x3FFE];
	[sflag:s23] =	ssyncadd.s32 $0xFFFFFFFF  }
0xab: {  	s26 =	simm.s32 $execute0_lowered;
	[smem:$0x3FD2] =	sst s25  }
0xac: {  	s6 =	sshll.u32 s26, $0x1;
	_ =	strace $0x80000046;
	[dreg:$0x1] =	wrdreg $0xFFFFFFFF  }
0xad: {  	s28 =	simm.s32 $_size_execute0_lowered;
	s4 =	sadd.s32 s4, s6;
	[dreg:$0x0] =	wrdreg $0x0  }
0xae: {  	s6 =	sshll.u32 s28, $0x1;
	[dreg:$0x2] =	wrdreg s4  }
0xaf: {  	[dreg:$0x3] =	wrdreg s6  }
0xb0: {  	[dreg:$0x4] =	wrdreg $0xC0  }
0xb1: {  	_ =	task [dreg:s8], $0x5FFFF  }
0xb2: {  	[dreg:$0x1] =	wrdreg $0xFFFFFFFF  }
0xb3: {  	[dreg:$0x0] =	wrdreg $0x60  }
0xb4: {  	[dreg:$0x2] =	wrdreg s16  }
0xb5: {  	[dreg:$0x3] =	wrdreg s24  }
0xb6: {  	[dreg:$0x4] =	wrdreg s17  }
0xb7: {  	[dreg:$0x5] =	wrdreg $0x2C100  }
0xb8: {  	[dreg:$0x6] =	wrdreg $0x9  }
0xb9: {  	_ =	task.clear_ibuf [dreg:s8], $0x7FFFF;
	_ =	strace $0x90000046  }
0xba: {  	s29 =	simm.s32 $0x9;
	_ =	strace $0x80000048  }
0xbb: {  	_ =	swait.ge [sflag:s29], $0x1  }
0xbc: {  	[sflag:s29] =	ssyncadd.s32 $0xFFFFFFFF  }
0xbd: {  	_ =	strace $0x90000048  }
0xbe: {  	_ =	sfence  }
0xbf: {  	s30 =	sld [smem:$0x0];
	_ =	sdelay $0x2  }
0xc0: {  	s31 =	sshll.u32 s1, $0xD;
	s1 =	sshrl.u32 s1, $0x2  }
0xc1: {  	s3 =	sand.u32 $0x4000, s31;
	s1 =	sadd.s32 s1, s30  }
0xc2: {  	s0 =	sor.u32 s3, s0;
	s1 =	sshll.u32 s1, $0x11  }
0xc3: {  	s0 =	sor.u32 s1, s0  }
0xc4: {  	s0 =	sadd.s32 $0x8F2B, s0  }
0xc5: {  	[sflag:s0] =	ssyncadd.remote.s32 $0x1  }
0xc6: {  	_ =	sfence.sel $0xFFFF  }
0xc7: {  	[dreg:$0x0] =	wrdreg $0xFFFFFFFF;
	(pc) =	sbr.abs _section_cstart, $3  }
0xc8: {  	[dreg:$0x1] =	wrdreg $0xFFFFFFFF  }
0xc9: {  	_ =	task.clear_ibuf [dreg:s8], $0x2FFFF;
	_ =	strace $0x9FFFFFFF  }
0xca: {  	(tm) =	ssettm $0x7FFFFFFF  }
0xcb: {  	_ =	shalt  }
tec
execute0_lowered:
.L_overlay_start_1:
0x0: {  	(tag) =	ssettag $0x1  }
0x1: {  	s5 =	rddreg [dreg:$0x0]  }
0x2: {  	s6 =	rddreg [dreg:$0x1]  }
0x3: {  	s7 =	rddreg [dreg:$0x2]  }
0x4: {  	s1 =	rddreg [dreg:$0x3]  }
0x5: {  	s2 =	srdreg.scid;
	s0 =	rddreg [dreg:$0x4]  }
0x6: {  	s3 =	simm.s32 $0x0;
	s13 =	simm.s32 $0x50;
	s14 =	simm.s32 $0x1  }
0x7: {  	s15 =	simm.s32 $0x0;
	s8 =	sand.u32 $0x1, s2;
	s2 =	stileid.u32  }
0x8: {  	[smem:$0x7FF] =	sst s3;
	s4 =	sshll.u32 s8, $0x4;
	s9 =	smul.u32 $0x2710, s2  }
0x9: {  	_ =	strace $0x80000047;
	s12 =	smul.u32 $0x27100, s8;
	s8 =	ssub.s32 $0x2, s8  }
0xa: {  	s31 =	sshll.u32 s2, $0x6;
	s4 =	sor.u32 s2, s4;
	s28 =	sshrl.u32 s8, $0x1  }
0xb: {  	s10 =	smul.u32 $0x2710, s4;
	s4 =	sadd.s32 $0x9400, s6;
	s11 =	sshrl.u32 s9, $0x3  }
0xc: {  	s29 =	sadd.s32 s9, s12;
	s8 =	ssub.s32 s8, s28;
	s30 =	sadd.s32 s9, s1  }
0xd: {  	s9 =	simm.s32 $0x2;
	s6 =	sadd.s32 s11, s6;
	s8 =	smax.u32 s8, $0x1  }
0xe: {  	s11 =	sor.u32 $0x1C02, s31;
	s12 =	sshrl.u32 s30, $0x3;
	s10 =	sshrl.u32 s10, $0x3  }
0xf: {  	s6 =	sadd.s32 $0x4400, s6;
	s5 =	sadd.s32 s5, s10;
	s10 =	sshrl.u32 s29, $0x3  }
0x10: {  	s5 =	sadd.s32 $0x9C40, s5;
	s7 =	sadd.s32 s7, s10;
	s10 =	simm.s32 $0x2710  }
.LBB2_1:
0x11: {  	[tilespmem:s3], [sflag:$0x2] =	stream.linear.gather [hbm4b:s5+s3], $0x2710, $0x38;
	[tilespmem:$0x5320] =	vst v63  }
0x12: {  	_ =	swait.ge [sflag:s9], $0x2710  }
0x13: {  	[sflag:s9] =	ssyncset.done $0x0  }
0x14: {  	[sflag:s9] =	ssyncadd.s32 $0xFFFFD8F0  }
0x15: {  	[tilespmem:s10], [sflag:$0x2] =	stream.linear.gather [hbm4b:s4+s3], $0x500, $0x38;
	[tilespmem:$0x5320] =	vst v63  }
0x16: {  	_ =	swait.ge [sflag:s9], $0x500  }
0x17: {  	[sflag:s9] =	ssyncset.done $0x0  }
0x18: {  	[sflag:s9] =	ssyncadd.s32 $0xFFFFFB00  }
0x19: {  	[spmem:s12], [sflag:s11] =	dma.local [hbm:s6], $0x4E2  }
0x1a: {  	_ =	swait.ge [sflag:s9], $0x4E2  }
0x1b: {  	[sflag:s9] =	ssyncset.done $0x0  }
0x1c: {  	[sflag:s9] =	ssyncadd.s32 $0xFFFFFB1E  }
0x1d: {  	s16 =	simm.s32 $0x0;
	[bflag:$0x0] =	sbarrier.arrive $0xFFFF  }
0x1e: {  	[spmem:s1] =	stream.indirect.scatter.add.f32 [tilespmem:s10], [sflag:$0x1], $0x10, s16, s13, $0xb8;
	[tilespmem:$0x5320] =	vst v63  }
0x1f: {  	_ =	swait.ge [sflag:s14], $0x500  }
0x20: {  	[sflag:s14] =	ssyncset.done $0x0  }
0x21: {  	s28 =	simm.s32 $0x50;
	[sflag:s14] =	ssyncadd.s32 $0xFFFFFB00  }
0x22: {  	[spmem:s1] =	stream.indirect.scatter.add.f32 [tilespmem:s10], [sflag:$0x1], $0x10, s28, s13, $0xb8;
	[tilespmem:$0x5320] =	vst v63  }
0x23: {  	_ =	swait.ge [sflag:s14], $0x500  }
0x24: {  	[sflag:s14] =	ssyncset.done $0x0  }
0x25: {  	s29 =	simm.s32 $0xA0;
	[sflag:s14] =	ssyncadd.s32 $0xFFFFFB00  }
0x26: {  	[spmem:s1] =	stream.indirect.scatter.add.f32 [tilespmem:s10], [sflag:$0x1], $0x10, s29, s13, $0xb8;
	[tilespmem:$0x5320] =	vst v63  }
0x27: {  	_ =	swait.ge [sflag:s14], $0x500  }
0x28: {  	[sflag:s14] =	ssyncset.done $0x0  }
0x29: {  	s30 =	simm.s32 $0xF0;
	[sflag:s14] =	ssyncadd.s32 $0xFFFFFB00  }
0x2a: {  	[spmem:s1] =	stream.indirect.scatter.add.f32 [tilespmem:s10], [sflag:$0x1], $0x10, s30, s13, $0xb8;
	[tilespmem:$0x5320] =	vst v63  }
0x2b: {  	_ =	swait.ge [sflag:s14], $0x500  }
0x2c: {  	[sflag:s14] =	ssyncset.done $0x0  }
0x2d: {  	s31 =	simm.s32 $0x140;
	[sflag:s14] =	ssyncadd.s32 $0xFFFFFB00  }
0x2e: {  	[spmem:s1] =	stream.indirect.scatter.add.f32 [tilespmem:s10], [sflag:$0x1], $0x10, s31, s13, $0xb8;
	[tilespmem:$0x5320] =	vst v63  }
0x2f: {  	_ =	swait.ge [sflag:s14], $0x500  }
0x30: {  	s17 =	simm.s32 $0xC80;
	s16 =	simm.s32 $0x640;
	[sflag:s14] =	ssyncset.done $0x0  }
.LBB2_2:
0x31: {  	s18 =	sshra.s32 s16, $0x2  }
0x32: {  	[sflag:s14] =	ssyncadd.s32 $0xFFFFFB00;
	s16 =	smov.u32 s17;
	s19 =	sadd.s32 $0x640, s17  }
0x33: {  	[spmem:s1] =	stream.indirect.scatter.add.f32 [tilespmem:s10], [sflag:$0x1], $0x10, s18, s13, $0xb8;
	[tilespmem:$0x5320] =	vst v63  }
0x34: {  	p0 =	sne.s32 s17, $0x9600;
	_ =	swait.ge [sflag:s14], $0x500  }
0x35: {  	[sflag:s14] =	ssyncset.done $0x0  }
0x36: {  	s17 =	sadd.s32 $0x50, s18;
	[sflag:s14] =	ssyncadd.s32 $0xFFFFFB00  }
0x37: {  	[spmem:s1] =	stream.indirect.scatter.add.f32 [tilespmem:s10], [sflag:$0x1], $0x10, s17, s13, $0xb8;
	[tilespmem:$0x5320] =	vst v63  }
0x38: {  	_ =	swait.ge [sflag:s14], $0x500  }
0x39: {  	[sflag:s14] =	ssyncset.done $0x0  }
0x3a: {  	s17 =	sadd.s32 $0xA0, s18;
	[sflag:s14] =	ssyncadd.s32 $0xFFFFFB00  }
0x3b: {  	[spmem:s1] =	stream.indirect.scatter.add.f32 [tilespmem:s10], [sflag:$0x1], $0x10, s17, s13, $0xb8;
	[tilespmem:$0x5320] =	vst v63  }
0x3c: {  	_ =	swait.ge [sflag:s14], $0x500  }
0x3d: {  	[sflag:s14] =	ssyncset.done $0x0  }
0x3e: {  	s17 =	sadd.s32 $0xF0, s18;
	[sflag:s14] =	ssyncadd.s32 $0xFFFFFB00  }
0x3f: {  	[spmem:s1] =	stream.indirect.scatter.add.f32 [tilespmem:s10], [sflag:$0x1], $0x10, s17, s13, $0xb8;
	[tilespmem:$0x5320] =	vst v63  }
0x40: {  	_ =	swait.ge [sflag:s14], $0x500  }
.Ltmp0:
0x41: {  	[sflag:s14] =	ssyncset.done $0x0;
	(pc) =	sbr.rel @p0 .LBB2_2-.Ltmp0, $4  }
0x42: {  	s17 =	sadd.s32 $0x140, s18;
	[sflag:s14] =	ssyncadd.s32 $0xFFFFFB00  }
0x43: {  	[spmem:s1] =	stream.indirect.scatter.add.f32 [tilespmem:s10], [sflag:$0x1], $0x10, s17, s13, $0xb8;
	[tilespmem:$0x5320] =	vst v63  }
0x44: {  	_ =	swait.ge [sflag:s14], $0x500  }
0x45: {  	s17 =	smov.u32 s19;
	[sflag:s14] =	ssyncset.done $0x0  }
0x46: {  	s16 =	sshra.s32 s16, $0x2;
	[sflag:s14] =	ssyncadd.s32 $0xFFFFFB00  }
0x47: {  	[spmem:s1] =	stream.indirect.scatter.add.f32 [tilespmem:s10], [sflag:$0x1], $0x10, s16, s13, $0xb8;
	[tilespmem:$0x5320] =	vst v63  }
0x48: {  	_ =	swait.ge [sflag:s14], $0x500  }
0x49: {  	[sflag:s14] =	ssyncset.done $0x0  }
0x4a: {  	s17 =	sadd.s32 $0x50, s16;
	[sflag:s14] =	ssyncadd.s32 $0xFFFFFB00  }
0x4b: {  	[spmem:s1] =	stream.indirect.scatter.add.f32 [tilespmem:s10], [sflag:$0x1], $0x10, s17, s13, $0xb8;
	[tilespmem:$0x5320] =	vst v63  }
0x4c: {  	_ =	swait.ge [sflag:s14], $0x500  }
0x4d: {  	[sflag:s14] =	ssyncset.done $0x0  }
0x4e: {  	s30 =	sadd.s32 $0xA0, s16;
	[sflag:s14] =	ssyncadd.s32 $0xFFFFFB00  }
0x4f: {  	[spmem:s1] =	stream.indirect.scatter.add.f32 [tilespmem:s10], [sflag:$0x1], $0x10, s30, s13, $0xb8;
	[tilespmem:$0x5320] =	vst v63  }
0x50: {  	_ =	swait.ge [sflag:s14], $0x500  }
0x51: {  	[sflag:s14] =	ssyncset.done $0x0  }
0x52: {  	s31 =	sadd.s32 $0xF0, s16;
	[sflag:s14] =	ssyncadd.s32 $0xFFFFFB00  }
0x53: {  	[spmem:s1] =	stream.indirect.scatter.add.f32 [tilespmem:s10], [sflag:$0x1], $0x10, s31, s13, $0xb8;
	[tilespmem:$0x5320] =	vst v63  }
0x54: {  	_ =	swait.ge [sflag:s14], $0x500  }
0x55: {  	[sflag:s14] =	ssyncset.done $0x0  }
0x56: {  	s16 =	sadd.s32 $0x140, s16;
	[sflag:s14] =	ssyncadd.s32 $0xFFFFFB00  }
0x57: {  	[spmem:s1] =	stream.indirect.scatter.add.f32 [tilespmem:s10], [sflag:$0x1], $0x10, s16, s13, $0xb8;
	[tilespmem:$0x5320] =	vst v63  }
0x58: {  	_ =	swait.ge [sflag:s14], $0x500  }
0x59: {  	s15 =	sadd.s32 $0x1, s15;
	[sflag:s14] =	ssyncset.done $0x0  }
0x5a: {  	p0 =	sne.s32 s15, s8;
	[sflag:s14] =	ssyncadd.s32 $0xFFFFFB00  }
.Ltmp1:
0x5b: {  	[bflag:$0x0] =	sbarrier.arrive $0xFFFF;
	(pc) =	sbr.rel @p0 .LBB2_1-.Ltmp1, $4  }
0x5c: {  	[hbm:s7], [sflag:s11] =	dma.local [spmem:s12], $0x4E2  }
0x5d: {  	_ =	swait.ge [sflag:s9], $0x4E2  }
0x5e: {  	[sflag:s9] =	ssyncset.done $0x0  }
0x5f: {  	[sflag:s9] =	ssyncadd.s32 $0xFFFFFB1E  }
0x60: {  	_ =	sfence.sel $0x180000  }
0x61: {  	[bflag:$0x0] =	sbarrier.arrive $0xFFFF  }
0x62: {  	p0 =	sne.s32 s2, $0x0;
	_ =	strace $0x90000047  }
0x63: {  	s0 =	sadd.s32 @!p0 $0x100000, s0;
	[bflag:$0x2] =	sbarrier.arrive $0xFFFF  }
0x64: {  	[sflag:s0] =	ssyncadd.tile.s32 @!p0 $0x1;
	_ =	shalt  }
.Lfunc_end2:
_tile_overlayer_lowered:
.L_overlay_start_2:
0x65: {  	(tag) =	ssettag $0x2  }
0x66: {  	s0 =	rddreg [dreg:$0x0];
	s2 =	stileid.u32  }
0x67: {  	s1 =	rddreg [dreg:$0x1];
	p0 =	sne.s32 s2, $0x0  }
0x68: {  	s3 =	rddreg [dreg:$0x2];
	[bflag:$0x3] =	sbarrier.arrive $0xFFFF;
	s2 =	simm.s32 @!p0 $0x1C02  }
0x69: {  	[timem:s3], [sflag:s2] =	dma.local @!p0 [hbm:s0], s1  }
0x6a: {  	s0 =	simm.s32 @!p0 $0x2  }
0x6b: {  	_ =	swait.ge @!p0 [sflag:s0], s1  }
0x6c: {  	s1 =	ssub.s32 @!p0 $0x0, s1;
	[sflag:s0] =	ssyncset.done @!p0 $0x0  }
0x6d: {  	[sflag:s0] =	ssyncadd.s32 @!p0 s1  }
0x6e: {  	[bflag:$0x3] =	sbarrier.arrive $0xFFFF  }
0x6f: {  	_ =	shalt  }

// kernel: kernel.15.cloned.1.call-start
scs
__scs_entry_jumppad:
0x0: {  	(pc) =	sbr.rel $0x88, $3  }
0x1: {  	(tag) =	ssettag $0x0;
	lr =	simm.s32 $0x1  }
0x2: {  	[smem:$0x3F96] =	sst lr;
	_ =	strace $0xD0000000  }
0x3: {  	_ = 	snop  }
0x4: {  	_ = 	snop  }
0x5: {  	_ = 	snop  }
0x6: {  	_ = 	snop  }
0x7: {  	_ = 	snop  }
__scs_overlays_trampoline_lowered:
0x8: {  	[smem:$0x3FA5] =	sst s0  }
0x9: {  	[smem:$0x3FA6] =	sst s1  }
0xa: {  	[smem:$0x3FA7] =	sst s2  }
0xb: {  	[smem:$0x3FA8] =	sst s3  }
0xc: {  	[smem:$0x3FA9] =	sst s4  }
0xd: {  	[smem:$0x3FAA] =	sst s5  }
0xe: {  	[smem:$0x3FAB] =	sst s6  }
0xf: {  	[smem:$0x3FAC] =	sst s7  }
0x10: {  	[smem:$0x3FAD] =	sst s8  }
0x11: {  	[smem:$0x3FAE] =	sst s9;
	s0 =	simm.s32 @!p0 $0x0  }
0x12: {  	s1 =	sld [smem:$0x3F94];
	s0 =	simm.s32 @p0 $0x1  }
0x13: {  	[smem:$0x3FAF] =	sst s0;
	s0 =	simm.s32 @!p1 $0x0  }
0x14: {  	s2 =	sld [smem:$0x3F93];
	s0 =	simm.s32 @p1 $0x1  }
0x15: {  	[smem:$0x3FB0] =	sst s0;
	s0 =	simm.s32 @!p2 $0x0  }
0x16: {  	s3 =	sld [smem:$0x3FDB];
	s0 =	simm.s32 @p2 $0x1  }
0x17: {  	s4 =	simm.s32 $0x1BF5;
	[smem:$0x3FB2] =	sst s0  }
0x18: {  	s0 =	sld [smem:$0x3F95];
	_ =	swait.ge [sflag:s4], $0x0  }
0x19: {  	s7 =	sld [smem:$0x3F96]  }
0x1a: {  	s8 =	sadd.s32 $0xFFFFE003, lr  }
0x1b: {  	s9 =	sadd.s32 $0xFFFFFEF7, lr;
	s5 =	simm.s32 $0xFFFFFFFF;
	p2 =	slt.u32 s8, $0xFFFFF086  }
0x1c: {  	p1 =	slt.u32 s9, $0xF7A;
	s5 =	simm.s32 @!p2 $0x0  }
0x1d: {  	s5 =	simm.s32 @p1 $0x1;
	p0 =	seq.s32 s7, s2  }
0x1e: {  	s7 =	smul.u32 @!p0 $0xF7A, s2;
	p2 =	seq.s32 @!p0 s5, $0x0  }
0x1f: {  	s9 =	smul.u32 $0xF7A, s1;
	s8 =	simm.s32 @!p0 $0x1BF5;
	p2 =	por !p2, p0  }
0x20: {  	[sflag:s8] =	ssyncset.s32 @!p0 $0xFFFFF086;
	s6 =	sadd.s32 @!p0 s3, s7;
	s7 =	simm.s32 @!p0 $0x108  }
0x21: {  	s3 =	sadd.s32 s3, s9;
	s6 =	sadd.s32 @!p0 $0x88, s6;
	s7 =	simm.s32 @p2 $0x1082  }
0x22: {  	[simem:s7], [sflag:s8] =	dma.local @!p0 [hbm:s6], $0xF7A  }
0x23: {  	s9 =	sor.u32 $0xD0000000, s2;
	s6 =	simm.s32 $0x108;
	_ =	swait.ge @!p0 [sflag:s8], $0x0  }
0x24: {  	s3 =	sadd.s32 $0x88, s3;
	s6 =	simm.s32 @!p1 $0x1082;
	[sflag:s4] =	ssyncset.s32 $0xFFFFF086  }
0x25: {  	[simem:s6], [sflag:s4] =	dma.local [hbm:s3], $0xF7A  }
0x26: {  	[smem:$0x3F96] =	sst s1;
	(tag) =	ssettag s2;
	_ =	strace s9  }
0x27: {  	s1 =	sld [smem:$0x3FA6]  }
0x28: {  	s2 =	sld [smem:$0x3FA7]  }
0x29: {  	s4 =	sld [smem:$0x3FA9]  }
0x2a: {  	p0 =	seq.s32 s5, $0x0;
	s5 =	sld [smem:$0x3FAA]  }
0x2b: {  	s6 =	sld [smem:$0x3FAB]  }
0x2c: {  	s7 =	sld [smem:$0x3FAC]  }
0x2d: {  	s3 =	simm.s32 $0x108;
	s8 =	sld [smem:$0x3FAD]  }
0x2e: {  	s3 =	simm.s32 @!p0 $0x1082;
	s9 =	sld [smem:$0x3FAE]  }
0x2f: {  	lr =	sadd.s32 s0, s3;
	s0 =	sld [smem:$0x3FA5]  }
0x30: {  	s3 =	sld [smem:$0x3FA8]  }
0x31: {  	[smem:$0x3FB1] =	sst s10  }
0x32: {  	s10 =	sld [smem:$0x3FAF];
	_ =	sdelay $0x3  }
0x33: {  	p0 =	seq.s32 s10, $0x1;
	s10 =	sld [smem:$0x3FB1];
	_ =	sdelay $0x3  }
0x34: {  	[smem:$0x3FB1] =	sst s10  }
0x35: {  	s10 =	sld [smem:$0x3FB0];
	_ =	sdelay $0x3  }
0x36: {  	p1 =	seq.s32 s10, $0x1;
	s10 =	sld [smem:$0x3FB1];
	_ =	sdelay $0x3  }
0x37: {  	[smem:$0x3FB1] =	sst s10  }
0x38: {  	s10 =	sld [smem:$0x3FB2]  }
0x39: {  	_ = 	snop;
	(pc) =	sbr.ind lr, $3  }
0x3a: {  	_ = 	snop  }
0x3b: {  	_ = 	snop  }
0x3c: {  	p2 =	seq.s32 s10, $0x1;
	s10 =	sld [smem:$0x3FB1]  }
0x3d: {  	_ =	shalt  }
0x3e: {  	_ =	shalt  }
0x3f: {  	_ =	shalt  }
0x40: {  	_ =	shalt  }
0x41: {  	_ =	shalt  }
0x42: {  	_ =	shalt  }
0x43: {  	_ =	shalt  }
0x44: {  	_ =	shalt  }
0x45: {  	_ =	shalt  }
0x46: {  	_ =	shalt  }
0x47: {  	_ =	shalt  }
0x48: {  	_ =	shalt  }
0x49: {  	_ =	shalt  }
0x4a: {  	_ =	shalt  }
0x4b: {  	_ =	shalt  }
0x4c: {  	_ =	shalt  }
0x4d: {  	_ =	shalt  }
0x4e: {  	_ =	shalt  }
0x4f: {  	_ =	shalt  }
0x50: {  	_ =	shalt  }
0x51: {  	_ =	shalt  }
0x52: {  	_ =	shalt  }
0x53: {  	_ =	shalt  }
0x54: {  	_ =	shalt  }
0x55: {  	_ =	shalt  }
0x56: {  	_ =	shalt  }
0x57: {  	_ =	shalt  }
0x58: {  	_ =	shalt  }
0x59: {  	_ =	shalt  }
0x5a: {  	_ =	shalt  }
0x5b: {  	_ =	shalt  }
0x5c: {  	_ =	shalt  }
0x5d: {  	_ =	shalt  }
0x5e: {  	_ =	shalt  }
0x5f: {  	_ =	shalt  }
0x60: {  	_ =	shalt  }
0x61: {  	_ =	shalt  }
0x62: {  	_ =	shalt  }
0x63: {  	_ =	shalt  }
0x64: {  	_ =	shalt  }
0x65: {  	_ =	shalt  }
0x66: {  	_ =	shalt  }
0x67: {  	_ =	shalt  }
0x68: {  	_ =	shalt  }
0x69: {  	_ =	shalt  }
0x6a: {  	_ =	shalt  }
0x6b: {  	_ =	shalt  }
0x6c: {  	_ =	shalt  }
0x6d: {  	_ =	shalt  }
0x6e: {  	_ =	shalt  }
0x6f: {  	_ =	shalt  }
0x70: {  	_ =	shalt  }
0x71: {  	_ =	shalt  }
0x72: {  	_ =	shalt  }
0x73: {  	_ =	shalt  }
0x74: {  	_ =	shalt  }
0x75: {  	_ =	shalt  }
0x76: {  	_ =	shalt  }
0x77: {  	_ =	shalt  }
0x78: {  	_ =	shalt  }
0x79: {  	_ =	shalt  }
0x7a: {  	_ =	shalt  }
0x7b: {  	_ =	shalt  }
0x7c: {  	_ =	shalt  }
0x7d: {  	_ =	shalt  }
0x7e: {  	_ =	shalt  }
0x7f: {  	_ =	shalt  }
0x80: {  	_ =	shalt  }
0x81: {  	_ =	shalt  }
0x82: {  	_ =	shalt  }
0x83: {  	_ =	shalt  }
0x84: {  	_ =	shalt  }
0x85: {  	_ =	shalt  }
0x86: {  	_ =	shalt  }
0x87: {  	_ =	shalt  }
.Lfunc_end0:
.L_simem_size_0:
called_computation.1_lowered:
.L_overlay_start_0:
0x88: {  	s2 =	sld [smem:$0x3FD9]  }
0x89: {  	s3 =	sld [smem:$0x3FFE];
	_ =	sdelay $0x1  }
0x8a: {  	s1 =	srdreg.scid  }
0x8b: {  	s0 =	sand.u32 $0x1, s1  }
0x8c: {  	s15 =	sshll.u32 s0, $0xA;
	s2 =	sadd.s32 s3, s2  }
0x8d: {  	s2 =	sadd.s32 s2, s15  }
0x8e: {  	[smem:$0x3FBD] =	sst s2  }
0x8f: {  	_ = 	snop  }
0x90: {  	s2 =	sld [smem:$0x3FD0];
	_ =	sdelay $0x2  }
0x91: {  	s4 =	simm.s32 $0xB;
	s5 =	simm.s32 $0x10;
	s16 =	sld [smem:$0x3FC9]  }
0x92: {  	[smem:s5], [sflag:s4] =	dma.local [hbm:s2], $0x1  }
0x93: {  	_ =	swait.eq [sflag:s4], $0x1  }
0x94: {  	[sflag:s4] =	ssyncset.done $0x0  }
0x95: {  	s17 =	sld [smem:$0x10];
	[sflag:s4] =	ssyncadd.s32 $0xFFFFFFFF  }
0x96: {  	s18 =	sld [smem:$0x12];
	(tm) =	ssettm $0x1  }
0x97: {  	s19 =	sld [smem:$0x3FFB];
	_ =	sdelay $0x3  }
0x98: {  	_ =	strace s19  }
0x99: {  	s2 =	sld [smem:$0x3FFC];
	_ =	sdelay $0x3  }
0x9a: {  	_ =	strace s2  }
0x9b: {  	s2 =	sld [smem:$0x3FFD];
	_ =	sdelay $0x3  }
0x9c: {  	_ =	strace s2  }
0x9d: {  	_ =	strace $0x8FFFFFFF  }
0x9e: {  	s20 =	sld [smem:$0x3FDB];
	_ =	sdelay $0x1  }
0x9f: {  	s6 =	simm.s32 $_scs_section_size  }
0xa0: {  	s7 =	simm.s32 $_size__tile_overlayer_lowered;
	s8 =	simm.s32 $_tile_overlayer_lowered  }
0xa1: {  	s9 =	simm.s32 $0x1BFF;
	s21 =	sshll.u32 s8, $0x1;
	s6 =	sadd.s32 s6, s20  }
0xa2: {  	s22 =	simm.s32 $0x0;
	s7 =	sshll.u32 s7, $0x1;
	s8 =	sadd.s32 s21, s6  }
0xa3: {  	[timem:s22], [sflag:s9] =	dma.local [hbm:s8], s7  }
0xa4: {  	_ =	swait.ge [sflag:s9], s7  }
0xa5: {  	s7 =	ssub.s32 $0x0, s7;
	[sflag:s9] =	ssyncset.done $0x0  }
0xa6: {  	[sflag:s9] =	ssyncadd.s32 s7;
	_ =	sdelay $0x1  }
0xa7: {  	s23 =	simm.s32 $0x1B8B  }
0xa8: {  	_ =	swait.ge [sflag:s23], $0x1  }
0xa9: {  	[sflag:s23] =	ssyncset.done $0x0  }
0xaa: {  	[sflag:s23] =	ssyncadd.s32 $0xFFFFFFFF  }
0xab: {  	s7 =	sld [smem:$0x0]  }
0xac: {  	s8 =	sand.u32 $0xFFFFFFFE, s1  }
0xad: {  	p0 =	sne.s32 s1, s8  }
0xae: {  	s8 =	sshll.u32 @p0 s8, $0xE  }
0xaf: {  	s8 =	sadd.s32 @p0 $0x11B8D, s8;
	s9 =	sshll.u32 @p0 s7, $0x11  }
0xb0: {  	s8 =	sor.u32 @p0 s9, s8  }
0xb1: {  	[sflag:s8] =	ssyncadd.remote.s32 @p0 $0x1;
	_ =	sdelay $0x1  }
0xb2: {  	s8 =	simm.s32 @p0 $0x1B8D  }
0xb3: {  	_ =	swait.eq @p0 [sflag:s8], $0x1  }
0xb4: {  	[sflag:s8] =	ssyncadd.s32 @p0 $0xFFFFFFFF  }
0xb5: {  	s9 =	sshll.u32 @!p0 s1, $0xE  }
0xb6: {  	s9 =	sor.u32 @!p0 $0x4000, s9;
	s8 =	simm.s32 @!p0 $0x1B8D  }
0xb7: {  	s7 =	sshll.u32 @!p0 s7, $0x11;
	s9 =	sadd.s32 @!p0 $0x11B8D, s9;
	_ =	swait.eq @!p0 [sflag:s8], $0x1  }
0xb8: {  	s7 =	sor.u32 @!p0 s7, s9;
	[sflag:s8] =	ssyncadd.s32 @!p0 $0xFFFFFFFF  }
0xb9: {  	s25 =	simm.s32 $0x1B8E;
	s24 =	sld [smem:$0x3FFE];
	[sflag:s7] =	ssyncadd.remote.s32 @!p0 $0x1  }
0xba: {  	s26 =	simm.s32 $execute0_lowered;
	[smem:$0x3FD2] =	sst s25  }
0xbb: {  	s8 =	sshll.u32 s26, $0x1;
	_ =	strace $0x80000049;
	[dreg:$0x1] =	wrdreg $0xFFFFFFFF  }
0xbc: {  	s28 =	simm.s32 $_size_execute0_lowered;
	s6 =	sadd.s32 s6, s8;
	[dreg:$0x0] =	wrdreg $0x0  }
0xbd: {  	s8 =	sshll.u32 s28, $0x1;
	[dreg:$0x2] =	wrdreg s6  }
0xbe: {  	[dreg:$0x3] =	wrdreg s8  }
0xbf: {  	[dreg:$0x4] =	wrdreg $0xC0  }
0xc0: {  	_ =	task [dreg:s22], $0x5FFFF  }
0xc1: {  	[dreg:$0x1] =	wrdreg $0xFFFFFFFF  }
0xc2: {  	[dreg:$0x0] =	wrdreg $0x60  }
0xc3: {  	[dreg:$0x2] =	wrdreg s16  }
0xc4: {  	[dreg:$0x3] =	wrdreg s17  }
0xc5: {  	[dreg:$0x4] =	wrdreg s24  }
0xc6: {  	[dreg:$0x5] =	wrdreg s18  }
0xc7: {  	[dreg:$0x6] =	wrdreg $0xB2200  }
0xc8: {  	[dreg:$0x7] =	wrdreg $0x14E600  }
0xc9: {  	[dreg:$0x8] =	wrdreg $0xA  }
0xca: {  	_ =	task.clear_ibuf [dreg:s22], $0x9FFFF;
	_ =	strace $0x90000049  }
0xcb: {  	s29 =	simm.s32 $0xA;
	_ =	strace $0x8000004B  }
0xcc: {  	_ =	swait.ge [sflag:s29], $0x1  }
0xcd: {  	[sflag:s29] =	ssyncadd.s32 $0xFFFFFFFF  }
0xce: {  	_ =	strace $0x9000004B  }
0xcf: {  	_ =	sfence  }
0xd0: {  	s30 =	sld [smem:$0x0];
	_ =	sdelay $0x2  }
0xd1: {  	s31 =	sshll.u32 s1, $0xD;
	s1 =	sshrl.u32 s1, $0x2  }
0xd2: {  	s4 =	sand.u32 $0x4000, s31;
	s1 =	sadd.s32 s1, s30  }
0xd3: {  	s0 =	sor.u32 s4, s0;
	s1 =	sshll.u32 s1, $0x11  }
0xd4: {  	s0 =	sor.u32 s1, s0  }
0xd5: {  	s0 =	sadd.s32 $0x8F2B, s0  }
0xd6: {  	[sflag:s0] =	ssyncadd.remote.s32 $0x1  }
0xd7: {  	_ =	sfence.sel $0xFFFF  }
0xd8: {  	[dreg:$0x0] =	wrdreg $0xFFFFFFFF;
	(pc) =	sbr.abs _section_cstart, $3  }
0xd9: {  	[dreg:$0x1] =	wrdreg $0xFFFFFFFF  }
0xda: {  	_ =	task.clear_ibuf [dreg:s22], $0x2FFFF;
	_ =	strace $0x9FFFFFFF  }
0xdb: {  	(tm) =	ssettm $0x7FFFFFFF  }
tec
execute0_lowered:
.L_overlay_start_1:
0x0: {  	(tag) =	ssettag $0x1  }
0x1: {  	s0 =	rddreg [dreg:$0x0]  }
0x2: {  	s2 =	rddreg [dreg:$0x1]  }
0x3: {  	s5 =	rddreg [dreg:$0x2]  }
0x4: {  	s6 =	rddreg [dreg:$0x3]  }
0x5: {  	s1 =	rddreg [dreg:$0x4]  }
0x6: {  	s4 =	srdreg.scid;
	s3 =	rddreg [dreg:$0x5]  }
0x7: {  	s16 =	stileid.u32;
	s10 =	simm.s32 $0x0;
	s28 =	simm.s32 $0x8A20  }
0x8: {  	s29 =	simm.s32 $0x2;
	s30 =	simm.s32 $0x6;
	s9 =	smul.u32 $0x9C40, s16  }
0x9: {  	s7 =	sand.u32 $0x1, s4;
	[smem:$0x7FF] =	sst s10;
	s12 =	smul.u32 $0x13880, s16  }
0xa: {  	s31 =	sshll.u32 s16, $0x6;
	s10 =	simm.s32 $0xA;
	s8 =	sshll.u32 s7, $0x4  }
0xb: {  	_ =	strace $0x8000004A;
	s11 =	ssub.s32 $0x2, s7;
	s18 =	smul.u32 $0x138800, s7  }
0xc: {  	s15 =	sor.u32 $0x1C0B, s31;
	s7 =	simm.s32 $0x2710;
	s8 =	sor.u32 s16, s8  }
0xd: {  	s17 =	sshrl.u32 s9, $0x3;
	s13 =	sshrl.u32 s11, $0x1;
	s21 =	sadd.s32 s9, s1  }
0xe: {  	s22 =	sshrl.u32 s12, $0x3;
	s25 =	sadd.s32 s9, s3;
	s8 =	smul.u32 $0x2710, s8  }
0xf: {  	s5 =	sadd.s32 s17, s5;
	s19 =	ssub.s32 s11, s13;
	s23 =	sadd.s32 s0, s22  }
0x10: {  	s13 =	simm.s32 $0xB;
	s16 =	sshrl.u32 s21, $0x3;
	s17 =	sshrl.u32 s25, $0x3  }
0x11: {  	s21 =	simm.s32 $0x50;
	s22 =	simm.s32 $0x4E20;
	s25 =	simm.s32 $0x7620  }
0x12: {  	s11 =	simm.s32 $0x0;
	s5 =	sadd.s32 $0x9600, s5;
	[dreg:$0x9] =	wrdreg s23  }
0x13: {  	s26 =	smax.u32 s19, $0x1;
	s19 =	simm.s32 $0x8;
	[dreg:$0xe] =	wrdreg s5  }
0x14: {  	s8 =	sshrl.u32 s8, $0x3;
	s5 =	sadd.s32 $0x8, s23;
	[dreg:$0xd] =	wrdreg s26  }
0x15: {  	s23 =	simm.s32 $0x6220;
	s26 =	simm.s32 $0x9;
	s14 =	sadd.s32 s2, s8  }
0x16: {  	s2 =	sadd.s32 s12, s18;
	[dreg:$0xb] =	wrdreg s5;
	s18 =	simm.s32 $0x1  }
.Ltmp0:
0x17: {  	s5 =	simm.s32 $0x7;
	s12 =	simm.s32 $0x4;
	(pc) =	sbr.rel .LBB2_1-.Ltmp0, $4  }
0x18: {  	[dreg:$0x7] =	wrdreg s14;
	s20 =	sadd.s32 $0x9C40, s14;
	s24 =	sshrl.u32 s2, $0x3  }
0x19: {  	s2 =	simm.s32 $0x9E20;
	[dreg:$0x8] =	wrdreg s20;
	s0 =	sadd.s32 s6, s24  }
0x1a: {  	s20 =	simm.s32 $0x10;
	[dreg:$0xa] =	wrdreg s0;
	s0 =	sadd.s32 $0x8, s0  }
0x1b: {  	s6 =	simm.s32 $0x3;
	s24 =	simm.s32 $0x5;
	[dreg:$0xc] =	wrdreg s0  }
.LBB2_7:
0x1c: {  	_ =	swait.ge [sflag:s10], $0x1400  }
0x1d: {  	[sflag:s10] =	ssyncset.done $0x0  }
0x1e: {  	[sflag:s10] =	ssyncadd.s32 $0xFFFFEC00  }
0x1f: {  	[bflag:$0x0] =	sbarrier.arrive $0xFFFF  }
0x20: {  	s0 =	rddreg [dreg:$0xc]  }
0x21: {  	[hbm:s0@s20], [sflag:s15] =	dma.strided [spmem:s16@s19], $0x1388, s18, $0x8   }
0x22: {  	_ =	swait.ge [sflag:s13], $0x1388  }
0x23: {  	s11 =	sadd.s32 $0x1, s11;
	s31 =	rddreg [dreg:$0xd]  }
0x24: {  	p0 =	sne.s32 s11, s31  }
.Ltmp1:
0x25: {  	_ = 	snop;
	(pc) =	sbr.rel @!p0 .LBB2_8-.Ltmp1, $3  }
0x26: {  	_ =	sdelay $0x1  }
0x27: {  	[sflag:s13] =	ssyncset.done $0x0  }
0x28: {  	[sflag:s13] =	ssyncadd.s32 $0xFFFFEC78  }
.LBB2_1:
0x29: {  	s0 =	simm.s32 $0x0;
	s4 =	rddreg [dreg:$0x7]  }
0x2a: {  	[tilespmem:s0], [sflag:$0xB] =	stream.linear.gather [hbm4b:s4+s0], $0x2710, $0x38;
	[tilespmem:$0x1EAA0] =	vst v63  }
0x2b: {  	_ =	swait.ge [sflag:s13], $0x2710  }
0x2c: {  	[sflag:s13] =	ssyncset.done $0x0  }
0x2d: {  	s8 =	simm.s32 $0x2710;
	s9 =	rddreg [dreg:$0x8];
	[sflag:s13] =	ssyncadd.s32 $0xFFFFD8F0  }
0x2e: {  	[tilespmem:s8], [sflag:$0xB] =	stream.linear.gather [hbm4b:s9+s0], $0x2710, $0x38;
	[tilespmem:$0x1EAA0] =	vst v63  }
0x2f: {  	_ =	swait.ge [sflag:s13], $0x2710  }
0x30: {  	[sflag:s13] =	ssyncset.done $0x0  }
0x31: {  	s14 =	rddreg [dreg:$0xe];
	[sflag:s13] =	ssyncadd.s32 $0xFFFFD8F0  }
0x32: {  	[spmem:s16], [sflag:s15] =	dma.local [hbm:s14], $0x1388  }
0x33: {  	_ =	swait.ge [sflag:s13], $0x1388  }
0x34: {  	[sflag:s13] =	ssyncset.done $0x0  }
0x35: {  	s31 =	rddreg [dreg:$0x9];
	[sflag:s13] =	ssyncadd.s32 $0xFFFFEC78  }
0x36: {  	[spmem:s17@s19], [sflag:s15] =	dma.strided [hbm:s31@s20], $0x1388, s18, $0x8   }
0x37: {  	_ =	swait.ge [sflag:s13], $0x1388  }
0x38: {  	[sflag:s13] =	ssyncset.done $0x0  }
0x39: {  	[sflag:s13] =	ssyncadd.s32 $0xFFFFEC78  }
0x3a: {  	[bflag:$0x0] =	sbarrier.arrive $0xFFFF  }
0x3b: {  	[tilespmem:s22], [sflag:$0x1] =	stream.indirect.gather [spmem:s3], $0x40, s0, s21, $0xb8;
	[tilespmem:$0x1EAA0] =	vst v63  }
0x3c: {  	_ = 	snop  }
0x3d: {  	[tilespmem:s23], [sflag:$0x2] =	stream.indirect.gather [spmem:s3], $0x40, s21, s21, $0xb8;
	[tilespmem:$0x1EAA0] =	vst v63  }
0x3e: {  	s4 =	simm.s32 $0xA0  }
0x3f: {  	[tilespmem:s25], [sflag:$0x3] =	stream.indirect.gather [spmem:s3], $0x40, s4, s21, $0xb8;
	[tilespmem:$0x1EAA0] =	vst v63  }
0x40: {  	_ =	swait.ge [sflag:s18], $0x1400  }
0x41: {  	[sflag:s18] =	ssyncset.done $0x0  }
0x42: {  	[sflag:s18] =	ssyncadd.s32 $0xFFFFEC00  }
0x43: {  	[spmem:s1] =	stream.indirect.scatter.add.f32 [tilespmem:s22], [sflag:$0x6], $0x40, s8, s21, $0xb8;
	[tilespmem:$0x1EAA0] =	vst v63  }
0x44: {  	s8 =	simm.s32 $0xF0  }
0x45: {  	[tilespmem:s28], [sflag:$0x4] =	stream.indirect.gather [spmem:s3], $0x40, s8, s21, $0xb8;
	[tilespmem:$0x1EAA0] =	vst v63  }
0x46: {  	_ =	swait.ge [sflag:s29], $0x1400  }
0x47: {  	[sflag:s29] =	ssyncset.done $0x0  }
0x48: {  	[sflag:s29] =	ssyncadd.s32 $0xFFFFEC00  }
0x49: {  	_ =	swait.ge [sflag:s30], $0x1400  }
0x4a: {  	[sflag:s30] =	ssyncset.done $0x0  }
0x4b: {  	s9 =	simm.s32 $0x2760;
	[sflag:s30] =	ssyncadd.s32 $0xFFFFEC00  }
0x4c: {  	[spmem:s1] =	stream.indirect.scatter.add.f32 [tilespmem:s23], [sflag:$0x7], $0x40, s9, s21, $0xb8;
	[tilespmem:$0x1EAA0] =	vst v63  }
0x4d: {  	s14 =	simm.s32 $0x140  }
0x4e: {  	[tilespmem:s2], [sflag:$0x5] =	stream.indirect.gather [spmem:s3], $0x40, s14, s21, $0xb8;
	[tilespmem:$0x1EAA0] =	vst v63  }
0x4f: {  	_ =	swait.ge [sflag:s6], $0x1400  }
0x50: {  	[sflag:s6] =	ssyncset.done $0x0  }
0x51: {  	[sflag:s6] =	ssyncadd.s32 $0xFFFFEC00  }
0x52: {  	_ =	swait.ge [sflag:s5], $0x1400  }
0x53: {  	[sflag:s5] =	ssyncset.done $0x0  }
0x54: {  	s31 =	simm.s32 $0x27B0;
	[sflag:s5] =	ssyncadd.s32 $0xFFFFEC00  }
0x55: {  	[spmem:s1] =	stream.indirect.scatter.add.f32 [tilespmem:s25], [sflag:$0x8], $0x40, s31, s21, $0xb8;
	[tilespmem:$0x1EAA0] =	vst v63  }
0x56: {  	s4 =	simm.s32 $0x190  }
0x57: {  	[tilespmem:s22], [sflag:$0x1] =	stream.indirect.gather [spmem:s3], $0x40, s4, s21, $0xb8;
	[tilespmem:$0x1EAA0] =	vst v63  }
0x58: {  	_ =	swait.ge [sflag:s12], $0x1400  }
0x59: {  	[sflag:s12] =	ssyncset.done $0x0  }
0x5a: {  	[sflag:s12] =	ssyncadd.s32 $0xFFFFEC00  }
0x5b: {  	_ =	swait.ge [sflag:s19], $0x1400  }
0x5c: {  	[sflag:s19] =	ssyncset.done $0x0  }
0x5d: {  	s8 =	simm.s32 $0x2800;
	[sflag:s19] =	ssyncadd.s32 $0xFFFFEC00  }
0x5e: {  	[spmem:s1] =	stream.indirect.scatter.add.f32 [tilespmem:s28], [sflag:$0x9], $0x40, s8, s21, $0xb8;
	[tilespmem:$0x1EAA0] =	vst v63  }
0x5f: {  	s9 =	simm.s32 $0x1E0  }
0x60: {  	[tilespmem:s23], [sflag:$0x2] =	stream.indirect.gather [spmem:s3], $0x40, s9, s21, $0xb8;
	[tilespmem:$0x1EAA0] =	vst v63  }
0x61: {  	_ =	swait.ge [sflag:s24], $0x1400  }
0x62: {  	[sflag:s24] =	ssyncset.done $0x0  }
0x63: {  	[sflag:s24] =	ssyncadd.s32 $0xFFFFEC00  }
0x64: {  	_ =	swait.ge [sflag:s26], $0x1400  }
0x65: {  	[sflag:s26] =	ssyncset.done $0x0  }
0x66: {  	s14 =	simm.s32 $0x2850;
	[sflag:s26] =	ssyncadd.s32 $0xFFFFEC00  }
0x67: {  	[spmem:s1] =	stream.indirect.scatter.add.f32 [tilespmem:s2], [sflag:$0xA], $0x40, s14, s21, $0xb8;
	[tilespmem:$0x1EAA0] =	vst v63  }
0x68: {  	s31 =	simm.s32 $0x230;
	s8 =	simm.s32 $0x0  }
0x69: {  	[tilespmem:s25], [sflag:$0x3] =	stream.indirect.gather [spmem:s3], $0x40, s31, s21, $0xb8;
	[tilespmem:$0x1EAA0] =	vst v63  }
.LBB2_2:
0x6a: {  	_ =	swait.ge [sflag:s18], $0x1400  }
0x6b: {  	[sflag:s18] =	ssyncset.done $0x0  }
0x6c: {  	[sflag:s18] =	ssyncadd.s32 $0xFFFFEC00  }
0x6d: {  	_ =	swait.ge [sflag:s10], $0x1400  }
0x6e: {  	s9 =	sshra.s32 s8, $0x2;
	[sflag:s10] =	ssyncset.done $0x0  }
0x6f: {  	s31 =	sadd.s32 $0x28A0, s9;
	[sflag:s10] =	ssyncadd.s32 $0xFFFFEC00  }
0x70: {  	[spmem:s1] =	stream.indirect.scatter.add.f32 [tilespmem:s22], [sflag:$0x6], $0x40, s31, s21, $0xb8;
	[tilespmem:$0x1EAA0] =	vst v63  }
0x71: {  	s14 =	sadd.s32 $0x280, s9  }
0x72: {  	[tilespmem:s28], [sflag:$0x4] =	stream.indirect.gather [spmem:s3], $0x40, s14, s21, $0xb8;
	[tilespmem:$0x1EAA0] =	vst v63  }
0x73: {  	_ =	swait.ge [sflag:s29], $0x1400  }
0x74: {  	[sflag:s29] =	ssyncset.done $0x0  }
0x75: {  	[sflag:s29] =	ssyncadd.s32 $0xFFFFEC00  }
0x76: {  	_ =	swait.ge [sflag:s30], $0x1400  }
0x77: {  	[sflag:s30] =	ssyncset.done $0x0  }
0x78: {  	s0 =	sadd.s32 $0x28F0, s9;
	[sflag:s30] =	ssyncadd.s32 $0xFFFFEC00  }
0x79: {  	[spmem:s1] =	stream.indirect.scatter.add.f32 [tilespmem:s23], [sflag:$0x7], $0x40, s0, s21, $0xb8;
	[tilespmem:$0x1EAA0] =	vst v63  }
0x7a: {  	s4 =	sadd.s32 $0x2D0, s9  }
0x7b: {  	[tilespmem:s2], [sflag:$0x5] =	stream.indirect.gather [spmem:s3], $0x40, s4, s21, $0xb8;
	[tilespmem:$0x1EAA0] =	vst v63  }
0x7c: {  	_ =	swait.ge [sflag:s6], $0x1400  }
0x7d: {  	[sflag:s6] =	ssyncset.done $0x0  }
0x7e: {  	[sflag:s6] =	ssyncadd.s32 $0xFFFFEC00  }
0x7f: {  	_ =	swait.ge [sflag:s5], $0x1400  }
0x80: {  	p0 =	seq.s32 s8, $0x8FC0;
	[sflag:s5] =	ssyncset.done $0x0  }
0x81: {  	s31 =	simm.s32 @p0 $0x4;
	s14 =	sadd.s32 $0x2940, s9;
	[sflag:s5] =	ssyncadd.s32 $0xFFFFEC00  }
0x82: {  	[spmem:s1] =	stream.indirect.scatter.add.f32 [tilespmem:s25], [sflag:$0x8], $0x40, s14, s21, $0xb8;
	[tilespmem:$0x1EAA0] =	vst v63  }
0x83: {  	_ =	swait.ge @p0 [sflag:s31], $0x1400  }
0x84: {  	[sflag:s31] =	ssyncset.done @p0 $0x0  }
0x85: {  	[sflag:s31] =	ssyncadd.s32 @p0 $0xFFFFEC00;
	s31 =	simm.s32 @p0 $0x8  }
0x86: {  	_ =	swait.ge @p0 [sflag:s31], $0x1400  }
0x87: {  	[sflag:s31] =	ssyncset.done @p0 $0x0  }
0x88: {  	[sflag:s31] =	ssyncadd.s32 @p0 $0xFFFFEC00;
	s31 =	sshra.s32 @p0 s8, $0x2  }
0x89: {  	s0 =	simm.s32 @p0 $0x50;
	s4 =	simm.s32 @p0 $0x8A20;
	s31 =	sadd.s32 @p0 $0x2990, s31  }
0x8a: {  	[spmem:s1] =	stream.indirect.scatter.add.f32 @p0 [tilespmem:s4], [sflag:$0x9], $0x40, s31, s0, $0xb8;
	[tilespmem:$0x1EAA0] =	vst v63  }
0x8b: {  	s0 =	sshra.s32 @!p0 s8, $0x2  }
0x8c: {  	s14 =	simm.s32 @!p0 $0x4E20;
	s31 =	simm.s32 @!p0 $0x50;
	s4 =	sadd.s32 @!p0 $0x320, s0  }
0x8d: {  	[tilespmem:s14], [sflag:$0x1] =	stream.indirect.gather @!p0 [spmem:s3], $0x40, s4, s31, $0xb8;
	[tilespmem:$0x1EAA0] =	vst v63  }
0x8e: {  	s4 =	simm.s32 @!p0 $0x4  }
0x8f: {  	_ =	swait.ge @!p0 [sflag:s4], $0x1400  }
0x90: {  	[sflag:s4] =	ssyncset.done @!p0 $0x0  }
0x91: {  	[sflag:s4] =	ssyncadd.s32 @!p0 $0xFFFFEC00;
	s4 =	simm.s32 @!p0 $0x8  }
0x92: {  	_ =	swait.ge @!p0 [sflag:s4], $0x1400  }
0x93: {  	[sflag:s4] =	ssyncset.done @!p0 $0x0  }
0x94: {  	s14 =	simm.s32 @!p0 $0x8A20;
	[sflag:s4] =	ssyncadd.s32 @!p0 $0xFFFFEC00;
	s4 =	sadd.s32 @!p0 $0x2990, s0  }
0x95: {  	[spmem:s1] =	stream.indirect.scatter.add.f32 @!p0 [tilespmem:s14], [sflag:$0x9], $0x40, s4, s31, $0xb8;
	[tilespmem:$0x1EAA0] =	vst v63  }
0x96: {  	s0 =	sadd.s32 @!p0 $0x370, s0;
	s4 =	simm.s32 @!p0 $0x6220  }
0x97: {  	[tilespmem:s4], [sflag:$0x2] =	stream.indirect.gather @!p0 [spmem:s3], $0x40, s0, s31, $0xb8;
	[tilespmem:$0x1EAA0] =	vst v63  }
0x98: {  	_ =	swait.ge [sflag:s24], $0x1400  }
0x99: {  	[sflag:s24] =	ssyncset.done $0x0  }
.Ltmp2:
0x9a: {  	[sflag:s24] =	ssyncadd.s32 $0xFFFFEC00;
	(pc) =	sbr.rel @p0 .LBB2_4-.Ltmp2, $4  }
0x9b: {  	_ =	swait.ge [sflag:s26], $0x1400  }
0x9c: {  	[sflag:s26] =	ssyncset.done $0x0  }
0x9d: {  	s31 =	sadd.s32 $0x29E0, s9;
	[sflag:s26] =	ssyncadd.s32 $0xFFFFEC00  }
0x9e: {  	[spmem:s1] =	stream.indirect.scatter.add.f32 [tilespmem:s2], [sflag:$0xA], $0x40, s31, s21, $0xb8;
	[tilespmem:$0x1EAA0] =	vst v63  }
.Ltmp3:
0x9f: {  	(pc) =	sbr.rel .LBB2_2-.Ltmp3, $3  }
0xa0: {  	_ =	sdelay $0x1  }
0xa1: {  	s0 =	sadd.s32 $0x3C0, s9;
	s8 =	sadd.s32 $0x640, s8  }
0xa2: {  	[tilespmem:s25], [sflag:$0x3] =	stream.indirect.gather [spmem:s3], $0x40, s0, s21, $0xb8;
	[tilespmem:$0x1EAA0] =	vst v63  }
.LBB2_4:
0xa3: {  	_ =	swait.ge [sflag:s10], $0x1400  }
0xa4: {  	[sflag:s10] =	ssyncset.done $0x0  }
0xa5: {  	[sflag:s10] =	ssyncadd.s32 $0xFFFFEC00  }
0xa6: {  	[bflag:$0x0] =	sbarrier.arrive $0xFFFF  }
0xa7: {  	s0 =	rddreg [dreg:$0xa]  }
0xa8: {  	[hbm:s0@s20], [sflag:s15] =	dma.strided [spmem:s16@s19], $0x1388, s18, $0x8   }
0xa9: {  	_ =	swait.ge [sflag:s13], $0x1388  }
0xaa: {  	[sflag:s13] =	ssyncset.done $0x0  }
0xab: {  	[sflag:s13] =	ssyncadd.s32 $0xFFFFEC78  }
0xac: {  	[bflag:$0x0] =	sbarrier.arrive $0xFFFF  }
0xad: {  	s8 =	rddreg [dreg:$0xe]  }
0xae: {  	[spmem:s16], [sflag:s15] =	dma.local [hbm:s8], $0x1388  }
0xaf: {  	_ =	swait.ge [sflag:s13], $0x1388  }
0xb0: {  	[sflag:s13] =	ssyncset.done $0x0  }
0xb1: {  	s9 =	rddreg [dreg:$0xb];
	[sflag:s13] =	ssyncadd.s32 $0xFFFFEC78  }
0xb2: {  	[spmem:s17@s19], [sflag:s15] =	dma.strided [hbm:s9@s20], $0x1388, s18, $0x8   }
0xb3: {  	_ =	swait.ge [sflag:s13], $0x1388  }
0xb4: {  	[sflag:s13] =	ssyncset.done $0x0  }
0xb5: {  	[sflag:s13] =	ssyncadd.s32 $0xFFFFEC78  }
0xb6: {  	s8 =	simm.s32 $0x0;
	[bflag:$0x0] =	sbarrier.arrive $0xFFFF  }
0xb7: {  	[tilespmem:s22], [sflag:$0x1] =	stream.indirect.gather [spmem:s3], $0x40, s8, s21, $0xb8;
	[tilespmem:$0x1EAA0] =	vst v63  }
0xb8: {  	_ = 	snop  }
0xb9: {  	[tilespmem:s23], [sflag:$0x2] =	stream.indirect.gather [spmem:s3], $0x40, s21, s21, $0xb8;
	[tilespmem:$0x1EAA0] =	vst v63  }
0xba: {  	s14 =	simm.s32 $0xA0  }
0xbb: {  	[tilespmem:s25], [sflag:$0x3] =	stream.indirect.gather [spmem:s3], $0x40, s14, s21, $0xb8;
	[tilespmem:$0x1EAA0] =	vst v63  }
0xbc: {  	_ =	swait.ge [sflag:s18], $0x1400  }
0xbd: {  	[sflag:s18] =	ssyncset.done $0x0  }
0xbe: {  	[sflag:s18] =	ssyncadd.s32 $0xFFFFEC00  }
0xbf: {  	[spmem:s1] =	stream.indirect.scatter.add.f32 [tilespmem:s22], [sflag:$0x6], $0x40, s7, s21, $0xb8;
	[tilespmem:$0x1EAA0] =	vst v63  }
0xc0: {  	s31 =	simm.s32 $0xF0  }
0xc1: {  	[tilespmem:s28], [sflag:$0x4] =	stream.indirect.gather [spmem:s3], $0x40, s31, s21, $0xb8;
	[tilespmem:$0x1EAA0] =	vst v63  }
0xc2: {  	_ =	swait.ge [sflag:s29], $0x1400  }
0xc3: {  	[sflag:s29] =	ssyncset.done $0x0  }
0xc4: {  	[sflag:s29] =	ssyncadd.s32 $0xFFFFEC00  }
0xc5: {  	_ =	swait.ge [sflag:s30], $0x1400  }
0xc6: {  	[sflag:s30] =	ssyncset.done $0x0  }
0xc7: {  	s4 =	simm.s32 $0x2760;
	[sflag:s30] =	ssyncadd.s32 $0xFFFFEC00  }
0xc8: {  	[spmem:s1] =	stream.indirect.scatter.add.f32 [tilespmem:s23], [sflag:$0x7], $0x40, s4, s21, $0xb8;
	[tilespmem:$0x1EAA0] =	vst v63  }
0xc9: {  	s9 =	simm.s32 $0x140  }
0xca: {  	[tilespmem:s2], [sflag:$0x5] =	stream.indirect.gather [spmem:s3], $0x40, s9, s21, $0xb8;
	[tilespmem:$0x1EAA0] =	vst v63  }
0xcb: {  	_ =	swait.ge [sflag:s6], $0x1400  }
0xcc: {  	[sflag:s6] =	ssyncset.done $0x0  }
0xcd: {  	[sflag:s6] =	ssyncadd.s32 $0xFFFFEC00  }
0xce: {  	_ =	swait.ge [sflag:s5], $0x1400  }
0xcf: {  	[sflag:s5] =	ssyncset.done $0x0  }
0xd0: {  	s14 =	simm.s32 $0x27B0;
	[sflag:s5] =	ssyncadd.s32 $0xFFFFEC00  }
0xd1: {  	[spmem:s1] =	stream.indirect.scatter.add.f32 [tilespmem:s25], [sflag:$0x8], $0x40, s14, s21, $0xb8;
	[tilespmem:$0x1EAA0] =	vst v63  }
0xd2: {  	s31 =	simm.s32 $0x190  }
0xd3: {  	[tilespmem:s22], [sflag:$0x1] =	stream.indirect.gather [spmem:s3], $0x40, s31, s21, $0xb8;
	[tilespmem:$0x1EAA0] =	vst v63  }
0xd4: {  	_ =	swait.ge [sflag:s12], $0x1400  }
0xd5: {  	[sflag:s12] =	ssyncset.done $0x0  }
0xd6: {  	[sflag:s12] =	ssyncadd.s32 $0xFFFFEC00  }
0xd7: {  	_ =	swait.ge [sflag:s19], $0x1400  }
0xd8: {  	[sflag:s19] =	ssyncset.done $0x0  }
0xd9: {  	s4 =	simm.s32 $0x2800;
	[sflag:s19] =	ssyncadd.s32 $0xFFFFEC00  }
0xda: {  	[spmem:s1] =	stream.indirect.scatter.add.f32 [tilespmem:s28], [sflag:$0x9], $0x40, s4, s21, $0xb8;
	[tilespmem:$0x1EAA0] =	vst v63  }
0xdb: {  	s9 =	simm.s32 $0x1E0  }
0xdc: {  	[tilespmem:s23], [sflag:$0x2] =	stream.indirect.gather [spmem:s3], $0x40, s9, s21, $0xb8;
	[tilespmem:$0x1EAA0] =	vst v63  }
0xdd: {  	_ =	swait.ge [sflag:s24], $0x1400  }
0xde: {  	[sflag:s24] =	ssyncset.done $0x0  }
0xdf: {  	[sflag:s24] =	ssyncadd.s32 $0xFFFFEC00  }
0xe0: {  	_ =	swait.ge [sflag:s26], $0x1400  }
0xe1: {  	[sflag:s26] =	ssyncset.done $0x0  }
0xe2: {  	s14 =	simm.s32 $0x2850;
	[sflag:s26] =	ssyncadd.s32 $0xFFFFEC00  }
0xe3: {  	[spmem:s1] =	stream.indirect.scatter.add.f32 [tilespmem:s2], [sflag:$0xA], $0x40, s14, s21, $0xb8;
	[tilespmem:$0x1EAA0] =	vst v63  }
0xe4: {  	s31 =	simm.s32 $0x230  }
0xe5: {  	[tilespmem:s25], [sflag:$0x3] =	stream.indirect.gather [spmem:s3], $0x40, s31, s21, $0xb8;
	[tilespmem:$0x1EAA0] =	vst v63  }
.LBB2_5:
0xe6: {  	_ =	swait.ge [sflag:s18], $0x1400  }
0xe7: {  	[sflag:s18] =	ssyncset.done $0x0  }
0xe8: {  	[sflag:s18] =	ssyncadd.s32 $0xFFFFEC00  }
0xe9: {  	_ =	swait.ge [sflag:s10], $0x1400  }
0xea: {  	s9 =	sshra.s32 s8, $0x2;
	[sflag:s10] =	ssyncset.done $0x0  }
0xeb: {  	s0 =	sadd.s32 $0x28A0, s9;
	[sflag:s10] =	ssyncadd.s32 $0xFFFFEC00  }
0xec: {  	[spmem:s1] =	stream.indirect.scatter.add.f32 [tilespmem:s22], [sflag:$0x6], $0x40, s0, s21, $0xb8;
	[tilespmem:$0x1EAA0] =	vst v63  }
0xed: {  	s14 =	sadd.s32 $0x280, s9  }
0xee: {  	[tilespmem:s28], [sflag:$0x4] =	stream.indirect.gather [spmem:s3], $0x40, s14, s21, $0xb8;
	[tilespmem:$0x1EAA0] =	vst v63  }
0xef: {  	_ =	swait.ge [sflag:s29], $0x1400  }
0xf0: {  	[sflag:s29] =	ssyncset.done $0x0  }
0xf1: {  	[sflag:s29] =	ssyncadd.s32 $0xFFFFEC00  }
0xf2: {  	_ =	swait.ge [sflag:s30], $0x1400  }
0xf3: {  	[sflag:s30] =	ssyncset.done $0x0  }
0xf4: {  	s31 =	sadd.s32 $0x28F0, s9;
	[sflag:s30] =	ssyncadd.s32 $0xFFFFEC00  }
0xf5: {  	[spmem:s1] =	stream.indirect.scatter.add.f32 [tilespmem:s23], [sflag:$0x7], $0x40, s31, s21, $0xb8;
	[tilespmem:$0x1EAA0] =	vst v63  }
0xf6: {  	s4 =	sadd.s32 $0x2D0, s9  }
0xf7: {  	[tilespmem:s2], [sflag:$0x5] =	stream.indirect.gather [spmem:s3], $0x40, s4, s21, $0xb8;
	[tilespmem:$0x1EAA0] =	vst v63  }
0xf8: {  	_ =	swait.ge [sflag:s6], $0x1400  }
0xf9: {  	[sflag:s6] =	ssyncset.done $0x0  }
0xfa: {  	[sflag:s6] =	ssyncadd.s32 $0xFFFFEC00  }
0xfb: {  	_ =	swait.ge [sflag:s5], $0x1400  }
0xfc: {  	p0 =	seq.s32 s8, $0x8FC0;
	[sflag:s5] =	ssyncset.done $0x0  }
0xfd: {  	s0 =	simm.s32 @p0 $0x4;
	s14 =	sadd.s32 $0x2940, s9;
	[sflag:s5] =	ssyncadd.s32 $0xFFFFEC00  }
0xfe: {  	[spmem:s1] =	stream.indirect.scatter.add.f32 [tilespmem:s25], [sflag:$0x8], $0x40, s14, s21, $0xb8;
	[tilespmem:$0x1EAA0] =	vst v63  }
0xff: {  	_ =	swait.ge @p0 [sflag:s0], $0x1400  }
0x100: {  	[sflag:s0] =	ssyncset.done @p0 $0x0  }
0x101: {  	[sflag:s0] =	ssyncadd.s32 @p0 $0xFFFFEC00;
	s0 =	simm.s32 @p0 $0x8  }
0x102: {  	_ =	swait.ge @p0 [sflag:s0], $0x1400  }
0x103: {  	[sflag:s0] =	ssyncset.done @p0 $0x0  }
0x104: {  	[sflag:s0] =	ssyncadd.s32 @p0 $0xFFFFEC00;
	s0 =	sshra.s32 @p0 s8, $0x2  }
0x105: {  	s4 =	simm.s32 @p0 $0x50;
	s14 =	simm.s32 @p0 $0x8A20;
	s0 =	sadd.s32 @p0 $0x2990, s0  }
0x106: {  	[spmem:s1] =	stream.indirect.scatter.add.f32 @p0 [tilespmem:s14], [sflag:$0x9], $0x40, s0, s4, $0xb8;
	[tilespmem:$0x1EAA0] =	vst v63  }
0x107: {  	s0 =	sshra.s32 @!p0 s8, $0x2  }
0x108: {  	s31 =	simm.s32 @!p0 $0x4E20;
	s14 =	simm.s32 @!p0 $0x50;
	s4 =	sadd.s32 @!p0 $0x320, s0  }
0x109: {  	[tilespmem:s31], [sflag:$0x1] =	stream.indirect.gather @!p0 [spmem:s3], $0x40, s4, s14, $0xb8;
	[tilespmem:$0x1EAA0] =	vst v63  }
0x10a: {  	s4 =	simm.s32 @!p0 $0x4  }
0x10b: {  	_ =	swait.ge @!p0 [sflag:s4], $0x1400  }
0x10c: {  	[sflag:s4] =	ssyncset.done @!p0 $0x0  }
0x10d: {  	[sflag:s4] =	ssyncadd.s32 @!p0 $0xFFFFEC00;
	s4 =	simm.s32 @!p0 $0x8  }
0x10e: {  	_ =	swait.ge @!p0 [sflag:s4], $0x1400  }
0x10f: {  	[sflag:s4] =	ssyncset.done @!p0 $0x0  }
0x110: {  	s31 =	simm.s32 @!p0 $0x8A20;
	[sflag:s4] =	ssyncadd.s32 @!p0 $0xFFFFEC00;
	s4 =	sadd.s32 @!p0 $0x2990, s0  }
0x111: {  	[spmem:s1] =	stream.indirect.scatter.add.f32 @!p0 [tilespmem:s31], [sflag:$0x9], $0x40, s4, s14, $0xb8;
	[tilespmem:$0x1EAA0] =	vst v63  }
0x112: {  	s0 =	sadd.s32 @!p0 $0x370, s0;
	s4 =	simm.s32 @!p0 $0x6220  }
0x113: {  	[tilespmem:s4], [sflag:$0x2] =	stream.indirect.gather @!p0 [spmem:s3], $0x40, s0, s14, $0xb8;
	[tilespmem:$0x1EAA0] =	vst v63  }
0x114: {  	_ =	swait.ge [sflag:s24], $0x1400  }
0x115: {  	[sflag:s24] =	ssyncset.done $0x0  }
.Ltmp4:
0x116: {  	[sflag:s24] =	ssyncadd.s32 $0xFFFFEC00;
	(pc) =	sbr.rel @p0 .LBB2_7-.Ltmp4, $4  }
0x117: {  	_ =	swait.ge [sflag:s26], $0x1400  }
0x118: {  	[sflag:s26] =	ssyncset.done $0x0  }
0x119: {  	s31 =	sadd.s32 $0x29E0, s9;
	[sflag:s26] =	ssyncadd.s32 $0xFFFFEC00  }
0x11a: {  	[spmem:s1] =	stream.indirect.scatter.add.f32 [tilespmem:s2], [sflag:$0xA], $0x40, s31, s21, $0xb8;
	[tilespmem:$0x1EAA0] =	vst v63  }
.Ltmp5:
0x11b: {  	(pc) =	sbr.rel .LBB2_5-.Ltmp5, $3  }
0x11c: {  	_ =	sdelay $0x1  }
0x11d: {  	s0 =	sadd.s32 $0x3C0, s9;
	s8 =	sadd.s32 $0x640, s8  }
0x11e: {  	[tilespmem:s25], [sflag:$0x3] =	stream.indirect.gather [spmem:s3], $0x40, s0, s21, $0xb8;
	[tilespmem:$0x1EAA0] =	vst v63  }
.LBB2_8:
0x11f: {  	_ =	sfence.sel $0x180000  }
0x120: {  	[bflag:$0x0] =	sbarrier.arrive $0xFFFF  }
0x121: {  	_ =	strace $0x9000004A  }
0x122: {  	s0 =	stileid.u32;
	[bflag:$0x2] =	sbarrier.arrive $0xFFFF  }
0x123: {  	p0 =	sne.s32 s0, $0x0;
	s0 =	rddreg [dreg:$0x6]  }
0x124: {  	s0 =	sadd.s32 @!p0 $0x100000, s0  }
0x125: {  	[sflag:s0] =	ssyncadd.tile.s32 @!p0 $0x1;
	_ =	shalt  }
.Lfunc_end2:
_tile_overlayer_lowered:
.L_overlay_start_2:
0x126: {  	(tag) =	ssettag $0x2  }
0x127: {  	s0 =	rddreg [dreg:$0x0];
	s2 =	stileid.u32  }
0x128: {  	s1 =	rddreg [dreg:$0x1];
	p0 =	sne.s32 s2, $0x0  }
0x129: {  	s3 =	rddreg [dreg:$0x2];
	[bflag:$0x3] =	sbarrier.arrive $0xFFFF;
	s2 =	simm.s32 @!p0 $0x1C0B  }
0x12a: {  	[timem:s3], [sflag:s2] =	dma.local @!p0 [hbm:s0], s1  }
0x12b: {  	s0 =	simm.s32 @!p0 $0xB  }
0x12c: {  	_ =	swait.ge @!p0 [sflag:s0], s1  }
0x12d: {  	s1 =	ssub.s32 @!p0 $0x0, s1;
	[sflag:s0] =	ssyncset.done @!p0 $0x0  }
0x12e: {  	[sflag:s0] =	ssyncadd.s32 @!p0 s1  }
0x12f: {  	[bflag:$0x3] =	sbarrier.arrive $0xFFFF  }
0x130: {  	_ =	shalt  }

// kernel: kernel.18.cloned.1.call-start
scs
__scs_entry_jumppad:
0x0: {  	(pc) =	sbr.rel $0x88, $3  }
0x1: {  	(tag) =	ssettag $0x0;
	lr =	simm.s32 $0x1  }
0x2: {  	[smem:$0x3F96] =	sst lr;
	_ =	strace $0xD0000000  }
0x3: {  	_ = 	snop  }
0x4: {  	_ = 	snop  }
0x5: {  	_ = 	snop  }
0x6: {  	_ = 	snop  }
0x7: {  	_ = 	snop  }
__scs_overlays_trampoline_lowered:
0x8: {  	[smem:$0x3FA5] =	sst s0  }
0x9: {  	[smem:$0x3FA6] =	sst s1  }
0xa: {  	[smem:$0x3FA7] =	sst s2  }
0xb: {  	[smem:$0x3FA8] =	sst s3  }
0xc: {  	[smem:$0x3FA9] =	sst s4  }
0xd: {  	[smem:$0x3FAA] =	sst s5  }
0xe: {  	[smem:$0x3FAB] =	sst s6  }
0xf: {  	[smem:$0x3FAC] =	sst s7  }
0x10: {  	[smem:$0x3FAD] =	sst s8  }
0x11: {  	[smem:$0x3FAE] =	sst s9;
	s0 =	simm.s32 @!p0 $0x0  }
0x12: {  	s1 =	sld [smem:$0x3F94];
	s0 =	simm.s32 @p0 $0x1  }
0x13: {  	[smem:$0x3FAF] =	sst s0;
	s0 =	simm.s32 @!p1 $0x0  }
0x14: {  	s2 =	sld [smem:$0x3F93];
	s0 =	simm.s32 @p1 $0x1  }
0x15: {  	[smem:$0x3FB0] =	sst s0;
	s0 =	simm.s32 @!p2 $0x0  }
0x16: {  	s3 =	sld [smem:$0x3FDB];
	s0 =	simm.s32 @p2 $0x1  }
0x17: {  	s4 =	simm.s32 $0x1BF5;
	[smem:$0x3FB2] =	sst s0  }
0x18: {  	s0 =	sld [smem:$0x3F95];
	_ =	swait.ge [sflag:s4], $0x0  }
0x19: {  	s7 =	sld [smem:$0x3F96]  }
0x1a: {  	s8 =	sadd.s32 $0xFFFFE003, lr  }
0x1b: {  	s9 =	sadd.s32 $0xFFFFFEF7, lr;
	s5 =	simm.s32 $0xFFFFFFFF;
	p2 =	slt.u32 s8, $0xFFFFF086  }
0x1c: {  	p1 =	slt.u32 s9, $0xF7A;
	s5 =	simm.s32 @!p2 $0x0  }
0x1d: {  	s5 =	simm.s32 @p1 $0x1;
	p0 =	seq.s32 s7, s2  }
0x1e: {  	s7 =	smul.u32 @!p0 $0xF7A, s2;
	p2 =	seq.s32 @!p0 s5, $0x0  }
0x1f: {  	s9 =	smul.u32 $0xF7A, s1;
	s8 =	simm.s32 @!p0 $0x1BF5;
	p2 =	por !p2, p0  }
0x20: {  	[sflag:s8] =	ssyncset.s32 @!p0 $0xFFFFF086;
	s6 =	sadd.s32 @!p0 s3, s7;
	s7 =	simm.s32 @!p0 $0x108  }
0x21: {  	s3 =	sadd.s32 s3, s9;
	s6 =	sadd.s32 @!p0 $0x88, s6;
	s7 =	simm.s32 @p2 $0x1082  }
0x22: {  	[simem:s7], [sflag:s8] =	dma.local @!p0 [hbm:s6], $0xF7A  }
0x23: {  	s9 =	sor.u32 $0xD0000000, s2;
	s6 =	simm.s32 $0x108;
	_ =	swait.ge @!p0 [sflag:s8], $0x0  }
0x24: {  	s3 =	sadd.s32 $0x88, s3;
	s6 =	simm.s32 @!p1 $0x1082;
	[sflag:s4] =	ssyncset.s32 $0xFFFFF086  }
0x25: {  	[simem:s6], [sflag:s4] =	dma.local [hbm:s3], $0xF7A  }
0x26: {  	[smem:$0x3F96] =	sst s1;
	(tag) =	ssettag s2;
	_ =	strace s9  }
0x27: {  	s1 =	sld [smem:$0x3FA6]  }
0x28: {  	s2 =	sld [smem:$0x3FA7]  }
0x29: {  	s4 =	sld [smem:$0x3FA9]  }
0x2a: {  	p0 =	seq.s32 s5, $0x0;
	s5 =	sld [smem:$0x3FAA]  }
0x2b: {  	s6 =	sld [smem:$0x3FAB]  }
0x2c: {  	s7 =	sld [smem:$0x3FAC]  }
0x2d: {  	s3 =	simm.s32 $0x108;
	s8 =	sld [smem:$0x3FAD]  }
0x2e: {  	s3 =	simm.s32 @!p0 $0x1082;
	s9 =	sld [smem:$0x3FAE]  }
0x2f: {  	lr =	sadd.s32 s0, s3;
	s0 =	sld [smem:$0x3FA5]  }
0x30: {  	s3 =	sld [smem:$0x3FA8]  }
0x31: {  	[smem:$0x3FB1] =	sst s10  }
0x32: {  	s10 =	sld [smem:$0x3FAF];
	_ =	sdelay $0x3  }
0x33: {  	p0 =	seq.s32 s10, $0x1;
	s10 =	sld [smem:$0x3FB1];
	_ =	sdelay $0x3  }
0x34: {  	[smem:$0x3FB1] =	sst s10  }
0x35: {  	s10 =	sld [smem:$0x3FB0];
	_ =	sdelay $0x3  }
0x36: {  	p1 =	seq.s32 s10, $0x1;
	s10 =	sld [smem:$0x3FB1];
	_ =	sdelay $0x3  }
0x37: {  	[smem:$0x3FB1] =	sst s10  }
0x38: {  	s10 =	sld [smem:$0x3FB2]  }
0x39: {  	_ = 	snop;
	(pc) =	sbr.ind lr, $3  }
0x3a: {  	_ = 	snop  }
0x3b: {  	_ = 	snop  }
0x3c: {  	p2 =	seq.s32 s10, $0x1;
	s10 =	sld [smem:$0x3FB1]  }
0x3d: {  	_ =	shalt  }
0x3e: {  	_ =	shalt  }
0x3f: {  	_ =	shalt  }
0x40: {  	_ =	shalt  }
0x41: {  	_ =	shalt  }
0x42: {  	_ =	shalt  }
0x43: {  	_ =	shalt  }
0x44: {  	_ =	shalt  }
0x45: {  	_ =	shalt  }
0x46: {  	_ =	shalt  }
0x47: {  	_ =	shalt  }
0x48: {  	_ =	shalt  }
0x49: {  	_ =	shalt  }
0x4a: {  	_ =	shalt  }
0x4b: {  	_ =	shalt  }
0x4c: {  	_ =	shalt  }
0x4d: {  	_ =	shalt  }
0x4e: {  	_ =	shalt  }
0x4f: {  	_ =	shalt  }
0x50: {  	_ =	shalt  }
0x51: {  	_ =	shalt  }
0x52: {  	_ =	shalt  }
0x53: {  	_ =	shalt  }
0x54: {  	_ =	shalt  }
0x55: {  	_ =	shalt  }
0x56: {  	_ =	shalt  }
0x57: {  	_ =	shalt  }
0x58: {  	_ =	shalt  }
0x59: {  	_ =	shalt  }
0x5a: {  	_ =	shalt  }
0x5b: {  	_ =	shalt  }
0x5c: {  	_ =	shalt  }
0x5d: {  	_ =	shalt  }
0x5e: {  	_ =	shalt  }
0x5f: {  	_ =	shalt  }
0x60: {  	_ =	shalt  }
0x61: {  	_ =	shalt  }
0x62: {  	_ =	shalt  }
0x63: {  	_ =	shalt  }
0x64: {  	_ =	shalt  }
0x65: {  	_ =	shalt  }
0x66: {  	_ =	shalt  }
0x67: {  	_ =	shalt  }
0x68: {  	_ =	shalt  }
0x69: {  	_ =	shalt  }
0x6a: {  	_ =	shalt  }
0x6b: {  	_ =	shalt  }
0x6c: {  	_ =	shalt  }
0x6d: {  	_ =	shalt  }
0x6e: {  	_ =	shalt  }
0x6f: {  	_ =	shalt  }
0x70: {  	_ =	shalt  }
0x71: {  	_ =	shalt  }
0x72: {  	_ =	shalt  }
0x73: {  	_ =	shalt  }
0x74: {  	_ =	shalt  }
0x75: {  	_ =	shalt  }
0x76: {  	_ =	shalt  }
0x77: {  	_ =	shalt  }
0x78: {  	_ =	shalt  }
0x79: {  	_ =	shalt  }
0x7a: {  	_ =	shalt  }
0x7b: {  	_ =	shalt  }
0x7c: {  	_ =	shalt  }
0x7d: {  	_ =	shalt  }
0x7e: {  	_ =	shalt  }
0x7f: {  	_ =	shalt  }
0x80: {  	_ =	shalt  }
0x81: {  	_ =	shalt  }
0x82: {  	_ =	shalt  }
0x83: {  	_ =	shalt  }
0x84: {  	_ =	shalt  }
0x85: {  	_ =	shalt  }
0x86: {  	_ =	shalt  }
0x87: {  	_ =	shalt  }
.Lfunc_end0:
.L_simem_size_0:
called_computation.2_lowered:
.L_overlay_start_0:
0x88: {  	s2 =	sld [smem:$0x3FD9]  }
0x89: {  	s3 =	sld [smem:$0x3FFE];
	_ =	sdelay $0x1  }
0x8a: {  	s1 =	srdreg.scid  }
0x8b: {  	s0 =	sand.u32 $0x1, s1  }
0x8c: {  	s14 =	sshll.u32 s0, $0xA;
	s2 =	sadd.s32 s3, s2  }
0x8d: {  	s2 =	sadd.s32 s2, s14  }
0x8e: {  	[smem:$0x3FBD] =	sst s2  }
0x8f: {  	_ = 	snop  }
0x90: {  	s2 =	sld [smem:$0x3FD0];
	_ =	sdelay $0x2  }
0x91: {  	s15 =	simm.s32 $0xB;
	s4 =	simm.s32 $0x10  }
0x92: {  	[smem:s4], [sflag:s15] =	dma.local [hbm:s2], $0x1  }
0x93: {  	_ =	swait.eq [sflag:s15], $0x1  }
0x94: {  	[sflag:s15] =	ssyncset.done $0x0  }
0x95: {  	[sflag:s15] =	ssyncadd.s32 $0xFFFFFFFF  }
0x96: {  	s16 =	sld [smem:$0x10];
	(tm) =	ssettm $0x1  }
0x97: {  	s17 =	sld [smem:$0x3FFB];
	_ =	sdelay $0x3  }
0x98: {  	_ =	strace s17  }
0x99: {  	s3 =	sld [smem:$0x3FFC];
	_ =	sdelay $0x3  }
0x9a: {  	_ =	strace s3  }
0x9b: {  	s3 =	sld [smem:$0x3FFD];
	_ =	sdelay $0x3  }
0x9c: {  	_ =	strace s3  }
0x9d: {  	_ =	strace $0x8FFFFFFF  }
0x9e: {  	s18 =	sld [smem:$0x3FDB];
	_ =	sdelay $0x1  }
0x9f: {  	s19 =	simm.s32 $_scs_section_size  }
0xa0: {  	s5 =	simm.s32 $_size__tile_overlayer_lowered;
	s6 =	simm.s32 $_tile_overlayer_lowered  }
0xa1: {  	s22 =	simm.s32 $0x1BFF;
	s21 =	sshll.u32 s6, $0x1;
	s3 =	sadd.s32 s19, s18  }
0xa2: {  	s7 =	simm.s32 $0x0;
	s20 =	sshll.u32 s5, $0x1;
	s5 =	sadd.s32 s21, s3  }
0xa3: {  	[timem:s7], [sflag:s22] =	dma.local [hbm:s5], s20  }
0xa4: {  	_ =	swait.ge [sflag:s22], s20  }
0xa5: {  	s4 =	ssub.s32 $0x0, s20;
	[sflag:s22] =	ssyncset.done $0x0  }
0xa6: {  	[sflag:s22] =	ssyncadd.s32 s4;
	_ =	sdelay $0x1  }
0xa7: {  	s23 =	simm.s32 $0x1B8B  }
0xa8: {  	_ =	swait.ge [sflag:s23], $0x1  }
0xa9: {  	[sflag:s23] =	ssyncset.done $0x0  }
0xaa: {  	s25 =	simm.s32 $0x1B8E;
	s24 =	sld [smem:$0x3FFE];
	[sflag:s23] =	ssyncadd.s32 $0xFFFFFFFF  }
0xab: {  	s26 =	simm.s32 $execute0_lowered;
	[smem:$0x3FD2] =	sst s25  }
0xac: {  	s5 =	sshll.u32 s26, $0x1;
	_ =	strace $0x8000004C;
	[dreg:$0x1] =	wrdreg $0xFFFFFFFF  }
0xad: {  	s28 =	simm.s32 $_size_execute0_lowered;
	s3 =	sadd.s32 s3, s5;
	[dreg:$0x0] =	wrdreg $0x0  }
0xae: {  	s5 =	sshll.u32 s28, $0x1;
	[dreg:$0x2] =	wrdreg s3  }
0xaf: {  	[dreg:$0x3] =	wrdreg s5  }
0xb0: {  	[dreg:$0x4] =	wrdreg $0xC0  }
0xb1: {  	_ =	task [dreg:s7], $0x5FFFF  }
0xb2: {  	[dreg:$0x1] =	wrdreg $0xFFFFFFFF  }
0xb3: {  	[dreg:$0x0] =	wrdreg $0x60  }
0xb4: {  	[dreg:$0x2] =	wrdreg s24  }
0xb5: {  	[dreg:$0x3] =	wrdreg s16  }
0xb6: {  	[dreg:$0x4] =	wrdreg $0xB2200  }
0xb7: {  	[dreg:$0x5] =	wrdreg $0x14E600  }
0xb8: {  	[dreg:$0x6] =	wrdreg $0x9  }
0xb9: {  	_ =	task.clear_ibuf [dreg:s7], $0x7FFFF;
	_ =	strace $0x9000004C  }
0xba: {  	s29 =	simm.s32 $0x9;
	_ =	strace $0x8000004E  }
0xbb: {  	_ =	swait.ge [sflag:s29], $0x1  }
0xbc: {  	[sflag:s29] =	ssyncadd.s32 $0xFFFFFFFF  }
0xbd: {  	_ =	strace $0x9000004E  }
0xbe: {  	_ =	sfence  }
0xbf: {  	s30 =	sld [smem:$0x0];
	_ =	sdelay $0x2  }
0xc0: {  	s31 =	sshll.u32 s1, $0xD;
	s1 =	sshrl.u32 s1, $0x2  }
0xc1: {  	s3 =	sand.u32 $0x4000, s31;
	s1 =	sadd.s32 s1, s30  }
0xc2: {  	s0 =	sor.u32 s3, s0;
	s1 =	sshll.u32 s1, $0x11  }
0xc3: {  	s0 =	sor.u32 s1, s0  }
0xc4: {  	s0 =	sadd.s32 $0x8F2B, s0  }
0xc5: {  	[sflag:s0] =	ssyncadd.remote.s32 $0x1  }
0xc6: {  	_ =	sfence.sel $0xFFFF  }
0xc7: {  	[dreg:$0x0] =	wrdreg $0xFFFFFFFF;
	(pc) =	sbr.abs _section_cstart, $3  }
0xc8: {  	[dreg:$0x1] =	wrdreg $0xFFFFFFFF  }
0xc9: {  	_ =	task.clear_ibuf [dreg:s7], $0x2FFFF;
	_ =	strace $0x9FFFFFFF  }
0xca: {  	(tm) =	ssettm $0x7FFFFFFF  }
0xcb: {  	_ =	shalt  }
tec
execute0_lowered:
.L_overlay_start_1:
0x0: {  	(tag) =	ssettag $0x1  }
0x1: {  	s0 =	rddreg [dreg:$0x0]  }
0x2: {  	s1 =	rddreg [dreg:$0x1]  }
0x3: {  	s2 =	rddreg [dreg:$0x2]  }
0x4: {  	s3 =	rddreg [dreg:$0x3]  }
0x5: {  	s11 =	stileid.u32;
	s5 =	srdreg.scid;
	s7 =	simm.s32 $0x0  }
0x6: {  	s17 =	simm.s32 $0xB;
	s28 =	simm.s32 $0x6220;
	s30 =	simm.s32 $0x7620  }
0x7: {  	s12 =	simm.s32 $0x7;
	s15 =	simm.s32 $0x4;
	s4 =	smul.u32 $0x4E20, s11  }
0x8: {  	s13 =	simm.s32 $0x0;
	s6 =	smul.u32 $0x9C40, s11;
	s5 =	sand.u32 $0x1, s5  }
0x9: {  	[smem:$0x7FF] =	sst s7;
	s9 =	smul.u32 $0x13880, s11;
	s31 =	sshll.u32 s11, $0x6  }
0xa: {  	s18 =	smul.u32 $0x271000, s5;
	s8 =	sshll.u32 s5, $0x4;
	_ =	strace $0x8000004D  }
0xb: {  	s5 =	ssub.s32 $0x2, s5;
	s8 =	sor.u32 s11, s8;
	s4 =	sadd.s32 s4, s0  }
0xc: {  	s10 =	sshrl.u32 s6, $0x3;
	s19 =	sshrl.u32 s5, $0x1;
	s20 =	sadd.s32 s6, s2  }
0xd: {  	s6 =	sadd.s32 s6, s3;
	s11 =	simm.s32 $0x3;
	s8 =	smul.u32 $0x2710, s8  }
0xe: {  	s10 =	sadd.s32 s10, s0;
	s7 =	sadd.s32 s9, s18;
	s21 =	sadd.s32 $0x6B200, s4  }
0xf: {  	s5 =	ssub.s32 s5, s19;
	s23 =	sadd.s32 $0x6B208, s4;
	[dreg:$0x7] =	wrdreg s21  }
0x10: {  	s25 =	sadd.s32 $0x6B210, s4;
	s4 =	sadd.s32 $0x6B218, s4;
	[dreg:$0x9] =	wrdreg s23  }
0x11: {  	s18 =	simm.s32 $0x2710;
	s19 =	sor.u32 $0x1C0B, s31;
	[dreg:$0xb] =	wrdreg s25  }
0x12: {  	s20 =	sshrl.u32 s20, $0x3;
	s7 =	sshrl.u32 s7, $0x3;
	[dreg:$0xd] =	wrdreg s4  }
0x13: {  	s29 =	smax.u32 s5, $0x1;
	s21 =	sshrl.u32 s6, $0x3;
	s23 =	simm.s32 $0x8  }
0x14: {  	s25 =	simm.s32 $0x50;
	s6 =	simm.s32 $0x6;
	s8 =	sshrl.u32 s8, $0x3  }
0x15: {  	s0 =	sadd.s32 s7, s0;
	[dreg:$0xf] =	wrdreg s29;
	s1 =	sadd.s32 s1, s8  }
0x16: {  	s4 =	simm.s32 $0x5;
	s22 =	sadd.s32 $0xB9400, s0;
	[dreg:$0x5] =	wrdreg s1  }
0x17: {  	s7 =	sadd.s32 $0x9600, s10;
	s24 =	sadd.s32 $0xB9408, s0;
	[dreg:$0x8] =	wrdreg s22  }
.Ltmp0:
0x18: {  	s26 =	sadd.s32 $0xE0500, s0;
	[dreg:$0xa] =	wrdreg s24;
	(pc) =	sbr.rel .LBB2_1-.Ltmp0, $4  }
0x19: {  	s10 =	simm.s32 $0x9E20;
	s0 =	sadd.s32 $0xE0508, s0;
	[dreg:$0xc] =	wrdreg s26  }
0x1a: {  	s8 =	simm.s32 $0xA;
	s1 =	sadd.s32 $0x9C40, s1;
	[dreg:$0xe] =	wrdreg s0  }
0x1b: {  	s22 =	simm.s32 $0x1;
	s26 =	simm.s32 $0x4E20;
	s0 =	simm.s32 $0x8A20  }
0x1c: {  	s24 =	simm.s32 $0x9;
	[dreg:$0x6] =	wrdreg s1;
	s1 =	simm.s32 $0x2  }
.LBB2_13:
0x1d: {  	_ =	swait.ge [sflag:s8], $0x1400  }
0x1e: {  	[sflag:s8] =	ssyncset.done $0x0  }
0x1f: {  	[sflag:s8] =	ssyncadd.s32 $0xFFFFEC00  }
0x20: {  	[bflag:$0x0] =	sbarrier.arrive $0xFFFF  }
0x21: {  	s9 =	simm.s32 $0x10;
	s5 =	rddreg [dreg:$0xe]  }
0x22: {  	[hbm:s5@s9], [sflag:s19] =	dma.strided [spmem:s20@s23], $0x1388, s22, $0x8   }
0x23: {  	_ =	swait.ge [sflag:s17], $0x1388  }
0x24: {  	s13 =	sadd.s32 $0x1, s13;
	s31 =	rddreg [dreg:$0xf]  }
0x25: {  	p0 =	sne.s32 s13, s31  }
.Ltmp1:
0x26: {  	_ = 	snop;
	(pc) =	sbr.rel @!p0 .LBB2_14-.Ltmp1, $3  }
0x27: {  	_ =	sdelay $0x1  }
0x28: {  	[sflag:s17] =	ssyncset.done $0x0  }
0x29: {  	[sflag:s17] =	ssyncadd.s32 $0xFFFFEC78  }
.LBB2_1:
0x2a: {  	s5 =	simm.s32 $0x0;
	s9 =	rddreg [dreg:$0x5]  }
0x2b: {  	[tilespmem:s5], [sflag:$0xB] =	stream.linear.gather [hbm4b:s9+s5], $0x2710, $0x38;
	[tilespmem:$0x1EAA0] =	vst v63  }
0x2c: {  	_ =	swait.ge [sflag:s17], $0x2710  }
0x2d: {  	[sflag:s17] =	ssyncset.done $0x0  }
0x2e: {  	s29 =	rddreg [dreg:$0x6];
	[sflag:s17] =	ssyncadd.s32 $0xFFFFD8F0  }
0x2f: {  	[tilespmem:s18], [sflag:$0xB] =	stream.linear.gather [hbm4b:s29+s5], $0x2710, $0x38;
	[tilespmem:$0x1EAA0] =	vst v63  }
0x30: {  	_ =	swait.ge [sflag:s17], $0x2710  }
0x31: {  	[sflag:s17] =	ssyncset.done $0x0  }
0x32: {  	[sflag:s17] =	ssyncadd.s32 $0xFFFFD8F0  }
0x33: {  	[spmem:s20], [sflag:s19] =	dma.local [hbm:s7], $0x1388  }
0x34: {  	_ =	swait.ge [sflag:s17], $0x1388  }
0x35: {  	[sflag:s17] =	ssyncset.done $0x0  }
0x36: {  	s14 =	simm.s32 $0x20;
	s31 =	rddreg [dreg:$0x7];
	[sflag:s17] =	ssyncadd.s32 $0xFFFFEC78  }
0x37: {  	[spmem:s21@s23], [sflag:s19] =	dma.strided [hbm:s31@s14], $0x1388, s22, $0x8   }
0x38: {  	_ =	swait.ge [sflag:s17], $0x1388  }
0x39: {  	[sflag:s17] =	ssyncset.done $0x0  }
0x3a: {  	[sflag:s17] =	ssyncadd.s32 $0xFFFFEC78  }
0x3b: {  	[bflag:$0x0] =	sbarrier.arrive $0xFFFF  }
0x3c: {  	[tilespmem:s26], [sflag:$0x1] =	stream.indirect.gather [spmem:s3], $0x40, s5, s25, $0xb8;
	[tilespmem:$0x1EAA0] =	vst v63  }
0x3d: {  	_ = 	snop  }
0x3e: {  	[tilespmem:s28], [sflag:$0x2] =	stream.indirect.gather [spmem:s3], $0x40, s25, s25, $0xb8;
	[tilespmem:$0x1EAA0] =	vst v63  }
0x3f: {  	s9 =	simm.s32 $0xA0  }
0x40: {  	[tilespmem:s30], [sflag:$0x3] =	stream.indirect.gather [spmem:s3], $0x40, s9, s25, $0xb8;
	[tilespmem:$0x1EAA0] =	vst v63  }
0x41: {  	_ =	swait.ge [sflag:s22], $0x1400  }
0x42: {  	[sflag:s22] =	ssyncset.done $0x0  }
0x43: {  	[sflag:s22] =	ssyncadd.s32 $0xFFFFEC00  }
0x44: {  	[spmem:s2] =	stream.indirect.scatter.add.f32 [tilespmem:s26], [sflag:$0x6], $0x40, s18, s25, $0xb8;
	[tilespmem:$0x1EAA0] =	vst v63  }
0x45: {  	s14 =	simm.s32 $0xF0  }
0x46: {  	[tilespmem:s0], [sflag:$0x4] =	stream.indirect.gather [spmem:s3], $0x40, s14, s25, $0xb8;
	[tilespmem:$0x1EAA0] =	vst v63  }
0x47: {  	_ =	swait.ge [sflag:s1], $0x1400  }
0x48: {  	[sflag:s1] =	ssyncset.done $0x0  }
0x49: {  	[sflag:s1] =	ssyncadd.s32 $0xFFFFEC00  }
0x4a: {  	_ =	swait.ge [sflag:s6], $0x1400  }
0x4b: {  	[sflag:s6] =	ssyncset.done $0x0  }
0x4c: {  	s16 =	simm.s32 $0x2760;
	[sflag:s6] =	ssyncadd.s32 $0xFFFFEC00  }
0x4d: {  	[spmem:s2] =	stream.indirect.scatter.add.f32 [tilespmem:s28], [sflag:$0x7], $0x40, s16, s25, $0xb8;
	[tilespmem:$0x1EAA0] =	vst v63  }
0x4e: {  	s29 =	simm.s32 $0x140  }
0x4f: {  	[tilespmem:s10], [sflag:$0x5] =	stream.indirect.gather [spmem:s3], $0x40, s29, s25, $0xb8;
	[tilespmem:$0x1EAA0] =	vst v63  }
0x50: {  	_ =	swait.ge [sflag:s11], $0x1400  }
0x51: {  	[sflag:s11] =	ssyncset.done $0x0  }
0x52: {  	[sflag:s11] =	ssyncadd.s32 $0xFFFFEC00  }
0x53: {  	_ =	swait.ge [sflag:s12], $0x1400  }
0x54: {  	[sflag:s12] =	ssyncset.done $0x0  }
0x55: {  	s31 =	simm.s32 $0x27B0;
	[sflag:s12] =	ssyncadd.s32 $0xFFFFEC00  }
0x56: {  	[spmem:s2] =	stream.indirect.scatter.add.f32 [tilespmem:s30], [sflag:$0x8], $0x40, s31, s25, $0xb8;
	[tilespmem:$0x1EAA0] =	vst v63  }
0x57: {  	s9 =	simm.s32 $0x190  }
0x58: {  	[tilespmem:s26], [sflag:$0x1] =	stream.indirect.gather [spmem:s3], $0x40, s9, s25, $0xb8;
	[tilespmem:$0x1EAA0] =	vst v63  }
0x59: {  	_ =	swait.ge [sflag:s15], $0x1400  }
0x5a: {  	[sflag:s15] =	ssyncset.done $0x0  }
0x5b: {  	[sflag:s15] =	ssyncadd.s32 $0xFFFFEC00  }
0x5c: {  	_ =	swait.ge [sflag:s23], $0x1400  }
0x5d: {  	[sflag:s23] =	ssyncset.done $0x0  }
0x5e: {  	s14 =	simm.s32 $0x2800;
	[sflag:s23] =	ssyncadd.s32 $0xFFFFEC00  }
0x5f: {  	[spmem:s2] =	stream.indirect.scatter.add.f32 [tilespmem:s0], [sflag:$0x9], $0x40, s14, s25, $0xb8;
	[tilespmem:$0x1EAA0] =	vst v63  }
0x60: {  	s16 =	simm.s32 $0x1E0  }
0x61: {  	[tilespmem:s28], [sflag:$0x2] =	stream.indirect.gather [spmem:s3], $0x40, s16, s25, $0xb8;
	[tilespmem:$0x1EAA0] =	vst v63  }
0x62: {  	_ =	swait.ge [sflag:s4], $0x1400  }
0x63: {  	[sflag:s4] =	ssyncset.done $0x0  }
0x64: {  	[sflag:s4] =	ssyncadd.s32 $0xFFFFEC00  }
0x65: {  	_ =	swait.ge [sflag:s24], $0x1400  }
0x66: {  	[sflag:s24] =	ssyncset.done $0x0  }
0x67: {  	s29 =	simm.s32 $0x2850;
	[sflag:s24] =	ssyncadd.s32 $0xFFFFEC00  }
0x68: {  	[spmem:s2] =	stream.indirect.scatter.add.f32 [tilespmem:s10], [sflag:$0xA], $0x40, s29, s25, $0xb8;
	[tilespmem:$0x1EAA0] =	vst v63  }
0x69: {  	s31 =	simm.s32 $0x230;
	s14 =	simm.s32 $0x0  }
0x6a: {  	[tilespmem:s30], [sflag:$0x3] =	stream.indirect.gather [spmem:s3], $0x40, s31, s25, $0xb8;
	[tilespmem:$0x1EAA0] =	vst v63  }
.LBB2_2:
0x6b: {  	_ =	swait.ge [sflag:s22], $0x1400  }
0x6c: {  	[sflag:s22] =	ssyncset.done $0x0  }
0x6d: {  	[sflag:s22] =	ssyncadd.s32 $0xFFFFEC00  }
0x6e: {  	_ =	swait.ge [sflag:s8], $0x1400  }
0x6f: {  	s16 =	sshra.s32 s14, $0x2;
	[sflag:s8] =	ssyncset.done $0x0  }
0x70: {  	s5 =	sadd.s32 $0x28A0, s16;
	[sflag:s8] =	ssyncadd.s32 $0xFFFFEC00  }
0x71: {  	[spmem:s2] =	stream.indirect.scatter.add.f32 [tilespmem:s26], [sflag:$0x6], $0x40, s5, s25, $0xb8;
	[tilespmem:$0x1EAA0] =	vst v63  }
0x72: {  	s29 =	sadd.s32 $0x280, s16  }
0x73: {  	[tilespmem:s0], [sflag:$0x4] =	stream.indirect.gather [spmem:s3], $0x40, s29, s25, $0xb8;
	[tilespmem:$0x1EAA0] =	vst v63  }
0x74: {  	_ =	swait.ge [sflag:s1], $0x1400  }
0x75: {  	[sflag:s1] =	ssyncset.done $0x0  }
0x76: {  	[sflag:s1] =	ssyncadd.s32 $0xFFFFEC00  }
0x77: {  	_ =	swait.ge [sflag:s6], $0x1400  }
0x78: {  	[sflag:s6] =	ssyncset.done $0x0  }
0x79: {  	s31 =	sadd.s32 $0x28F0, s16;
	[sflag:s6] =	ssyncadd.s32 $0xFFFFEC00  }
0x7a: {  	[spmem:s2] =	stream.indirect.scatter.add.f32 [tilespmem:s28], [sflag:$0x7], $0x40, s31, s25, $0xb8;
	[tilespmem:$0x1EAA0] =	vst v63  }
0x7b: {  	s9 =	sadd.s32 $0x2D0, s16  }
0x7c: {  	[tilespmem:s10], [sflag:$0x5] =	stream.indirect.gather [spmem:s3], $0x40, s9, s25, $0xb8;
	[tilespmem:$0x1EAA0] =	vst v63  }
0x7d: {  	_ =	swait.ge [sflag:s11], $0x1400  }
0x7e: {  	[sflag:s11] =	ssyncset.done $0x0  }
0x7f: {  	[sflag:s11] =	ssyncadd.s32 $0xFFFFEC00  }
0x80: {  	_ =	swait.ge [sflag:s12], $0x1400  }
0x81: {  	p0 =	seq.s32 s14, $0x8FC0;
	[sflag:s12] =	ssyncset.done $0x0  }
0x82: {  	s5 =	simm.s32 @p0 $0x4;
	s29 =	sadd.s32 $0x2940, s16;
	[sflag:s12] =	ssyncadd.s32 $0xFFFFEC00  }
0x83: {  	[spmem:s2] =	stream.indirect.scatter.add.f32 [tilespmem:s30], [sflag:$0x8], $0x40, s29, s25, $0xb8;
	[tilespmem:$0x1EAA0] =	vst v63  }
0x84: {  	_ =	swait.ge @p0 [sflag:s5], $0x1400  }
0x85: {  	[sflag:s5] =	ssyncset.done @p0 $0x0  }
0x86: {  	[sflag:s5] =	ssyncadd.s32 @p0 $0xFFFFEC00;
	s5 =	simm.s32 @p0 $0x8  }
0x87: {  	_ =	swait.ge @p0 [sflag:s5], $0x1400  }
0x88: {  	[sflag:s5] =	ssyncset.done @p0 $0x0  }
0x89: {  	[sflag:s5] =	ssyncadd.s32 @p0 $0xFFFFEC00;
	s5 =	sshra.s32 @p0 s14, $0x2  }
0x8a: {  	s31 =	simm.s32 @p0 $0x8A20;
	s29 =	simm.s32 @p0 $0x50;
	s5 =	sadd.s32 @p0 $0x2990, s5  }
0x8b: {  	[spmem:s2] =	stream.indirect.scatter.add.f32 @p0 [tilespmem:s31], [sflag:$0x9], $0x40, s5, s29, $0xb8;
	[tilespmem:$0x1EAA0] =	vst v63  }
0x8c: {  	s5 =	sshra.s32 @!p0 s14, $0x2  }
0x8d: {  	s9 =	simm.s32 @!p0 $0x4E20;
	s31 =	simm.s32 @!p0 $0x50;
	s29 =	sadd.s32 @!p0 $0x320, s5  }
0x8e: {  	[tilespmem:s9], [sflag:$0x1] =	stream.indirect.gather @!p0 [spmem:s3], $0x40, s29, s31, $0xb8;
	[tilespmem:$0x1EAA0] =	vst v63  }
0x8f: {  	s9 =	simm.s32 @!p0 $0x4  }
0x90: {  	_ =	swait.ge @!p0 [sflag:s9], $0x1400  }
0x91: {  	[sflag:s9] =	ssyncset.done @!p0 $0x0  }
0x92: {  	[sflag:s9] =	ssyncadd.s32 @!p0 $0xFFFFEC00;
	s9 =	simm.s32 @!p0 $0x8  }
0x93: {  	_ =	swait.ge @!p0 [sflag:s9], $0x1400  }
0x94: {  	[sflag:s9] =	ssyncset.done @!p0 $0x0  }
0x95: {  	s29 =	simm.s32 @!p0 $0x8A20;
	[sflag:s9] =	ssyncadd.s32 @!p0 $0xFFFFEC00;
	s9 =	sadd.s32 @!p0 $0x2990, s5  }
0x96: {  	[spmem:s2] =	stream.indirect.scatter.add.f32 @!p0 [tilespmem:s29], [sflag:$0x9], $0x40, s9, s31, $0xb8;
	[tilespmem:$0x1EAA0] =	vst v63  }
0x97: {  	s5 =	sadd.s32 @!p0 $0x370, s5;
	s9 =	simm.s32 @!p0 $0x6220  }
0x98: {  	[tilespmem:s9], [sflag:$0x2] =	stream.indirect.gather @!p0 [spmem:s3], $0x40, s5, s31, $0xb8;
	[tilespmem:$0x1EAA0] =	vst v63  }
0x99: {  	_ =	swait.ge [sflag:s4], $0x1400  }
0x9a: {  	[sflag:s4] =	ssyncset.done $0x0  }
.Ltmp2:
0x9b: {  	[sflag:s4] =	ssyncadd.s32 $0xFFFFEC00;
	(pc) =	sbr.rel @p0 .LBB2_4-.Ltmp2, $4  }
0x9c: {  	_ =	swait.ge [sflag:s24], $0x1400  }
0x9d: {  	[sflag:s24] =	ssyncset.done $0x0  }
0x9e: {  	s31 =	sadd.s32 $0x29E0, s16;
	[sflag:s24] =	ssyncadd.s32 $0xFFFFEC00  }
0x9f: {  	[spmem:s2] =	stream.indirect.scatter.add.f32 [tilespmem:s10], [sflag:$0xA], $0x40, s31, s25, $0xb8;
	[tilespmem:$0x1EAA0] =	vst v63  }
.Ltmp3:
0xa0: {  	(pc) =	sbr.rel .LBB2_2-.Ltmp3, $3  }
0xa1: {  	_ =	sdelay $0x1  }
0xa2: {  	s5 =	sadd.s32 $0x3C0, s16;
	s14 =	sadd.s32 $0x640, s14  }
0xa3: {  	[tilespmem:s30], [sflag:$0x3] =	stream.indirect.gather [spmem:s3], $0x40, s5, s25, $0xb8;
	[tilespmem:$0x1EAA0] =	vst v63  }
.LBB2_4:
0xa4: {  	_ =	swait.ge [sflag:s8], $0x1400  }
0xa5: {  	[sflag:s8] =	ssyncset.done $0x0  }
0xa6: {  	[sflag:s8] =	ssyncadd.s32 $0xFFFFEC00  }
0xa7: {  	[bflag:$0x0] =	sbarrier.arrive $0xFFFF  }
0xa8: {  	s9 =	simm.s32 $0x10;
	s5 =	rddreg [dreg:$0x8]  }
0xa9: {  	[hbm:s5@s9], [sflag:s19] =	dma.strided [spmem:s20@s23], $0x1388, s22, $0x8   }
0xaa: {  	_ =	swait.ge [sflag:s17], $0x1388  }
0xab: {  	[sflag:s17] =	ssyncset.done $0x0  }
0xac: {  	[sflag:s17] =	ssyncadd.s32 $0xFFFFEC78  }
0xad: {  	[bflag:$0x0] =	sbarrier.arrive $0xFFFF  }
0xae: {  	[spmem:s20], [sflag:s19] =	dma.local [hbm:s7], $0x1388  }
0xaf: {  	_ =	swait.ge [sflag:s17], $0x1388  }
0xb0: {  	[sflag:s17] =	ssyncset.done $0x0  }
0xb1: {  	s16 =	simm.s32 $0x20;
	s14 =	rddreg [dreg:$0x9];
	[sflag:s17] =	ssyncadd.s32 $0xFFFFEC78  }
0xb2: {  	[spmem:s21@s23], [sflag:s19] =	dma.strided [hbm:s14@s16], $0x1388, s22, $0x8   }
0xb3: {  	_ =	swait.ge [sflag:s17], $0x1388  }
0xb4: {  	[sflag:s17] =	ssyncset.done $0x0  }
0xb5: {  	[sflag:s17] =	ssyncadd.s32 $0xFFFFEC78  }
0xb6: {  	s14 =	simm.s32 $0x0;
	[bflag:$0x0] =	sbarrier.arrive $0xFFFF  }
0xb7: {  	[tilespmem:s26], [sflag:$0x1] =	stream.indirect.gather [spmem:s3], $0x40, s14, s25, $0xb8;
	[tilespmem:$0x1EAA0] =	vst v63  }
0xb8: {  	_ = 	snop  }
0xb9: {  	[tilespmem:s28], [sflag:$0x2] =	stream.indirect.gather [spmem:s3], $0x40, s25, s25, $0xb8;
	[tilespmem:$0x1EAA0] =	vst v63  }
0xba: {  	s29 =	simm.s32 $0xA0  }
0xbb: {  	[tilespmem:s30], [sflag:$0x3] =	stream.indirect.gather [spmem:s3], $0x40, s29, s25, $0xb8;
	[tilespmem:$0x1EAA0] =	vst v63  }
0xbc: {  	_ =	swait.ge [sflag:s22], $0x1400  }
0xbd: {  	[sflag:s22] =	ssyncset.done $0x0  }
0xbe: {  	[sflag:s22] =	ssyncadd.s32 $0xFFFFEC00  }
0xbf: {  	[spmem:s2] =	stream.indirect.scatter.add.f32 [tilespmem:s26], [sflag:$0x6], $0x40, s18, s25, $0xb8;
	[tilespmem:$0x1EAA0] =	vst v63  }
0xc0: {  	s31 =	simm.s32 $0xF0  }
0xc1: {  	[tilespmem:s0], [sflag:$0x4] =	stream.indirect.gather [spmem:s3], $0x40, s31, s25, $0xb8;
	[tilespmem:$0x1EAA0] =	vst v63  }
0xc2: {  	_ =	swait.ge [sflag:s1], $0x1400  }
0xc3: {  	[sflag:s1] =	ssyncset.done $0x0  }
0xc4: {  	[sflag:s1] =	ssyncadd.s32 $0xFFFFEC00  }
0xc5: {  	_ =	swait.ge [sflag:s6], $0x1400  }
0xc6: {  	[sflag:s6] =	ssyncset.done $0x0  }
0xc7: {  	s9 =	simm.s32 $0x2760;
	[sflag:s6] =	ssyncadd.s32 $0xFFFFEC00  }
0xc8: {  	[spmem:s2] =	stream.indirect.scatter.add.f32 [tilespmem:s28], [sflag:$0x7], $0x40, s9, s25, $0xb8;
	[tilespmem:$0x1EAA0] =	vst v63  }
0xc9: {  	s16 =	simm.s32 $0x140  }
0xca: {  	[tilespmem:s10], [sflag:$0x5] =	stream.indirect.gather [spmem:s3], $0x40, s16, s25, $0xb8;
	[tilespmem:$0x1EAA0] =	vst v63  }
0xcb: {  	_ =	swait.ge [sflag:s11], $0x1400  }
0xcc: {  	[sflag:s11] =	ssyncset.done $0x0  }
0xcd: {  	[sflag:s11] =	ssyncadd.s32 $0xFFFFEC00  }
0xce: {  	_ =	swait.ge [sflag:s12], $0x1400  }
0xcf: {  	[sflag:s12] =	ssyncset.done $0x0  }
0xd0: {  	s29 =	simm.s32 $0x27B0;
	[sflag:s12] =	ssyncadd.s32 $0xFFFFEC00  }
0xd1: {  	[spmem:s2] =	stream.indirect.scatter.add.f32 [tilespmem:s30], [sflag:$0x8], $0x40, s29, s25, $0xb8;
	[tilespmem:$0x1EAA0] =	vst v63  }
0xd2: {  	s31 =	simm.s32 $0x190  }
0xd3: {  	[tilespmem:s26], [sflag:$0x1] =	stream.indirect.gather [spmem:s3], $0x40, s31, s25, $0xb8;
	[tilespmem:$0x1EAA0] =	vst v63  }
0xd4: {  	_ =	swait.ge [sflag:s15], $0x1400  }
0xd5: {  	[sflag:s15] =	ssyncset.done $0x0  }
0xd6: {  	[sflag:s15] =	ssyncadd.s32 $0xFFFFEC00  }
0xd7: {  	_ =	swait.ge [sflag:s23], $0x1400  }
0xd8: {  	[sflag:s23] =	ssyncset.done $0x0  }
0xd9: {  	s9 =	simm.s32 $0x2800;
	[sflag:s23] =	ssyncadd.s32 $0xFFFFEC00  }
0xda: {  	[spmem:s2] =	stream.indirect.scatter.add.f32 [tilespmem:s0], [sflag:$0x9], $0x40, s9, s25, $0xb8;
	[tilespmem:$0x1EAA0] =	vst v63  }
0xdb: {  	s16 =	simm.s32 $0x1E0  }
0xdc: {  	[tilespmem:s28], [sflag:$0x2] =	stream.indirect.gather [spmem:s3], $0x40, s16, s25, $0xb8;
	[tilespmem:$0x1EAA0] =	vst v63  }
0xdd: {  	_ =	swait.ge [sflag:s4], $0x1400  }
0xde: {  	[sflag:s4] =	ssyncset.done $0x0  }
0xdf: {  	[sflag:s4] =	ssyncadd.s32 $0xFFFFEC00  }
0xe0: {  	_ =	swait.ge [sflag:s24], $0x1400  }
0xe1: {  	[sflag:s24] =	ssyncset.done $0x0  }
0xe2: {  	s29 =	simm.s32 $0x2850;
	[sflag:s24] =	ssyncadd.s32 $0xFFFFEC00  }
0xe3: {  	[spmem:s2] =	stream.indirect.scatter.add.f32 [tilespmem:s10], [sflag:$0xA], $0x40, s29, s25, $0xb8;
	[tilespmem:$0x1EAA0] =	vst v63  }
0xe4: {  	s31 =	simm.s32 $0x230  }
0xe5: {  	[tilespmem:s30], [sflag:$0x3] =	stream.indirect.gather [spmem:s3], $0x40, s31, s25, $0xb8;
	[tilespmem:$0x1EAA0] =	vst v63  }
.LBB2_5:
0xe6: {  	_ =	swait.ge [sflag:s22], $0x1400  }
0xe7: {  	[sflag:s22] =	ssyncset.done $0x0  }
0xe8: {  	[sflag:s22] =	ssyncadd.s32 $0xFFFFEC00  }
0xe9: {  	_ =	swait.ge [sflag:s8], $0x1400  }
0xea: {  	s16 =	sshra.s32 s14, $0x2;
	[sflag:s8] =	ssyncset.done $0x0  }
0xeb: {  	s5 =	sadd.s32 $0x28A0, s16;
	[sflag:s8] =	ssyncadd.s32 $0xFFFFEC00  }
0xec: {  	[spmem:s2] =	stream.indirect.scatter.add.f32 [tilespmem:s26], [sflag:$0x6], $0x40, s5, s25, $0xb8;
	[tilespmem:$0x1EAA0] =	vst v63  }
0xed: {  	s29 =	sadd.s32 $0x280, s16  }
0xee: {  	[tilespmem:s0], [sflag:$0x4] =	stream.indirect.gather [spmem:s3], $0x40, s29, s25, $0xb8;
	[tilespmem:$0x1EAA0] =	vst v63  }
0xef: {  	_ =	swait.ge [sflag:s1], $0x1400  }
0xf0: {  	[sflag:s1] =	ssyncset.done $0x0  }
0xf1: {  	[sflag:s1] =	ssyncadd.s32 $0xFFFFEC00  }
0xf2: {  	_ =	swait.ge [sflag:s6], $0x1400  }
0xf3: {  	[sflag:s6] =	ssyncset.done $0x0  }
0xf4: {  	s31 =	sadd.s32 $0x28F0, s16;
	[sflag:s6] =	ssyncadd.s32 $0xFFFFEC00  }
0xf5: {  	[spmem:s2] =	stream.indirect.scatter.add.f32 [tilespmem:s28], [sflag:$0x7], $0x40, s31, s25, $0xb8;
	[tilespmem:$0x1EAA0] =	vst v63  }
0xf6: {  	s9 =	sadd.s32 $0x2D0, s16  }
0xf7: {  	[tilespmem:s10], [sflag:$0x5] =	stream.indirect.gather [spmem:s3], $0x40, s9, s25, $0xb8;
	[tilespmem:$0x1EAA0] =	vst v63  }
0xf8: {  	_ =	swait.ge [sflag:s11], $0x1400  }
0xf9: {  	[sflag:s11] =	ssyncset.done $0x0  }
0xfa: {  	[sflag:s11] =	ssyncadd.s32 $0xFFFFEC00  }
0xfb: {  	_ =	swait.ge [sflag:s12], $0x1400  }
0xfc: {  	p0 =	seq.s32 s14, $0x8FC0;
	[sflag:s12] =	ssyncset.done $0x0  }
0xfd: {  	s5 =	simm.s32 @p0 $0x4;
	s29 =	sadd.s32 $0x2940, s16;
	[sflag:s12] =	ssyncadd.s32 $0xFFFFEC00  }
0xfe: {  	[spmem:s2] =	stream.indirect.scatter.add.f32 [tilespmem:s30], [sflag:$0x8], $0x40, s29, s25, $0xb8;
	[tilespmem:$0x1EAA0] =	vst v63  }
0xff: {  	_ =	swait.ge @p0 [sflag:s5], $0x1400  }
0x100: {  	[sflag:s5] =	ssyncset.done @p0 $0x0  }
0x101: {  	[sflag:s5] =	ssyncadd.s32 @p0 $0xFFFFEC00;
	s5 =	simm.s32 @p0 $0x8  }
0x102: {  	_ =	swait.ge @p0 [sflag:s5], $0x1400  }
0x103: {  	[sflag:s5] =	ssyncset.done @p0 $0x0  }
0x104: {  	[sflag:s5] =	ssyncadd.s32 @p0 $0xFFFFEC00;
	s5 =	sshra.s32 @p0 s14, $0x2  }
0x105: {  	s9 =	simm.s32 @p0 $0x50;
	s29 =	simm.s32 @p0 $0x8A20;
	s5 =	sadd.s32 @p0 $0x2990, s5  }
0x106: {  	[spmem:s2] =	stream.indirect.scatter.add.f32 @p0 [tilespmem:s29], [sflag:$0x9], $0x40, s5, s9, $0xb8;
	[tilespmem:$0x1EAA0] =	vst v63  }
0x107: {  	s5 =	sshra.s32 @!p0 s14, $0x2  }
0x108: {  	s31 =	simm.s32 @!p0 $0x4E20;
	s29 =	simm.s32 @!p0 $0x50;
	s9 =	sadd.s32 @!p0 $0x320, s5  }
0x109: {  	[tilespmem:s31], [sflag:$0x1] =	stream.indirect.gather @!p0 [spmem:s3], $0x40, s9, s29, $0xb8;
	[tilespmem:$0x1EAA0] =	vst v63  }
0x10a: {  	s9 =	simm.s32 @!p0 $0x4  }
0x10b: {  	_ =	swait.ge @!p0 [sflag:s9], $0x1400  }
0x10c: {  	[sflag:s9] =	ssyncset.done @!p0 $0x0  }
0x10d: {  	[sflag:s9] =	ssyncadd.s32 @!p0 $0xFFFFEC00;
	s9 =	simm.s32 @!p0 $0x8  }
0x10e: {  	_ =	swait.ge @!p0 [sflag:s9], $0x1400  }
0x10f: {  	[sflag:s9] =	ssyncset.done @!p0 $0x0  }
0x110: {  	s31 =	simm.s32 @!p0 $0x8A20;
	[sflag:s9] =	ssyncadd.s32 @!p0 $0xFFFFEC00;
	s9 =	sadd.s32 @!p0 $0x2990, s5  }
0x111: {  	[spmem:s2] =	stream.indirect.scatter.add.f32 @!p0 [tilespmem:s31], [sflag:$0x9], $0x40, s9, s29, $0xb8;
	[tilespmem:$0x1EAA0] =	vst v63  }
0x112: {  	s5 =	sadd.s32 @!p0 $0x370, s5;
	s9 =	simm.s32 @!p0 $0x6220  }
0x113: {  	[tilespmem:s9], [sflag:$0x2] =	stream.indirect.gather @!p0 [spmem:s3], $0x40, s5, s29, $0xb8;
	[tilespmem:$0x1EAA0] =	vst v63  }
0x114: {  	_ =	swait.ge [sflag:s4], $0x1400  }
0x115: {  	[sflag:s4] =	ssyncset.done $0x0  }
.Ltmp4:
0x116: {  	[sflag:s4] =	ssyncadd.s32 $0xFFFFEC00;
	(pc) =	sbr.rel @p0 .LBB2_7-.Ltmp4, $4  }
0x117: {  	_ =	swait.ge [sflag:s24], $0x1400  }
0x118: {  	[sflag:s24] =	ssyncset.done $0x0  }
0x119: {  	s31 =	sadd.s32 $0x29E0, s16;
	[sflag:s24] =	ssyncadd.s32 $0xFFFFEC00  }
0x11a: {  	[spmem:s2] =	stream.indirect.scatter.add.f32 [tilespmem:s10], [sflag:$0xA], $0x40, s31, s25, $0xb8;
	[tilespmem:$0x1EAA0] =	vst v63  }
.Ltmp5:
0x11b: {  	(pc) =	sbr.rel .LBB2_5-.Ltmp5, $3  }
0x11c: {  	_ =	sdelay $0x1  }
0x11d: {  	s5 =	sadd.s32 $0x3C0, s16;
	s14 =	sadd.s32 $0x640, s14  }
0x11e: {  	[tilespmem:s30], [sflag:$0x3] =	stream.indirect.gather [spmem:s3], $0x40, s5, s25, $0xb8;
	[tilespmem:$0x1EAA0] =	vst v63  }
.LBB2_7:
0x11f: {  	_ =	swait.ge [sflag:s8], $0x1400  }
0x120: {  	[sflag:s8] =	ssyncset.done $0x0  }
0x121: {  	[sflag:s8] =	ssyncadd.s32 $0xFFFFEC00  }
0x122: {  	[bflag:$0x0] =	sbarrier.arrive $0xFFFF  }
0x123: {  	s9 =	simm.s32 $0x10;
	s5 =	rddreg [dreg:$0xa]  }
0x124: {  	[hbm:s5@s9], [sflag:s19] =	dma.strided [spmem:s20@s23], $0x1388, s22, $0x8   }
0x125: {  	_ =	swait.ge [sflag:s17], $0x1388  }
0x126: {  	[sflag:s17] =	ssyncset.done $0x0  }
0x127: {  	[sflag:s17] =	ssyncadd.s32 $0xFFFFEC78  }
0x128: {  	[bflag:$0x0] =	sbarrier.arrive $0xFFFF  }
0x129: {  	[spmem:s20], [sflag:s19] =	dma.local [hbm:s7], $0x1388  }
0x12a: {  	_ =	swait.ge [sflag:s17], $0x1388  }
0x12b: {  	[sflag:s17] =	ssyncset.done $0x0  }
0x12c: {  	s16 =	simm.s32 $0x20;
	s14 =	rddreg [dreg:$0xb];
	[sflag:s17] =	ssyncadd.s32 $0xFFFFEC78  }
0x12d: {  	[spmem:s21@s23], [sflag:s19] =	dma.strided [hbm:s14@s16], $0x1388, s22, $0x8   }
0x12e: {  	_ =	swait.ge [sflag:s17], $0x1388  }
0x12f: {  	[sflag:s17] =	ssyncset.done $0x0  }
0x130: {  	[sflag:s17] =	ssyncadd.s32 $0xFFFFEC78  }
0x131: {  	s14 =	simm.s32 $0x0;
	[bflag:$0x0] =	sbarrier.arrive $0xFFFF  }
0x132: {  	[tilespmem:s26], [sflag:$0x1] =	stream.indirect.gather [spmem:s3], $0x40, s14, s25, $0xb8;
	[tilespmem:$0x1EAA0] =	vst v63  }
0x133: {  	_ = 	snop  }
0x134: {  	[tilespmem:s28], [sflag:$0x2] =	stream.indirect.gather [spmem:s3], $0x40, s25, s25, $0xb8;
	[tilespmem:$0x1EAA0] =	vst v63  }
0x135: {  	s29 =	simm.s32 $0xA0  }
0x136: {  	[tilespmem:s30], [sflag:$0x3] =	stream.indirect.gather [spmem:s3], $0x40, s29, s25, $0xb8;
	[tilespmem:$0x1EAA0] =	vst v63  }
0x137: {  	_ =	swait.ge [sflag:s22], $0x1400  }
0x138: {  	[sflag:s22] =	ssyncset.done $0x0  }
0x139: {  	[sflag:s22] =	ssyncadd.s32 $0xFFFFEC00  }
0x13a: {  	[spmem:s2] =	stream.indirect.scatter.add.f32 [tilespmem:s26], [sflag:$0x6], $0x40, s18, s25, $0xb8;
	[tilespmem:$0x1EAA0] =	vst v63  }
0x13b: {  	s31 =	simm.s32 $0xF0  }
0x13c: {  	[tilespmem:s0], [sflag:$0x4] =	stream.indirect.gather [spmem:s3], $0x40, s31, s25, $0xb8;
	[tilespmem:$0x1EAA0] =	vst v63  }
0x13d: {  	_ =	swait.ge [sflag:s1], $0x1400  }
0x13e: {  	[sflag:s1] =	ssyncset.done $0x0  }
0x13f: {  	[sflag:s1] =	ssyncadd.s32 $0xFFFFEC00  }
0x140: {  	_ =	swait.ge [sflag:s6], $0x1400  }
0x141: {  	[sflag:s6] =	ssyncset.done $0x0  }
0x142: {  	s9 =	simm.s32 $0x2760;
	[sflag:s6] =	ssyncadd.s32 $0xFFFFEC00  }
0x143: {  	[spmem:s2] =	stream.indirect.scatter.add.f32 [tilespmem:s28], [sflag:$0x7], $0x40, s9, s25, $0xb8;
	[tilespmem:$0x1EAA0] =	vst v63  }
0x144: {  	s16 =	simm.s32 $0x140  }
0x145: {  	[tilespmem:s10], [sflag:$0x5] =	stream.indirect.gather [spmem:s3], $0x40, s16, s25, $0xb8;
	[tilespmem:$0x1EAA0] =	vst v63  }
0x146: {  	_ =	swait.ge [sflag:s11], $0x1400  }
0x147: {  	[sflag:s11] =	ssyncset.done $0x0  }
0x148: {  	[sflag:s11] =	ssyncadd.s32 $0xFFFFEC00  }
0x149: {  	_ =	swait.ge [sflag:s12], $0x1400  }
0x14a: {  	[sflag:s12] =	ssyncset.done $0x0  }
0x14b: {  	s29 =	simm.s32 $0x27B0;
	[sflag:s12] =	ssyncadd.s32 $0xFFFFEC00  }
0x14c: {  	[spmem:s2] =	stream.indirect.scatter.add.f32 [tilespmem:s30], [sflag:$0x8], $0x40, s29, s25, $0xb8;
	[tilespmem:$0x1EAA0] =	vst v63  }
0x14d: {  	s31 =	simm.s32 $0x190  }
0x14e: {  	[tilespmem:s26], [sflag:$0x1] =	stream.indirect.gather [spmem:s3], $0x40, s31, s25, $0xb8;
	[tilespmem:$0x1EAA0] =	vst v63  }
0x14f: {  	_ =	swait.ge [sflag:s15], $0x1400  }
0x150: {  	[sflag:s15] =	ssyncset.done $0x0  }
0x151: {  	[sflag:s15] =	ssyncadd.s32 $0xFFFFEC00  }
0x152: {  	_ =	swait.ge [sflag:s23], $0x1400  }
0x153: {  	[sflag:s23] =	ssyncset.done $0x0  }
0x154: {  	s9 =	simm.s32 $0x2800;
	[sflag:s23] =	ssyncadd.s32 $0xFFFFEC00  }
0x155: {  	[spmem:s2] =	stream.indirect.scatter.add.f32 [tilespmem:s0], [sflag:$0x9], $0x40, s9, s25, $0xb8;
	[tilespmem:$0x1EAA0] =	vst v63  }
0x156: {  	s16 =	simm.s32 $0x1E0  }
0x157: {  	[tilespmem:s28], [sflag:$0x2] =	stream.indirect.gather [spmem:s3], $0x40, s16, s25, $0xb8;
	[tilespmem:$0x1EAA0] =	vst v63  }
0x158: {  	_ =	swait.ge [sflag:s4], $0x1400  }
0x159: {  	[sflag:s4] =	ssyncset.done $0x0  }
0x15a: {  	[sflag:s4] =	ssyncadd.s32 $0xFFFFEC00  }
0x15b: {  	_ =	swait.ge [sflag:s24], $0x1400  }
0x15c: {  	[sflag:s24] =	ssyncset.done $0x0  }
0x15d: {  	s29 =	simm.s32 $0x2850;
	[sflag:s24] =	ssyncadd.s32 $0xFFFFEC00  }
0x15e: {  	[spmem:s2] =	stream.indirect.scatter.add.f32 [tilespmem:s10], [sflag:$0xA], $0x40, s29, s25, $0xb8;
	[tilespmem:$0x1EAA0] =	vst v63  }
0x15f: {  	s31 =	simm.s32 $0x230  }
0x160: {  	[tilespmem:s30], [sflag:$0x3] =	stream.indirect.gather [spmem:s3], $0x40, s31, s25, $0xb8;
	[tilespmem:$0x1EAA0] =	vst v63  }
.LBB2_8:
0x161: {  	_ =	swait.ge [sflag:s22], $0x1400  }
0x162: {  	[sflag:s22] =	ssyncset.done $0x0  }
0x163: {  	[sflag:s22] =	ssyncadd.s32 $0xFFFFEC00  }
0x164: {  	_ =	swait.ge [sflag:s8], $0x1400  }
0x165: {  	s16 =	sshra.s32 s14, $0x2;
	[sflag:s8] =	ssyncset.done $0x0  }
0x166: {  	s5 =	sadd.s32 $0x28A0, s16;
	[sflag:s8] =	ssyncadd.s32 $0xFFFFEC00  }
0x167: {  	[spmem:s2] =	stream.indirect.scatter.add.f32 [tilespmem:s26], [sflag:$0x6], $0x40, s5, s25, $0xb8;
	[tilespmem:$0x1EAA0] =	vst v63  }
0x168: {  	s29 =	sadd.s32 $0x280, s16  }
0x169: {  	[tilespmem:s0], [sflag:$0x4] =	stream.indirect.gather [spmem:s3], $0x40, s29, s25, $0xb8;
	[tilespmem:$0x1EAA0] =	vst v63  }
0x16a: {  	_ =	swait.ge [sflag:s1], $0x1400  }
0x16b: {  	[sflag:s1] =	ssyncset.done $0x0  }
0x16c: {  	[sflag:s1] =	ssyncadd.s32 $0xFFFFEC00  }
0x16d: {  	_ =	swait.ge [sflag:s6], $0x1400  }
0x16e: {  	[sflag:s6] =	ssyncset.done $0x0  }
0x16f: {  	s31 =	sadd.s32 $0x28F0, s16;
	[sflag:s6] =	ssyncadd.s32 $0xFFFFEC00  }
0x170: {  	[spmem:s2] =	stream.indirect.scatter.add.f32 [tilespmem:s28], [sflag:$0x7], $0x40, s31, s25, $0xb8;
	[tilespmem:$0x1EAA0] =	vst v63  }
0x171: {  	s9 =	sadd.s32 $0x2D0, s16  }
0x172: {  	[tilespmem:s10], [sflag:$0x5] =	stream.indirect.gather [spmem:s3], $0x40, s9, s25, $0xb8;
	[tilespmem:$0x1EAA0] =	vst v63  }
0x173: {  	_ =	swait.ge [sflag:s11], $0x1400  }
0x174: {  	[sflag:s11] =	ssyncset.done $0x0  }
0x175: {  	[sflag:s11] =	ssyncadd.s32 $0xFFFFEC00  }
0x176: {  	_ =	swait.ge [sflag:s12], $0x1400  }
0x177: {  	p0 =	seq.s32 s14, $0x8FC0;
	[sflag:s12] =	ssyncset.done $0x0  }
0x178: {  	s5 =	simm.s32 @p0 $0x4;
	s29 =	sadd.s32 $0x2940, s16;
	[sflag:s12] =	ssyncadd.s32 $0xFFFFEC00  }
0x179: {  	[spmem:s2] =	stream.indirect.scatter.add.f32 [tilespmem:s30], [sflag:$0x8], $0x40, s29, s25, $0xb8;
	[tilespmem:$0x1EAA0] =	vst v63  }
0x17a: {  	_ =	swait.ge @p0 [sflag:s5], $0x1400  }
0x17b: {  	[sflag:s5] =	ssyncset.done @p0 $0x0  }
0x17c: {  	[sflag:s5] =	ssyncadd.s32 @p0 $0xFFFFEC00;
	s5 =	simm.s32 @p0 $0x8  }
0x17d: {  	_ =	swait.ge @p0 [sflag:s5], $0x1400  }
0x17e: {  	[sflag:s5] =	ssyncset.done @p0 $0x0  }
0x17f: {  	[sflag:s5] =	ssyncadd.s32 @p0 $0xFFFFEC00;
	s5 =	sshra.s32 @p0 s14, $0x2  }
0x180: {  	s9 =	simm.s32 @p0 $0x50;
	s29 =	simm.s32 @p0 $0x8A20;
	s5 =	sadd.s32 @p0 $0x2990, s5  }
0x181: {  	[spmem:s2] =	stream.indirect.scatter.add.f32 @p0 [tilespmem:s29], [sflag:$0x9], $0x40, s5, s9, $0xb8;
	[tilespmem:$0x1EAA0] =	vst v63  }
0x182: {  	s5 =	sshra.s32 @!p0 s14, $0x2  }
0x183: {  	s31 =	simm.s32 @!p0 $0x4E20;
	s29 =	simm.s32 @!p0 $0x50;
	s9 =	sadd.s32 @!p0 $0x320, s5  }
0x184: {  	[tilespmem:s31], [sflag:$0x1] =	stream.indirect.gather @!p0 [spmem:s3], $0x40, s9, s29, $0xb8;
	[tilespmem:$0x1EAA0] =	vst v63  }
0x185: {  	s9 =	simm.s32 @!p0 $0x4  }
0x186: {  	_ =	swait.ge @!p0 [sflag:s9], $0x1400  }
0x187: {  	[sflag:s9] =	ssyncset.done @!p0 $0x0  }
0x188: {  	[sflag:s9] =	ssyncadd.s32 @!p0 $0xFFFFEC00;
	s9 =	simm.s32 @!p0 $0x8  }
0x189: {  	_ =	swait.ge @!p0 [sflag:s9], $0x1400  }
0x18a: {  	[sflag:s9] =	ssyncset.done @!p0 $0x0  }
0x18b: {  	s31 =	simm.s32 @!p0 $0x8A20;
	[sflag:s9] =	ssyncadd.s32 @!p0 $0xFFFFEC00;
	s9 =	sadd.s32 @!p0 $0x2990, s5  }
0x18c: {  	[spmem:s2] =	stream.indirect.scatter.add.f32 @!p0 [tilespmem:s31], [sflag:$0x9], $0x40, s9, s29, $0xb8;
	[tilespmem:$0x1EAA0] =	vst v63  }
0x18d: {  	s5 =	sadd.s32 @!p0 $0x370, s5;
	s9 =	simm.s32 @!p0 $0x6220  }
0x18e: {  	[tilespmem:s9], [sflag:$0x2] =	stream.indirect.gather @!p0 [spmem:s3], $0x40, s5, s29, $0xb8;
	[tilespmem:$0x1EAA0] =	vst v63  }
0x18f: {  	_ =	swait.ge [sflag:s4], $0x1400  }
0x190: {  	[sflag:s4] =	ssyncset.done $0x0  }
.Ltmp6:
0x191: {  	[sflag:s4] =	ssyncadd.s32 $0xFFFFEC00;
	(pc) =	sbr.rel @p0 .LBB2_10-.Ltmp6, $4  }
0x192: {  	_ =	swait.ge [sflag:s24], $0x1400  }
0x193: {  	[sflag:s24] =	ssyncset.done $0x0  }
0x194: {  	s31 =	sadd.s32 $0x29E0, s16;
	[sflag:s24] =	ssyncadd.s32 $0xFFFFEC00  }
0x195: {  	[spmem:s2] =	stream.indirect.scatter.add.f32 [tilespmem:s10], [sflag:$0xA], $0x40, s31, s25, $0xb8;
	[tilespmem:$0x1EAA0] =	vst v63  }
.Ltmp7:
0x196: {  	(pc) =	sbr.rel .LBB2_8-.Ltmp7, $3  }
0x197: {  	_ =	sdelay $0x1  }
0x198: {  	s5 =	sadd.s32 $0x3C0, s16;
	s14 =	sadd.s32 $0x640, s14  }
0x199: {  	[tilespmem:s30], [sflag:$0x3] =	stream.indirect.gather [spmem:s3], $0x40, s5, s25, $0xb8;
	[tilespmem:$0x1EAA0] =	vst v63  }
.LBB2_10:
0x19a: {  	_ =	swait.ge [sflag:s8], $0x1400  }
0x19b: {  	[sflag:s8] =	ssyncset.done $0x0  }
0x19c: {  	[sflag:s8] =	ssyncadd.s32 $0xFFFFEC00  }
0x19d: {  	[bflag:$0x0] =	sbarrier.arrive $0xFFFF  }
0x19e: {  	s9 =	simm.s32 $0x10;
	s5 =	rddreg [dreg:$0xc]  }
0x19f: {  	[hbm:s5@s9], [sflag:s19] =	dma.strided [spmem:s20@s23], $0x1388, s22, $0x8   }
0x1a0: {  	_ =	swait.ge [sflag:s17], $0x1388  }
0x1a1: {  	[sflag:s17] =	ssyncset.done $0x0  }
0x1a2: {  	[sflag:s17] =	ssyncadd.s32 $0xFFFFEC78  }
0x1a3: {  	[bflag:$0x0] =	sbarrier.arrive $0xFFFF  }
0x1a4: {  	[spmem:s20], [sflag:s19] =	dma.local [hbm:s7], $0x1388  }
0x1a5: {  	_ =	swait.ge [sflag:s17], $0x1388  }
0x1a6: {  	[sflag:s17] =	ssyncset.done $0x0  }
0x1a7: {  	s16 =	simm.s32 $0x20;
	s14 =	rddreg [dreg:$0xd];
	[sflag:s17] =	ssyncadd.s32 $0xFFFFEC78  }
0x1a8: {  	[spmem:s21@s23], [sflag:s19] =	dma.strided [hbm:s14@s16], $0x1388, s22, $0x8   }
0x1a9: {  	_ =	swait.ge [sflag:s17], $0x1388  }
0x1aa: {  	[sflag:s17] =	ssyncset.done $0x0  }
0x1ab: {  	[sflag:s17] =	ssyncadd.s32 $0xFFFFEC78  }
0x1ac: {  	s14 =	simm.s32 $0x0;
	[bflag:$0x0] =	sbarrier.arrive $0xFFFF  }
0x1ad: {  	[tilespmem:s26], [sflag:$0x1] =	stream.indirect.gather [spmem:s3], $0x40, s14, s25, $0xb8;
	[tilespmem:$0x1EAA0] =	vst v63  }
0x1ae: {  	_ = 	snop  }
0x1af: {  	[tilespmem:s28], [sflag:$0x2] =	stream.indirect.gather [spmem:s3], $0x40, s25, s25, $0xb8;
	[tilespmem:$0x1EAA0] =	vst v63  }
0x1b0: {  	s29 =	simm.s32 $0xA0  }
0x1b1: {  	[tilespmem:s30], [sflag:$0x3] =	stream.indirect.gather [spmem:s3], $0x40, s29, s25, $0xb8;
	[tilespmem:$0x1EAA0] =	vst v63  }
0x1b2: {  	_ =	swait.ge [sflag:s22], $0x1400  }
0x1b3: {  	[sflag:s22] =	ssyncset.done $0x0  }
0x1b4: {  	[sflag:s22] =	ssyncadd.s32 $0xFFFFEC00  }
0x1b5: {  	[spmem:s2] =	stream.indirect.scatter.add.f32 [tilespmem:s26], [sflag:$0x6], $0x40, s18, s25, $0xb8;
	[tilespmem:$0x1EAA0] =	vst v63  }
0x1b6: {  	s31 =	simm.s32 $0xF0  }
0x1b7: {  	[tilespmem:s0], [sflag:$0x4] =	stream.indirect.gather [spmem:s3], $0x40, s31, s25, $0xb8;
	[tilespmem:$0x1EAA0] =	vst v63  }
0x1b8: {  	_ =	swait.ge [sflag:s1], $0x1400  }
0x1b9: {  	[sflag:s1] =	ssyncset.done $0x0  }
0x1ba: {  	[sflag:s1] =	ssyncadd.s32 $0xFFFFEC00  }
0x1bb: {  	_ =	swait.ge [sflag:s6], $0x1400  }
0x1bc: {  	[sflag:s6] =	ssyncset.done $0x0  }
0x1bd: {  	s9 =	simm.s32 $0x2760;
	[sflag:s6] =	ssyncadd.s32 $0xFFFFEC00  }
0x1be: {  	[spmem:s2] =	stream.indirect.scatter.add.f32 [tilespmem:s28], [sflag:$0x7], $0x40, s9, s25, $0xb8;
	[tilespmem:$0x1EAA0] =	vst v63  }
0x1bf: {  	s16 =	simm.s32 $0x140  }
0x1c0: {  	[tilespmem:s10], [sflag:$0x5] =	stream.indirect.gather [spmem:s3], $0x40, s16, s25, $0xb8;
	[tilespmem:$0x1EAA0] =	vst v63  }
0x1c1: {  	_ =	swait.ge [sflag:s11], $0x1400  }
0x1c2: {  	[sflag:s11] =	ssyncset.done $0x0  }
0x1c3: {  	[sflag:s11] =	ssyncadd.s32 $0xFFFFEC00  }
0x1c4: {  	_ =	swait.ge [sflag:s12], $0x1400  }
0x1c5: {  	[sflag:s12] =	ssyncset.done $0x0  }
0x1c6: {  	s29 =	simm.s32 $0x27B0;
	[sflag:s12] =	ssyncadd.s32 $0xFFFFEC00  }
0x1c7: {  	[spmem:s2] =	stream.indirect.scatter.add.f32 [tilespmem:s30], [sflag:$0x8], $0x40, s29, s25, $0xb8;
	[tilespmem:$0x1EAA0] =	vst v63  }
0x1c8: {  	s31 =	simm.s32 $0x190  }
0x1c9: {  	[tilespmem:s26], [sflag:$0x1] =	stream.indirect.gather [spmem:s3], $0x40, s31, s25, $0xb8;
	[tilespmem:$0x1EAA0] =	vst v63  }
0x1ca: {  	_ =	swait.ge [sflag:s15], $0x1400  }
0x1cb: {  	[sflag:s15] =	ssyncset.done $0x0  }
0x1cc: {  	[sflag:s15] =	ssyncadd.s32 $0xFFFFEC00  }
0x1cd: {  	_ =	swait.ge [sflag:s23], $0x1400  }
0x1ce: {  	[sflag:s23] =	ssyncset.done $0x0  }
0x1cf: {  	s9 =	simm.s32 $0x2800;
	[sflag:s23] =	ssyncadd.s32 $0xFFFFEC00  }
0x1d0: {  	[spmem:s2] =	stream.indirect.scatter.add.f32 [tilespmem:s0], [sflag:$0x9], $0x40, s9, s25, $0xb8;
	[tilespmem:$0x1EAA0] =	vst v63  }
0x1d1: {  	s16 =	simm.s32 $0x1E0  }
0x1d2: {  	[tilespmem:s28], [sflag:$0x2] =	stream.indirect.gather [spmem:s3], $0x40, s16, s25, $0xb8;
	[tilespmem:$0x1EAA0] =	vst v63  }
0x1d3: {  	_ =	swait.ge [sflag:s4], $0x1400  }
0x1d4: {  	[sflag:s4] =	ssyncset.done $0x0  }
0x1d5: {  	[sflag:s4] =	ssyncadd.s32 $0xFFFFEC00  }
0x1d6: {  	_ =	swait.ge [sflag:s24], $0x1400  }
0x1d7: {  	[sflag:s24] =	ssyncset.done $0x0  }
0x1d8: {  	s29 =	simm.s32 $0x2850;
	[sflag:s24] =	ssyncadd.s32 $0xFFFFEC00  }
0x1d9: {  	[spmem:s2] =	stream.indirect.scatter.add.f32 [tilespmem:s10], [sflag:$0xA], $0x40, s29, s25, $0xb8;
	[tilespmem:$0x1EAA0] =	vst v63  }
0x1da: {  	s31 =	simm.s32 $0x230  }
0x1db: {  	[tilespmem:s30], [sflag:$0x3] =	stream.indirect.gather [spmem:s3], $0x40, s31, s25, $0xb8;
	[tilespmem:$0x1EAA0] =	vst v63  }
.LBB2_11:
0x1dc: {  	_ =	swait.ge [sflag:s22], $0x1400  }
0x1dd: {  	[sflag:s22] =	ssyncset.done $0x0  }
0x1de: {  	[sflag:s22] =	ssyncadd.s32 $0xFFFFEC00  }
0x1df: {  	_ =	swait.ge [sflag:s8], $0x1400  }
0x1e0: {  	s16 =	sshra.s32 s14, $0x2;
	[sflag:s8] =	ssyncset.done $0x0  }
0x1e1: {  	s5 =	sadd.s32 $0x28A0, s16;
	[sflag:s8] =	ssyncadd.s32 $0xFFFFEC00  }
0x1e2: {  	[spmem:s2] =	stream.indirect.scatter.add.f32 [tilespmem:s26], [sflag:$0x6], $0x40, s5, s25, $0xb8;
	[tilespmem:$0x1EAA0] =	vst v63  }
0x1e3: {  	s29 =	sadd.s32 $0x280, s16  }
0x1e4: {  	[tilespmem:s0], [sflag:$0x4] =	stream.indirect.gather [spmem:s3], $0x40, s29, s25, $0xb8;
	[tilespmem:$0x1EAA0] =	vst v63  }
0x1e5: {  	_ =	swait.ge [sflag:s1], $0x1400  }
0x1e6: {  	[sflag:s1] =	ssyncset.done $0x0  }
0x1e7: {  	[sflag:s1] =	ssyncadd.s32 $0xFFFFEC00  }
0x1e8: {  	_ =	swait.ge [sflag:s6], $0x1400  }
0x1e9: {  	[sflag:s6] =	ssyncset.done $0x0  }
0x1ea: {  	s31 =	sadd.s32 $0x28F0, s16;
	[sflag:s6] =	ssyncadd.s32 $0xFFFFEC00  }
0x1eb: {  	[spmem:s2] =	stream.indirect.scatter.add.f32 [tilespmem:s28], [sflag:$0x7], $0x40, s31, s25, $0xb8;
	[tilespmem:$0x1EAA0] =	vst v63  }
0x1ec: {  	s9 =	sadd.s32 $0x2D0, s16  }
0x1ed: {  	[tilespmem:s10], [sflag:$0x5] =	stream.indirect.gather [spmem:s3], $0x40, s9, s25, $0xb8;
	[tilespmem:$0x1EAA0] =	vst v63  }
0x1ee: {  	_ =	swait.ge [sflag:s11], $0x1400  }
0x1ef: {  	[sflag:s11] =	ssyncset.done $0x0  }
0x1f0: {  	[sflag:s11] =	ssyncadd.s32 $0xFFFFEC00  }
0x1f1: {  	_ =	swait.ge [sflag:s12], $0x1400  }
0x1f2: {  	p0 =	seq.s32 s14, $0x8FC0;
	[sflag:s12] =	ssyncset.done $0x0  }
0x1f3: {  	s5 =	simm.s32 @p0 $0x4;
	s29 =	sadd.s32 $0x2940, s16;
	[sflag:s12] =	ssyncadd.s32 $0xFFFFEC00  }
0x1f4: {  	[spmem:s2] =	stream.indirect.scatter.add.f32 [tilespmem:s30], [sflag:$0x8], $0x40, s29, s25, $0xb8;
	[tilespmem:$0x1EAA0] =	vst v63  }
0x1f5: {  	_ =	swait.ge @p0 [sflag:s5], $0x1400  }
0x1f6: {  	[sflag:s5] =	ssyncset.done @p0 $0x0  }
0x1f7: {  	[sflag:s5] =	ssyncadd.s32 @p0 $0xFFFFEC00;
	s5 =	simm.s32 @p0 $0x8  }
0x1f8: {  	_ =	swait.ge @p0 [sflag:s5], $0x1400  }
0x1f9: {  	[sflag:s5] =	ssyncset.done @p0 $0x0  }
0x1fa: {  	[sflag:s5] =	ssyncadd.s32 @p0 $0xFFFFEC00;
	s5 =	sshra.s32 @p0 s14, $0x2  }
0x1fb: {  	s9 =	simm.s32 @p0 $0x50;
	s29 =	simm.s32 @p0 $0x8A20;
	s5 =	sadd.s32 @p0 $0x2990, s5  }
0x1fc: {  	[spmem:s2] =	stream.indirect.scatter.add.f32 @p0 [tilespmem:s29], [sflag:$0x9], $0x40, s5, s9, $0xb8;
	[tilespmem:$0x1EAA0] =	vst v63  }
0x1fd: {  	s5 =	sshra.s32 @!p0 s14, $0x2  }
0x1fe: {  	s31 =	simm.s32 @!p0 $0x4E20;
	s29 =	simm.s32 @!p0 $0x50;
	s9 =	sadd.s32 @!p0 $0x320, s5  }
0x1ff: {  	[tilespmem:s31], [sflag:$0x1] =	stream.indirect.gather @!p0 [spmem:s3], $0x40, s9, s29, $0xb8;
	[tilespmem:$0x1EAA0] =	vst v63  }
0x200: {  	s9 =	simm.s32 @!p0 $0x4  }
0x201: {  	_ =	swait.ge @!p0 [sflag:s9], $0x1400  }
0x202: {  	[sflag:s9] =	ssyncset.done @!p0 $0x0  }
0x203: {  	[sflag:s9] =	ssyncadd.s32 @!p0 $0xFFFFEC00;
	s9 =	simm.s32 @!p0 $0x8  }
0x204: {  	_ =	swait.ge @!p0 [sflag:s9], $0x1400  }
0x205: {  	[sflag:s9] =	ssyncset.done @!p0 $0x0  }
0x206: {  	s31 =	simm.s32 @!p0 $0x8A20;
	[sflag:s9] =	ssyncadd.s32 @!p0 $0xFFFFEC00;
	s9 =	sadd.s32 @!p0 $0x2990, s5  }
0x207: {  	[spmem:s2] =	stream.indirect.scatter.add.f32 @!p0 [tilespmem:s31], [sflag:$0x9], $0x40, s9, s29, $0xb8;
	[tilespmem:$0x1EAA0] =	vst v63  }
0x208: {  	s5 =	sadd.s32 @!p0 $0x370, s5;
	s9 =	simm.s32 @!p0 $0x6220  }
0x209: {  	[tilespmem:s9], [sflag:$0x2] =	stream.indirect.gather @!p0 [spmem:s3], $0x40, s5, s29, $0xb8;
	[tilespmem:$0x1EAA0] =	vst v63  }
0x20a: {  	_ =	swait.ge [sflag:s4], $0x1400  }
0x20b: {  	[sflag:s4] =	ssyncset.done $0x0  }
.Ltmp8:
0x20c: {  	[sflag:s4] =	ssyncadd.s32 $0xFFFFEC00;
	(pc) =	sbr.rel @p0 .LBB2_13-.Ltmp8, $4  }
0x20d: {  	_ =	swait.ge [sflag:s24], $0x1400  }
0x20e: {  	[sflag:s24] =	ssyncset.done $0x0  }
0x20f: {  	s31 =	sadd.s32 $0x29E0, s16;
	[sflag:s24] =	ssyncadd.s32 $0xFFFFEC00  }
0x210: {  	[spmem:s2] =	stream.indirect.scatter.add.f32 [tilespmem:s10], [sflag:$0xA], $0x40, s31, s25, $0xb8;
	[tilespmem:$0x1EAA0] =	vst v63  }
.Ltmp9:
0x211: {  	(pc) =	sbr.rel .LBB2_11-.Ltmp9, $3  }
0x212: {  	_ =	sdelay $0x1  }
0x213: {  	s5 =	sadd.s32 $0x3C0, s16;
	s14 =	sadd.s32 $0x640, s14  }
0x214: {  	[tilespmem:s30], [sflag:$0x3] =	stream.indirect.gather [spmem:s3], $0x40, s5, s25, $0xb8;
	[tilespmem:$0x1EAA0] =	vst v63  }
.LBB2_14:
0x215: {  	_ =	sfence.sel $0x180000  }
0x216: {  	[bflag:$0x0] =	sbarrier.arrive $0xFFFF  }
0x217: {  	_ =	strace $0x9000004D  }
0x218: {  	s0 =	stileid.u32;
	[bflag:$0x2] =	sbarrier.arrive $0xFFFF  }
0x219: {  	p0 =	sne.s32 s0, $0x0;
	s0 =	rddreg [dreg:$0x4]  }
0x21a: {  	s0 =	sadd.s32 @!p0 $0x100000, s0  }
0x21b: {  	[sflag:s0] =	ssyncadd.tile.s32 @!p0 $0x1;
	_ =	shalt  }
.Lfunc_end2:
_tile_overlayer_lowered:
.L_overlay_start_2:
0x21c: {  	(tag) =	ssettag $0x2  }
0x21d: {  	s0 =	rddreg [dreg:$0x0];
	s2 =	stileid.u32  }
0x21e: {  	s1 =	rddreg [dreg:$0x1];
	p0 =	sne.s32 s2, $0x0  }
0x21f: {  	s3 =	rddreg [dreg:$0x2];
	[bflag:$0x3] =	sbarrier.arrive $0xFFFF;
	s2 =	simm.s32 @!p0 $0x1C0B  }
0x220: {  	[timem:s3], [sflag:s2] =	dma.local @!p0 [hbm:s0], s1  }
0x221: {  	s0 =	simm.s32 @!p0 $0xB  }
0x222: {  	_ =	swait.ge @!p0 [sflag:s0], s1  }
0x223: {  	s1 =	ssub.s32 @!p0 $0x0, s1;
	[sflag:s0] =	ssyncset.done @!p0 $0x0  }
0x224: {  	[sflag:s0] =	ssyncadd.s32 @!p0 s1  }
0x225: {  	[bflag:$0x3] =	sbarrier.arrive $0xFFFF  }
0x226: {  	_ =	shalt  }

// kernel: kernel.21.cloned.1.call-start
scs
__scs_entry_jumppad:
0x0: {  	(pc) =	sbr.rel $0x88, $3  }
0x1: {  	(tag) =	ssettag $0x0;
	lr =	simm.s32 $0x1  }
0x2: {  	[smem:$0x3F96] =	sst lr;
	_ =	strace $0xD0000000  }
0x3: {  	_ = 	snop  }
0x4: {  	_ = 	snop  }
0x5: {  	_ = 	snop  }
0x6: {  	_ = 	snop  }
0x7: {  	_ = 	snop  }
__scs_overlays_trampoline_lowered:
0x8: {  	[smem:$0x3FA5] =	sst s0  }
0x9: {  	[smem:$0x3FA6] =	sst s1  }
0xa: {  	[smem:$0x3FA7] =	sst s2  }
0xb: {  	[smem:$0x3FA8] =	sst s3  }
0xc: {  	[smem:$0x3FA9] =	sst s4  }
0xd: {  	[smem:$0x3FAA] =	sst s5  }
0xe: {  	[smem:$0x3FAB] =	sst s6  }
0xf: {  	[smem:$0x3FAC] =	sst s7  }
0x10: {  	[smem:$0x3FAD] =	sst s8  }
0x11: {  	[smem:$0x3FAE] =	sst s9;
	s0 =	simm.s32 @!p0 $0x0  }
0x12: {  	s1 =	sld [smem:$0x3F94];
	s0 =	simm.s32 @p0 $0x1  }
0x13: {  	[smem:$0x3FAF] =	sst s0;
	s0 =	simm.s32 @!p1 $0x0  }
0x14: {  	s2 =	sld [smem:$0x3F93];
	s0 =	simm.s32 @p1 $0x1  }
0x15: {  	[smem:$0x3FB0] =	sst s0;
	s0 =	simm.s32 @!p2 $0x0  }
0x16: {  	s3 =	sld [smem:$0x3FDB];
	s0 =	simm.s32 @p2 $0x1  }
0x17: {  	s4 =	simm.s32 $0x1BF5;
	[smem:$0x3FB2] =	sst s0  }
0x18: {  	s0 =	sld [smem:$0x3F95];
	_ =	swait.ge [sflag:s4], $0x0  }
0x19: {  	s7 =	sld [smem:$0x3F96]  }
0x1a: {  	s8 =	sadd.s32 $0xFFFFE003, lr  }
0x1b: {  	s9 =	sadd.s32 $0xFFFFFEF7, lr;
	s5 =	simm.s32 $0xFFFFFFFF;
	p2 =	slt.u32 s8, $0xFFFFF086  }
0x1c: {  	p1 =	slt.u32 s9, $0xF7A;
	s5 =	simm.s32 @!p2 $0x0  }
0x1d: {  	s5 =	simm.s32 @p1 $0x1;
	p0 =	seq.s32 s7, s2  }
0x1e: {  	s7 =	smul.u32 @!p0 $0xF7A, s2;
	p2 =	seq.s32 @!p0 s5, $0x0  }
0x1f: {  	s9 =	smul.u32 $0xF7A, s1;
	s8 =	simm.s32 @!p0 $0x1BF5;
	p2 =	por !p2, p0  }
0x20: {  	[sflag:s8] =	ssyncset.s32 @!p0 $0xFFFFF086;
	s6 =	sadd.s32 @!p0 s3, s7;
	s7 =	simm.s32 @!p0 $0x108  }
0x21: {  	s3 =	sadd.s32 s3, s9;
	s6 =	sadd.s32 @!p0 $0x88, s6;
	s7 =	simm.s32 @p2 $0x1082  }
0x22: {  	[simem:s7], [sflag:s8] =	dma.local @!p0 [hbm:s6], $0xF7A  }
0x23: {  	s9 =	sor.u32 $0xD0000000, s2;
	s6 =	simm.s32 $0x108;
	_ =	swait.ge @!p0 [sflag:s8], $0x0  }
0x24: {  	s3 =	sadd.s32 $0x88, s3;
	s6 =	simm.s32 @!p1 $0x1082;
	[sflag:s4] =	ssyncset.s32 $0xFFFFF086  }
0x25: {  	[simem:s6], [sflag:s4] =	dma.local [hbm:s3], $0xF7A  }
0x26: {  	[smem:$0x3F96] =	sst s1;
	(tag) =	ssettag s2;
	_ =	strace s9  }
0x27: {  	s1 =	sld [smem:$0x3FA6]  }
0x28: {  	s2 =	sld [smem:$0x3FA7]  }
0x29: {  	s4 =	sld [smem:$0x3FA9]  }
0x2a: {  	p0 =	seq.s32 s5, $0x0;
	s5 =	sld [smem:$0x3FAA]  }
0x2b: {  	s6 =	sld [smem:$0x3FAB]  }
0x2c: {  	s7 =	sld [smem:$0x3FAC]  }
0x2d: {  	s3 =	simm.s32 $0x108;
	s8 =	sld [smem:$0x3FAD]  }
0x2e: {  	s3 =	simm.s32 @!p0 $0x1082;
	s9 =	sld [smem:$0x3FAE]  }
0x2f: {  	lr =	sadd.s32 s0, s3;
	s0 =	sld [smem:$0x3FA5]  }
0x30: {  	s3 =	sld [smem:$0x3FA8]  }
0x31: {  	[smem:$0x3FB1] =	sst s10  }
0x32: {  	s10 =	sld [smem:$0x3FAF];
	_ =	sdelay $0x3  }
0x33: {  	p0 =	seq.s32 s10, $0x1;
	s10 =	sld [smem:$0x3FB1];
	_ =	sdelay $0x3  }
0x34: {  	[smem:$0x3FB1] =	sst s10  }
0x35: {  	s10 =	sld [smem:$0x3FB0];
	_ =	sdelay $0x3  }
0x36: {  	p1 =	seq.s32 s10, $0x1;
	s10 =	sld [smem:$0x3FB1];
	_ =	sdelay $0x3  }
0x37: {  	[smem:$0x3FB1] =	sst s10  }
0x38: {  	s10 =	sld [smem:$0x3FB2]  }
0x39: {  	_ = 	snop;
	(pc) =	sbr.ind lr, $3  }
0x3a: {  	_ = 	snop  }
0x3b: {  	_ = 	snop  }
0x3c: {  	p2 =	seq.s32 s10, $0x1;
	s10 =	sld [smem:$0x3FB1]  }
0x3d: {  	_ =	shalt  }
0x3e: {  	_ =	shalt  }
0x3f: {  	_ =	shalt  }
0x40: {  	_ =	shalt  }
0x41: {  	_ =	shalt  }
0x42: {  	_ =	shalt  }
0x43: {  	_ =	shalt  }
0x44: {  	_ =	shalt  }
0x45: {  	_ =	shalt  }
0x46: {  	_ =	shalt  }
0x47: {  	_ =	shalt  }
0x48: {  	_ =	shalt  }
0x49: {  	_ =	shalt  }
0x4a: {  	_ =	shalt  }
0x4b: {  	_ =	shalt  }
0x4c: {  	_ =	shalt  }
0x4d: {  	_ =	shalt  }
0x4e: {  	_ =	shalt  }
0x4f: {  	_ =	shalt  }
0x50: {  	_ =	shalt  }
0x51: {  	_ =	shalt  }
0x52: {  	_ =	shalt  }
0x53: {  	_ =	shalt  }
0x54: {  	_ =	shalt  }
0x55: {  	_ =	shalt  }
0x56: {  	_ =	shalt  }
0x57: {  	_ =	shalt  }
0x58: {  	_ =	shalt  }
0x59: {  	_ =	shalt  }
0x5a: {  	_ =	shalt  }
0x5b: {  	_ =	shalt  }
0x5c: {  	_ =	shalt  }
0x5d: {  	_ =	shalt  }
0x5e: {  	_ =	shalt  }
0x5f: {  	_ =	shalt  }
0x60: {  	_ =	shalt  }
0x61: {  	_ =	shalt  }
0x62: {  	_ =	shalt  }
0x63: {  	_ =	shalt  }
0x64: {  	_ =	shalt  }
0x65: {  	_ =	shalt  }
0x66: {  	_ =	shalt  }
0x67: {  	_ =	shalt  }
0x68: {  	_ =	shalt  }
0x69: {  	_ =	shalt  }
0x6a: {  	_ =	shalt  }
0x6b: {  	_ =	shalt  }
0x6c: {  	_ =	shalt  }
0x6d: {  	_ =	shalt  }
0x6e: {  	_ =	shalt  }
0x6f: {  	_ =	shalt  }
0x70: {  	_ =	shalt  }
0x71: {  	_ =	shalt  }
0x72: {  	_ =	shalt  }
0x73: {  	_ =	shalt  }
0x74: {  	_ =	shalt  }
0x75: {  	_ =	shalt  }
0x76: {  	_ =	shalt  }
0x77: {  	_ =	shalt  }
0x78: {  	_ =	shalt  }
0x79: {  	_ =	shalt  }
0x7a: {  	_ =	shalt  }
0x7b: {  	_ =	shalt  }
0x7c: {  	_ =	shalt  }
0x7d: {  	_ =	shalt  }
0x7e: {  	_ =	shalt  }
0x7f: {  	_ =	shalt  }
0x80: {  	_ =	shalt  }
0x81: {  	_ =	shalt  }
0x82: {  	_ =	shalt  }
0x83: {  	_ =	shalt  }
0x84: {  	_ =	shalt  }
0x85: {  	_ =	shalt  }
0x86: {  	_ =	shalt  }
0x87: {  	_ =	shalt  }
.Lfunc_end0:
.L_simem_size_0:
called_computation.3_lowered:
.L_overlay_start_0:
0x88: {  	s2 =	sld [smem:$0x3FD9]  }
0x89: {  	s3 =	sld [smem:$0x3FFE];
	_ =	sdelay $0x1  }
0x8a: {  	s1 =	srdreg.scid  }
0x8b: {  	s0 =	sand.u32 $0x1, s1  }
0x8c: {  	s14 =	sshll.u32 s0, $0xA;
	s2 =	sadd.s32 s3, s2  }
0x8d: {  	s2 =	sadd.s32 s2, s14  }
0x8e: {  	[smem:$0x3FBD] =	sst s2  }
0x8f: {  	_ = 	snop  }
0x90: {  	s2 =	sld [smem:$0x3FD0];
	_ =	sdelay $0x2  }
0x91: {  	s15 =	simm.s32 $0xB;
	s4 =	simm.s32 $0x10  }
0x92: {  	[smem:s4], [sflag:s15] =	dma.local [hbm:s2], $0x1  }
0x93: {  	_ =	swait.eq [sflag:s15], $0x1  }
0x94: {  	[sflag:s15] =	ssyncset.done $0x0  }
0x95: {  	[sflag:s15] =	ssyncadd.s32 $0xFFFFFFFF  }
0x96: {  	s16 =	sld [smem:$0x10];
	(tm) =	ssettm $0x1  }
0x97: {  	s17 =	sld [smem:$0x3FFB];
	_ =	sdelay $0x3  }
0x98: {  	_ =	strace s17  }
0x99: {  	s3 =	sld [smem:$0x3FFC];
	_ =	sdelay $0x3  }
0x9a: {  	_ =	strace s3  }
0x9b: {  	s3 =	sld [smem:$0x3FFD];
	_ =	sdelay $0x3  }
0x9c: {  	_ =	strace s3  }
0x9d: {  	_ =	strace $0x8FFFFFFF  }
0x9e: {  	s18 =	sld [smem:$0x3FDB];
	_ =	sdelay $0x1  }
0x9f: {  	s19 =	simm.s32 $_scs_section_size  }
0xa0: {  	s5 =	simm.s32 $_size__tile_overlayer_lowered;
	s6 =	simm.s32 $_tile_overlayer_lowered  }
0xa1: {  	s22 =	simm.s32 $0x1BFF;
	s21 =	sshll.u32 s6, $0x1;
	s3 =	sadd.s32 s19, s18  }
0xa2: {  	s7 =	simm.s32 $0x0;
	s20 =	sshll.u32 s5, $0x1;
	s5 =	sadd.s32 s21, s3  }
0xa3: {  	[timem:s7], [sflag:s22] =	dma.local [hbm:s5], s20  }
0xa4: {  	_ =	swait.ge [sflag:s22], s20  }
0xa5: {  	s4 =	ssub.s32 $0x0, s20;
	[sflag:s22] =	ssyncset.done $0x0  }
0xa6: {  	[sflag:s22] =	ssyncadd.s32 s4;
	_ =	sdelay $0x1  }
0xa7: {  	s23 =	simm.s32 $0x1B8B  }
0xa8: {  	_ =	swait.ge [sflag:s23], $0x1  }
0xa9: {  	[sflag:s23] =	ssyncset.done $0x0  }
0xaa: {  	s25 =	simm.s32 $0x1B8E;
	s24 =	sld [smem:$0x3FFE];
	[sflag:s23] =	ssyncadd.s32 $0xFFFFFFFF  }
0xab: {  	s26 =	simm.s32 $execute0_lowered;
	[smem:$0x3FD2] =	sst s25  }
0xac: {  	s5 =	sshll.u32 s26, $0x1;
	_ =	strace $0x8000004F;
	[dreg:$0x1] =	wrdreg $0xFFFFFFFF  }
0xad: {  	s28 =	simm.s32 $_size_execute0_lowered;
	s3 =	sadd.s32 s3, s5;
	[dreg:$0x0] =	wrdreg $0x0  }
0xae: {  	s5 =	sshll.u32 s28, $0x1;
	[dreg:$0x2] =	wrdreg s3  }
0xaf: {  	[dreg:$0x3] =	wrdreg s5  }
0xb0: {  	[dreg:$0x4] =	wrdreg $0xC0  }
0xb1: {  	_ =	task [dreg:s7], $0x5FFFF  }
0xb2: {  	[dreg:$0x1] =	wrdreg $0xFFFFFFFF  }
0xb3: {  	[dreg:$0x0] =	wrdreg $0x60  }
0xb4: {  	[dreg:$0x2] =	wrdreg s24  }
0xb5: {  	[dreg:$0x3] =	wrdreg s16  }
0xb6: {  	[dreg:$0x4] =	wrdreg $0xB2200  }
0xb7: {  	[dreg:$0x5] =	wrdreg $0x14E600  }
0xb8: {  	[dreg:$0x6] =	wrdreg $0x9  }
0xb9: {  	_ =	task.clear_ibuf [dreg:s7], $0x7FFFF;
	_ =	strace $0x9000004F  }
0xba: {  	s29 =	simm.s32 $0x9;
	_ =	strace $0x80000051  }
0xbb: {  	_ =	swait.ge [sflag:s29], $0x1  }
0xbc: {  	[sflag:s29] =	ssyncadd.s32 $0xFFFFFFFF  }
0xbd: {  	_ =	strace $0x90000051  }
0xbe: {  	_ =	sfence  }
0xbf: {  	s30 =	sld [smem:$0x0];
	_ =	sdelay $0x2  }
0xc0: {  	s31 =	sshll.u32 s1, $0xD;
	s1 =	sshrl.u32 s1, $0x2  }
0xc1: {  	s3 =	sand.u32 $0x4000, s31;
	s1 =	sadd.s32 s1, s30  }
0xc2: {  	s0 =	sor.u32 s3, s0;
	s1 =	sshll.u32 s1, $0x11  }
0xc3: {  	s0 =	sor.u32 s1, s0  }
0xc4: {  	s0 =	sadd.s32 $0x8F2B, s0  }
0xc5: {  	[sflag:s0] =	ssyncadd.remote.s32 $0x1  }
0xc6: {  	_ =	sfence.sel $0xFFFF  }
0xc7: {  	[dreg:$0x0] =	wrdreg $0xFFFFFFFF;
	(pc) =	sbr.abs _section_cstart, $3  }
0xc8: {  	[dreg:$0x1] =	wrdreg $0xFFFFFFFF  }
0xc9: {  	_ =	task.clear_ibuf [dreg:s7], $0x2FFFF;
	_ =	strace $0x9FFFFFFF  }
0xca: {  	(tm) =	ssettm $0x7FFFFFFF  }
0xcb: {  	_ =	shalt  }
tec
execute0_lowered:
.L_overlay_start_1:
0x0: {  	(tag) =	ssettag $0x1  }
0x1: {  	s0 =	rddreg [dreg:$0x0]  }
0x2: {  	s1 =	rddreg [dreg:$0x1]  }
0x3: {  	s2 =	rddreg [dreg:$0x2]  }
0x4: {  	s3 =	rddreg [dreg:$0x3];
	s12 =	stileid.u32  }
0x5: {  	s5 =	srdreg.scid;
	s4 =	simm.s32 $0x0;
	s16 =	simm.s32 $0x1  }
0x6: {  	s17 =	simm.s32 $0x8;
	s28 =	simm.s32 $0x6;
	s31 =	simm.s32 $0x9E20  }
0x7: {  	s29 =	simm.s32 $0x4;
	s30 =	simm.s32 $0x9;
	s6 =	smul.u32 $0x13880, s12  }
0x8: {  	s5 =	sand.u32 $0x1, s5;
	[smem:$0x7FF] =	sst s4;
	s7 =	smul.u32 $0x9C40, s12  }
0x9: {  	s26 =	sshll.u32 s12, $0x6;
	s8 =	sshll.u32 s5, $0x4;
	_ =	strace $0x80000050  }
0xa: {  	s9 =	smul.u32 $0x138800, s5;
	s18 =	ssub.s32 $0x2, s5;
	s13 =	sor.u32 $0x1C0B, s26  }
0xb: {  	s26 =	simm.s32 $0x2;
	s8 =	sor.u32 s12, s8;
	s10 =	sshrl.u32 s6, $0x3  }
0xc: {  	s11 =	sshrl.u32 s7, $0x3;
	s20 =	sshrl.u32 s18, $0x1;
	s22 =	sadd.s32 s7, s2  }
0xd: {  	s7 =	sadd.s32 s7, s3;
	s8 =	smul.u32 $0x2710, s8;
	s10 =	sadd.s32 s10, s0  }
0xe: {  	s11 =	sadd.s32 s11, s0;
	s6 =	sadd.s32 s6, s9;
	s21 =	ssub.s32 s18, s20  }
0xf: {  	s14 =	sshrl.u32 s22, $0x3;
	s15 =	sshrl.u32 s7, $0x3;
	s18 =	simm.s32 $0x10  }
0x10: {  	s20 =	simm.s32 $0x4E20;
	s22 =	simm.s32 $0xA;
	s6 =	sshrl.u32 s6, $0x3  }
0x11: {  	s23 =	sadd.s32 $0x9600, s11;
	s24 =	sadd.s32 $0x6B200, s10;
	s25 =	smax.u32 s21, $0x1  }
0x12: {  	s11 =	simm.s32 $0xB;
	s21 =	simm.s32 $0x6220;
	[dreg:$0x7] =	wrdreg s23  }
0x13: {  	s19 =	sshrl.u32 s8, $0x3;
	s0 =	sadd.s32 s6, s0;
	[dreg:$0x8] =	wrdreg s24  }
.Ltmp0:
0x14: {  	[dreg:$0xa] =	wrdreg s25;
	s23 =	simm.s32 $0x7620;
	(pc) =	sbr.rel .LBB2_1-.Ltmp0, $4  }
0x15: {  	s25 =	simm.s32 $0x8A20;
	s24 =	simm.s32 $0x5;
	s5 =	sadd.s32 s1, s19  }
0x16: {  	s6 =	simm.s32 $0x0;
	s0 =	sadd.s32 $0x92400, s0;
	[dreg:$0x5] =	wrdreg s5  }
0x17: {  	s19 =	simm.s32 $0x50;
	s5 =	sadd.s32 $0x9C40, s5;
	[dreg:$0x9] =	wrdreg s0  }
0x18: {  	s1 =	simm.s32 $0x7;
	s0 =	simm.s32 $0x3;
	[dreg:$0x6] =	wrdreg s5  }
.LBB2_4:
0x19: {  	_ =	swait.ge [sflag:s22], $0x1400  }
0x1a: {  	[sflag:s22] =	ssyncset.done $0x0  }
0x1b: {  	[sflag:s22] =	ssyncadd.s32 $0xFFFFEC00  }
0x1c: {  	[bflag:$0x0] =	sbarrier.arrive $0xFFFF  }
0x1d: {  	s5 =	rddreg [dreg:$0x9]  }
0x1e: {  	[hbm:s5@s18], [sflag:s13] =	dma.strided [spmem:s14@s17], $0x1388, s16, $0x8   }
0x1f: {  	_ =	swait.ge [sflag:s11], $0x1388  }
0x20: {  	s6 =	sadd.s32 $0x1, s6;
	s12 =	rddreg [dreg:$0xa]  }
0x21: {  	p0 =	sne.s32 s6, s12  }
.Ltmp1:
0x22: {  	_ = 	snop;
	(pc) =	sbr.rel @!p0 .LBB2_5-.Ltmp1, $3  }
0x23: {  	_ =	sdelay $0x1  }
0x24: {  	[sflag:s11] =	ssyncset.done $0x0  }
0x25: {  	[sflag:s11] =	ssyncadd.s32 $0xFFFFEC78  }
.LBB2_1:
0x26: {  	s5 =	rddreg [dreg:$0x5]  }
0x27: {  	[tilespmem:s4], [sflag:$0xB] =	stream.linear.gather [hbm4b:s5+s4], $0x2710, $0x38;
	[tilespmem:$0x1EAA0] =	vst v63  }
0x28: {  	_ =	swait.ge [sflag:s11], $0x2710  }
0x29: {  	[sflag:s11] =	ssyncset.done $0x0  }
0x2a: {  	s7 =	simm.s32 $0x2710;
	s8 =	rddreg [dreg:$0x6];
	[sflag:s11] =	ssyncadd.s32 $0xFFFFD8F0  }
0x2b: {  	[tilespmem:s7], [sflag:$0xB] =	stream.linear.gather [hbm4b:s8+s4], $0x2710, $0x38;
	[tilespmem:$0x1EAA0] =	vst v63  }
0x2c: {  	_ =	swait.ge [sflag:s11], $0x2710  }
0x2d: {  	[sflag:s11] =	ssyncset.done $0x0  }
0x2e: {  	s9 =	rddreg [dreg:$0x7];
	[sflag:s11] =	ssyncadd.s32 $0xFFFFD8F0  }
0x2f: {  	[spmem:s14], [sflag:s13] =	dma.local [hbm:s9], $0x1388  }
0x30: {  	_ =	swait.ge [sflag:s11], $0x1388  }
0x31: {  	[sflag:s11] =	ssyncset.done $0x0  }
0x32: {  	s10 =	rddreg [dreg:$0x8];
	[sflag:s11] =	ssyncadd.s32 $0xFFFFEC78  }
0x33: {  	[spmem:s15@s17], [sflag:s13] =	dma.strided [hbm:s10@s18], $0x1388, s16, $0x8   }
0x34: {  	_ =	swait.ge [sflag:s11], $0x1388  }
0x35: {  	[sflag:s11] =	ssyncset.done $0x0  }
0x36: {  	[sflag:s11] =	ssyncadd.s32 $0xFFFFEC78  }
0x37: {  	[bflag:$0x0] =	sbarrier.arrive $0xFFFF  }
0x38: {  	[tilespmem:s20], [sflag:$0x1] =	stream.indirect.gather [spmem:s3], $0x40, s4, s19, $0xb8;
	[tilespmem:$0x1EAA0] =	vst v63  }
0x39: {  	_ = 	snop  }
0x3a: {  	[tilespmem:s21], [sflag:$0x2] =	stream.indirect.gather [spmem:s3], $0x40, s19, s19, $0xb8;
	[tilespmem:$0x1EAA0] =	vst v63  }
0x3b: {  	s12 =	simm.s32 $0xA0  }
0x3c: {  	[tilespmem:s23], [sflag:$0x3] =	stream.indirect.gather [spmem:s3], $0x40, s12, s19, $0xb8;
	[tilespmem:$0x1EAA0] =	vst v63  }
0x3d: {  	_ =	swait.ge [sflag:s16], $0x1400  }
0x3e: {  	[sflag:s16] =	ssyncset.done $0x0  }
0x3f: {  	[sflag:s16] =	ssyncadd.s32 $0xFFFFEC00  }
0x40: {  	[spmem:s2] =	stream.indirect.scatter.add.f32 [tilespmem:s20], [sflag:$0x6], $0x40, s7, s19, $0xb8;
	[tilespmem:$0x1EAA0] =	vst v63  }
0x41: {  	s8 =	simm.s32 $0xF0  }
0x42: {  	[tilespmem:s25], [sflag:$0x4] =	stream.indirect.gather [spmem:s3], $0x40, s8, s19, $0xb8;
	[tilespmem:$0x1EAA0] =	vst v63  }
0x43: {  	_ =	swait.ge [sflag:s26], $0x1400  }
0x44: {  	[sflag:s26] =	ssyncset.done $0x0  }
0x45: {  	[sflag:s26] =	ssyncadd.s32 $0xFFFFEC00  }
0x46: {  	_ =	swait.ge [sflag:s28], $0x1400  }
0x47: {  	[sflag:s28] =	ssyncset.done $0x0  }
0x48: {  	s9 =	simm.s32 $0x2760;
	[sflag:s28] =	ssyncadd.s32 $0xFFFFEC00  }
0x49: {  	[spmem:s2] =	stream.indirect.scatter.add.f32 [tilespmem:s21], [sflag:$0x7], $0x40, s9, s19, $0xb8;
	[tilespmem:$0x1EAA0] =	vst v63  }
0x4a: {  	s10 =	simm.s32 $0x140  }
0x4b: {  	[tilespmem:s31], [sflag:$0x5] =	stream.indirect.gather [spmem:s3], $0x40, s10, s19, $0xb8;
	[tilespmem:$0x1EAA0] =	vst v63  }
0x4c: {  	_ =	swait.ge [sflag:s0], $0x1400  }
0x4d: {  	[sflag:s0] =	ssyncset.done $0x0  }
0x4e: {  	[sflag:s0] =	ssyncadd.s32 $0xFFFFEC00  }
0x4f: {  	_ =	swait.ge [sflag:s1], $0x1400  }
0x50: {  	[sflag:s1] =	ssyncset.done $0x0  }
0x51: {  	s12 =	simm.s32 $0x27B0;
	[sflag:s1] =	ssyncadd.s32 $0xFFFFEC00  }
0x52: {  	[spmem:s2] =	stream.indirect.scatter.add.f32 [tilespmem:s23], [sflag:$0x8], $0x40, s12, s19, $0xb8;
	[tilespmem:$0x1EAA0] =	vst v63  }
0x53: {  	s7 =	simm.s32 $0x190  }
0x54: {  	[tilespmem:s20], [sflag:$0x1] =	stream.indirect.gather [spmem:s3], $0x40, s7, s19, $0xb8;
	[tilespmem:$0x1EAA0] =	vst v63  }
0x55: {  	_ =	swait.ge [sflag:s29], $0x1400  }
0x56: {  	[sflag:s29] =	ssyncset.done $0x0  }
0x57: {  	[sflag:s29] =	ssyncadd.s32 $0xFFFFEC00  }
0x58: {  	_ =	swait.ge [sflag:s17], $0x1400  }
0x59: {  	[sflag:s17] =	ssyncset.done $0x0  }
0x5a: {  	s8 =	simm.s32 $0x2800;
	[sflag:s17] =	ssyncadd.s32 $0xFFFFEC00  }
0x5b: {  	[spmem:s2] =	stream.indirect.scatter.add.f32 [tilespmem:s25], [sflag:$0x9], $0x40, s8, s19, $0xb8;
	[tilespmem:$0x1EAA0] =	vst v63  }
0x5c: {  	s9 =	simm.s32 $0x1E0  }
0x5d: {  	[tilespmem:s21], [sflag:$0x2] =	stream.indirect.gather [spmem:s3], $0x40, s9, s19, $0xb8;
	[tilespmem:$0x1EAA0] =	vst v63  }
0x5e: {  	_ =	swait.ge [sflag:s24], $0x1400  }
0x5f: {  	[sflag:s24] =	ssyncset.done $0x0  }
0x60: {  	[sflag:s24] =	ssyncadd.s32 $0xFFFFEC00  }
0x61: {  	_ =	swait.ge [sflag:s30], $0x1400  }
0x62: {  	[sflag:s30] =	ssyncset.done $0x0  }
0x63: {  	s10 =	simm.s32 $0x2850;
	[sflag:s30] =	ssyncadd.s32 $0xFFFFEC00  }
0x64: {  	[spmem:s2] =	stream.indirect.scatter.add.f32 [tilespmem:s31], [sflag:$0xA], $0x40, s10, s19, $0xb8;
	[tilespmem:$0x1EAA0] =	vst v63  }
0x65: {  	s12 =	simm.s32 $0x230;
	s7 =	simm.s32 $0x0  }
0x66: {  	[tilespmem:s23], [sflag:$0x3] =	stream.indirect.gather [spmem:s3], $0x40, s12, s19, $0xb8;
	[tilespmem:$0x1EAA0] =	vst v63  }
.LBB2_2:
0x67: {  	_ =	swait.ge [sflag:s16], $0x1400  }
0x68: {  	[sflag:s16] =	ssyncset.done $0x0  }
0x69: {  	[sflag:s16] =	ssyncadd.s32 $0xFFFFEC00  }
0x6a: {  	_ =	swait.ge [sflag:s22], $0x1400  }
0x6b: {  	s8 =	sshra.s32 s7, $0x2;
	[sflag:s22] =	ssyncset.done $0x0  }
0x6c: {  	s5 =	sadd.s32 $0x28A0, s8;
	[sflag:s22] =	ssyncadd.s32 $0xFFFFEC00  }
0x6d: {  	[spmem:s2] =	stream.indirect.scatter.add.f32 [tilespmem:s20], [sflag:$0x6], $0x40, s5, s19, $0xb8;
	[tilespmem:$0x1EAA0] =	vst v63  }
0x6e: {  	s10 =	sadd.s32 $0x280, s8  }
0x6f: {  	[tilespmem:s25], [sflag:$0x4] =	stream.indirect.gather [spmem:s3], $0x40, s10, s19, $0xb8;
	[tilespmem:$0x1EAA0] =	vst v63  }
0x70: {  	_ =	swait.ge [sflag:s26], $0x1400  }
0x71: {  	[sflag:s26] =	ssyncset.done $0x0  }
0x72: {  	[sflag:s26] =	ssyncadd.s32 $0xFFFFEC00  }
0x73: {  	_ =	swait.ge [sflag:s28], $0x1400  }
0x74: {  	[sflag:s28] =	ssyncset.done $0x0  }
0x75: {  	s12 =	sadd.s32 $0x28F0, s8;
	[sflag:s28] =	ssyncadd.s32 $0xFFFFEC00  }
0x76: {  	[spmem:s2] =	stream.indirect.scatter.add.f32 [tilespmem:s21], [sflag:$0x7], $0x40, s12, s19, $0xb8;
	[tilespmem:$0x1EAA0] =	vst v63  }
0x77: {  	s9 =	sadd.s32 $0x2D0, s8  }
0x78: {  	[tilespmem:s31], [sflag:$0x5] =	stream.indirect.gather [spmem:s3], $0x40, s9, s19, $0xb8;
	[tilespmem:$0x1EAA0] =	vst v63  }
0x79: {  	_ =	swait.ge [sflag:s0], $0x1400  }
0x7a: {  	[sflag:s0] =	ssyncset.done $0x0  }
0x7b: {  	[sflag:s0] =	ssyncadd.s32 $0xFFFFEC00  }
0x7c: {  	_ =	swait.ge [sflag:s1], $0x1400  }
0x7d: {  	p0 =	seq.s32 s7, $0x8FC0;
	[sflag:s1] =	ssyncset.done $0x0  }
0x7e: {  	s5 =	simm.s32 @p0 $0x4;
	s10 =	sadd.s32 $0x2940, s8;
	[sflag:s1] =	ssyncadd.s32 $0xFFFFEC00  }
0x7f: {  	[spmem:s2] =	stream.indirect.scatter.add.f32 [tilespmem:s23], [sflag:$0x8], $0x40, s10, s19, $0xb8;
	[tilespmem:$0x1EAA0] =	vst v63  }
0x80: {  	_ =	swait.ge @p0 [sflag:s5], $0x1400  }
0x81: {  	[sflag:s5] =	ssyncset.done @p0 $0x0  }
0x82: {  	[sflag:s5] =	ssyncadd.s32 @p0 $0xFFFFEC00;
	s5 =	simm.s32 @p0 $0x8  }
0x83: {  	_ =	swait.ge @p0 [sflag:s5], $0x1400  }
0x84: {  	[sflag:s5] =	ssyncset.done @p0 $0x0  }
0x85: {  	[sflag:s5] =	ssyncadd.s32 @p0 $0xFFFFEC00;
	s5 =	sshra.s32 @p0 s7, $0x2  }
0x86: {  	s12 =	simm.s32 @p0 $0x8A20;
	s9 =	simm.s32 @p0 $0x50;
	s5 =	sadd.s32 @p0 $0x2990, s5  }
0x87: {  	[spmem:s2] =	stream.indirect.scatter.add.f32 @p0 [tilespmem:s12], [sflag:$0x9], $0x40, s5, s9, $0xb8;
	[tilespmem:$0x1EAA0] =	vst v63  }
0x88: {  	s5 =	sshra.s32 @!p0 s7, $0x2  }
0x89: {  	s10 =	simm.s32 @!p0 $0x4E20;
	s12 =	simm.s32 @!p0 $0x50;
	s9 =	sadd.s32 @!p0 $0x320, s5  }
0x8a: {  	[tilespmem:s10], [sflag:$0x1] =	stream.indirect.gather @!p0 [spmem:s3], $0x40, s9, s12, $0xb8;
	[tilespmem:$0x1EAA0] =	vst v63  }
0x8b: {  	s9 =	simm.s32 @!p0 $0x4  }
0x8c: {  	_ =	swait.ge @!p0 [sflag:s9], $0x1400  }
0x8d: {  	[sflag:s9] =	ssyncset.done @!p0 $0x0  }
0x8e: {  	[sflag:s9] =	ssyncadd.s32 @!p0 $0xFFFFEC00;
	s9 =	simm.s32 @!p0 $0x8  }
0x8f: {  	_ =	swait.ge @!p0 [sflag:s9], $0x1400  }
0x90: {  	[sflag:s9] =	ssyncset.done @!p0 $0x0  }
0x91: {  	s10 =	simm.s32 @!p0 $0x8A20;
	[sflag:s9] =	ssyncadd.s32 @!p0 $0xFFFFEC00;
	s9 =	sadd.s32 @!p0 $0x2990, s5  }
0x92: {  	[spmem:s2] =	stream.indirect.scatter.add.f32 @!p0 [tilespmem:s10], [sflag:$0x9], $0x40, s9, s12, $0xb8;
	[tilespmem:$0x1EAA0] =	vst v63  }
0x93: {  	s5 =	sadd.s32 @!p0 $0x370, s5;
	s9 =	simm.s32 @!p0 $0x6220  }
0x94: {  	[tilespmem:s9], [sflag:$0x2] =	stream.indirect.gather @!p0 [spmem:s3], $0x40, s5, s12, $0xb8;
	[tilespmem:$0x1EAA0] =	vst v63  }
0x95: {  	_ =	swait.ge [sflag:s24], $0x1400  }
0x96: {  	[sflag:s24] =	ssyncset.done $0x0  }
.Ltmp2:
0x97: {  	[sflag:s24] =	ssyncadd.s32 $0xFFFFEC00;
	(pc) =	sbr.rel @p0 .LBB2_4-.Ltmp2, $4  }
0x98: {  	_ =	swait.ge [sflag:s30], $0x1400  }
0x99: {  	[sflag:s30] =	ssyncset.done $0x0  }
0x9a: {  	s12 =	sadd.s32 $0x29E0, s8;
	[sflag:s30] =	ssyncadd.s32 $0xFFFFEC00  }
0x9b: {  	[spmem:s2] =	stream.indirect.scatter.add.f32 [tilespmem:s31], [sflag:$0xA], $0x40, s12, s19, $0xb8;
	[tilespmem:$0x1EAA0] =	vst v63  }
.Ltmp3:
0x9c: {  	(pc) =	sbr.rel .LBB2_2-.Ltmp3, $3  }
0x9d: {  	_ =	sdelay $0x1  }
0x9e: {  	s5 =	sadd.s32 $0x3C0, s8;
	s7 =	sadd.s32 $0x640, s7  }
0x9f: {  	[tilespmem:s23], [sflag:$0x3] =	stream.indirect.gather [spmem:s3], $0x40, s5, s19, $0xb8;
	[tilespmem:$0x1EAA0] =	vst v63  }
.LBB2_5:
0xa0: {  	_ =	sfence.sel $0x180000  }
0xa1: {  	[bflag:$0x0] =	sbarrier.arrive $0xFFFF  }
0xa2: {  	_ =	strace $0x90000050  }
0xa3: {  	s0 =	stileid.u32;
	[bflag:$0x2] =	sbarrier.arrive $0xFFFF  }
0xa4: {  	p0 =	sne.s32 s0, $0x0;
	s0 =	rddreg [dreg:$0x4]  }
0xa5: {  	s0 =	sadd.s32 @!p0 $0x100000, s0  }
0xa6: {  	[sflag:s0] =	ssyncadd.tile.s32 @!p0 $0x1;
	_ =	shalt  }
.Lfunc_end2:
_tile_overlayer_lowered:
.L_overlay_start_2:
0xa7: {  	(tag) =	ssettag $0x2  }
0xa8: {  	s0 =	rddreg [dreg:$0x0];
	s2 =	stileid.u32  }
0xa9: {  	s1 =	rddreg [dreg:$0x1];
	p0 =	sne.s32 s2, $0x0  }
0xaa: {  	s3 =	rddreg [dreg:$0x2];
	[bflag:$0x3] =	sbarrier.arrive $0xFFFF;
	s2 =	simm.s32 @!p0 $0x1C0B  }
0xab: {  	[timem:s3], [sflag:s2] =	dma.local @!p0 [hbm:s0], s1  }
0xac: {  	s0 =	simm.s32 @!p0 $0xB  }
0xad: {  	_ =	swait.ge @!p0 [sflag:s0], s1  }
0xae: {  	s1 =	ssub.s32 @!p0 $0x0, s1;
	[sflag:s0] =	ssyncset.done @!p0 $0x0  }
0xaf: {  	[sflag:s0] =	ssyncadd.s32 @!p0 s1  }
0xb0: {  	[bflag:$0x3] =	sbarrier.arrive $0xFFFF  }
0xb1: {  	_ =	shalt  }

</sc_bundles>
